<compile_context>
chip_gen: v7x
topology: tpu7x:2x2x1
jax: 0.10.2.dev20260603
libtpu: 0.0.44.dev20260713+nightly
codegen_flags: <defaults>
</compile_context>

<pallas_src>
import functools

import jax
import jax.numpy as jnp
from jax import lax
from jax.experimental import pallas as pl
from jax.experimental.pallas import tpu as pltpu
from jax.experimental.pallas import tpu_sc as plsc

N_NODES = 10000
NPAD = 10240
N_EDGES = 320000
D = 128
NW = 32
CPW = 80
CH = 128
WND = 8
EPAD = NW * CPW * CH
ROWS_PER_SUB = NPAD // 16


def _mesh():
    return plsc.VectorSubcoreMesh(core_axis_name="c", subcore_axis_name="s")


CPS = EPAD // 16 // CH


def _deg_body(src_hbm, dst_hbm, ones_hbm, zeros_hbm, out_hbm,
              idx_v, buf_v, acc, s0, s1, s2, s3):
    sems = (s0, s1, s2, s3)
    c = lax.axis_index("c")
    s = lax.axis_index("s")
    pltpu.sync_copy(zeros_hbm, buf_v)
    for t in range(ROWS_PER_SUB // CH):
        pltpu.sync_copy(buf_v, acc.at[pl.ds(s * ROWS_PER_SUB + t * CH, CH)])

    @pl.when(c == 0)
    def _():
        pltpu.sync_copy(src_hbm.at[s], idx_v)

    @pl.when(c == 1)
    def _():
        pltpu.sync_copy(dst_hbm.at[s], idx_v)

    pltpu.sync_copy(ones_hbm, buf_v)
    plsc.subcore_barrier()

    def body(i, carry):
        j0 = 4 * i
        for u in range(4):
            pltpu.async_copy(buf_v, acc.at[idx_v.at[j0 + u]], sems[u],
                             add=True)
        for u in range(4):
            pltpu.make_async_copy(buf_v, acc.at[idx_v.at[j0 + u]],
                                  sems[u]).wait()
        return carry

    lax.fori_loop(0, CPS // 4, body, 0)
    plsc.subcore_barrier()
    pltpu.sync_copy(acc.at[pl.ds(s * ROWS_PER_SUB, ROWS_PER_SUB)],
                    out_hbm.at[c, pl.ds(s * ROWS_PER_SUB, ROWS_PER_SUB)])


def _degrees(srcd, dstd, ones128, zeros128):
    k = pl.kernel(
        _deg_body,
        out_type=jax.ShapeDtypeStruct((2, NPAD, D), jnp.float32),
        mesh=_mesh(),
        scratch_types=[
            pltpu.VMEM((CPS, CH), jnp.int32),
            pltpu.VMEM((CH, D), jnp.float32),
            pltpu.VMEM_SHARED((NPAD, D), jnp.float32),
            pltpu.SemaphoreType.DMA,
            pltpu.SemaphoreType.DMA,
            pltpu.SemaphoreType.DMA,
            pltpu.SemaphoreType.DMA,
        ],
    )
    return k(srcd, dstd, ones128, zeros128)


def _agg_body(h_hbm, src_hbm, dst_hbm, zeros_hbm, out_hbm,
              srcw, dstw, rows_a, rows_b, acc, sem_a, sem_b, sem_c, sem_d):
    c = lax.axis_index("c")
    s = lax.axis_index("s")
    wid = s * 2 + c
    pltpu.sync_copy(zeros_hbm, rows_a)
    for t in range(ROWS_PER_SUB // CH):
        pltpu.sync_copy(rows_a, acc.at[pl.ds(s * ROWS_PER_SUB + t * CH, CH)])
    plsc.subcore_barrier()

    def window(w, carry):
        pltpu.sync_copy(src_hbm.at[wid, pl.ds(w * WND, WND)], srcw)
        pltpu.sync_copy(dst_hbm.at[wid, pl.ds(w * WND, WND)], dstw)
        bufs = (rows_a, rows_b)
        gsem = (sem_a, sem_b)
        ssem = (sem_c, sem_d)
        pltpu.async_copy(h_hbm.at[srcw.at[0]], rows_a, sem_a)
        for k in range(WND):
            p = k % 2
            q = (k + 1) % 2
            pltpu.make_async_copy(h_hbm.at[srcw.at[k]], bufs[p],
                                  gsem[p]).wait()
            pltpu.async_copy(bufs[p], acc.at[dstw.at[k]], ssem[p], add=True)
            if k > 0:
                pltpu.make_async_copy(bufs[q], acc.at[dstw.at[k - 1]],
                                      ssem[q]).wait()
            if k + 1 < WND:
                pltpu.async_copy(h_hbm.at[srcw.at[k + 1]], bufs[q], gsem[q])
        pltpu.make_async_copy(bufs[(WND - 1) % 2], acc.at[dstw.at[WND - 1]],
                              ssem[(WND - 1) % 2]).wait()
        return carry

    lax.fori_loop(0, CPW // WND, window, 0)
    plsc.subcore_barrier()
    pltpu.sync_copy(acc.at[pl.ds(s * ROWS_PER_SUB, ROWS_PER_SUB)],
                    out_hbm.at[c, pl.ds(s * ROWS_PER_SUB, ROWS_PER_SUB)])


def _aggregate(h, srcp, dstp, zeros128):
    k = pl.kernel(
        _agg_body,
        out_type=jax.ShapeDtypeStruct((2, NPAD, D), jnp.float32),
        mesh=_mesh(),
        scratch_types=[
            pltpu.VMEM((WND, CH), jnp.int32),
            pltpu.VMEM((WND, CH), jnp.int32),
            pltpu.VMEM((CH, D), jnp.float32),
            pltpu.VMEM((CH, D), jnp.float32),
            pltpu.VMEM_SHARED((NPAD, D), jnp.float32),
            pltpu.SemaphoreType.DMA,
            pltpu.SemaphoreType.DMA,
            pltpu.SemaphoreType.DMA,
            pltpu.SemaphoreType.DMA,
        ],
    )
    return k(h, srcp, dstp, zeros128)


BLK = 1024


def _mm_first_body(x_ref, dsrc_ref, w_ref, o_ref):
    dinv = lax.rsqrt(jnp.maximum(dsrc_ref[...], 1.0))
    o_ref[...] = jnp.dot(x_ref[...] * dinv[:, None], w_ref[...],
                         preferred_element_type=jnp.float32)


def _mm_first(x, dsrc, w):
    return pl.pallas_call(
        _mm_first_body,
        grid=(NPAD // BLK,),
        in_specs=[pl.BlockSpec((BLK, D), lambda i: (i, 0)),
                  pl.BlockSpec((BLK,), lambda i: (i,)),
                  pl.BlockSpec((D, D), lambda i: (0, 0))],
        out_specs=pl.BlockSpec((BLK, D), lambda i: (i, 0)),
        out_shape=jax.ShapeDtypeStruct((NPAD, D), jnp.float32),
    )(x, dsrc, w)


def _mm_mid_body(p0_ref, p1_ref, ddst_ref, dsrc_ref, b_ref, w_ref, o_ref):
    dinvd = lax.rsqrt(jnp.maximum(ddst_ref[...], 1.0))
    dinvs = lax.rsqrt(jnp.maximum(dsrc_ref[...], 1.0))
    agg = p0_ref[...] + p1_ref[...]
    x = jnp.maximum(agg * dinvd[:, None] + b_ref[...], 0.0)
    o_ref[...] = jnp.dot(x * dinvs[:, None], w_ref[...],
                         preferred_element_type=jnp.float32)


def _mm_mid(p0, p1, ddst, dsrc, b, w):
    return pl.pallas_call(
        _mm_mid_body,
        grid=(NPAD // BLK,),
        in_specs=[pl.BlockSpec((BLK, D), lambda i: (i, 0)),
                  pl.BlockSpec((BLK, D), lambda i: (i, 0)),
                  pl.BlockSpec((BLK,), lambda i: (i,)),
                  pl.BlockSpec((BLK,), lambda i: (i,)),
                  pl.BlockSpec((1, D), lambda i: (0, 0)),
                  pl.BlockSpec((D, D), lambda i: (0, 0))],
        out_specs=pl.BlockSpec((BLK, D), lambda i: (i, 0)),
        out_shape=jax.ShapeDtypeStruct((NPAD, D), jnp.float32),
    )(p0, p1, ddst, dsrc, b, w)


def _final_body(p0_ref, p1_ref, ddst_ref, b_ref, o_ref):
    dinvd = lax.rsqrt(jnp.maximum(ddst_ref[...], 1.0))
    o_ref[...] = (p0_ref[...] + p1_ref[...]) * dinvd[:, None] + b_ref[...]


def _final(p0, p1, ddst, b):
    return pl.pallas_call(
        _final_body,
        grid=(NPAD // BLK,),
        in_specs=[pl.BlockSpec((BLK, D), lambda i: (i, 0)),
                  pl.BlockSpec((BLK, D), lambda i: (i, 0)),
                  pl.BlockSpec((BLK,), lambda i: (i,)),
                  pl.BlockSpec((1, D), lambda i: (0, 0))],
        out_specs=pl.BlockSpec((BLK, D), lambda i: (i, 0)),
        out_shape=jax.ShapeDtypeStruct((NPAD, D), jnp.float32),
    )(p0, p1, ddst, b)


def kernel(features, edge_index, W0, b0, W1, b1, W2, b2):
    pad = (N_NODES + jnp.arange(EPAD - N_EDGES, dtype=jnp.int32)
           % (NPAD - N_NODES))
    src_flat = jnp.concatenate([edge_index[0], pad])
    dst_flat = jnp.concatenate([edge_index[1], pad])
    srcp = src_flat.reshape(NW, CPW, CH)
    dstp = dst_flat.reshape(NW, CPW, CH)
    srcd = src_flat.reshape(16, CPS, CH)
    dstd = dst_flat.reshape(16, CPS, CH)
    featp = jnp.pad(features, ((0, NPAD - N_NODES), (0, 0)))
    ones128 = jnp.ones((CH, D), jnp.float32)
    zeros128 = jnp.zeros((CH, D), jnp.float32)

    degs = _degrees(srcd, dstd, ones128, zeros128)
    deg_src = degs[0, :, 0]
    deg_dst = degs[1, :, 0]

    h = _mm_first(featp, deg_src, W0)
    p = _aggregate(h, srcp, dstp, zeros128)
    h = _mm_mid(p[0], p[1], deg_dst, deg_src, b0[None, :], W1)
    p = _aggregate(h, srcp, dstp, zeros128)
    h = _mm_mid(p[0], p[1], deg_dst, deg_src, b1[None, :], W2)
    p = _aggregate(h, srcp, dstp, zeros128)
    out = _final(p[0], p[1], deg_dst, b2[None, :])
    return out[:N_NODES]

# --- scband reference (transcript-rebuilt; emitter-appended) ---
"""Pipeline reference for scband-encoder-1614907703321 (READ-ONLY COPY).

The authoritative reference and input builder live on the scoring server;
editing this copy changes nothing except your own understanding.
"""

import jax, jax.numpy as jnp
import numpy as np

N_NODES = 10000
N_EDGES = 320000
IN_FEATS = 128
N_HIDDEN = 128


def setup_inputs(seed: int = 0) -> dict:
    key = jax.random.key(seed)
    ks = jax.random.split(key, 8)
    features = jax.random.normal(ks[0], (N_NODES, IN_FEATS), dtype=jnp.float32)
    edge_index = jax.random.randint(ks[1], (2, N_EDGES), 0, N_NODES, dtype=jnp.int32)
    s0 = 1.0 / np.sqrt(IN_FEATS)
    s1 = 1.0 / np.sqrt(N_HIDDEN)
    W0 = jax.random.normal(ks[2], (IN_FEATS, N_HIDDEN), dtype=jnp.float32) * s0
    b0 = jnp.zeros((N_HIDDEN,), dtype=jnp.float32)
    W1 = jax.random.normal(ks[3], (N_HIDDEN, N_HIDDEN), dtype=jnp.float32) * s1
    b1 = jnp.zeros((N_HIDDEN,), dtype=jnp.float32)
    W2 = jax.random.normal(ks[4], (N_HIDDEN, N_HIDDEN), dtype=jnp.float32) * s1
    b2 = jnp.zeros((N_HIDDEN,), dtype=jnp.float32)
    return {"features": features, "edge_index": edge_index,
            "W0": W0, "b0": b0, "W1": W1, "b1": b1, "W2": W2, "b2": b2}


def _graph_conv(h, src, dst, deg_inv_src, deg_inv_dst, W, b, n_nodes, activate):
    # DGL GraphConv with norm='both': D_dst^{-1/2} A D_src^{-1/2} H W + b
    h = h * deg_inv_src[:, None]
    h = h @ W
    msg = jnp.take(h, src, axis=0)
    agg = jax.ops.segment_sum(msg, dst, num_segments=n_nodes)
    out = agg * deg_inv_dst[:, None] + b
    if activate:
        out = jax.nn.relu(out)
    return out


def reference(features, edge_index, W0, b0, W1, b1, W2, b2):
    n_nodes = features.shape[0]
    src = edge_index[0]
    dst = edge_index[1]
    deg_out = jnp.bincount(src, length=n_nodes).astype(jnp.float32)
    deg_in = jnp.bincount(dst, length=n_nodes).astype(jnp.float32)
    deg_inv_src = jnp.clip(deg_out, 1.0, None) ** -0.5
    deg_inv_dst = jnp.clip(deg_in, 1.0, None) ** -0.5
    # GCN stack: input layer + (n_layers-1) hidden layers (with activation), output layer (no activation)
    h = _graph_conv(features, src, dst, deg_inv_src, deg_inv_dst, W0, b0, n_nodes, True)
    h = _graph_conv(h, src, dst, deg_inv_src, deg_inv_dst, W1, b1, n_nodes, True)
    h = _graph_conv(h, src, dst, deg_inv_src, deg_inv_dst, W2, b2, n_nodes, False)
    return h

if __name__ == "__main__":
    import jax
    _d = setup_inputs()
    print(jax.jit(kernel)(*tuple(_d.values())))

</pallas_src>

<mosaic_0001>
#map = affine_map<(d0, d1) -> (0, 0, 0)>
#map1 = affine_map<(d0, d1) -> (0, 0)>
module attributes {stable_mosaic.version = 14 : i64} {
  func.func @_deg_body(%arg0: i32, %arg1: i32, %arg2: memref<16x160x128xi32, #tpu.memory_space<hbm>>, %arg3: memref<16x160x128xi32, #tpu.memory_space<hbm>>, %arg4: memref<128x128xf32, #tpu.memory_space<hbm>>, %arg5: memref<128x128xf32, #tpu.memory_space<hbm>>, %arg6: memref<2x10240x128xf32, #tpu.memory_space<hbm>>, %arg7: memref<160x128xi32, #tpu.memory_space<vmem>>, %arg8: memref<128x128xf32, #tpu.memory_space<vmem>>, %arg9: memref<10240x128xf32, #tpu.memory_space<vmem_shared>>, %arg10: memref<!tpu.dma_semaphore, #tpu.memory_space<semaphore_mem>>, %arg11: memref<!tpu.dma_semaphore, #tpu.memory_space<semaphore_mem>>, %arg12: memref<!tpu.dma_semaphore, #tpu.memory_space<semaphore_mem>>, %arg13: memref<!tpu.dma_semaphore, #tpu.memory_space<semaphore_mem>>) attributes {dimension_semantics = [#tpu.dimension_semantics<core_parallel>, #tpu.dimension_semantics<subcore_parallel>], iteration_bounds = array<i64: 2, 16>, scalar_prefetch = 0 : i64, scratch_operands = 7 : i64, tpu.core_type = #tpu.core_type<sc_vector_subcore>, window_params = [{transform_indices = #map}, {transform_indices = #map}, {transform_indices = #map1}, {transform_indices = #map1}, {transform_indices = #map}]} {
    "tpu.region"() ({
      %run_scoped3A = tpu.sem_alloc : memref<!tpu.dma_semaphore, #tpu.memory_space<semaphore_mem>>
      tpu.enqueue_dma source(%arg5 : memref<128x128xf32, #tpu.memory_space<hbm>>) target(%arg8 : memref<128x128xf32, #tpu.memory_space<vmem>>) target_semaphore(%run_scoped3A : memref<!tpu.dma_semaphore, #tpu.memory_space<semaphore_mem>>)
      tpu.wait_dma2 semaphore(%run_scoped3A : memref<!tpu.dma_semaphore, #tpu.memory_space<semaphore_mem>>) src(%arg5 : memref<128x128xf32, #tpu.memory_space<hbm>>) dst(%arg8 : memref<128x128xf32, #tpu.memory_space<vmem>>)
      tpu.yield
    }) : () -> ()
    %mul3A = arith.constant 640 : i32
    %mul3A_0 = arith.muli %arg1, %mul3A : i32
    %add3A = arith.constant 0 : i32
    %add3A_1 = arith.addi %mul3A_0, %add3A : i32
    "tpu.region"() ({
      %run_scoped3A = tpu.sem_alloc : memref<!tpu.dma_semaphore, #tpu.memory_space<semaphore_mem>>
      %dma_start3A = arith.constant 0 : i32
      %dma_start3A_35 = tpu.memref_slice %arg9[%add3A_1, %dma_start3A] : memref<10240x128xf32, #tpu.memory_space<vmem_shared>> -> memref<128x128xf32, #tpu.memory_space<vmem_shared>>
      %dma_start3A_36 = arith.constant 0 : i32
      %dma_start3A_37 = tpu.memref_slice %arg9[%add3A_1, %dma_start3A_36] : memref<10240x128xf32, #tpu.memory_space<vmem_shared>> -> memref<128x128xf32, #tpu.memory_space<vmem_shared>>
      tpu.enqueue_dma source(%arg8 : memref<128x128xf32, #tpu.memory_space<vmem>>) target(%dma_start3A_37 : memref<128x128xf32, #tpu.memory_space<vmem_shared>>) target_semaphore(%run_scoped3A : memref<!tpu.dma_semaphore, #tpu.memory_space<semaphore_mem>>)
      %dma_wait3A = arith.constant 0 : i32
      %dma_wait3A_38 = tpu.memref_slice %arg9[%add3A_1, %dma_wait3A] : memref<10240x128xf32, #tpu.memory_space<vmem_shared>> -> memref<128x128xf32, #tpu.memory_space<vmem_shared>>
      %dma_wait3A_39 = arith.constant 0 : i32
      %dma_wait3A_40 = tpu.memref_slice %arg9[%add3A_1, %dma_wait3A_39] : memref<10240x128xf32, #tpu.memory_space<vmem_shared>> -> memref<128x128xf32, #tpu.memory_space<vmem_shared>>
      tpu.wait_dma2 semaphore(%run_scoped3A : memref<!tpu.dma_semaphore, #tpu.memory_space<semaphore_mem>>) src(%arg8 : memref<128x128xf32, #tpu.memory_space<vmem>>) dst(%dma_wait3A_40 : memref<128x128xf32, #tpu.memory_space<vmem_shared>>)
      tpu.yield
    }) : () -> ()
    %mul3A_2 = arith.constant 640 : i32
    %mul3A_3 = arith.muli %arg1, %mul3A_2 : i32
    %add3A_4 = arith.constant 128 : i32
    %add3A_5 = arith.addi %mul3A_3, %add3A_4 : i32
    "tpu.region"() ({
      %run_scoped3A = tpu.sem_alloc : memref<!tpu.dma_semaphore, #tpu.memory_space<semaphore_mem>>
      %dma_start3A = arith.constant 0 : i32
      %dma_start3A_35 = tpu.memref_slice %arg9[%add3A_5, %dma_start3A] : memref<10240x128xf32, #tpu.memory_space<vmem_shared>> -> memref<128x128xf32, #tpu.memory_space<vmem_shared>>
      %dma_start3A_36 = arith.constant 0 : i32
      %dma_start3A_37 = tpu.memref_slice %arg9[%add3A_5, %dma_start3A_36] : memref<10240x128xf32, #tpu.memory_space<vmem_shared>> -> memref<128x128xf32, #tpu.memory_space<vmem_shared>>
      tpu.enqueue_dma source(%arg8 : memref<128x128xf32, #tpu.memory_space<vmem>>) target(%dma_start3A_37 : memref<128x128xf32, #tpu.memory_space<vmem_shared>>) target_semaphore(%run_scoped3A : memref<!tpu.dma_semaphore, #tpu.memory_space<semaphore_mem>>)
      %dma_wait3A = arith.constant 0 : i32
      %dma_wait3A_38 = tpu.memref_slice %arg9[%add3A_5, %dma_wait3A] : memref<10240x128xf32, #tpu.memory_space<vmem_shared>> -> memref<128x128xf32, #tpu.memory_space<vmem_shared>>
      %dma_wait3A_39 = arith.constant 0 : i32
      %dma_wait3A_40 = tpu.memref_slice %arg9[%add3A_5, %dma_wait3A_39] : memref<10240x128xf32, #tpu.memory_space<vmem_shared>> -> memref<128x128xf32, #tpu.memory_space<vmem_shared>>
      tpu.wait_dma2 semaphore(%run_scoped3A : memref<!tpu.dma_semaphore, #tpu.memory_space<semaphore_mem>>) src(%arg8 : memref<128x128xf32, #tpu.memory_space<vmem>>) dst(%dma_wait3A_40 : memref<128x128xf32, #tpu.memory_space<vmem_shared>>)
      tpu.yield
    }) : () -> ()
    %mul3A_6 = arith.constant 640 : i32
    %mul3A_7 = arith.muli %arg1, %mul3A_6 : i32
    %add3A_8 = arith.constant 256 : i32
    %add3A_9 = arith.addi %mul3A_7, %add3A_8 : i32
    "tpu.region"() ({
      %run_scoped3A = tpu.sem_alloc : memref<!tpu.dma_semaphore, #tpu.memory_space<semaphore_mem>>
      %dma_start3A = arith.constant 0 : i32
      %dma_start3A_35 = tpu.memref_slice %arg9[%add3A_9, %dma_start3A] : memref<10240x128xf32, #tpu.memory_space<vmem_shared>> -> memref<128x128xf32, #tpu.memory_space<vmem_shared>>
      %dma_start3A_36 = arith.constant 0 : i32
      %dma_start3A_37 = tpu.memref_slice %arg9[%add3A_9, %dma_start3A_36] : memref<10240x128xf32, #tpu.memory_space<vmem_shared>> -> memref<128x128xf32, #tpu.memory_space<vmem_shared>>
      tpu.enqueue_dma source(%arg8 : memref<128x128xf32, #tpu.memory_space<vmem>>) target(%dma_start3A_37 : memref<128x128xf32, #tpu.memory_space<vmem_shared>>) target_semaphore(%run_scoped3A : memref<!tpu.dma_semaphore, #tpu.memory_space<semaphore_mem>>)
      %dma_wait3A = arith.constant 0 : i32
      %dma_wait3A_38 = tpu.memref_slice %arg9[%add3A_9, %dma_wait3A] : memref<10240x128xf32, #tpu.memory_space<vmem_shared>> -> memref<128x128xf32, #tpu.memory_space<vmem_shared>>
      %dma_wait3A_39 = arith.constant 0 : i32
      %dma_wait3A_40 = tpu.memref_slice %arg9[%add3A_9, %dma_wait3A_39] : memref<10240x128xf32, #tpu.memory_space<vmem_shared>> -> memref<128x128xf32, #tpu.memory_space<vmem_shared>>
      tpu.wait_dma2 semaphore(%run_scoped3A : memref<!tpu.dma_semaphore, #tpu.memory_space<semaphore_mem>>) src(%arg8 : memref<128x128xf32, #tpu.memory_space<vmem>>) dst(%dma_wait3A_40 : memref<128x128xf32, #tpu.memory_space<vmem_shared>>)
      tpu.yield
    }) : () -> ()
    %mul3A_10 = arith.constant 640 : i32
    %mul3A_11 = arith.muli %arg1, %mul3A_10 : i32
    %add3A_12 = arith.constant 384 : i32
    %add3A_13 = arith.addi %mul3A_11, %add3A_12 : i32
    "tpu.region"() ({
      %run_scoped3A = tpu.sem_alloc : memref<!tpu.dma_semaphore, #tpu.memory_space<semaphore_mem>>
      %dma_start3A = arith.constant 0 : i32
      %dma_start3A_35 = tpu.memref_slice %arg9[%add3A_13, %dma_start3A] : memref<10240x128xf32, #tpu.memory_space<vmem_shared>> -> memref<128x128xf32, #tpu.memory_space<vmem_shared>>
      %dma_start3A_36 = arith.constant 0 : i32
      %dma_start3A_37 = tpu.memref_slice %arg9[%add3A_13, %dma_start3A_36] : memref<10240x128xf32, #tpu.memory_space<vmem_shared>> -> memref<128x128xf32, #tpu.memory_space<vmem_shared>>
      tpu.enqueue_dma source(%arg8 : memref<128x128xf32, #tpu.memory_space<vmem>>) target(%dma_start3A_37 : memref<128x128xf32, #tpu.memory_space<vmem_shared>>) target_semaphore(%run_scoped3A : memref<!tpu.dma_semaphore, #tpu.memory_space<semaphore_mem>>)
      %dma_wait3A = arith.constant 0 : i32
      %dma_wait3A_38 = tpu.memref_slice %arg9[%add3A_13, %dma_wait3A] : memref<10240x128xf32, #tpu.memory_space<vmem_shared>> -> memref<128x128xf32, #tpu.memory_space<vmem_shared>>
      %dma_wait3A_39 = arith.constant 0 : i32
      %dma_wait3A_40 = tpu.memref_slice %arg9[%add3A_13, %dma_wait3A_39] : memref<10240x128xf32, #tpu.memory_space<vmem_shared>> -> memref<128x128xf32, #tpu.memory_space<vmem_shared>>
      tpu.wait_dma2 semaphore(%run_scoped3A : memref<!tpu.dma_semaphore, #tpu.memory_space<semaphore_mem>>) src(%arg8 : memref<128x128xf32, #tpu.memory_space<vmem>>) dst(%dma_wait3A_40 : memref<128x128xf32, #tpu.memory_space<vmem_shared>>)
      tpu.yield
    }) : () -> ()
    %mul3A_14 = arith.constant 640 : i32
    %mul3A_15 = arith.muli %arg1, %mul3A_14 : i32
    %add3A_16 = arith.constant 512 : i32
    %add3A_17 = arith.addi %mul3A_15, %add3A_16 : i32
    "tpu.region"() ({
      %run_scoped3A = tpu.sem_alloc : memref<!tpu.dma_semaphore, #tpu.memory_space<semaphore_mem>>
      %dma_start3A = arith.constant 0 : i32
      %dma_start3A_35 = tpu.memref_slice %arg9[%add3A_17, %dma_start3A] : memref<10240x128xf32, #tpu.memory_space<vmem_shared>> -> memref<128x128xf32, #tpu.memory_space<vmem_shared>>
      %dma_start3A_36 = arith.constant 0 : i32
      %dma_start3A_37 = tpu.memref_slice %arg9[%add3A_17, %dma_start3A_36] : memref<10240x128xf32, #tpu.memory_space<vmem_shared>> -> memref<128x128xf32, #tpu.memory_space<vmem_shared>>
      tpu.enqueue_dma source(%arg8 : memref<128x128xf32, #tpu.memory_space<vmem>>) target(%dma_start3A_37 : memref<128x128xf32, #tpu.memory_space<vmem_shared>>) target_semaphore(%run_scoped3A : memref<!tpu.dma_semaphore, #tpu.memory_space<semaphore_mem>>)
      %dma_wait3A = arith.constant 0 : i32
      %dma_wait3A_38 = tpu.memref_slice %arg9[%add3A_17, %dma_wait3A] : memref<10240x128xf32, #tpu.memory_space<vmem_shared>> -> memref<128x128xf32, #tpu.memory_space<vmem_shared>>
      %dma_wait3A_39 = arith.constant 0 : i32
      %dma_wait3A_40 = tpu.memref_slice %arg9[%add3A_17, %dma_wait3A_39] : memref<10240x128xf32, #tpu.memory_space<vmem_shared>> -> memref<128x128xf32, #tpu.memory_space<vmem_shared>>
      tpu.wait_dma2 semaphore(%run_scoped3A : memref<!tpu.dma_semaphore, #tpu.memory_space<semaphore_mem>>) src(%arg8 : memref<128x128xf32, #tpu.memory_space<vmem>>) dst(%dma_wait3A_40 : memref<128x128xf32, #tpu.memory_space<vmem_shared>>)
      tpu.yield
    }) : () -> ()
    %eq3A = arith.constant 0 : i32
    %eq3A_18 = arith.cmpi eq, %arg0, %eq3A : i32
    %convert_element_type3A = arith.extui %eq3A_18 : i1 to i32
    %cond3A = arith.constant 0 : i32
    %cond3A_19 = arith.cmpi ne, %convert_element_type3A, %cond3A : i32
    scf.if %cond3A_19 {
      "tpu.region"() ({
        %run_scoped3A = tpu.sem_alloc : memref<!tpu.dma_semaphore, #tpu.memory_space<semaphore_mem>>
        %dma_start3A = arith.constant 0 : i32
        %dma_start3A_35 = arith.constant 0 : i32
        %dma_start3A_36 = tpu.memref_slice %arg2[%arg1, %dma_start3A, %dma_start3A_35] : memref<16x160x128xi32, #tpu.memory_space<hbm>> -> memref<1x160x128xi32, #tpu.memory_space<hbm>>
        %dma_start3A_37 = tpu.memref_squeeze %dma_start3A_36 : memref<1x160x128xi32, #tpu.memory_space<hbm>> -> memref<160x128xi32, #tpu.memory_space<hbm>>
        %dma_start3A_38 = arith.constant 0 : i32
        %dma_start3A_39 = arith.constant 0 : i32
        %dma_start3A_40 = tpu.memref_slice %arg2[%arg1, %dma_start3A_38, %dma_start3A_39] : memref<16x160x128xi32, #tpu.memory_space<hbm>> -> memref<1x160x128xi32, #tpu.memory_space<hbm>>
        %dma_start3A_41 = tpu.memref_squeeze %dma_start3A_40 : memref<1x160x128xi32, #tpu.memory_space<hbm>> -> memref<160x128xi32, #tpu.memory_space<hbm>>
        tpu.enqueue_dma source(%dma_start3A_41 : memref<160x128xi32, #tpu.memory_space<hbm>>) target(%arg7 : memref<160x128xi32, #tpu.memory_space<vmem>>) target_semaphore(%run_scoped3A : memref<!tpu.dma_semaphore, #tpu.memory_space<semaphore_mem>>)
        %dma_wait3A = arith.constant 0 : i32
        %dma_wait3A_42 = arith.constant 0 : i32
        %dma_wait3A_43 = tpu.memref_slice %arg2[%arg1, %dma_wait3A, %dma_wait3A_42] : memref<16x160x128xi32, #tpu.memory_space<hbm>> -> memref<1x160x128xi32, #tpu.memory_space<hbm>>
        %dma_wait3A_44 = tpu.memref_squeeze %dma_wait3A_43 : memref<1x160x128xi32, #tpu.memory_space<hbm>> -> memref<160x128xi32, #tpu.memory_space<hbm>>
        %dma_wait3A_45 = arith.constant 0 : i32
        %dma_wait3A_46 = arith.constant 0 : i32
        %dma_wait3A_47 = tpu.memref_slice %arg2[%arg1, %dma_wait3A_45, %dma_wait3A_46] : memref<16x160x128xi32, #tpu.memory_space<hbm>> -> memref<1x160x128xi32, #tpu.memory_space<hbm>>
        %dma_wait3A_48 = tpu.memref_squeeze %dma_wait3A_47 : memref<1x160x128xi32, #tpu.memory_space<hbm>> -> memref<160x128xi32, #tpu.memory_space<hbm>>
        tpu.wait_dma2 semaphore(%run_scoped3A : memref<!tpu.dma_semaphore, #tpu.memory_space<semaphore_mem>>) src(%dma_wait3A_48 : memref<160x128xi32, #tpu.memory_space<hbm>>) dst(%arg7 : memref<160x128xi32, #tpu.memory_space<vmem>>)
        tpu.yield
      }) : () -> ()
    } else {
    }
    %eq3A_20 = arith.constant 1 : i32
    %eq3A_21 = arith.cmpi eq, %arg0, %eq3A_20 : i32
    %convert_element_type3A_22 = arith.extui %eq3A_21 : i1 to i32
    %cond3A_23 = arith.constant 0 : i32
    %cond3A_24 = arith.cmpi ne, %convert_element_type3A_22, %cond3A_23 : i32
    scf.if %cond3A_24 {
      "tpu.region"() ({
        %run_scoped3A = tpu.sem_alloc : memref<!tpu.dma_semaphore, #tpu.memory_space<semaphore_mem>>
        %dma_start3A = arith.constant 0 : i32
        %dma_start3A_35 = arith.constant 0 : i32
        %dma_start3A_36 = tpu.memref_slice %arg3[%arg1, %dma_start3A, %dma_start3A_35] : memref<16x160x128xi32, #tpu.memory_space<hbm>> -> memref<1x160x128xi32, #tpu.memory_space<hbm>>
        %dma_start3A_37 = tpu.memref_squeeze %dma_start3A_36 : memref<1x160x128xi32, #tpu.memory_space<hbm>> -> memref<160x128xi32, #tpu.memory_space<hbm>>
        %dma_start3A_38 = arith.constant 0 : i32
        %dma_start3A_39 = arith.constant 0 : i32
        %dma_start3A_40 = tpu.memref_slice %arg3[%arg1, %dma_start3A_38, %dma_start3A_39] : memref<16x160x128xi32, #tpu.memory_space<hbm>> -> memref<1x160x128xi32, #tpu.memory_space<hbm>>
        %dma_start3A_41 = tpu.memref_squeeze %dma_start3A_40 : memref<1x160x128xi32, #tpu.memory_space<hbm>> -> memref<160x128xi32, #tpu.memory_space<hbm>>
        tpu.enqueue_dma source(%dma_start3A_41 : memref<160x128xi32, #tpu.memory_space<hbm>>) target(%arg7 : memref<160x128xi32, #tpu.memory_space<vmem>>) target_semaphore(%run_scoped3A : memref<!tpu.dma_semaphore, #tpu.memory_space<semaphore_mem>>)
        %dma_wait3A = arith.constant 0 : i32
        %dma_wait3A_42 = arith.constant 0 : i32
        %dma_wait3A_43 = tpu.memref_slice %arg3[%arg1, %dma_wait3A, %dma_wait3A_42] : memref<16x160x128xi32, #tpu.memory_space<hbm>> -> memref<1x160x128xi32, #tpu.memory_space<hbm>>
        %dma_wait3A_44 = tpu.memref_squeeze %dma_wait3A_43 : memref<1x160x128xi32, #tpu.memory_space<hbm>> -> memref<160x128xi32, #tpu.memory_space<hbm>>
        %dma_wait3A_45 = arith.constant 0 : i32
        %dma_wait3A_46 = arith.constant 0 : i32
        %dma_wait3A_47 = tpu.memref_slice %arg3[%arg1, %dma_wait3A_45, %dma_wait3A_46] : memref<16x160x128xi32, #tpu.memory_space<hbm>> -> memref<1x160x128xi32, #tpu.memory_space<hbm>>
        %dma_wait3A_48 = tpu.memref_squeeze %dma_wait3A_47 : memref<1x160x128xi32, #tpu.memory_space<hbm>> -> memref<160x128xi32, #tpu.memory_space<hbm>>
        tpu.wait_dma2 semaphore(%run_scoped3A : memref<!tpu.dma_semaphore, #tpu.memory_space<semaphore_mem>>) src(%dma_wait3A_48 : memref<160x128xi32, #tpu.memory_space<hbm>>) dst(%arg7 : memref<160x128xi32, #tpu.memory_space<vmem>>)
        tpu.yield
      }) : () -> ()
    } else {
    }
    "tpu.region"() ({
      %run_scoped3A = tpu.sem_alloc : memref<!tpu.dma_semaphore, #tpu.memory_space<semaphore_mem>>
      tpu.enqueue_dma source(%arg4 : memref<128x128xf32, #tpu.memory_space<hbm>>) target(%arg8 : memref<128x128xf32, #tpu.memory_space<vmem>>) target_semaphore(%run_scoped3A : memref<!tpu.dma_semaphore, #tpu.memory_space<semaphore_mem>>)
      tpu.wait_dma2 semaphore(%run_scoped3A : memref<!tpu.dma_semaphore, #tpu.memory_space<semaphore_mem>>) src(%arg4 : memref<128x128xf32, #tpu.memory_space<hbm>>) dst(%arg8 : memref<128x128xf32, #tpu.memory_space<vmem>>)
      tpu.yield
    }) : () -> ()
    %barrier3A = arith.constant 0 : index
    tpu.barrier barrier_id(%barrier3A)
    %scan3A = arith.constant 0 : i32
    %scan3A_25 = arith.constant 0 : i32
    %scan3A_26 = arith.constant 40 : i32
    %scan3A_27 = arith.addi %scan3A_25, %scan3A_26 : i32
    %scan3A_28 = arith.constant 1 : i32
    scf.for %scan3A_35 = %scan3A_25 to %scan3A_27 step %scan3A_28  : i32 {
      %mul3A_36 = arith.constant 4 : i32
      %mul3A_37 = arith.muli %mul3A_36, %scan3A_35 : i32
      %add3A_38 = arith.constant 0 : i32
      %add3A_39 = arith.addi %mul3A_37, %add3A_38 : i32
      %dma_start3A = arith.constant 0 : i32
      %dma_start3A_40 = tpu.memref_slice %arg7[%add3A_39, %dma_start3A] : memref<160x128xi32, #tpu.memory_space<vmem>> -> memref<1x128xi32, #tpu.memory_space<vmem>>
      %dma_start3A_41 = tpu.memref_squeeze %dma_start3A_40 : memref<1x128xi32, #tpu.memory_space<vmem>> -> memref<128xi32, #tpu.memory_space<vmem>>
      %dma_start3A_42 = arith.constant 0 : i32
      %dma_start3A_43 = arith.constant 0 : i32
      %dma_start3A_44 = tpu.memref_slice %arg9[%dma_start3A_42, %dma_start3A_43] : memref<10240x128xf32, #tpu.memory_space<vmem_shared>> -> memref<10240x128xf32, #tpu.memory_space<vmem_shared>>
      tpu.enqueue_indirect_dma source(%arg8 : memref<128x128xf32, #tpu.memory_space<vmem>>) target(%dma_start3A_44 : memref<10240x128xf32, #tpu.memory_space<vmem_shared>>) offsets(%dma_start3A_41 : memref<128xi32, #tpu.memory_space<vmem>>) semaphore(%arg10 : memref<!tpu.dma_semaphore, #tpu.memory_space<semaphore_mem>>) {add = true}
      %add3A_45 = arith.constant 1 : i32
      %add3A_46 = arith.addi %mul3A_37, %add3A_45 : i32
      %dma_start3A_47 = arith.constant 0 : i32
      %dma_start3A_48 = tpu.memref_slice %arg7[%add3A_46, %dma_start3A_47] : memref<160x128xi32, #tpu.memory_space<vmem>> -> memref<1x128xi32, #tpu.memory_space<vmem>>
      %dma_start3A_49 = tpu.memref_squeeze %dma_start3A_48 : memref<1x128xi32, #tpu.memory_space<vmem>> -> memref<128xi32, #tpu.memory_space<vmem>>
      %dma_start3A_50 = arith.constant 0 : i32
      %dma_start3A_51 = arith.constant 0 : i32
      %dma_start3A_52 = tpu.memref_slice %arg9[%dma_start3A_50, %dma_start3A_51] : memref<10240x128xf32, #tpu.memory_space<vmem_shared>> -> memref<10240x128xf32, #tpu.memory_space<vmem_shared>>
      tpu.enqueue_indirect_dma source(%arg8 : memref<128x128xf32, #tpu.memory_space<vmem>>) target(%dma_start3A_52 : memref<10240x128xf32, #tpu.memory_space<vmem_shared>>) offsets(%dma_start3A_49 : memref<128xi32, #tpu.memory_space<vmem>>) semaphore(%arg11 : memref<!tpu.dma_semaphore, #tpu.memory_space<semaphore_mem>>) {add = true}
      %add3A_53 = arith.constant 2 : i32
      %add3A_54 = arith.addi %mul3A_37, %add3A_53 : i32
      %dma_start3A_55 = arith.constant 0 : i32
      %dma_start3A_56 = tpu.memref_slice %arg7[%add3A_54, %dma_start3A_55] : memref<160x128xi32, #tpu.memory_space<vmem>> -> memref<1x128xi32, #tpu.memory_space<vmem>>
      %dma_start3A_57 = tpu.memref_squeeze %dma_start3A_56 : memref<1x128xi32, #tpu.memory_space<vmem>> -> memref<128xi32, #tpu.memory_space<vmem>>
      %dma_start3A_58 = arith.constant 0 : i32
      %dma_start3A_59 = arith.constant 0 : i32
      %dma_start3A_60 = tpu.memref_slice %arg9[%dma_start3A_58, %dma_start3A_59] : memref<10240x128xf32, #tpu.memory_space<vmem_shared>> -> memref<10240x128xf32, #tpu.memory_space<vmem_shared>>
      tpu.enqueue_indirect_dma source(%arg8 : memref<128x128xf32, #tpu.memory_space<vmem>>) target(%dma_start3A_60 : memref<10240x128xf32, #tpu.memory_space<vmem_shared>>) offsets(%dma_start3A_57 : memref<128xi32, #tpu.memory_space<vmem>>) semaphore(%arg12 : memref<!tpu.dma_semaphore, #tpu.memory_space<semaphore_mem>>) {add = true}
      %add3A_61 = arith.constant 3 : i32
      %add3A_62 = arith.addi %mul3A_37, %add3A_61 : i32
      %dma_start3A_63 = arith.constant 0 : i32
      %dma_start3A_64 = tpu.memref_slice %arg7[%add3A_62, %dma_start3A_63] : memref<160x128xi32, #tpu.memory_space<vmem>> -> memref<1x128xi32, #tpu.memory_space<vmem>>
      %dma_start3A_65 = tpu.memref_squeeze %dma_start3A_64 : memref<1x128xi32, #tpu.memory_space<vmem>> -> memref<128xi32, #tpu.memory_space<vmem>>
      %dma_start3A_66 = arith.constant 0 : i32
      %dma_start3A_67 = arith.constant 0 : i32
      %dma_start3A_68 = tpu.memref_slice %arg9[%dma_start3A_66, %dma_start3A_67] : memref<10240x128xf32, #tpu.memory_space<vmem_shared>> -> memref<10240x128xf32, #tpu.memory_space<vmem_shared>>
      tpu.enqueue_indirect_dma source(%arg8 : memref<128x128xf32, #tpu.memory_space<vmem>>) target(%dma_start3A_68 : memref<10240x128xf32, #tpu.memory_space<vmem_shared>>) offsets(%dma_start3A_65 : memref<128xi32, #tpu.memory_space<vmem>>) semaphore(%arg13 : memref<!tpu.dma_semaphore, #tpu.memory_space<semaphore_mem>>) {add = true}
      %add3A_69 = arith.constant 0 : i32
      %add3A_70 = arith.addi %mul3A_37, %add3A_69 : i32
      %dma_wait3A = arith.constant 0 : i32
      %dma_wait3A_71 = tpu.memref_slice %arg7[%add3A_70, %dma_wait3A] : memref<160x128xi32, #tpu.memory_space<vmem>> -> memref<1x128xi32, #tpu.memory_space<vmem>>
      %dma_wait3A_72 = tpu.memref_squeeze %dma_wait3A_71 : memref<1x128xi32, #tpu.memory_space<vmem>> -> memref<128xi32, #tpu.memory_space<vmem>>
      %dma_wait3A_73 = arith.constant 0 : i32
      %dma_wait3A_74 = arith.constant 0 : i32
      %dma_wait3A_75 = tpu.memref_slice %arg9[%dma_wait3A_73, %dma_wait3A_74] : memref<10240x128xf32, #tpu.memory_space<vmem_shared>> -> memref<10240x128xf32, #tpu.memory_space<vmem_shared>>
      tpu.wait_indirect_dma semaphore(%arg10 : memref<!tpu.dma_semaphore, #tpu.memory_space<semaphore_mem>>) src(%arg8 : memref<128x128xf32, #tpu.memory_space<vmem>>) dst(%dma_wait3A_75 : memref<10240x128xf32, #tpu.memory_space<vmem_shared>>)
      %add3A_76 = arith.constant 1 : i32
      %add3A_77 = arith.addi %mul3A_37, %add3A_76 : i32
      %dma_wait3A_78 = arith.constant 0 : i32
      %dma_wait3A_79 = tpu.memref_slice %arg7[%add3A_77, %dma_wait3A_78] : memref<160x128xi32, #tpu.memory_space<vmem>> -> memref<1x128xi32, #tpu.memory_space<vmem>>
      %dma_wait3A_80 = tpu.memref_squeeze %dma_wait3A_79 : memref<1x128xi32, #tpu.memory_space<vmem>> -> memref<128xi32, #tpu.memory_space<vmem>>
      %dma_wait3A_81 = arith.constant 0 : i32
      %dma_wait3A_82 = arith.constant 0 : i32
      %dma_wait3A_83 = tpu.memref_slice %arg9[%dma_wait3A_81, %dma_wait3A_82] : memref<10240x128xf32, #tpu.memory_space<vmem_shared>> -> memref<10240x128xf32, #tpu.memory_space<vmem_shared>>
      tpu.wait_indirect_dma semaphore(%arg11 : memref<!tpu.dma_semaphore, #tpu.memory_space<semaphore_mem>>) src(%arg8 : memref<128x128xf32, #tpu.memory_space<vmem>>) dst(%dma_wait3A_83 : memref<10240x128xf32, #tpu.memory_space<vmem_shared>>)
      %add3A_84 = arith.constant 2 : i32
      %add3A_85 = arith.addi %mul3A_37, %add3A_84 : i32
      %dma_wait3A_86 = arith.constant 0 : i32
      %dma_wait3A_87 = tpu.memref_slice %arg7[%add3A_85, %dma_wait3A_86] : memref<160x128xi32, #tpu.memory_space<vmem>> -> memref<1x128xi32, #tpu.memory_space<vmem>>
      %dma_wait3A_88 = tpu.memref_squeeze %dma_wait3A_87 : memref<1x128xi32, #tpu.memory_space<vmem>> -> memref<128xi32, #tpu.memory_space<vmem>>
      %dma_wait3A_89 = arith.constant 0 : i32
      %dma_wait3A_90 = arith.constant 0 : i32
      %dma_wait3A_91 = tpu.memref_slice %arg9[%dma_wait3A_89, %dma_wait3A_90] : memref<10240x128xf32, #tpu.memory_space<vmem_shared>> -> memref<10240x128xf32, #tpu.memory_space<vmem_shared>>
      tpu.wait_indirect_dma semaphore(%arg12 : memref<!tpu.dma_semaphore, #tpu.memory_space<semaphore_mem>>) src(%arg8 : memref<128x128xf32, #tpu.memory_space<vmem>>) dst(%dma_wait3A_91 : memref<10240x128xf32, #tpu.memory_space<vmem_shared>>)
      %add3A_92 = arith.constant 3 : i32
      %add3A_93 = arith.addi %mul3A_37, %add3A_92 : i32
      %dma_wait3A_94 = arith.constant 0 : i32
      %dma_wait3A_95 = tpu.memref_slice %arg7[%add3A_93, %dma_wait3A_94] : memref<160x128xi32, #tpu.memory_space<vmem>> -> memref<1x128xi32, #tpu.memory_space<vmem>>
      %dma_wait3A_96 = tpu.memref_squeeze %dma_wait3A_95 : memref<1x128xi32, #tpu.memory_space<vmem>> -> memref<128xi32, #tpu.memory_space<vmem>>
      %dma_wait3A_97 = arith.constant 0 : i32
      %dma_wait3A_98 = arith.constant 0 : i32
      %dma_wait3A_99 = tpu.memref_slice %arg9[%dma_wait3A_97, %dma_wait3A_98] : memref<10240x128xf32, #tpu.memory_space<vmem_shared>> -> memref<10240x128xf32, #tpu.memory_space<vmem_shared>>
      tpu.wait_indirect_dma semaphore(%arg13 : memref<!tpu.dma_semaphore, #tpu.memory_space<semaphore_mem>>) src(%arg8 : memref<128x128xf32, #tpu.memory_space<vmem>>) dst(%dma_wait3A_99 : memref<10240x128xf32, #tpu.memory_space<vmem_shared>>)
    }
    %scan3A_29 = arith.constant 40 : i32
    %barrier3A_30 = arith.constant 0 : index
    tpu.barrier barrier_id(%barrier3A_30)
    %mul3A_31 = arith.constant 640 : i32
    %mul3A_32 = arith.muli %arg1, %mul3A_31 : i32
    %mul3A_33 = arith.constant 640 : i32
    %mul3A_34 = arith.muli %arg1, %mul3A_33 : i32
    "tpu.region"() ({
      %run_scoped3A = tpu.sem_alloc : memref<!tpu.dma_semaphore, #tpu.memory_space<semaphore_mem>>
      %dma_start3A = arith.constant 0 : i32
      %dma_start3A_35 = tpu.memref_slice %arg6[%arg0, %mul3A_34, %dma_start3A] : memref<2x10240x128xf32, #tpu.memory_space<hbm>> -> memref<1x640x128xf32, #tpu.memory_space<hbm>>
      %dma_start3A_36 = tpu.memref_squeeze %dma_start3A_35 : memref<1x640x128xf32, #tpu.memory_space<hbm>> -> memref<640x128xf32, #tpu.memory_space<hbm>>
      %dma_start3A_37 = arith.constant 0 : i32
      %dma_start3A_38 = tpu.memref_slice %arg9[%mul3A_32, %dma_start3A_37] : memref<10240x128xf32, #tpu.memory_space<vmem_shared>> -> memref<640x128xf32, #tpu.memory_space<vmem_shared>>
      tpu.enqueue_dma source(%dma_start3A_38 : memref<640x128xf32, #tpu.memory_space<vmem_shared>>) target(%dma_start3A_36 : memref<640x128xf32, #tpu.memory_space<hbm>>) target_semaphore(%run_scoped3A : memref<!tpu.dma_semaphore, #tpu.memory_space<semaphore_mem>>)
      %dma_wait3A = arith.constant 0 : i32
      %dma_wait3A_39 = tpu.memref_slice %arg6[%arg0, %mul3A_34, %dma_wait3A] : memref<2x10240x128xf32, #tpu.memory_space<hbm>> -> memref<1x640x128xf32, #tpu.memory_space<hbm>>
      %dma_wait3A_40 = tpu.memref_squeeze %dma_wait3A_39 : memref<1x640x128xf32, #tpu.memory_space<hbm>> -> memref<640x128xf32, #tpu.memory_space<hbm>>
      %dma_wait3A_41 = arith.constant 0 : i32
      %dma_wait3A_42 = tpu.memref_slice %arg9[%mul3A_32, %dma_wait3A_41] : memref<10240x128xf32, #tpu.memory_space<vmem_shared>> -> memref<640x128xf32, #tpu.memory_space<vmem_shared>>
      tpu.wait_dma2 semaphore(%run_scoped3A : memref<!tpu.dma_semaphore, #tpu.memory_space<semaphore_mem>>) src(%dma_wait3A_42 : memref<640x128xf32, #tpu.memory_space<vmem_shared>>) dst(%dma_wait3A_40 : memref<640x128xf32, #tpu.memory_space<hbm>>)
      tpu.yield
    }) : () -> ()
    return
  }
}

#map = affine_map<(d0, d1) -> (0, 0)>
#map1 = affine_map<(d0, d1) -> (0, 0, 0)>
module attributes {stable_mosaic.version = 14 : i64} {
  func.func @_agg_body(%arg0: i32, %arg1: i32, %arg2: memref<10240x128xf32, #tpu.memory_space<hbm>>, %arg3: memref<32x80x128xi32, #tpu.memory_space<hbm>>, %arg4: memref<32x80x128xi32, #tpu.memory_space<hbm>>, %arg5: memref<128x128xf32, #tpu.memory_space<hbm>>, %arg6: memref<2x10240x128xf32, #tpu.memory_space<hbm>>, %arg7: memref<8x128xi32, #tpu.memory_space<vmem>>, %arg8: memref<8x128xi32, #tpu.memory_space<vmem>>, %arg9: memref<128x128xf32, #tpu.memory_space<vmem>>, %arg10: memref<128x128xf32, #tpu.memory_space<vmem>>, %arg11: memref<10240x128xf32, #tpu.memory_space<vmem_shared>>, %arg12: memref<!tpu.dma_semaphore, #tpu.memory_space<semaphore_mem>>, %arg13: memref<!tpu.dma_semaphore, #tpu.memory_space<semaphore_mem>>, %arg14: memref<!tpu.dma_semaphore, #tpu.memory_space<semaphore_mem>>, %arg15: memref<!tpu.dma_semaphore, #tpu.memory_space<semaphore_mem>>) attributes {dimension_semantics = [#tpu.dimension_semantics<core_parallel>, #tpu.dimension_semantics<subcore_parallel>], iteration_bounds = array<i64: 2, 16>, scalar_prefetch = 0 : i64, scratch_operands = 9 : i64, tpu.core_type = #tpu.core_type<sc_vector_subcore>, window_params = [{transform_indices = #map}, {transform_indices = #map1}, {transform_indices = #map1}, {transform_indices = #map}, {transform_indices = #map1}]} {
    %mul3A = arith.constant 2 : i32
    %mul3A_0 = arith.muli %arg1, %mul3A : i32
    %add3A = arith.addi %mul3A_0, %arg0 : i32
    "tpu.region"() ({
      %run_scoped3A = tpu.sem_alloc : memref<!tpu.dma_semaphore, #tpu.memory_space<semaphore_mem>>
      tpu.enqueue_dma source(%arg5 : memref<128x128xf32, #tpu.memory_space<hbm>>) target(%arg9 : memref<128x128xf32, #tpu.memory_space<vmem>>) target_semaphore(%run_scoped3A : memref<!tpu.dma_semaphore, #tpu.memory_space<semaphore_mem>>)
      tpu.wait_dma2 semaphore(%run_scoped3A : memref<!tpu.dma_semaphore, #tpu.memory_space<semaphore_mem>>) src(%arg5 : memref<128x128xf32, #tpu.memory_space<hbm>>) dst(%arg9 : memref<128x128xf32, #tpu.memory_space<vmem>>)
      tpu.yield
    }) : () -> ()
    %mul3A_1 = arith.constant 640 : i32
    %mul3A_2 = arith.muli %arg1, %mul3A_1 : i32
    %add3A_3 = arith.constant 0 : i32
    %add3A_4 = arith.addi %mul3A_2, %add3A_3 : i32
    "tpu.region"() ({
      %run_scoped3A = tpu.sem_alloc : memref<!tpu.dma_semaphore, #tpu.memory_space<semaphore_mem>>
      %dma_start3A = arith.constant 0 : i32
      %dma_start3A_31 = tpu.memref_slice %arg11[%add3A_4, %dma_start3A] : memref<10240x128xf32, #tpu.memory_space<vmem_shared>> -> memref<128x128xf32, #tpu.memory_space<vmem_shared>>
      %dma_start3A_32 = arith.constant 0 : i32
      %dma_start3A_33 = tpu.memref_slice %arg11[%add3A_4, %dma_start3A_32] : memref<10240x128xf32, #tpu.memory_space<vmem_shared>> -> memref<128x128xf32, #tpu.memory_space<vmem_shared>>
      tpu.enqueue_dma source(%arg9 : memref<128x128xf32, #tpu.memory_space<vmem>>) target(%dma_start3A_33 : memref<128x128xf32, #tpu.memory_space<vmem_shared>>) target_semaphore(%run_scoped3A : memref<!tpu.dma_semaphore, #tpu.memory_space<semaphore_mem>>)
      %dma_wait3A = arith.constant 0 : i32
      %dma_wait3A_34 = tpu.memref_slice %arg11[%add3A_4, %dma_wait3A] : memref<10240x128xf32, #tpu.memory_space<vmem_shared>> -> memref<128x128xf32, #tpu.memory_space<vmem_shared>>
      %dma_wait3A_35 = arith.constant 0 : i32
      %dma_wait3A_36 = tpu.memref_slice %arg11[%add3A_4, %dma_wait3A_35] : memref<10240x128xf32, #tpu.memory_space<vmem_shared>> -> memref<128x128xf32, #tpu.memory_space<vmem_shared>>
      tpu.wait_dma2 semaphore(%run_scoped3A : memref<!tpu.dma_semaphore, #tpu.memory_space<semaphore_mem>>) src(%arg9 : memref<128x128xf32, #tpu.memory_space<vmem>>) dst(%dma_wait3A_36 : memref<128x128xf32, #tpu.memory_space<vmem_shared>>)
      tpu.yield
    }) : () -> ()
    %mul3A_5 = arith.constant 640 : i32
    %mul3A_6 = arith.muli %arg1, %mul3A_5 : i32
    %add3A_7 = arith.constant 128 : i32
    %add3A_8 = arith.addi %mul3A_6, %add3A_7 : i32
    "tpu.region"() ({
      %run_scoped3A = tpu.sem_alloc : memref<!tpu.dma_semaphore, #tpu.memory_space<semaphore_mem>>
      %dma_start3A = arith.constant 0 : i32
      %dma_start3A_31 = tpu.memref_slice %arg11[%add3A_8, %dma_start3A] : memref<10240x128xf32, #tpu.memory_space<vmem_shared>> -> memref<128x128xf32, #tpu.memory_space<vmem_shared>>
      %dma_start3A_32 = arith.constant 0 : i32
      %dma_start3A_33 = tpu.memref_slice %arg11[%add3A_8, %dma_start3A_32] : memref<10240x128xf32, #tpu.memory_space<vmem_shared>> -> memref<128x128xf32, #tpu.memory_space<vmem_shared>>
      tpu.enqueue_dma source(%arg9 : memref<128x128xf32, #tpu.memory_space<vmem>>) target(%dma_start3A_33 : memref<128x128xf32, #tpu.memory_space<vmem_shared>>) target_semaphore(%run_scoped3A : memref<!tpu.dma_semaphore, #tpu.memory_space<semaphore_mem>>)
      %dma_wait3A = arith.constant 0 : i32
      %dma_wait3A_34 = tpu.memref_slice %arg11[%add3A_8, %dma_wait3A] : memref<10240x128xf32, #tpu.memory_space<vmem_shared>> -> memref<128x128xf32, #tpu.memory_space<vmem_shared>>
      %dma_wait3A_35 = arith.constant 0 : i32
      %dma_wait3A_36 = tpu.memref_slice %arg11[%add3A_8, %dma_wait3A_35] : memref<10240x128xf32, #tpu.memory_space<vmem_shared>> -> memref<128x128xf32, #tpu.memory_space<vmem_shared>>
      tpu.wait_dma2 semaphore(%run_scoped3A : memref<!tpu.dma_semaphore, #tpu.memory_space<semaphore_mem>>) src(%arg9 : memref<128x128xf32, #tpu.memory_space<vmem>>) dst(%dma_wait3A_36 : memref<128x128xf32, #tpu.memory_space<vmem_shared>>)
      tpu.yield
    }) : () -> ()
    %mul3A_9 = arith.constant 640 : i32
    %mul3A_10 = arith.muli %arg1, %mul3A_9 : i32
    %add3A_11 = arith.constant 256 : i32
    %add3A_12 = arith.addi %mul3A_10, %add3A_11 : i32
    "tpu.region"() ({
      %run_scoped3A = tpu.sem_alloc : memref<!tpu.dma_semaphore, #tpu.memory_space<semaphore_mem>>
      %dma_start3A = arith.constant 0 : i32
      %dma_start3A_31 = tpu.memref_slice %arg11[%add3A_12, %dma_start3A] : memref<10240x128xf32, #tpu.memory_space<vmem_shared>> -> memref<128x128xf32, #tpu.memory_space<vmem_shared>>
      %dma_start3A_32 = arith.constant 0 : i32
      %dma_start3A_33 = tpu.memref_slice %arg11[%add3A_12, %dma_start3A_32] : memref<10240x128xf32, #tpu.memory_space<vmem_shared>> -> memref<128x128xf32, #tpu.memory_space<vmem_shared>>
      tpu.enqueue_dma source(%arg9 : memref<128x128xf32, #tpu.memory_space<vmem>>) target(%dma_start3A_33 : memref<128x128xf32, #tpu.memory_space<vmem_shared>>) target_semaphore(%run_scoped3A : memref<!tpu.dma_semaphore, #tpu.memory_space<semaphore_mem>>)
      %dma_wait3A = arith.constant 0 : i32
      %dma_wait3A_34 = tpu.memref_slice %arg11[%add3A_12, %dma_wait3A] : memref<10240x128xf32, #tpu.memory_space<vmem_shared>> -> memref<128x128xf32, #tpu.memory_space<vmem_shared>>
      %dma_wait3A_35 = arith.constant 0 : i32
      %dma_wait3A_36 = tpu.memref_slice %arg11[%add3A_12, %dma_wait3A_35] : memref<10240x128xf32, #tpu.memory_space<vmem_shared>> -> memref<128x128xf32, #tpu.memory_space<vmem_shared>>
      tpu.wait_dma2 semaphore(%run_scoped3A : memref<!tpu.dma_semaphore, #tpu.memory_space<semaphore_mem>>) src(%arg9 : memref<128x128xf32, #tpu.memory_space<vmem>>) dst(%dma_wait3A_36 : memref<128x128xf32, #tpu.memory_space<vmem_shared>>)
      tpu.yield
    }) : () -> ()
    %mul3A_13 = arith.constant 640 : i32
    %mul3A_14 = arith.muli %arg1, %mul3A_13 : i32
    %add3A_15 = arith.constant 384 : i32
    %add3A_16 = arith.addi %mul3A_14, %add3A_15 : i32
    "tpu.region"() ({
      %run_scoped3A = tpu.sem_alloc : memref<!tpu.dma_semaphore, #tpu.memory_space<semaphore_mem>>
      %dma_start3A = arith.constant 0 : i32
      %dma_start3A_31 = tpu.memref_slice %arg11[%add3A_16, %dma_start3A] : memref<10240x128xf32, #tpu.memory_space<vmem_shared>> -> memref<128x128xf32, #tpu.memory_space<vmem_shared>>
      %dma_start3A_32 = arith.constant 0 : i32
      %dma_start3A_33 = tpu.memref_slice %arg11[%add3A_16, %dma_start3A_32] : memref<10240x128xf32, #tpu.memory_space<vmem_shared>> -> memref<128x128xf32, #tpu.memory_space<vmem_shared>>
      tpu.enqueue_dma source(%arg9 : memref<128x128xf32, #tpu.memory_space<vmem>>) target(%dma_start3A_33 : memref<128x128xf32, #tpu.memory_space<vmem_shared>>) target_semaphore(%run_scoped3A : memref<!tpu.dma_semaphore, #tpu.memory_space<semaphore_mem>>)
      %dma_wait3A = arith.constant 0 : i32
      %dma_wait3A_34 = tpu.memref_slice %arg11[%add3A_16, %dma_wait3A] : memref<10240x128xf32, #tpu.memory_space<vmem_shared>> -> memref<128x128xf32, #tpu.memory_space<vmem_shared>>
      %dma_wait3A_35 = arith.constant 0 : i32
      %dma_wait3A_36 = tpu.memref_slice %arg11[%add3A_16, %dma_wait3A_35] : memref<10240x128xf32, #tpu.memory_space<vmem_shared>> -> memref<128x128xf32, #tpu.memory_space<vmem_shared>>
      tpu.wait_dma2 semaphore(%run_scoped3A : memref<!tpu.dma_semaphore, #tpu.memory_space<semaphore_mem>>) src(%arg9 : memref<128x128xf32, #tpu.memory_space<vmem>>) dst(%dma_wait3A_36 : memref<128x128xf32, #tpu.memory_space<vmem_shared>>)
      tpu.yield
    }) : () -> ()
    %mul3A_17 = arith.constant 640 : i32
    %mul3A_18 = arith.muli %arg1, %mul3A_17 : i32
    %add3A_19 = arith.constant 512 : i32
    %add3A_20 = arith.addi %mul3A_18, %add3A_19 : i32
    "tpu.region"() ({
      %run_scoped3A = tpu.sem_alloc : memref<!tpu.dma_semaphore, #tpu.memory_space<semaphore_mem>>
      %dma_start3A = arith.constant 0 : i32
      %dma_start3A_31 = tpu.memref_slice %arg11[%add3A_20, %dma_start3A] : memref<10240x128xf32, #tpu.memory_space<vmem_shared>> -> memref<128x128xf32, #tpu.memory_space<vmem_shared>>
      %dma_start3A_32 = arith.constant 0 : i32
      %dma_start3A_33 = tpu.memref_slice %arg11[%add3A_20, %dma_start3A_32] : memref<10240x128xf32, #tpu.memory_space<vmem_shared>> -> memref<128x128xf32, #tpu.memory_space<vmem_shared>>
      tpu.enqueue_dma source(%arg9 : memref<128x128xf32, #tpu.memory_space<vmem>>) target(%dma_start3A_33 : memref<128x128xf32, #tpu.memory_space<vmem_shared>>) target_semaphore(%run_scoped3A : memref<!tpu.dma_semaphore, #tpu.memory_space<semaphore_mem>>)
      %dma_wait3A = arith.constant 0 : i32
      %dma_wait3A_34 = tpu.memref_slice %arg11[%add3A_20, %dma_wait3A] : memref<10240x128xf32, #tpu.memory_space<vmem_shared>> -> memref<128x128xf32, #tpu.memory_space<vmem_shared>>
      %dma_wait3A_35 = arith.constant 0 : i32
      %dma_wait3A_36 = tpu.memref_slice %arg11[%add3A_20, %dma_wait3A_35] : memref<10240x128xf32, #tpu.memory_space<vmem_shared>> -> memref<128x128xf32, #tpu.memory_space<vmem_shared>>
      tpu.wait_dma2 semaphore(%run_scoped3A : memref<!tpu.dma_semaphore, #tpu.memory_space<semaphore_mem>>) src(%arg9 : memref<128x128xf32, #tpu.memory_space<vmem>>) dst(%dma_wait3A_36 : memref<128x128xf32, #tpu.memory_space<vmem_shared>>)
      tpu.yield
    }) : () -> ()
    %barrier3A = arith.constant 0 : index
    tpu.barrier barrier_id(%barrier3A)
    %scan3A = arith.constant 0 : i32
    %scan3A_21 = arith.constant 0 : i32
    %scan3A_22 = arith.constant 10 : i32
    %scan3A_23 = arith.addi %scan3A_21, %scan3A_22 : i32
    %scan3A_24 = arith.constant 1 : i32
    scf.for %scan3A_31 = %scan3A_21 to %scan3A_23 step %scan3A_24  : i32 {
      %mul3A_32 = arith.constant 8 : i32
      %mul3A_33 = arith.muli %scan3A_31, %mul3A_32 : i32
      "tpu.region"() ({
        %run_scoped3A = tpu.sem_alloc : memref<!tpu.dma_semaphore, #tpu.memory_space<semaphore_mem>>
        %dma_start3A_258 = arith.constant 0 : i32
        %dma_start3A_259 = tpu.memref_slice %arg3[%add3A, %mul3A_33, %dma_start3A_258] : memref<32x80x128xi32, #tpu.memory_space<hbm>> -> memref<1x8x128xi32, #tpu.memory_space<hbm>>
        %dma_start3A_260 = tpu.memref_squeeze %dma_start3A_259 : memref<1x8x128xi32, #tpu.memory_space<hbm>> -> memref<8x128xi32, #tpu.memory_space<hbm>>
        %dma_start3A_261 = arith.constant 0 : i32
        %dma_start3A_262 = tpu.memref_slice %arg3[%add3A, %mul3A_33, %dma_start3A_261] : memref<32x80x128xi32, #tpu.memory_space<hbm>> -> memref<1x8x128xi32, #tpu.memory_space<hbm>>
        %dma_start3A_263 = tpu.memref_squeeze %dma_start3A_262 : memref<1x8x128xi32, #tpu.memory_space<hbm>> -> memref<8x128xi32, #tpu.memory_space<hbm>>
        tpu.enqueue_dma source(%dma_start3A_263 : memref<8x128xi32, #tpu.memory_space<hbm>>) target(%arg7 : memref<8x128xi32, #tpu.memory_space<vmem>>) target_semaphore(%run_scoped3A : memref<!tpu.dma_semaphore, #tpu.memory_space<semaphore_mem>>)
        %dma_wait3A_264 = arith.constant 0 : i32
        %dma_wait3A_265 = tpu.memref_slice %arg3[%add3A, %mul3A_33, %dma_wait3A_264] : memref<32x80x128xi32, #tpu.memory_space<hbm>> -> memref<1x8x128xi32, #tpu.memory_space<hbm>>
        %dma_wait3A_266 = tpu.memref_squeeze %dma_wait3A_265 : memref<1x8x128xi32, #tpu.memory_space<hbm>> -> memref<8x128xi32, #tpu.memory_space<hbm>>
        %dma_wait3A_267 = arith.constant 0 : i32
        %dma_wait3A_268 = tpu.memref_slice %arg3[%add3A, %mul3A_33, %dma_wait3A_267] : memref<32x80x128xi32, #tpu.memory_space<hbm>> -> memref<1x8x128xi32, #tpu.memory_space<hbm>>
        %dma_wait3A_269 = tpu.memref_squeeze %dma_wait3A_268 : memref<1x8x128xi32, #tpu.memory_space<hbm>> -> memref<8x128xi32, #tpu.memory_space<hbm>>
        tpu.wait_dma2 semaphore(%run_scoped3A : memref<!tpu.dma_semaphore, #tpu.memory_space<semaphore_mem>>) src(%dma_wait3A_269 : memref<8x128xi32, #tpu.memory_space<hbm>>) dst(%arg7 : memref<8x128xi32, #tpu.memory_space<vmem>>)
        tpu.yield
      }) : () -> ()
      %mul3A_34 = arith.constant 8 : i32
      %mul3A_35 = arith.muli %scan3A_31, %mul3A_34 : i32
      "tpu.region"() ({
        %run_scoped3A = tpu.sem_alloc : memref<!tpu.dma_semaphore, #tpu.memory_space<semaphore_mem>>
        %dma_start3A_258 = arith.constant 0 : i32
        %dma_start3A_259 = tpu.memref_slice %arg4[%add3A, %mul3A_35, %dma_start3A_258] : memref<32x80x128xi32, #tpu.memory_space<hbm>> -> memref<1x8x128xi32, #tpu.memory_space<hbm>>
        %dma_start3A_260 = tpu.memref_squeeze %dma_start3A_259 : memref<1x8x128xi32, #tpu.memory_space<hbm>> -> memref<8x128xi32, #tpu.memory_space<hbm>>
        %dma_start3A_261 = arith.constant 0 : i32
        %dma_start3A_262 = tpu.memref_slice %arg4[%add3A, %mul3A_35, %dma_start3A_261] : memref<32x80x128xi32, #tpu.memory_space<hbm>> -> memref<1x8x128xi32, #tpu.memory_space<hbm>>
        %dma_start3A_263 = tpu.memref_squeeze %dma_start3A_262 : memref<1x8x128xi32, #tpu.memory_space<hbm>> -> memref<8x128xi32, #tpu.memory_space<hbm>>
        tpu.enqueue_dma source(%dma_start3A_263 : memref<8x128xi32, #tpu.memory_space<hbm>>) target(%arg8 : memref<8x128xi32, #tpu.memory_space<vmem>>) target_semaphore(%run_scoped3A : memref<!tpu.dma_semaphore, #tpu.memory_space<semaphore_mem>>)
        %dma_wait3A_264 = arith.constant 0 : i32
        %dma_wait3A_265 = tpu.memref_slice %arg4[%add3A, %mul3A_35, %dma_wait3A_264] : memref<32x80x128xi32, #tpu.memory_space<hbm>> -> memref<1x8x128xi32, #tpu.memory_space<hbm>>
        %dma_wait3A_266 = tpu.memref_squeeze %dma_wait3A_265 : memref<1x8x128xi32, #tpu.memory_space<hbm>> -> memref<8x128xi32, #tpu.memory_space<hbm>>
        %dma_wait3A_267 = arith.constant 0 : i32
        %dma_wait3A_268 = tpu.memref_slice %arg4[%add3A, %mul3A_35, %dma_wait3A_267] : memref<32x80x128xi32, #tpu.memory_space<hbm>> -> memref<1x8x128xi32, #tpu.memory_space<hbm>>
        %dma_wait3A_269 = tpu.memref_squeeze %dma_wait3A_268 : memref<1x8x128xi32, #tpu.memory_space<hbm>> -> memref<8x128xi32, #tpu.memory_space<hbm>>
        tpu.wait_dma2 semaphore(%run_scoped3A : memref<!tpu.dma_semaphore, #tpu.memory_space<semaphore_mem>>) src(%dma_wait3A_269 : memref<8x128xi32, #tpu.memory_space<hbm>>) dst(%arg8 : memref<8x128xi32, #tpu.memory_space<vmem>>)
        tpu.yield
      }) : () -> ()
      %dma_start3A = arith.constant 0 : i32
      %dma_start3A_36 = arith.constant 0 : i32
      %dma_start3A_37 = tpu.memref_slice %arg7[%dma_start3A, %dma_start3A_36] : memref<8x128xi32, #tpu.memory_space<vmem>> -> memref<1x128xi32, #tpu.memory_space<vmem>>
      %dma_start3A_38 = tpu.memref_squeeze %dma_start3A_37 : memref<1x128xi32, #tpu.memory_space<vmem>> -> memref<128xi32, #tpu.memory_space<vmem>>
      %dma_start3A_39 = arith.constant 0 : i32
      %dma_start3A_40 = arith.constant 0 : i32
      %dma_start3A_41 = tpu.memref_slice %arg2[%dma_start3A_39, %dma_start3A_40] : memref<10240x128xf32, #tpu.memory_space<hbm>> -> memref<10240x128xf32, #tpu.memory_space<hbm>>
      tpu.enqueue_indirect_dma source(%dma_start3A_41 : memref<10240x128xf32, #tpu.memory_space<hbm>>) target(%arg9 : memref<128x128xf32, #tpu.memory_space<vmem>>) offsets(%dma_start3A_38 : memref<128xi32, #tpu.memory_space<vmem>>) semaphore(%arg12 : memref<!tpu.dma_semaphore, #tpu.memory_space<semaphore_mem>>)
      %dma_wait3A = arith.constant 0 : i32
      %dma_wait3A_42 = arith.constant 0 : i32
      %dma_wait3A_43 = tpu.memref_slice %arg7[%dma_wait3A, %dma_wait3A_42] : memref<8x128xi32, #tpu.memory_space<vmem>> -> memref<1x128xi32, #tpu.memory_space<vmem>>
      %dma_wait3A_44 = tpu.memref_squeeze %dma_wait3A_43 : memref<1x128xi32, #tpu.memory_space<vmem>> -> memref<128xi32, #tpu.memory_space<vmem>>
      %dma_wait3A_45 = arith.constant 0 : i32
      %dma_wait3A_46 = arith.constant 0 : i32
      %dma_wait3A_47 = tpu.memref_slice %arg2[%dma_wait3A_45, %dma_wait3A_46] : memref<10240x128xf32, #tpu.memory_space<hbm>> -> memref<10240x128xf32, #tpu.memory_space<hbm>>
      tpu.wait_indirect_dma semaphore(%arg12 : memref<!tpu.dma_semaphore, #tpu.memory_space<semaphore_mem>>) src(%dma_wait3A_47 : memref<10240x128xf32, #tpu.memory_space<hbm>>) dst(%arg9 : memref<128x128xf32, #tpu.memory_space<vmem>>)
      %dma_start3A_48 = arith.constant 0 : i32
      %dma_start3A_49 = arith.constant 0 : i32
      %dma_start3A_50 = tpu.memref_slice %arg8[%dma_start3A_48, %dma_start3A_49] : memref<8x128xi32, #tpu.memory_space<vmem>> -> memref<1x128xi32, #tpu.memory_space<vmem>>
      %dma_start3A_51 = tpu.memref_squeeze %dma_start3A_50 : memref<1x128xi32, #tpu.memory_space<vmem>> -> memref<128xi32, #tpu.memory_space<vmem>>
      %dma_start3A_52 = arith.constant 0 : i32
      %dma_start3A_53 = arith.constant 0 : i32
      %dma_start3A_54 = tpu.memref_slice %arg11[%dma_start3A_52, %dma_start3A_53] : memref<10240x128xf32, #tpu.memory_space<vmem_shared>> -> memref<10240x128xf32, #tpu.memory_space<vmem_shared>>
      tpu.enqueue_indirect_dma source(%arg9 : memref<128x128xf32, #tpu.memory_space<vmem>>) target(%dma_start3A_54 : memref<10240x128xf32, #tpu.memory_space<vmem_shared>>) offsets(%dma_start3A_51 : memref<128xi32, #tpu.memory_space<vmem>>) semaphore(%arg14 : memref<!tpu.dma_semaphore, #tpu.memory_space<semaphore_mem>>) {add = true}
      %dma_start3A_55 = arith.constant 1 : i32
      %dma_start3A_56 = arith.constant 0 : i32
      %dma_start3A_57 = tpu.memref_slice %arg7[%dma_start3A_55, %dma_start3A_56] : memref<8x128xi32, #tpu.memory_space<vmem>> -> memref<1x128xi32, #tpu.memory_space<vmem>>
      %dma_start3A_58 = tpu.memref_squeeze %dma_start3A_57 : memref<1x128xi32, #tpu.memory_space<vmem>> -> memref<128xi32, #tpu.memory_space<vmem>>
      %dma_start3A_59 = arith.constant 0 : i32
      %dma_start3A_60 = arith.constant 0 : i32
      %dma_start3A_61 = tpu.memref_slice %arg2[%dma_start3A_59, %dma_start3A_60] : memref<10240x128xf32, #tpu.memory_space<hbm>> -> memref<10240x128xf32, #tpu.memory_space<hbm>>
      tpu.enqueue_indirect_dma source(%dma_start3A_61 : memref<10240x128xf32, #tpu.memory_space<hbm>>) target(%arg10 : memref<128x128xf32, #tpu.memory_space<vmem>>) offsets(%dma_start3A_58 : memref<128xi32, #tpu.memory_space<vmem>>) semaphore(%arg13 : memref<!tpu.dma_semaphore, #tpu.memory_space<semaphore_mem>>)
      %dma_wait3A_62 = arith.constant 1 : i32
      %dma_wait3A_63 = arith.constant 0 : i32
      %dma_wait3A_64 = tpu.memref_slice %arg7[%dma_wait3A_62, %dma_wait3A_63] : memref<8x128xi32, #tpu.memory_space<vmem>> -> memref<1x128xi32, #tpu.memory_space<vmem>>
      %dma_wait3A_65 = tpu.memref_squeeze %dma_wait3A_64 : memref<1x128xi32, #tpu.memory_space<vmem>> -> memref<128xi32, #tpu.memory_space<vmem>>
      %dma_wait3A_66 = arith.constant 0 : i32
      %dma_wait3A_67 = arith.constant 0 : i32
      %dma_wait3A_68 = tpu.memref_slice %arg2[%dma_wait3A_66, %dma_wait3A_67] : memref<10240x128xf32, #tpu.memory_space<hbm>> -> memref<10240x128xf32, #tpu.memory_space<hbm>>
      tpu.wait_indirect_dma semaphore(%arg13 : memref<!tpu.dma_semaphore, #tpu.memory_space<semaphore_mem>>) src(%dma_wait3A_68 : memref<10240x128xf32, #tpu.memory_space<hbm>>) dst(%arg10 : memref<128x128xf32, #tpu.memory_space<vmem>>)
      %dma_start3A_69 = arith.constant 1 : i32
      %dma_start3A_70 = arith.constant 0 : i32
      %dma_start3A_71 = tpu.memref_slice %arg8[%dma_start3A_69, %dma_start3A_70] : memref<8x128xi32, #tpu.memory_space<vmem>> -> memref<1x128xi32, #tpu.memory_space<vmem>>
      %dma_start3A_72 = tpu.memref_squeeze %dma_start3A_71 : memref<1x128xi32, #tpu.memory_space<vmem>> -> memref<128xi32, #tpu.memory_space<vmem>>
      %dma_start3A_73 = arith.constant 0 : i32
      %dma_start3A_74 = arith.constant 0 : i32
      %dma_start3A_75 = tpu.memref_slice %arg11[%dma_start3A_73, %dma_start3A_74] : memref<10240x128xf32, #tpu.memory_space<vmem_shared>> -> memref<10240x128xf32, #tpu.memory_space<vmem_shared>>
      tpu.enqueue_indirect_dma source(%arg10 : memref<128x128xf32, #tpu.memory_space<vmem>>) target(%dma_start3A_75 : memref<10240x128xf32, #tpu.memory_space<vmem_shared>>) offsets(%dma_start3A_72 : memref<128xi32, #tpu.memory_space<vmem>>) semaphore(%arg15 : memref<!tpu.dma_semaphore, #tpu.memory_space<semaphore_mem>>) {add = true}
      %dma_wait3A_76 = arith.constant 0 : i32
      %dma_wait3A_77 = arith.constant 0 : i32
      %dma_wait3A_78 = tpu.memref_slice %arg8[%dma_wait3A_76, %dma_wait3A_77] : memref<8x128xi32, #tpu.memory_space<vmem>> -> memref<1x128xi32, #tpu.memory_space<vmem>>
      %dma_wait3A_79 = tpu.memref_squeeze %dma_wait3A_78 : memref<1x128xi32, #tpu.memory_space<vmem>> -> memref<128xi32, #tpu.memory_space<vmem>>
      %dma_wait3A_80 = arith.constant 0 : i32
      %dma_wait3A_81 = arith.constant 0 : i32
      %dma_wait3A_82 = tpu.memref_slice %arg11[%dma_wait3A_80, %dma_wait3A_81] : memref<10240x128xf32, #tpu.memory_space<vmem_shared>> -> memref<10240x128xf32, #tpu.memory_space<vmem_shared>>
      tpu.wait_indirect_dma semaphore(%arg14 : memref<!tpu.dma_semaphore, #tpu.memory_space<semaphore_mem>>) src(%arg9 : memref<128x128xf32, #tpu.memory_space<vmem>>) dst(%dma_wait3A_82 : memref<10240x128xf32, #tpu.memory_space<vmem_shared>>)
      %dma_start3A_83 = arith.constant 2 : i32
      %dma_start3A_84 = arith.constant 0 : i32
      %dma_start3A_85 = tpu.memref_slice %arg7[%dma_start3A_83, %dma_start3A_84] : memref<8x128xi32, #tpu.memory_space<vmem>> -> memref<1x128xi32, #tpu.memory_space<vmem>>
      %dma_start3A_86 = tpu.memref_squeeze %dma_start3A_85 : memref<1x128xi32, #tpu.memory_space<vmem>> -> memref<128xi32, #tpu.memory_space<vmem>>
      %dma_start3A_87 = arith.constant 0 : i32
      %dma_start3A_88 = arith.constant 0 : i32
      %dma_start3A_89 = tpu.memref_slice %arg2[%dma_start3A_87, %dma_start3A_88] : memref<10240x128xf32, #tpu.memory_space<hbm>> -> memref<10240x128xf32, #tpu.memory_space<hbm>>
      tpu.enqueue_indirect_dma source(%dma_start3A_89 : memref<10240x128xf32, #tpu.memory_space<hbm>>) target(%arg9 : memref<128x128xf32, #tpu.memory_space<vmem>>) offsets(%dma_start3A_86 : memref<128xi32, #tpu.memory_space<vmem>>) semaphore(%arg12 : memref<!tpu.dma_semaphore, #tpu.memory_space<semaphore_mem>>)
      %dma_wait3A_90 = arith.constant 2 : i32
      %dma_wait3A_91 = arith.constant 0 : i32
      %dma_wait3A_92 = tpu.memref_slice %arg7[%dma_wait3A_90, %dma_wait3A_91] : memref<8x128xi32, #tpu.memory_space<vmem>> -> memref<1x128xi32, #tpu.memory_space<vmem>>
      %dma_wait3A_93 = tpu.memref_squeeze %dma_wait3A_92 : memref<1x128xi32, #tpu.memory_space<vmem>> -> memref<128xi32, #tpu.memory_space<vmem>>
      %dma_wait3A_94 = arith.constant 0 : i32
      %dma_wait3A_95 = arith.constant 0 : i32
      %dma_wait3A_96 = tpu.memref_slice %arg2[%dma_wait3A_94, %dma_wait3A_95] : memref<10240x128xf32, #tpu.memory_space<hbm>> -> memref<10240x128xf32, #tpu.memory_space<hbm>>
      tpu.wait_indirect_dma semaphore(%arg12 : memref<!tpu.dma_semaphore, #tpu.memory_space<semaphore_mem>>) src(%dma_wait3A_96 : memref<10240x128xf32, #tpu.memory_space<hbm>>) dst(%arg9 : memref<128x128xf32, #tpu.memory_space<vmem>>)
      %dma_start3A_97 = arith.constant 2 : i32
      %dma_start3A_98 = arith.constant 0 : i32
      %dma_start3A_99 = tpu.memref_slice %arg8[%dma_start3A_97, %dma_start3A_98] : memref<8x128xi32, #tpu.memory_space<vmem>> -> memref<1x128xi32, #tpu.memory_space<vmem>>
      %dma_start3A_100 = tpu.memref_squeeze %dma_start3A_99 : memref<1x128xi32, #tpu.memory_space<vmem>> -> memref<128xi32, #tpu.memory_space<vmem>>
      %dma_start3A_101 = arith.constant 0 : i32
      %dma_start3A_102 = arith.constant 0 : i32
      %dma_start3A_103 = tpu.memref_slice %arg11[%dma_start3A_101, %dma_start3A_102] : memref<10240x128xf32, #tpu.memory_space<vmem_shared>> -> memref<10240x128xf32, #tpu.memory_space<vmem_shared>>
      tpu.enqueue_indirect_dma source(%arg9 : memref<128x128xf32, #tpu.memory_space<vmem>>) target(%dma_start3A_103 : memref<10240x128xf32, #tpu.memory_space<vmem_shared>>) offsets(%dma_start3A_100 : memref<128xi32, #tpu.memory_space<vmem>>) semaphore(%arg14 : memref<!tpu.dma_semaphore, #tpu.memory_space<semaphore_mem>>) {add = true}
      %dma_wait3A_104 = arith.constant 1 : i32
      %dma_wait3A_105 = arith.constant 0 : i32
      %dma_wait3A_106 = tpu.memref_slice %arg8[%dma_wait3A_104, %dma_wait3A_105] : memref<8x128xi32, #tpu.memory_space<vmem>> -> memref<1x128xi32, #tpu.memory_space<vmem>>
      %dma_wait3A_107 = tpu.memref_squeeze %dma_wait3A_106 : memref<1x128xi32, #tpu.memory_space<vmem>> -> memref<128xi32, #tpu.memory_space<vmem>>
      %dma_wait3A_108 = arith.constant 0 : i32
      %dma_wait3A_109 = arith.constant 0 : i32
      %dma_wait3A_110 = tpu.memref_slice %arg11[%dma_wait3A_108, %dma_wait3A_109] : memref<10240x128xf32, #tpu.memory_space<vmem_shared>> -> memref<10240x128xf32, #tpu.memory_space<vmem_shared>>
      tpu.wait_indirect_dma semaphore(%arg15 : memref<!tpu.dma_semaphore, #tpu.memory_space<semaphore_mem>>) src(%arg10 : memref<128x128xf32, #tpu.memory_space<vmem>>) dst(%dma_wait3A_110 : memref<10240x128xf32, #tpu.memory_space<vmem_shared>>)
      %dma_start3A_111 = arith.constant 3 : i32
      %dma_start3A_112 = arith.constant 0 : i32
      %dma_start3A_113 = tpu.memref_slice %arg7[%dma_start3A_111, %dma_start3A_112] : memref<8x128xi32, #tpu.memory_space<vmem>> -> memref<1x128xi32, #tpu.memory_space<vmem>>
      %dma_start3A_114 = tpu.memref_squeeze %dma_start3A_113 : memref<1x128xi32, #tpu.memory_space<vmem>> -> memref<128xi32, #tpu.memory_space<vmem>>
      %dma_start3A_115 = arith.constant 0 : i32
      %dma_start3A_116 = arith.constant 0 : i32
      %dma_start3A_117 = tpu.memref_slice %arg2[%dma_start3A_115, %dma_start3A_116] : memref<10240x128xf32, #tpu.memory_space<hbm>> -> memref<10240x128xf32, #tpu.memory_space<hbm>>
      tpu.enqueue_indirect_dma source(%dma_start3A_117 : memref<10240x128xf32, #tpu.memory_space<hbm>>) target(%arg10 : memref<128x128xf32, #tpu.memory_space<vmem>>) offsets(%dma_start3A_114 : memref<128xi32, #tpu.memory_space<vmem>>) semaphore(%arg13 : memref<!tpu.dma_semaphore, #tpu.memory_space<semaphore_mem>>)
      %dma_wait3A_118 = arith.constant 3 : i32
      %dma_wait3A_119 = arith.constant 0 : i32
      %dma_wait3A_120 = tpu.memref_slice %arg7[%dma_wait3A_118, %dma_wait3A_119] : memref<8x128xi32, #tpu.memory_space<vmem>> -> memref<1x128xi32, #tpu.memory_space<vmem>>
      %dma_wait3A_121 = tpu.memref_squeeze %dma_wait3A_120 : memref<1x128xi32, #tpu.memory_space<vmem>> -> memref<128xi32, #tpu.memory_space<vmem>>
      %dma_wait3A_122 = arith.constant 0 : i32
      %dma_wait3A_123 = arith.constant 0 : i32
      %dma_wait3A_124 = tpu.memref_slice %arg2[%dma_wait3A_122, %dma_wait3A_123] : memref<10240x128xf32, #tpu.memory_space<hbm>> -> memref<10240x128xf32, #tpu.memory_space<hbm>>
      tpu.wait_indirect_dma semaphore(%arg13 : memref<!tpu.dma_semaphore, #tpu.memory_space<semaphore_mem>>) src(%dma_wait3A_124 : memref<10240x128xf32, #tpu.memory_space<hbm>>) dst(%arg10 : memref<128x128xf32, #tpu.memory_space<vmem>>)
      %dma_start3A_125 = arith.constant 3 : i32
      %dma_start3A_126 = arith.constant 0 : i32
      %dma_start3A_127 = tpu.memref_slice %arg8[%dma_start3A_125, %dma_start3A_126] : memref<8x128xi32, #tpu.memory_space<vmem>> -> memref<1x128xi32, #tpu.memory_space<vmem>>
      %dma_start3A_128 = tpu.memref_squeeze %dma_start3A_127 : memref<1x128xi32, #tpu.memory_space<vmem>> -> memref<128xi32, #tpu.memory_space<vmem>>
      %dma_start3A_129 = arith.constant 0 : i32
      %dma_start3A_130 = arith.constant 0 : i32
      %dma_start3A_131 = tpu.memref_slice %arg11[%dma_start3A_129, %dma_start3A_130] : memref<10240x128xf32, #tpu.memory_space<vmem_shared>> -> memref<10240x128xf32, #tpu.memory_space<vmem_shared>>
      tpu.enqueue_indirect_dma source(%arg10 : memref<128x128xf32, #tpu.memory_space<vmem>>) target(%dma_start3A_131 : memref<10240x128xf32, #tpu.memory_space<vmem_shared>>) offsets(%dma_start3A_128 : memref<128xi32, #tpu.memory_space<vmem>>) semaphore(%arg15 : memref<!tpu.dma_semaphore, #tpu.memory_space<semaphore_mem>>) {add = true}
      %dma_wait3A_132 = arith.constant 2 : i32
      %dma_wait3A_133 = arith.constant 0 : i32
      %dma_wait3A_134 = tpu.memref_slice %arg8[%dma_wait3A_132, %dma_wait3A_133] : memref<8x128xi32, #tpu.memory_space<vmem>> -> memref<1x128xi32, #tpu.memory_space<vmem>>
      %dma_wait3A_135 = tpu.memref_squeeze %dma_wait3A_134 : memref<1x128xi32, #tpu.memory_space<vmem>> -> memref<128xi32, #tpu.memory_space<vmem>>
      %dma_wait3A_136 = arith.constant 0 : i32
      %dma_wait3A_137 = arith.constant 0 : i32
      %dma_wait3A_138 = tpu.memref_slice %arg11[%dma_wait3A_136, %dma_wait3A_137] : memref<10240x128xf32, #tpu.memory_space<vmem_shared>> -> memref<10240x128xf32, #tpu.memory_space<vmem_shared>>
      tpu.wait_indirect_dma semaphore(%arg14 : memref<!tpu.dma_semaphore, #tpu.memory_space<semaphore_mem>>) src(%arg9 : memref<128x128xf32, #tpu.memory_space<vmem>>) dst(%dma_wait3A_138 : memref<10240x128xf32, #tpu.memory_space<vmem_shared>>)
      %dma_start3A_139 = arith.constant 4 : i32
      %dma_start3A_140 = arith.constant 0 : i32
      %dma_start3A_141 = tpu.memref_slice %arg7[%dma_start3A_139, %dma_start3A_140] : memref<8x128xi32, #tpu.memory_space<vmem>> -> memref<1x128xi32, #tpu.memory_space<vmem>>
      %dma_start3A_142 = tpu.memref_squeeze %dma_start3A_141 : memref<1x128xi32, #tpu.memory_space<vmem>> -> memref<128xi32, #tpu.memory_space<vmem>>
      %dma_start3A_143 = arith.constant 0 : i32
      %dma_start3A_144 = arith.constant 0 : i32
      %dma_start3A_145 = tpu.memref_slice %arg2[%dma_start3A_143, %dma_start3A_144] : memref<10240x128xf32, #tpu.memory_space<hbm>> -> memref<10240x128xf32, #tpu.memory_space<hbm>>
      tpu.enqueue_indirect_dma source(%dma_start3A_145 : memref<10240x128xf32, #tpu.memory_space<hbm>>) target(%arg9 : memref<128x128xf32, #tpu.memory_space<vmem>>) offsets(%dma_start3A_142 : memref<128xi32, #tpu.memory_space<vmem>>) semaphore(%arg12 : memref<!tpu.dma_semaphore, #tpu.memory_space<semaphore_mem>>)
      %dma_wait3A_146 = arith.constant 4 : i32
      %dma_wait3A_147 = arith.constant 0 : i32
      %dma_wait3A_148 = tpu.memref_slice %arg7[%dma_wait3A_146, %dma_wait3A_147] : memref<8x128xi32, #tpu.memory_space<vmem>> -> memref<1x128xi32, #tpu.memory_space<vmem>>
      %dma_wait3A_149 = tpu.memref_squeeze %dma_wait3A_148 : memref<1x128xi32, #tpu.memory_space<vmem>> -> memref<128xi32, #tpu.memory_space<vmem>>
      %dma_wait3A_150 = arith.constant 0 : i32
      %dma_wait3A_151 = arith.constant 0 : i32
      %dma_wait3A_152 = tpu.memref_slice %arg2[%dma_wait3A_150, %dma_wait3A_151] : memref<10240x128xf32, #tpu.memory_space<hbm>> -> memref<10240x128xf32, #tpu.memory_space<hbm>>
      tpu.wait_indirect_dma semaphore(%arg12 : memref<!tpu.dma_semaphore, #tpu.memory_space<semaphore_mem>>) src(%dma_wait3A_152 : memref<10240x128xf32, #tpu.memory_space<hbm>>) dst(%arg9 : memref<128x128xf32, #tpu.memory_space<vmem>>)
      %dma_start3A_153 = arith.constant 4 : i32
      %dma_start3A_154 = arith.constant 0 : i32
      %dma_start3A_155 = tpu.memref_slice %arg8[%dma_start3A_153, %dma_start3A_154] : memref<8x128xi32, #tpu.memory_space<vmem>> -> memref<1x128xi32, #tpu.memory_space<vmem>>
      %dma_start3A_156 = tpu.memref_squeeze %dma_start3A_155 : memref<1x128xi32, #tpu.memory_space<vmem>> -> memref<128xi32, #tpu.memory_space<vmem>>
      %dma_start3A_157 = arith.constant 0 : i32
      %dma_start3A_158 = arith.constant 0 : i32
      %dma_start3A_159 = tpu.memref_slice %arg11[%dma_start3A_157, %dma_start3A_158] : memref<10240x128xf32, #tpu.memory_space<vmem_shared>> -> memref<10240x128xf32, #tpu.memory_space<vmem_shared>>
      tpu.enqueue_indirect_dma source(%arg9 : memref<128x128xf32, #tpu.memory_space<vmem>>) target(%dma_start3A_159 : memref<10240x128xf32, #tpu.memory_space<vmem_shared>>) offsets(%dma_start3A_156 : memref<128xi32, #tpu.memory_space<vmem>>) semaphore(%arg14 : memref<!tpu.dma_semaphore, #tpu.memory_space<semaphore_mem>>) {add = true}
      %dma_wait3A_160 = arith.constant 3 : i32
      %dma_wait3A_161 = arith.constant 0 : i32
      %dma_wait3A_162 = tpu.memref_slice %arg8[%dma_wait3A_160, %dma_wait3A_161] : memref<8x128xi32, #tpu.memory_space<vmem>> -> memref<1x128xi32, #tpu.memory_space<vmem>>
      %dma_wait3A_163 = tpu.memref_squeeze %dma_wait3A_162 : memref<1x128xi32, #tpu.memory_space<vmem>> -> memref<128xi32, #tpu.memory_space<vmem>>
      %dma_wait3A_164 = arith.constant 0 : i32
      %dma_wait3A_165 = arith.constant 0 : i32
      %dma_wait3A_166 = tpu.memref_slice %arg11[%dma_wait3A_164, %dma_wait3A_165] : memref<10240x128xf32, #tpu.memory_space<vmem_shared>> -> memref<10240x128xf32, #tpu.memory_space<vmem_shared>>
      tpu.wait_indirect_dma semaphore(%arg15 : memref<!tpu.dma_semaphore, #tpu.memory_space<semaphore_mem>>) src(%arg10 : memref<128x128xf32, #tpu.memory_space<vmem>>) dst(%dma_wait3A_166 : memref<10240x128xf32, #tpu.memory_space<vmem_shared>>)
      %dma_start3A_167 = arith.constant 5 : i32
      %dma_start3A_168 = arith.constant 0 : i32
      %dma_start3A_169 = tpu.memref_slice %arg7[%dma_start3A_167, %dma_start3A_168] : memref<8x128xi32, #tpu.memory_space<vmem>> -> memref<1x128xi32, #tpu.memory_space<vmem>>
      %dma_start3A_170 = tpu.memref_squeeze %dma_start3A_169 : memref<1x128xi32, #tpu.memory_space<vmem>> -> memref<128xi32, #tpu.memory_space<vmem>>
      %dma_start3A_171 = arith.constant 0 : i32
      %dma_start3A_172 = arith.constant 0 : i32
      %dma_start3A_173 = tpu.memref_slice %arg2[%dma_start3A_171, %dma_start3A_172] : memref<10240x128xf32, #tpu.memory_space<hbm>> -> memref<10240x128xf32, #tpu.memory_space<hbm>>
      tpu.enqueue_indirect_dma source(%dma_start3A_173 : memref<10240x128xf32, #tpu.memory_space<hbm>>) target(%arg10 : memref<128x128xf32, #tpu.memory_space<vmem>>) offsets(%dma_start3A_170 : memref<128xi32, #tpu.memory_space<vmem>>) semaphore(%arg13 : memref<!tpu.dma_semaphore, #tpu.memory_space<semaphore_mem>>)
      %dma_wait3A_174 = arith.constant 5 : i32
      %dma_wait3A_175 = arith.constant 0 : i32
      %dma_wait3A_176 = tpu.memref_slice %arg7[%dma_wait3A_174, %dma_wait3A_175] : memref<8x128xi32, #tpu.memory_space<vmem>> -> memref<1x128xi32, #tpu.memory_space<vmem>>
      %dma_wait3A_177 = tpu.memref_squeeze %dma_wait3A_176 : memref<1x128xi32, #tpu.memory_space<vmem>> -> memref<128xi32, #tpu.memory_space<vmem>>
      %dma_wait3A_178 = arith.constant 0 : i32
      %dma_wait3A_179 = arith.constant 0 : i32
      %dma_wait3A_180 = tpu.memref_slice %arg2[%dma_wait3A_178, %dma_wait3A_179] : memref<10240x128xf32, #tpu.memory_space<hbm>> -> memref<10240x128xf32, #tpu.memory_space<hbm>>
      tpu.wait_indirect_dma semaphore(%arg13 : memref<!tpu.dma_semaphore, #tpu.memory_space<semaphore_mem>>) src(%dma_wait3A_180 : memref<10240x128xf32, #tpu.memory_space<hbm>>) dst(%arg10 : memref<128x128xf32, #tpu.memory_space<vmem>>)
      %dma_start3A_181 = arith.constant 5 : i32
      %dma_start3A_182 = arith.constant 0 : i32
      %dma_start3A_183 = tpu.memref_slice %arg8[%dma_start3A_181, %dma_start3A_182] : memref<8x128xi32, #tpu.memory_space<vmem>> -> memref<1x128xi32, #tpu.memory_space<vmem>>
      %dma_start3A_184 = tpu.memref_squeeze %dma_start3A_183 : memref<1x128xi32, #tpu.memory_space<vmem>> -> memref<128xi32, #tpu.memory_space<vmem>>
      %dma_start3A_185 = arith.constant 0 : i32
      %dma_start3A_186 = arith.constant 0 : i32
      %dma_start3A_187 = tpu.memref_slice %arg11[%dma_start3A_185, %dma_start3A_186] : memref<10240x128xf32, #tpu.memory_space<vmem_shared>> -> memref<10240x128xf32, #tpu.memory_space<vmem_shared>>
      tpu.enqueue_indirect_dma source(%arg10 : memref<128x128xf32, #tpu.memory_space<vmem>>) target(%dma_start3A_187 : memref<10240x128xf32, #tpu.memory_space<vmem_shared>>) offsets(%dma_start3A_184 : memref<128xi32, #tpu.memory_space<vmem>>) semaphore(%arg15 : memref<!tpu.dma_semaphore, #tpu.memory_space<semaphore_mem>>) {add = true}
      %dma_wait3A_188 = arith.constant 4 : i32
      %dma_wait3A_189 = arith.constant 0 : i32
      %dma_wait3A_190 = tpu.memref_slice %arg8[%dma_wait3A_188, %dma_wait3A_189] : memref<8x128xi32, #tpu.memory_space<vmem>> -> memref<1x128xi32, #tpu.memory_space<vmem>>
      %dma_wait3A_191 = tpu.memref_squeeze %dma_wait3A_190 : memref<1x128xi32, #tpu.memory_space<vmem>> -> memref<128xi32, #tpu.memory_space<vmem>>
      %dma_wait3A_192 = arith.constant 0 : i32
      %dma_wait3A_193 = arith.constant 0 : i32
      %dma_wait3A_194 = tpu.memref_slice %arg11[%dma_wait3A_192, %dma_wait3A_193] : memref<10240x128xf32, #tpu.memory_space<vmem_shared>> -> memref<10240x128xf32, #tpu.memory_space<vmem_shared>>
      tpu.wait_indirect_dma semaphore(%arg14 : memref<!tpu.dma_semaphore, #tpu.memory_space<semaphore_mem>>) src(%arg9 : memref<128x128xf32, #tpu.memory_space<vmem>>) dst(%dma_wait3A_194 : memref<10240x128xf32, #tpu.memory_space<vmem_shared>>)
      %dma_start3A_195 = arith.constant 6 : i32
      %dma_start3A_196 = arith.constant 0 : i32
      %dma_start3A_197 = tpu.memref_slice %arg7[%dma_start3A_195, %dma_start3A_196] : memref<8x128xi32, #tpu.memory_space<vmem>> -> memref<1x128xi32, #tpu.memory_space<vmem>>
      %dma_start3A_198 = tpu.memref_squeeze %dma_start3A_197 : memref<1x128xi32, #tpu.memory_space<vmem>> -> memref<128xi32, #tpu.memory_space<vmem>>
      %dma_start3A_199 = arith.constant 0 : i32
      %dma_start3A_200 = arith.constant 0 : i32
      %dma_start3A_201 = tpu.memref_slice %arg2[%dma_start3A_199, %dma_start3A_200] : memref<10240x128xf32, #tpu.memory_space<hbm>> -> memref<10240x128xf32, #tpu.memory_space<hbm>>
      tpu.enqueue_indirect_dma source(%dma_start3A_201 : memref<10240x128xf32, #tpu.memory_space<hbm>>) target(%arg9 : memref<128x128xf32, #tpu.memory_space<vmem>>) offsets(%dma_start3A_198 : memref<128xi32, #tpu.memory_space<vmem>>) semaphore(%arg12 : memref<!tpu.dma_semaphore, #tpu.memory_space<semaphore_mem>>)
      %dma_wait3A_202 = arith.constant 6 : i32
      %dma_wait3A_203 = arith.constant 0 : i32
      %dma_wait3A_204 = tpu.memref_slice %arg7[%dma_wait3A_202, %dma_wait3A_203] : memref<8x128xi32, #tpu.memory_space<vmem>> -> memref<1x128xi32, #tpu.memory_space<vmem>>
      %dma_wait3A_205 = tpu.memref_squeeze %dma_wait3A_204 : memref<1x128xi32, #tpu.memory_space<vmem>> -> memref<128xi32, #tpu.memory_space<vmem>>
      %dma_wait3A_206 = arith.constant 0 : i32
      %dma_wait3A_207 = arith.constant 0 : i32
      %dma_wait3A_208 = tpu.memref_slice %arg2[%dma_wait3A_206, %dma_wait3A_207] : memref<10240x128xf32, #tpu.memory_space<hbm>> -> memref<10240x128xf32, #tpu.memory_space<hbm>>
      tpu.wait_indirect_dma semaphore(%arg12 : memref<!tpu.dma_semaphore, #tpu.memory_space<semaphore_mem>>) src(%dma_wait3A_208 : memref<10240x128xf32, #tpu.memory_space<hbm>>) dst(%arg9 : memref<128x128xf32, #tpu.memory_space<vmem>>)
      %dma_start3A_209 = arith.constant 6 : i32
      %dma_start3A_210 = arith.constant 0 : i32
      %dma_start3A_211 = tpu.memref_slice %arg8[%dma_start3A_209, %dma_start3A_210] : memref<8x128xi32, #tpu.memory_space<vmem>> -> memref<1x128xi32, #tpu.memory_space<vmem>>
      %dma_start3A_212 = tpu.memref_squeeze %dma_start3A_211 : memref<1x128xi32, #tpu.memory_space<vmem>> -> memref<128xi32, #tpu.memory_space<vmem>>
      %dma_start3A_213 = arith.constant 0 : i32
      %dma_start3A_214 = arith.constant 0 : i32
      %dma_start3A_215 = tpu.memref_slice %arg11[%dma_start3A_213, %dma_start3A_214] : memref<10240x128xf32, #tpu.memory_space<vmem_shared>> -> memref<10240x128xf32, #tpu.memory_space<vmem_shared>>
      tpu.enqueue_indirect_dma source(%arg9 : memref<128x128xf32, #tpu.memory_space<vmem>>) target(%dma_start3A_215 : memref<10240x128xf32, #tpu.memory_space<vmem_shared>>) offsets(%dma_start3A_212 : memref<128xi32, #tpu.memory_space<vmem>>) semaphore(%arg14 : memref<!tpu.dma_semaphore, #tpu.memory_space<semaphore_mem>>) {add = true}
      %dma_wait3A_216 = arith.constant 5 : i32
      %dma_wait3A_217 = arith.constant 0 : i32
      %dma_wait3A_218 = tpu.memref_slice %arg8[%dma_wait3A_216, %dma_wait3A_217] : memref<8x128xi32, #tpu.memory_space<vmem>> -> memref<1x128xi32, #tpu.memory_space<vmem>>
      %dma_wait3A_219 = tpu.memref_squeeze %dma_wait3A_218 : memref<1x128xi32, #tpu.memory_space<vmem>> -> memref<128xi32, #tpu.memory_space<vmem>>
      %dma_wait3A_220 = arith.constant 0 : i32
      %dma_wait3A_221 = arith.constant 0 : i32
      %dma_wait3A_222 = tpu.memref_slice %arg11[%dma_wait3A_220, %dma_wait3A_221] : memref<10240x128xf32, #tpu.memory_space<vmem_shared>> -> memref<10240x128xf32, #tpu.memory_space<vmem_shared>>
      tpu.wait_indirect_dma semaphore(%arg15 : memref<!tpu.dma_semaphore, #tpu.memory_space<semaphore_mem>>) src(%arg10 : memref<128x128xf32, #tpu.memory_space<vmem>>) dst(%dma_wait3A_222 : memref<10240x128xf32, #tpu.memory_space<vmem_shared>>)
      %dma_start3A_223 = arith.constant 7 : i32
      %dma_start3A_224 = arith.constant 0 : i32
      %dma_start3A_225 = tpu.memref_slice %arg7[%dma_start3A_223, %dma_start3A_224] : memref<8x128xi32, #tpu.memory_space<vmem>> -> memref<1x128xi32, #tpu.memory_space<vmem>>
      %dma_start3A_226 = tpu.memref_squeeze %dma_start3A_225 : memref<1x128xi32, #tpu.memory_space<vmem>> -> memref<128xi32, #tpu.memory_space<vmem>>
      %dma_start3A_227 = arith.constant 0 : i32
      %dma_start3A_228 = arith.constant 0 : i32
      %dma_start3A_229 = tpu.memref_slice %arg2[%dma_start3A_227, %dma_start3A_228] : memref<10240x128xf32, #tpu.memory_space<hbm>> -> memref<10240x128xf32, #tpu.memory_space<hbm>>
      tpu.enqueue_indirect_dma source(%dma_start3A_229 : memref<10240x128xf32, #tpu.memory_space<hbm>>) target(%arg10 : memref<128x128xf32, #tpu.memory_space<vmem>>) offsets(%dma_start3A_226 : memref<128xi32, #tpu.memory_space<vmem>>) semaphore(%arg13 : memref<!tpu.dma_semaphore, #tpu.memory_space<semaphore_mem>>)
      %dma_wait3A_230 = arith.constant 7 : i32
      %dma_wait3A_231 = arith.constant 0 : i32
      %dma_wait3A_232 = tpu.memref_slice %arg7[%dma_wait3A_230, %dma_wait3A_231] : memref<8x128xi32, #tpu.memory_space<vmem>> -> memref<1x128xi32, #tpu.memory_space<vmem>>
      %dma_wait3A_233 = tpu.memref_squeeze %dma_wait3A_232 : memref<1x128xi32, #tpu.memory_space<vmem>> -> memref<128xi32, #tpu.memory_space<vmem>>
      %dma_wait3A_234 = arith.constant 0 : i32
      %dma_wait3A_235 = arith.constant 0 : i32
      %dma_wait3A_236 = tpu.memref_slice %arg2[%dma_wait3A_234, %dma_wait3A_235] : memref<10240x128xf32, #tpu.memory_space<hbm>> -> memref<10240x128xf32, #tpu.memory_space<hbm>>
      tpu.wait_indirect_dma semaphore(%arg13 : memref<!tpu.dma_semaphore, #tpu.memory_space<semaphore_mem>>) src(%dma_wait3A_236 : memref<10240x128xf32, #tpu.memory_space<hbm>>) dst(%arg10 : memref<128x128xf32, #tpu.memory_space<vmem>>)
      %dma_start3A_237 = arith.constant 7 : i32
      %dma_start3A_238 = arith.constant 0 : i32
      %dma_start3A_239 = tpu.memref_slice %arg8[%dma_start3A_237, %dma_start3A_238] : memref<8x128xi32, #tpu.memory_space<vmem>> -> memref<1x128xi32, #tpu.memory_space<vmem>>
      %dma_start3A_240 = tpu.memref_squeeze %dma_start3A_239 : memref<1x128xi32, #tpu.memory_space<vmem>> -> memref<128xi32, #tpu.memory_space<vmem>>
      %dma_start3A_241 = arith.constant 0 : i32
      %dma_start3A_242 = arith.constant 0 : i32
      %dma_start3A_243 = tpu.memref_slice %arg11[%dma_start3A_241, %dma_start3A_242] : memref<10240x128xf32, #tpu.memory_space<vmem_shared>> -> memref<10240x128xf32, #tpu.memory_space<vmem_shared>>
      tpu.enqueue_indirect_dma source(%arg10 : memref<128x128xf32, #tpu.memory_space<vmem>>) target(%dma_start3A_243 : memref<10240x128xf32, #tpu.memory_space<vmem_shared>>) offsets(%dma_start3A_240 : memref<128xi32, #tpu.memory_space<vmem>>) semaphore(%arg15 : memref<!tpu.dma_semaphore, #tpu.memory_space<semaphore_mem>>) {add = true}
      %dma_wait3A_244 = arith.constant 6 : i32
      %dma_wait3A_245 = arith.constant 0 : i32
      %dma_wait3A_246 = tpu.memref_slice %arg8[%dma_wait3A_244, %dma_wait3A_245] : memref<8x128xi32, #tpu.memory_space<vmem>> -> memref<1x128xi32, #tpu.memory_space<vmem>>
      %dma_wait3A_247 = tpu.memref_squeeze %dma_wait3A_246 : memref<1x128xi32, #tpu.memory_space<vmem>> -> memref<128xi32, #tpu.memory_space<vmem>>
      %dma_wait3A_248 = arith.constant 0 : i32
      %dma_wait3A_249 = arith.constant 0 : i32
      %dma_wait3A_250 = tpu.memref_slice %arg11[%dma_wait3A_248, %dma_wait3A_249] : memref<10240x128xf32, #tpu.memory_space<vmem_shared>> -> memref<10240x128xf32, #tpu.memory_space<vmem_shared>>
      tpu.wait_indirect_dma semaphore(%arg14 : memref<!tpu.dma_semaphore, #tpu.memory_space<semaphore_mem>>) src(%arg9 : memref<128x128xf32, #tpu.memory_space<vmem>>) dst(%dma_wait3A_250 : memref<10240x128xf32, #tpu.memory_space<vmem_shared>>)
      %dma_wait3A_251 = arith.constant 7 : i32
      %dma_wait3A_252 = arith.constant 0 : i32
      %dma_wait3A_253 = tpu.memref_slice %arg8[%dma_wait3A_251, %dma_wait3A_252] : memref<8x128xi32, #tpu.memory_space<vmem>> -> memref<1x128xi32, #tpu.memory_space<vmem>>
      %dma_wait3A_254 = tpu.memref_squeeze %dma_wait3A_253 : memref<1x128xi32, #tpu.memory_space<vmem>> -> memref<128xi32, #tpu.memory_space<vmem>>
      %dma_wait3A_255 = arith.constant 0 : i32
      %dma_wait3A_256 = arith.constant 0 : i32
      %dma_wait3A_257 = tpu.memref_slice %arg11[%dma_wait3A_255, %dma_wait3A_256] : memref<10240x128xf32, #tpu.memory_space<vmem_shared>> -> memref<10240x128xf32, #tpu.memory_space<vmem_shared>>
      tpu.wait_indirect_dma semaphore(%arg15 : memref<!tpu.dma_semaphore, #tpu.memory_space<semaphore_mem>>) src(%arg10 : memref<128x128xf32, #tpu.memory_space<vmem>>) dst(%dma_wait3A_257 : memref<10240x128xf32, #tpu.memory_space<vmem_shared>>)
    }
    %scan3A_25 = arith.constant 10 : i32
    %barrier3A_26 = arith.constant 0 : index
    tpu.barrier barrier_id(%barrier3A_26)
    %mul3A_27 = arith.constant 640 : i32
    %mul3A_28 = arith.muli %arg1, %mul3A_27 : i32
    %mul3A_29 = arith.constant 640 : i32
    %mul3A_30 = arith.muli %arg1, %mul3A_29 : i32
    "tpu.region"() ({
      %run_scoped3A = tpu.sem_alloc : memref<!tpu.dma_semaphore, #tpu.memory_space<semaphore_mem>>
      %dma_start3A = arith.constant 0 : i32
      %dma_start3A_31 = tpu.memref_slice %arg6[%arg0, %mul3A_30, %dma_start3A] : memref<2x10240x128xf32, #tpu.memory_space<hbm>> -> memref<1x640x128xf32, #tpu.memory_space<hbm>>
      %dma_start3A_32 = tpu.memref_squeeze %dma_start3A_31 : memref<1x640x128xf32, #tpu.memory_space<hbm>> -> memref<640x128xf32, #tpu.memory_space<hbm>>
      %dma_start3A_33 = arith.constant 0 : i32
      %dma_start3A_34 = tpu.memref_slice %arg11[%mul3A_28, %dma_start3A_33] : memref<10240x128xf32, #tpu.memory_space<vmem_shared>> -> memref<640x128xf32, #tpu.memory_space<vmem_shared>>
      tpu.enqueue_dma source(%dma_start3A_34 : memref<640x128xf32, #tpu.memory_space<vmem_shared>>) target(%dma_start3A_32 : memref<640x128xf32, #tpu.memory_space<hbm>>) target_semaphore(%run_scoped3A : memref<!tpu.dma_semaphore, #tpu.memory_space<semaphore_mem>>)
      %dma_wait3A = arith.constant 0 : i32
      %dma_wait3A_35 = tpu.memref_slice %arg6[%arg0, %mul3A_30, %dma_wait3A] : memref<2x10240x128xf32, #tpu.memory_space<hbm>> -> memref<1x640x128xf32, #tpu.memory_space<hbm>>
      %dma_wait3A_36 = tpu.memref_squeeze %dma_wait3A_35 : memref<1x640x128xf32, #tpu.memory_space<hbm>> -> memref<640x128xf32, #tpu.memory_space<hbm>>
      %dma_wait3A_37 = arith.constant 0 : i32
      %dma_wait3A_38 = tpu.memref_slice %arg11[%mul3A_28, %dma_wait3A_37] : memref<10240x128xf32, #tpu.memory_space<vmem_shared>> -> memref<640x128xf32, #tpu.memory_space<vmem_shared>>
      tpu.wait_dma2 semaphore(%run_scoped3A : memref<!tpu.dma_semaphore, #tpu.memory_space<semaphore_mem>>) src(%dma_wait3A_38 : memref<640x128xf32, #tpu.memory_space<vmem_shared>>) dst(%dma_wait3A_36 : memref<640x128xf32, #tpu.memory_space<hbm>>)
      tpu.yield
    }) : () -> ()
    return
  }
}

#map = affine_map<(d0, d1) -> (0, 0)>
#map1 = affine_map<(d0, d1) -> (0, 0, 0)>
module attributes {stable_mosaic.version = 14 : i64} {
  func.func @_agg_body(%arg0: i32, %arg1: i32, %arg2: memref<10240x128xf32, #tpu.memory_space<hbm>>, %arg3: memref<32x80x128xi32, #tpu.memory_space<hbm>>, %arg4: memref<32x80x128xi32, #tpu.memory_space<hbm>>, %arg5: memref<128x128xf32, #tpu.memory_space<hbm>>, %arg6: memref<2x10240x128xf32, #tpu.memory_space<hbm>>, %arg7: memref<8x128xi32, #tpu.memory_space<vmem>>, %arg8: memref<8x128xi32, #tpu.memory_space<vmem>>, %arg9: memref<128x128xf32, #tpu.memory_space<vmem>>, %arg10: memref<128x128xf32, #tpu.memory_space<vmem>>, %arg11: memref<10240x128xf32, #tpu.memory_space<vmem_shared>>, %arg12: memref<!tpu.dma_semaphore, #tpu.memory_space<semaphore_mem>>, %arg13: memref<!tpu.dma_semaphore, #tpu.memory_space<semaphore_mem>>, %arg14: memref<!tpu.dma_semaphore, #tpu.memory_space<semaphore_mem>>, %arg15: memref<!tpu.dma_semaphore, #tpu.memory_space<semaphore_mem>>) attributes {dimension_semantics = [#tpu.dimension_semantics<core_parallel>, #tpu.dimension_semantics<subcore_parallel>], iteration_bounds = array<i64: 2, 16>, scalar_prefetch = 0 : i64, scratch_operands = 9 : i64, tpu.core_type = #tpu.core_type<sc_vector_subcore>, window_params = [{transform_indices = #map}, {transform_indices = #map1}, {transform_indices = #map1}, {transform_indices = #map}, {transform_indices = #map1}]} {
    %mul3A = arith.constant 2 : i32
    %mul3A_0 = arith.muli %arg1, %mul3A : i32
    %add3A = arith.addi %mul3A_0, %arg0 : i32
    "tpu.region"() ({
      %run_scoped3A = tpu.sem_alloc : memref<!tpu.dma_semaphore, #tpu.memory_space<semaphore_mem>>
      tpu.enqueue_dma source(%arg5 : memref<128x128xf32, #tpu.memory_space<hbm>>) target(%arg9 : memref<128x128xf32, #tpu.memory_space<vmem>>) target_semaphore(%run_scoped3A : memref<!tpu.dma_semaphore, #tpu.memory_space<semaphore_mem>>)
      tpu.wait_dma2 semaphore(%run_scoped3A : memref<!tpu.dma_semaphore, #tpu.memory_space<semaphore_mem>>) src(%arg5 : memref<128x128xf32, #tpu.memory_space<hbm>>) dst(%arg9 : memref<128x128xf32, #tpu.memory_space<vmem>>)
      tpu.yield
    }) : () -> ()
    %mul3A_1 = arith.constant 640 : i32
    %mul3A_2 = arith.muli %arg1, %mul3A_1 : i32
    %add3A_3 = arith.constant 0 : i32
    %add3A_4 = arith.addi %mul3A_2, %add3A_3 : i32
    "tpu.region"() ({
      %run_scoped3A = tpu.sem_alloc : memref<!tpu.dma_semaphore, #tpu.memory_space<semaphore_mem>>
      %dma_start3A = arith.constant 0 : i32
      %dma_start3A_31 = tpu.memref_slice %arg11[%add3A_4, %dma_start3A] : memref<10240x128xf32, #tpu.memory_space<vmem_shared>> -> memref<128x128xf32, #tpu.memory_space<vmem_shared>>
      %dma_start3A_32 = arith.constant 0 : i32
      %dma_start3A_33 = tpu.memref_slice %arg11[%add3A_4, %dma_start3A_32] : memref<10240x128xf32, #tpu.memory_space<vmem_shared>> -> memref<128x128xf32, #tpu.memory_space<vmem_shared>>
      tpu.enqueue_dma source(%arg9 : memref<128x128xf32, #tpu.memory_space<vmem>>) target(%dma_start3A_33 : memref<128x128xf32, #tpu.memory_space<vmem_shared>>) target_semaphore(%run_scoped3A : memref<!tpu.dma_semaphore, #tpu.memory_space<semaphore_mem>>)
      %dma_wait3A = arith.constant 0 : i32
      %dma_wait3A_34 = tpu.memref_slice %arg11[%add3A_4, %dma_wait3A] : memref<10240x128xf32, #tpu.memory_space<vmem_shared>> -> memref<128x128xf32, #tpu.memory_space<vmem_shared>>
      %dma_wait3A_35 = arith.constant 0 : i32
      %dma_wait3A_36 = tpu.memref_slice %arg11[%add3A_4, %dma_wait3A_35] : memref<10240x128xf32, #tpu.memory_space<vmem_shared>> -> memref<128x128xf32, #tpu.memory_space<vmem_shared>>
      tpu.wait_dma2 semaphore(%run_scoped3A : memref<!tpu.dma_semaphore, #tpu.memory_space<semaphore_mem>>) src(%arg9 : memref<128x128xf32, #tpu.memory_space<vmem>>) dst(%dma_wait3A_36 : memref<128x128xf32, #tpu.memory_space<vmem_shared>>)
      tpu.yield
    }) : () -> ()
    %mul3A_5 = arith.constant 640 : i32
    %mul3A_6 = arith.muli %arg1, %mul3A_5 : i32
    %add3A_7 = arith.constant 128 : i32
    %add3A_8 = arith.addi %mul3A_6, %add3A_7 : i32
    "tpu.region"() ({
      %run_scoped3A = tpu.sem_alloc : memref<!tpu.dma_semaphore, #tpu.memory_space<semaphore_mem>>
      %dma_start3A = arith.constant 0 : i32
      %dma_start3A_31 = tpu.memref_slice %arg11[%add3A_8, %dma_start3A] : memref<10240x128xf32, #tpu.memory_space<vmem_shared>> -> memref<128x128xf32, #tpu.memory_space<vmem_shared>>
      %dma_start3A_32 = arith.constant 0 : i32
      %dma_start3A_33 = tpu.memref_slice %arg11[%add3A_8, %dma_start3A_32] : memref<10240x128xf32, #tpu.memory_space<vmem_shared>> -> memref<128x128xf32, #tpu.memory_space<vmem_shared>>
      tpu.enqueue_dma source(%arg9 : memref<128x128xf32, #tpu.memory_space<vmem>>) target(%dma_start3A_33 : memref<128x128xf32, #tpu.memory_space<vmem_shared>>) target_semaphore(%run_scoped3A : memref<!tpu.dma_semaphore, #tpu.memory_space<semaphore_mem>>)
      %dma_wait3A = arith.constant 0 : i32
      %dma_wait3A_34 = tpu.memref_slice %arg11[%add3A_8, %dma_wait3A] : memref<10240x128xf32, #tpu.memory_space<vmem_shared>> -> memref<128x128xf32, #tpu.memory_space<vmem_shared>>
      %dma_wait3A_35 = arith.constant 0 : i32
      %dma_wait3A_36 = tpu.memref_slice %arg11[%add3A_8, %dma_wait3A_35] : memref<10240x128xf32, #tpu.memory_space<vmem_shared>> -> memref<128x128xf32, #tpu.memory_space<vmem_shared>>
      tpu.wait_dma2 semaphore(%run_scoped3A : memref<!tpu.dma_semaphore, #tpu.memory_space<semaphore_mem>>) src(%arg9 : memref<128x128xf32, #tpu.memory_space<vmem>>) dst(%dma_wait3A_36 : memref<128x128xf32, #tpu.memory_space<vmem_shared>>)
      tpu.yield
    }) : () -> ()
    %mul3A_9 = arith.constant 640 : i32
    %mul3A_10 = arith.muli %arg1, %mul3A_9 : i32
    %add3A_11 = arith.constant 256 : i32
    %add3A_12 = arith.addi %mul3A_10, %add3A_11 : i32
    "tpu.region"() ({
      %run_scoped3A = tpu.sem_alloc : memref<!tpu.dma_semaphore, #tpu.memory_space<semaphore_mem>>
      %dma_start3A = arith.constant 0 : i32
      %dma_start3A_31 = tpu.memref_slice %arg11[%add3A_12, %dma_start3A] : memref<10240x128xf32, #tpu.memory_space<vmem_shared>> -> memref<128x128xf32, #tpu.memory_space<vmem_shared>>
      %dma_start3A_32 = arith.constant 0 : i32
      %dma_start3A_33 = tpu.memref_slice %arg11[%add3A_12, %dma_start3A_32] : memref<10240x128xf32, #tpu.memory_space<vmem_shared>> -> memref<128x128xf32, #tpu.memory_space<vmem_shared>>
      tpu.enqueue_dma source(%arg9 : memref<128x128xf32, #tpu.memory_space<vmem>>) target(%dma_start3A_33 : memref<128x128xf32, #tpu.memory_space<vmem_shared>>) target_semaphore(%run_scoped3A : memref<!tpu.dma_semaphore, #tpu.memory_space<semaphore_mem>>)
      %dma_wait3A = arith.constant 0 : i32
      %dma_wait3A_34 = tpu.memref_slice %arg11[%add3A_12, %dma_wait3A] : memref<10240x128xf32, #tpu.memory_space<vmem_shared>> -> memref<128x128xf32, #tpu.memory_space<vmem_shared>>
      %dma_wait3A_35 = arith.constant 0 : i32
      %dma_wait3A_36 = tpu.memref_slice %arg11[%add3A_12, %dma_wait3A_35] : memref<10240x128xf32, #tpu.memory_space<vmem_shared>> -> memref<128x128xf32, #tpu.memory_space<vmem_shared>>
      tpu.wait_dma2 semaphore(%run_scoped3A : memref<!tpu.dma_semaphore, #tpu.memory_space<semaphore_mem>>) src(%arg9 : memref<128x128xf32, #tpu.memory_space<vmem>>) dst(%dma_wait3A_36 : memref<128x128xf32, #tpu.memory_space<vmem_shared>>)
      tpu.yield
    }) : () -> ()
    %mul3A_13 = arith.constant 640 : i32
    %mul3A_14 = arith.muli %arg1, %mul3A_13 : i32
    %add3A_15 = arith.constant 384 : i32
    %add3A_16 = arith.addi %mul3A_14, %add3A_15 : i32
    "tpu.region"() ({
      %run_scoped3A = tpu.sem_alloc : memref<!tpu.dma_semaphore, #tpu.memory_space<semaphore_mem>>
      %dma_start3A = arith.constant 0 : i32
      %dma_start3A_31 = tpu.memref_slice %arg11[%add3A_16, %dma_start3A] : memref<10240x128xf32, #tpu.memory_space<vmem_shared>> -> memref<128x128xf32, #tpu.memory_space<vmem_shared>>
      %dma_start3A_32 = arith.constant 0 : i32
      %dma_start3A_33 = tpu.memref_slice %arg11[%add3A_16, %dma_start3A_32] : memref<10240x128xf32, #tpu.memory_space<vmem_shared>> -> memref<128x128xf32, #tpu.memory_space<vmem_shared>>
      tpu.enqueue_dma source(%arg9 : memref<128x128xf32, #tpu.memory_space<vmem>>) target(%dma_start3A_33 : memref<128x128xf32, #tpu.memory_space<vmem_shared>>) target_semaphore(%run_scoped3A : memref<!tpu.dma_semaphore, #tpu.memory_space<semaphore_mem>>)
      %dma_wait3A = arith.constant 0 : i32
      %dma_wait3A_34 = tpu.memref_slice %arg11[%add3A_16, %dma_wait3A] : memref<10240x128xf32, #tpu.memory_space<vmem_shared>> -> memref<128x128xf32, #tpu.memory_space<vmem_shared>>
      %dma_wait3A_35 = arith.constant 0 : i32
      %dma_wait3A_36 = tpu.memref_slice %arg11[%add3A_16, %dma_wait3A_35] : memref<10240x128xf32, #tpu.memory_space<vmem_shared>> -> memref<128x128xf32, #tpu.memory_space<vmem_shared>>
      tpu.wait_dma2 semaphore(%run_scoped3A : memref<!tpu.dma_semaphore, #tpu.memory_space<semaphore_mem>>) src(%arg9 : memref<128x128xf32, #tpu.memory_space<vmem>>) dst(%dma_wait3A_36 : memref<128x128xf32, #tpu.memory_space<vmem_shared>>)
      tpu.yield
    }) : () -> ()
    %mul3A_17 = arith.constant 640 : i32
    %mul3A_18 = arith.muli %arg1, %mul3A_17 : i32
    %add3A_19 = arith.constant 512 : i32
    %add3A_20 = arith.addi %mul3A_18, %add3A_19 : i32
    "tpu.region"() ({
      %run_scoped3A = tpu.sem_alloc : memref<!tpu.dma_semaphore, #tpu.memory_space<semaphore_mem>>
      %dma_start3A = arith.constant 0 : i32
      %dma_start3A_31 = tpu.memref_slice %arg11[%add3A_20, %dma_start3A] : memref<10240x128xf32, #tpu.memory_space<vmem_shared>> -> memref<128x128xf32, #tpu.memory_space<vmem_shared>>
      %dma_start3A_32 = arith.constant 0 : i32
      %dma_start3A_33 = tpu.memref_slice %arg11[%add3A_20, %dma_start3A_32] : memref<10240x128xf32, #tpu.memory_space<vmem_shared>> -> memref<128x128xf32, #tpu.memory_space<vmem_shared>>
      tpu.enqueue_dma source(%arg9 : memref<128x128xf32, #tpu.memory_space<vmem>>) target(%dma_start3A_33 : memref<128x128xf32, #tpu.memory_space<vmem_shared>>) target_semaphore(%run_scoped3A : memref<!tpu.dma_semaphore, #tpu.memory_space<semaphore_mem>>)
      %dma_wait3A = arith.constant 0 : i32
      %dma_wait3A_34 = tpu.memref_slice %arg11[%add3A_20, %dma_wait3A] : memref<10240x128xf32, #tpu.memory_space<vmem_shared>> -> memref<128x128xf32, #tpu.memory_space<vmem_shared>>
      %dma_wait3A_35 = arith.constant 0 : i32
      %dma_wait3A_36 = tpu.memref_slice %arg11[%add3A_20, %dma_wait3A_35] : memref<10240x128xf32, #tpu.memory_space<vmem_shared>> -> memref<128x128xf32, #tpu.memory_space<vmem_shared>>
      tpu.wait_dma2 semaphore(%run_scoped3A : memref<!tpu.dma_semaphore, #tpu.memory_space<semaphore_mem>>) src(%arg9 : memref<128x128xf32, #tpu.memory_space<vmem>>) dst(%dma_wait3A_36 : memref<128x128xf32, #tpu.memory_space<vmem_shared>>)
      tpu.yield
    }) : () -> ()
    %barrier3A = arith.constant 0 : index
    tpu.barrier barrier_id(%barrier3A)
    %scan3A = arith.constant 0 : i32
    %scan3A_21 = arith.constant 0 : i32
    %scan3A_22 = arith.constant 10 : i32
    %scan3A_23 = arith.addi %scan3A_21, %scan3A_22 : i32
    %scan3A_24 = arith.constant 1 : i32
    scf.for %scan3A_31 = %scan3A_21 to %scan3A_23 step %scan3A_24  : i32 {
      %mul3A_32 = arith.constant 8 : i32
      %mul3A_33 = arith.muli %scan3A_31, %mul3A_32 : i32
      "tpu.region"() ({
        %run_scoped3A = tpu.sem_alloc : memref<!tpu.dma_semaphore, #tpu.memory_space<semaphore_mem>>
        %dma_start3A_258 = arith.constant 0 : i32
        %dma_start3A_259 = tpu.memref_slice %arg3[%add3A, %mul3A_33, %dma_start3A_258] : memref<32x80x128xi32, #tpu.memory_space<hbm>> -> memref<1x8x128xi32, #tpu.memory_space<hbm>>
        %dma_start3A_260 = tpu.memref_squeeze %dma_start3A_259 : memref<1x8x128xi32, #tpu.memory_space<hbm>> -> memref<8x128xi32, #tpu.memory_space<hbm>>
        %dma_start3A_261 = arith.constant 0 : i32
        %dma_start3A_262 = tpu.memref_slice %arg3[%add3A, %mul3A_33, %dma_start3A_261] : memref<32x80x128xi32, #tpu.memory_space<hbm>> -> memref<1x8x128xi32, #tpu.memory_space<hbm>>
        %dma_start3A_263 = tpu.memref_squeeze %dma_start3A_262 : memref<1x8x128xi32, #tpu.memory_space<hbm>> -> memref<8x128xi32, #tpu.memory_space<hbm>>
        tpu.enqueue_dma source(%dma_start3A_263 : memref<8x128xi32, #tpu.memory_space<hbm>>) target(%arg7 : memref<8x128xi32, #tpu.memory_space<vmem>>) target_semaphore(%run_scoped3A : memref<!tpu.dma_semaphore, #tpu.memory_space<semaphore_mem>>)
        %dma_wait3A_264 = arith.constant 0 : i32
        %dma_wait3A_265 = tpu.memref_slice %arg3[%add3A, %mul3A_33, %dma_wait3A_264] : memref<32x80x128xi32, #tpu.memory_space<hbm>> -> memref<1x8x128xi32, #tpu.memory_space<hbm>>
        %dma_wait3A_266 = tpu.memref_squeeze %dma_wait3A_265 : memref<1x8x128xi32, #tpu.memory_space<hbm>> -> memref<8x128xi32, #tpu.memory_space<hbm>>
        %dma_wait3A_267 = arith.constant 0 : i32
        %dma_wait3A_268 = tpu.memref_slice %arg3[%add3A, %mul3A_33, %dma_wait3A_267] : memref<32x80x128xi32, #tpu.memory_space<hbm>> -> memref<1x8x128xi32, #tpu.memory_space<hbm>>
        %dma_wait3A_269 = tpu.memref_squeeze %dma_wait3A_268 : memref<1x8x128xi32, #tpu.memory_space<hbm>> -> memref<8x128xi32, #tpu.memory_space<hbm>>
        tpu.wait_dma2 semaphore(%run_scoped3A : memref<!tpu.dma_semaphore, #tpu.memory_space<semaphore_mem>>) src(%dma_wait3A_269 : memref<8x128xi32, #tpu.memory_space<hbm>>) dst(%arg7 : memref<8x128xi32, #tpu.memory_space<vmem>>)
        tpu.yield
      }) : () -> ()
      %mul3A_34 = arith.constant 8 : i32
      %mul3A_35 = arith.muli %scan3A_31, %mul3A_34 : i32
      "tpu.region"() ({
        %run_scoped3A = tpu.sem_alloc : memref<!tpu.dma_semaphore, #tpu.memory_space<semaphore_mem>>
        %dma_start3A_258 = arith.constant 0 : i32
        %dma_start3A_259 = tpu.memref_slice %arg4[%add3A, %mul3A_35, %dma_start3A_258] : memref<32x80x128xi32, #tpu.memory_space<hbm>> -> memref<1x8x128xi32, #tpu.memory_space<hbm>>
        %dma_start3A_260 = tpu.memref_squeeze %dma_start3A_259 : memref<1x8x128xi32, #tpu.memory_space<hbm>> -> memref<8x128xi32, #tpu.memory_space<hbm>>
        %dma_start3A_261 = arith.constant 0 : i32
        %dma_start3A_262 = tpu.memref_slice %arg4[%add3A, %mul3A_35, %dma_start3A_261] : memref<32x80x128xi32, #tpu.memory_space<hbm>> -> memref<1x8x128xi32, #tpu.memory_space<hbm>>
        %dma_start3A_263 = tpu.memref_squeeze %dma_start3A_262 : memref<1x8x128xi32, #tpu.memory_space<hbm>> -> memref<8x128xi32, #tpu.memory_space<hbm>>
        tpu.enqueue_dma source(%dma_start3A_263 : memref<8x128xi32, #tpu.memory_space<hbm>>) target(%arg8 : memref<8x128xi32, #tpu.memory_space<vmem>>) target_semaphore(%run_scoped3A : memref<!tpu.dma_semaphore, #tpu.memory_space<semaphore_mem>>)
        %dma_wait3A_264 = arith.constant 0 : i32
        %dma_wait3A_265 = tpu.memref_slice %arg4[%add3A, %mul3A_35, %dma_wait3A_264] : memref<32x80x128xi32, #tpu.memory_space<hbm>> -> memref<1x8x128xi32, #tpu.memory_space<hbm>>
        %dma_wait3A_266 = tpu.memref_squeeze %dma_wait3A_265 : memref<1x8x128xi32, #tpu.memory_space<hbm>> -> memref<8x128xi32, #tpu.memory_space<hbm>>
        %dma_wait3A_267 = arith.constant 0 : i32
        %dma_wait3A_268 = tpu.memref_slice %arg4[%add3A, %mul3A_35, %dma_wait3A_267] : memref<32x80x128xi32, #tpu.memory_space<hbm>> -> memref<1x8x128xi32, #tpu.memory_space<hbm>>
        %dma_wait3A_269 = tpu.memref_squeeze %dma_wait3A_268 : memref<1x8x128xi32, #tpu.memory_space<hbm>> -> memref<8x128xi32, #tpu.memory_space<hbm>>
        tpu.wait_dma2 semaphore(%run_scoped3A : memref<!tpu.dma_semaphore, #tpu.memory_space<semaphore_mem>>) src(%dma_wait3A_269 : memref<8x128xi32, #tpu.memory_space<hbm>>) dst(%arg8 : memref<8x128xi32, #tpu.memory_space<vmem>>)
        tpu.yield
      }) : () -> ()
      %dma_start3A = arith.constant 0 : i32
      %dma_start3A_36 = arith.constant 0 : i32
      %dma_start3A_37 = tpu.memref_slice %arg7[%dma_start3A, %dma_start3A_36] : memref<8x128xi32, #tpu.memory_space<vmem>> -> memref<1x128xi32, #tpu.memory_space<vmem>>
      %dma_start3A_38 = tpu.memref_squeeze %dma_start3A_37 : memref<1x128xi32, #tpu.memory_space<vmem>> -> memref<128xi32, #tpu.memory_space<vmem>>
      %dma_start3A_39 = arith.constant 0 : i32
      %dma_start3A_40 = arith.constant 0 : i32
      %dma_start3A_41 = tpu.memref_slice %arg2[%dma_start3A_39, %dma_start3A_40] : memref<10240x128xf32, #tpu.memory_space<hbm>> -> memref<10240x128xf32, #tpu.memory_space<hbm>>
      tpu.enqueue_indirect_dma source(%dma_start3A_41 : memref<10240x128xf32, #tpu.memory_space<hbm>>) target(%arg9 : memref<128x128xf32, #tpu.memory_space<vmem>>) offsets(%dma_start3A_38 : memref<128xi32, #tpu.memory_space<vmem>>) semaphore(%arg12 : memref<!tpu.dma_semaphore, #tpu.memory_space<semaphore_mem>>)
      %dma_wait3A = arith.constant 0 : i32
      %dma_wait3A_42 = arith.constant 0 : i32
      %dma_wait3A_43 = tpu.memref_slice %arg7[%dma_wait3A, %dma_wait3A_42] : memref<8x128xi32, #tpu.memory_space<vmem>> -> memref<1x128xi32, #tpu.memory_space<vmem>>
      %dma_wait3A_44 = tpu.memref_squeeze %dma_wait3A_43 : memref<1x128xi32, #tpu.memory_space<vmem>> -> memref<128xi32, #tpu.memory_space<vmem>>
      %dma_wait3A_45 = arith.constant 0 : i32
      %dma_wait3A_46 = arith.constant 0 : i32
      %dma_wait3A_47 = tpu.memref_slice %arg2[%dma_wait3A_45, %dma_wait3A_46] : memref<10240x128xf32, #tpu.memory_space<hbm>> -> memref<10240x128xf32, #tpu.memory_space<hbm>>
      tpu.wait_indirect_dma semaphore(%arg12 : memref<!tpu.dma_semaphore, #tpu.memory_space<semaphore_mem>>) src(%dma_wait3A_47 : memref<10240x128xf32, #tpu.memory_space<hbm>>) dst(%arg9 : memref<128x128xf32, #tpu.memory_space<vmem>>)
      %dma_start3A_48 = arith.constant 0 : i32
      %dma_start3A_49 = arith.constant 0 : i32
      %dma_start3A_50 = tpu.memref_slice %arg8[%dma_start3A_48, %dma_start3A_49] : memref<8x128xi32, #tpu.memory_space<vmem>> -> memref<1x128xi32, #tpu.memory_space<vmem>>
      %dma_start3A_51 = tpu.memref_squeeze %dma_start3A_50 : memref<1x128xi32, #tpu.memory_space<vmem>> -> memref<128xi32, #tpu.memory_space<vmem>>
      %dma_start3A_52 = arith.constant 0 : i32
      %dma_start3A_53 = arith.constant 0 : i32
      %dma_start3A_54 = tpu.memref_slice %arg11[%dma_start3A_52, %dma_start3A_53] : memref<10240x128xf32, #tpu.memory_space<vmem_shared>> -> memref<10240x128xf32, #tpu.memory_space<vmem_shared>>
      tpu.enqueue_indirect_dma source(%arg9 : memref<128x128xf32, #tpu.memory_space<vmem>>) target(%dma_start3A_54 : memref<10240x128xf32, #tpu.memory_space<vmem_shared>>) offsets(%dma_start3A_51 : memref<128xi32, #tpu.memory_space<vmem>>) semaphore(%arg14 : memref<!tpu.dma_semaphore, #tpu.memory_space<semaphore_mem>>) {add = true}
      %dma_start3A_55 = arith.constant 1 : i32
      %dma_start3A_56 = arith.constant 0 : i32
      %dma_start3A_57 = tpu.memref_slice %arg7[%dma_start3A_55, %dma_start3A_56] : memref<8x128xi32, #tpu.memory_space<vmem>> -> memref<1x128xi32, #tpu.memory_space<vmem>>
      %dma_start3A_58 = tpu.memref_squeeze %dma_start3A_57 : memref<1x128xi32, #tpu.memory_space<vmem>> -> memref<128xi32, #tpu.memory_space<vmem>>
      %dma_start3A_59 = arith.constant 0 : i32
      %dma_start3A_60 = arith.constant 0 : i32
      %dma_start3A_61 = tpu.memref_slice %arg2[%dma_start3A_59, %dma_start3A_60] : memref<10240x128xf32, #tpu.memory_space<hbm>> -> memref<10240x128xf32, #tpu.memory_space<hbm>>
      tpu.enqueue_indirect_dma source(%dma_start3A_61 : memref<10240x128xf32, #tpu.memory_space<hbm>>) target(%arg10 : memref<128x128xf32, #tpu.memory_space<vmem>>) offsets(%dma_start3A_58 : memref<128xi32, #tpu.memory_space<vmem>>) semaphore(%arg13 : memref<!tpu.dma_semaphore, #tpu.memory_space<semaphore_mem>>)
      %dma_wait3A_62 = arith.constant 1 : i32
      %dma_wait3A_63 = arith.constant 0 : i32
      %dma_wait3A_64 = tpu.memref_slice %arg7[%dma_wait3A_62, %dma_wait3A_63] : memref<8x128xi32, #tpu.memory_space<vmem>> -> memref<1x128xi32, #tpu.memory_space<vmem>>
      %dma_wait3A_65 = tpu.memref_squeeze %dma_wait3A_64 : memref<1x128xi32, #tpu.memory_space<vmem>> -> memref<128xi32, #tpu.memory_space<vmem>>
      %dma_wait3A_66 = arith.constant 0 : i32
      %dma_wait3A_67 = arith.constant 0 : i32
      %dma_wait3A_68 = tpu.memref_slice %arg2[%dma_wait3A_66, %dma_wait3A_67] : memref<10240x128xf32, #tpu.memory_space<hbm>> -> memref<10240x128xf32, #tpu.memory_space<hbm>>
      tpu.wait_indirect_dma semaphore(%arg13 : memref<!tpu.dma_semaphore, #tpu.memory_space<semaphore_mem>>) src(%dma_wait3A_68 : memref<10240x128xf32, #tpu.memory_space<hbm>>) dst(%arg10 : memref<128x128xf32, #tpu.memory_space<vmem>>)
      %dma_start3A_69 = arith.constant 1 : i32
      %dma_start3A_70 = arith.constant 0 : i32
      %dma_start3A_71 = tpu.memref_slice %arg8[%dma_start3A_69, %dma_start3A_70] : memref<8x128xi32, #tpu.memory_space<vmem>> -> memref<1x128xi32, #tpu.memory_space<vmem>>
      %dma_start3A_72 = tpu.memref_squeeze %dma_start3A_71 : memref<1x128xi32, #tpu.memory_space<vmem>> -> memref<128xi32, #tpu.memory_space<vmem>>
      %dma_start3A_73 = arith.constant 0 : i32
      %dma_start3A_74 = arith.constant 0 : i32
      %dma_start3A_75 = tpu.memref_slice %arg11[%dma_start3A_73, %dma_start3A_74] : memref<10240x128xf32, #tpu.memory_space<vmem_shared>> -> memref<10240x128xf32, #tpu.memory_space<vmem_shared>>
      tpu.enqueue_indirect_dma source(%arg10 : memref<128x128xf32, #tpu.memory_space<vmem>>) target(%dma_start3A_75 : memref<10240x128xf32, #tpu.memory_space<vmem_shared>>) offsets(%dma_start3A_72 : memref<128xi32, #tpu.memory_space<vmem>>) semaphore(%arg15 : memref<!tpu.dma_semaphore, #tpu.memory_space<semaphore_mem>>) {add = true}
      %dma_wait3A_76 = arith.constant 0 : i32
      %dma_wait3A_77 = arith.constant 0 : i32
      %dma_wait3A_78 = tpu.memref_slice %arg8[%dma_wait3A_76, %dma_wait3A_77] : memref<8x128xi32, #tpu.memory_space<vmem>> -> memref<1x128xi32, #tpu.memory_space<vmem>>
      %dma_wait3A_79 = tpu.memref_squeeze %dma_wait3A_78 : memref<1x128xi32, #tpu.memory_space<vmem>> -> memref<128xi32, #tpu.memory_space<vmem>>
      %dma_wait3A_80 = arith.constant 0 : i32
      %dma_wait3A_81 = arith.constant 0 : i32
      %dma_wait3A_82 = tpu.memref_slice %arg11[%dma_wait3A_80, %dma_wait3A_81] : memref<10240x128xf32, #tpu.memory_space<vmem_shared>> -> memref<10240x128xf32, #tpu.memory_space<vmem_shared>>
      tpu.wait_indirect_dma semaphore(%arg14 : memref<!tpu.dma_semaphore, #tpu.memory_space<semaphore_mem>>) src(%arg9 : memref<128x128xf32, #tpu.memory_space<vmem>>) dst(%dma_wait3A_82 : memref<10240x128xf32, #tpu.memory_space<vmem_shared>>)
      %dma_start3A_83 = arith.constant 2 : i32
      %dma_start3A_84 = arith.constant 0 : i32
      %dma_start3A_85 = tpu.memref_slice %arg7[%dma_start3A_83, %dma_start3A_84] : memref<8x128xi32, #tpu.memory_space<vmem>> -> memref<1x128xi32, #tpu.memory_space<vmem>>
      %dma_start3A_86 = tpu.memref_squeeze %dma_start3A_85 : memref<1x128xi32, #tpu.memory_space<vmem>> -> memref<128xi32, #tpu.memory_space<vmem>>
      %dma_start3A_87 = arith.constant 0 : i32
      %dma_start3A_88 = arith.constant 0 : i32
      %dma_start3A_89 = tpu.memref_slice %arg2[%dma_start3A_87, %dma_start3A_88] : memref<10240x128xf32, #tpu.memory_space<hbm>> -> memref<10240x128xf32, #tpu.memory_space<hbm>>
      tpu.enqueue_indirect_dma source(%dma_start3A_89 : memref<10240x128xf32, #tpu.memory_space<hbm>>) target(%arg9 : memref<128x128xf32, #tpu.memory_space<vmem>>) offsets(%dma_start3A_86 : memref<128xi32, #tpu.memory_space<vmem>>) semaphore(%arg12 : memref<!tpu.dma_semaphore, #tpu.memory_space<semaphore_mem>>)
      %dma_wait3A_90 = arith.constant 2 : i32
      %dma_wait3A_91 = arith.constant 0 : i32
      %dma_wait3A_92 = tpu.memref_slice %arg7[%dma_wait3A_90, %dma_wait3A_91] : memref<8x128xi32, #tpu.memory_space<vmem>> -> memref<1x128xi32, #tpu.memory_space<vmem>>
      %dma_wait3A_93 = tpu.memref_squeeze %dma_wait3A_92 : memref<1x128xi32, #tpu.memory_space<vmem>> -> memref<128xi32, #tpu.memory_space<vmem>>
      %dma_wait3A_94 = arith.constant 0 : i32
      %dma_wait3A_95 = arith.constant 0 : i32
      %dma_wait3A_96 = tpu.memref_slice %arg2[%dma_wait3A_94, %dma_wait3A_95] : memref<10240x128xf32, #tpu.memory_space<hbm>> -> memref<10240x128xf32, #tpu.memory_space<hbm>>
      tpu.wait_indirect_dma semaphore(%arg12 : memref<!tpu.dma_semaphore, #tpu.memory_space<semaphore_mem>>) src(%dma_wait3A_96 : memref<10240x128xf32, #tpu.memory_space<hbm>>) dst(%arg9 : memref<128x128xf32, #tpu.memory_space<vmem>>)
      %dma_start3A_97 = arith.constant 2 : i32
      %dma_start3A_98 = arith.constant 0 : i32
      %dma_start3A_99 = tpu.memref_slice %arg8[%dma_start3A_97, %dma_start3A_98] : memref<8x128xi32, #tpu.memory_space<vmem>> -> memref<1x128xi32, #tpu.memory_space<vmem>>
      %dma_start3A_100 = tpu.memref_squeeze %dma_start3A_99 : memref<1x128xi32, #tpu.memory_space<vmem>> -> memref<128xi32, #tpu.memory_space<vmem>>
      %dma_start3A_101 = arith.constant 0 : i32
      %dma_start3A_102 = arith.constant 0 : i32
      %dma_start3A_103 = tpu.memref_slice %arg11[%dma_start3A_101, %dma_start3A_102] : memref<10240x128xf32, #tpu.memory_space<vmem_shared>> -> memref<10240x128xf32, #tpu.memory_space<vmem_shared>>
      tpu.enqueue_indirect_dma source(%arg9 : memref<128x128xf32, #tpu.memory_space<vmem>>) target(%dma_start3A_103 : memref<10240x128xf32, #tpu.memory_space<vmem_shared>>) offsets(%dma_start3A_100 : memref<128xi32, #tpu.memory_space<vmem>>) semaphore(%arg14 : memref<!tpu.dma_semaphore, #tpu.memory_space<semaphore_mem>>) {add = true}
      %dma_wait3A_104 = arith.constant 1 : i32
      %dma_wait3A_105 = arith.constant 0 : i32
      %dma_wait3A_106 = tpu.memref_slice %arg8[%dma_wait3A_104, %dma_wait3A_105] : memref<8x128xi32, #tpu.memory_space<vmem>> -> memref<1x128xi32, #tpu.memory_space<vmem>>
      %dma_wait3A_107 = tpu.memref_squeeze %dma_wait3A_106 : memref<1x128xi32, #tpu.memory_space<vmem>> -> memref<128xi32, #tpu.memory_space<vmem>>
      %dma_wait3A_108 = arith.constant 0 : i32
      %dma_wait3A_109 = arith.constant 0 : i32
      %dma_wait3A_110 = tpu.memref_slice %arg11[%dma_wait3A_108, %dma_wait3A_109] : memref<10240x128xf32, #tpu.memory_space<vmem_shared>> -> memref<10240x128xf32, #tpu.memory_space<vmem_shared>>
      tpu.wait_indirect_dma semaphore(%arg15 : memref<!tpu.dma_semaphore, #tpu.memory_space<semaphore_mem>>) src(%arg10 : memref<128x128xf32, #tpu.memory_space<vmem>>) dst(%dma_wait3A_110 : memref<10240x128xf32, #tpu.memory_space<vmem_shared>>)
      %dma_start3A_111 = arith.constant 3 : i32
      %dma_start3A_112 = arith.constant 0 : i32
      %dma_start3A_113 = tpu.memref_slice %arg7[%dma_start3A_111, %dma_start3A_112] : memref<8x128xi32, #tpu.memory_space<vmem>> -> memref<1x128xi32, #tpu.memory_space<vmem>>
      %dma_start3A_114 = tpu.memref_squeeze %dma_start3A_113 : memref<1x128xi32, #tpu.memory_space<vmem>> -> memref<128xi32, #tpu.memory_space<vmem>>
      %dma_start3A_115 = arith.constant 0 : i32
      %dma_start3A_116 = arith.constant 0 : i32
      %dma_start3A_117 = tpu.memref_slice %arg2[%dma_start3A_115, %dma_start3A_116] : memref<10240x128xf32, #tpu.memory_space<hbm>> -> memref<10240x128xf32, #tpu.memory_space<hbm>>
      tpu.enqueue_indirect_dma source(%dma_start3A_117 : memref<10240x128xf32, #tpu.memory_space<hbm>>) target(%arg10 : memref<128x128xf32, #tpu.memory_space<vmem>>) offsets(%dma_start3A_114 : memref<128xi32, #tpu.memory_space<vmem>>) semaphore(%arg13 : memref<!tpu.dma_semaphore, #tpu.memory_space<semaphore_mem>>)
      %dma_wait3A_118 = arith.constant 3 : i32
      %dma_wait3A_119 = arith.constant 0 : i32
      %dma_wait3A_120 = tpu.memref_slice %arg7[%dma_wait3A_118, %dma_wait3A_119] : memref<8x128xi32, #tpu.memory_space<vmem>> -> memref<1x128xi32, #tpu.memory_space<vmem>>
      %dma_wait3A_121 = tpu.memref_squeeze %dma_wait3A_120 : memref<1x128xi32, #tpu.memory_space<vmem>> -> memref<128xi32, #tpu.memory_space<vmem>>
      %dma_wait3A_122 = arith.constant 0 : i32
      %dma_wait3A_123 = arith.constant 0 : i32
      %dma_wait3A_124 = tpu.memref_slice %arg2[%dma_wait3A_122, %dma_wait3A_123] : memref<10240x128xf32, #tpu.memory_space<hbm>> -> memref<10240x128xf32, #tpu.memory_space<hbm>>
      tpu.wait_indirect_dma semaphore(%arg13 : memref<!tpu.dma_semaphore, #tpu.memory_space<semaphore_mem>>) src(%dma_wait3A_124 : memref<10240x128xf32, #tpu.memory_space<hbm>>) dst(%arg10 : memref<128x128xf32, #tpu.memory_space<vmem>>)
      %dma_start3A_125 = arith.constant 3 : i32
      %dma_start3A_126 = arith.constant 0 : i32
      %dma_start3A_127 = tpu.memref_slice %arg8[%dma_start3A_125, %dma_start3A_126] : memref<8x128xi32, #tpu.memory_space<vmem>> -> memref<1x128xi32, #tpu.memory_space<vmem>>
      %dma_start3A_128 = tpu.memref_squeeze %dma_start3A_127 : memref<1x128xi32, #tpu.memory_space<vmem>> -> memref<128xi32, #tpu.memory_space<vmem>>
      %dma_start3A_129 = arith.constant 0 : i32
      %dma_start3A_130 = arith.constant 0 : i32
      %dma_start3A_131 = tpu.memref_slice %arg11[%dma_start3A_129, %dma_start3A_130] : memref<10240x128xf32, #tpu.memory_space<vmem_shared>> -> memref<10240x128xf32, #tpu.memory_space<vmem_shared>>
      tpu.enqueue_indirect_dma source(%arg10 : memref<128x128xf32, #tpu.memory_space<vmem>>) target(%dma_start3A_131 : memref<10240x128xf32, #tpu.memory_space<vmem_shared>>) offsets(%dma_start3A_128 : memref<128xi32, #tpu.memory_space<vmem>>) semaphore(%arg15 : memref<!tpu.dma_semaphore, #tpu.memory_space<semaphore_mem>>) {add = true}
      %dma_wait3A_132 = arith.constant 2 : i32
      %dma_wait3A_133 = arith.constant 0 : i32
      %dma_wait3A_134 = tpu.memref_slice %arg8[%dma_wait3A_132, %dma_wait3A_133] : memref<8x128xi32, #tpu.memory_space<vmem>> -> memref<1x128xi32, #tpu.memory_space<vmem>>
      %dma_wait3A_135 = tpu.memref_squeeze %dma_wait3A_134 : memref<1x128xi32, #tpu.memory_space<vmem>> -> memref<128xi32, #tpu.memory_space<vmem>>
      %dma_wait3A_136 = arith.constant 0 : i32
      %dma_wait3A_137 = arith.constant 0 : i32
      %dma_wait3A_138 = tpu.memref_slice %arg11[%dma_wait3A_136, %dma_wait3A_137] : memref<10240x128xf32, #tpu.memory_space<vmem_shared>> -> memref<10240x128xf32, #tpu.memory_space<vmem_shared>>
      tpu.wait_indirect_dma semaphore(%arg14 : memref<!tpu.dma_semaphore, #tpu.memory_space<semaphore_mem>>) src(%arg9 : memref<128x128xf32, #tpu.memory_space<vmem>>) dst(%dma_wait3A_138 : memref<10240x128xf32, #tpu.memory_space<vmem_shared>>)
      %dma_start3A_139 = arith.constant 4 : i32
      %dma_start3A_140 = arith.constant 0 : i32
      %dma_start3A_141 = tpu.memref_slice %arg7[%dma_start3A_139, %dma_start3A_140] : memref<8x128xi32, #tpu.memory_space<vmem>> -> memref<1x128xi32, #tpu.memory_space<vmem>>
      %dma_start3A_142 = tpu.memref_squeeze %dma_start3A_141 : memref<1x128xi32, #tpu.memory_space<vmem>> -> memref<128xi32, #tpu.memory_space<vmem>>
      %dma_start3A_143 = arith.constant 0 : i32
      %dma_start3A_144 = arith.constant 0 : i32
      %dma_start3A_145 = tpu.memref_slice %arg2[%dma_start3A_143, %dma_start3A_144] : memref<10240x128xf32, #tpu.memory_space<hbm>> -> memref<10240x128xf32, #tpu.memory_space<hbm>>
      tpu.enqueue_indirect_dma source(%dma_start3A_145 : memref<10240x128xf32, #tpu.memory_space<hbm>>) target(%arg9 : memref<128x128xf32, #tpu.memory_space<vmem>>) offsets(%dma_start3A_142 : memref<128xi32, #tpu.memory_space<vmem>>) semaphore(%arg12 : memref<!tpu.dma_semaphore, #tpu.memory_space<semaphore_mem>>)
      %dma_wait3A_146 = arith.constant 4 : i32
      %dma_wait3A_147 = arith.constant 0 : i32
      %dma_wait3A_148 = tpu.memref_slice %arg7[%dma_wait3A_146, %dma_wait3A_147] : memref<8x128xi32, #tpu.memory_space<vmem>> -> memref<1x128xi32, #tpu.memory_space<vmem>>
      %dma_wait3A_149 = tpu.memref_squeeze %dma_wait3A_148 : memref<1x128xi32, #tpu.memory_space<vmem>> -> memref<128xi32, #tpu.memory_space<vmem>>
      %dma_wait3A_150 = arith.constant 0 : i32
      %dma_wait3A_151 = arith.constant 0 : i32
      %dma_wait3A_152 = tpu.memref_slice %arg2[%dma_wait3A_150, %dma_wait3A_151] : memref<10240x128xf32, #tpu.memory_space<hbm>> -> memref<10240x128xf32, #tpu.memory_space<hbm>>
      tpu.wait_indirect_dma semaphore(%arg12 : memref<!tpu.dma_semaphore, #tpu.memory_space<semaphore_mem>>) src(%dma_wait3A_152 : memref<10240x128xf32, #tpu.memory_space<hbm>>) dst(%arg9 : memref<128x128xf32, #tpu.memory_space<vmem>>)
      %dma_start3A_153 = arith.constant 4 : i32
      %dma_start3A_154 = arith.constant 0 : i32
      %dma_start3A_155 = tpu.memref_slice %arg8[%dma_start3A_153, %dma_start3A_154] : memref<8x128xi32, #tpu.memory_space<vmem>> -> memref<1x128xi32, #tpu.memory_space<vmem>>
      %dma_start3A_156 = tpu.memref_squeeze %dma_start3A_155 : memref<1x128xi32, #tpu.memory_space<vmem>> -> memref<128xi32, #tpu.memory_space<vmem>>
      %dma_start3A_157 = arith.constant 0 : i32
      %dma_start3A_158 = arith.constant 0 : i32
      %dma_start3A_159 = tpu.memref_slice %arg11[%dma_start3A_157, %dma_start3A_158] : memref<10240x128xf32, #tpu.memory_space<vmem_shared>> -> memref<10240x128xf32, #tpu.memory_space<vmem_shared>>
      tpu.enqueue_indirect_dma source(%arg9 : memref<128x128xf32, #tpu.memory_space<vmem>>) target(%dma_start3A_159 : memref<10240x128xf32, #tpu.memory_space<vmem_shared>>) offsets(%dma_start3A_156 : memref<128xi32, #tpu.memory_space<vmem>>) semaphore(%arg14 : memref<!tpu.dma_semaphore, #tpu.memory_space<semaphore_mem>>) {add = true}
      %dma_wait3A_160 = arith.constant 3 : i32
      %dma_wait3A_161 = arith.constant 0 : i32
      %dma_wait3A_162 = tpu.memref_slice %arg8[%dma_wait3A_160, %dma_wait3A_161] : memref<8x128xi32, #tpu.memory_space<vmem>> -> memref<1x128xi32, #tpu.memory_space<vmem>>
      %dma_wait3A_163 = tpu.memref_squeeze %dma_wait3A_162 : memref<1x128xi32, #tpu.memory_space<vmem>> -> memref<128xi32, #tpu.memory_space<vmem>>
      %dma_wait3A_164 = arith.constant 0 : i32
      %dma_wait3A_165 = arith.constant 0 : i32
      %dma_wait3A_166 = tpu.memref_slice %arg11[%dma_wait3A_164, %dma_wait3A_165] : memref<10240x128xf32, #tpu.memory_space<vmem_shared>> -> memref<10240x128xf32, #tpu.memory_space<vmem_shared>>
      tpu.wait_indirect_dma semaphore(%arg15 : memref<!tpu.dma_semaphore, #tpu.memory_space<semaphore_mem>>) src(%arg10 : memref<128x128xf32, #tpu.memory_space<vmem>>) dst(%dma_wait3A_166 : memref<10240x128xf32, #tpu.memory_space<vmem_shared>>)
      %dma_start3A_167 = arith.constant 5 : i32
      %dma_start3A_168 = arith.constant 0 : i32
      %dma_start3A_169 = tpu.memref_slice %arg7[%dma_start3A_167, %dma_start3A_168] : memref<8x128xi32, #tpu.memory_space<vmem>> -> memref<1x128xi32, #tpu.memory_space<vmem>>
      %dma_start3A_170 = tpu.memref_squeeze %dma_start3A_169 : memref<1x128xi32, #tpu.memory_space<vmem>> -> memref<128xi32, #tpu.memory_space<vmem>>
      %dma_start3A_171 = arith.constant 0 : i32
      %dma_start3A_172 = arith.constant 0 : i32
      %dma_start3A_173 = tpu.memref_slice %arg2[%dma_start3A_171, %dma_start3A_172] : memref<10240x128xf32, #tpu.memory_space<hbm>> -> memref<10240x128xf32, #tpu.memory_space<hbm>>
      tpu.enqueue_indirect_dma source(%dma_start3A_173 : memref<10240x128xf32, #tpu.memory_space<hbm>>) target(%arg10 : memref<128x128xf32, #tpu.memory_space<vmem>>) offsets(%dma_start3A_170 : memref<128xi32, #tpu.memory_space<vmem>>) semaphore(%arg13 : memref<!tpu.dma_semaphore, #tpu.memory_space<semaphore_mem>>)
      %dma_wait3A_174 = arith.constant 5 : i32
      %dma_wait3A_175 = arith.constant 0 : i32
      %dma_wait3A_176 = tpu.memref_slice %arg7[%dma_wait3A_174, %dma_wait3A_175] : memref<8x128xi32, #tpu.memory_space<vmem>> -> memref<1x128xi32, #tpu.memory_space<vmem>>
      %dma_wait3A_177 = tpu.memref_squeeze %dma_wait3A_176 : memref<1x128xi32, #tpu.memory_space<vmem>> -> memref<128xi32, #tpu.memory_space<vmem>>
      %dma_wait3A_178 = arith.constant 0 : i32
      %dma_wait3A_179 = arith.constant 0 : i32
      %dma_wait3A_180 = tpu.memref_slice %arg2[%dma_wait3A_178, %dma_wait3A_179] : memref<10240x128xf32, #tpu.memory_space<hbm>> -> memref<10240x128xf32, #tpu.memory_space<hbm>>
      tpu.wait_indirect_dma semaphore(%arg13 : memref<!tpu.dma_semaphore, #tpu.memory_space<semaphore_mem>>) src(%dma_wait3A_180 : memref<10240x128xf32, #tpu.memory_space<hbm>>) dst(%arg10 : memref<128x128xf32, #tpu.memory_space<vmem>>)
      %dma_start3A_181 = arith.constant 5 : i32
      %dma_start3A_182 = arith.constant 0 : i32
      %dma_start3A_183 = tpu.memref_slice %arg8[%dma_start3A_181, %dma_start3A_182] : memref<8x128xi32, #tpu.memory_space<vmem>> -> memref<1x128xi32, #tpu.memory_space<vmem>>
      %dma_start3A_184 = tpu.memref_squeeze %dma_start3A_183 : memref<1x128xi32, #tpu.memory_space<vmem>> -> memref<128xi32, #tpu.memory_space<vmem>>
      %dma_start3A_185 = arith.constant 0 : i32
      %dma_start3A_186 = arith.constant 0 : i32
      %dma_start3A_187 = tpu.memref_slice %arg11[%dma_start3A_185, %dma_start3A_186] : memref<10240x128xf32, #tpu.memory_space<vmem_shared>> -> memref<10240x128xf32, #tpu.memory_space<vmem_shared>>
      tpu.enqueue_indirect_dma source(%arg10 : memref<128x128xf32, #tpu.memory_space<vmem>>) target(%dma_start3A_187 : memref<10240x128xf32, #tpu.memory_space<vmem_shared>>) offsets(%dma_start3A_184 : memref<128xi32, #tpu.memory_space<vmem>>) semaphore(%arg15 : memref<!tpu.dma_semaphore, #tpu.memory_space<semaphore_mem>>) {add = true}
      %dma_wait3A_188 = arith.constant 4 : i32
      %dma_wait3A_189 = arith.constant 0 : i32
      %dma_wait3A_190 = tpu.memref_slice %arg8[%dma_wait3A_188, %dma_wait3A_189] : memref<8x128xi32, #tpu.memory_space<vmem>> -> memref<1x128xi32, #tpu.memory_space<vmem>>
      %dma_wait3A_191 = tpu.memref_squeeze %dma_wait3A_190 : memref<1x128xi32, #tpu.memory_space<vmem>> -> memref<128xi32, #tpu.memory_space<vmem>>
      %dma_wait3A_192 = arith.constant 0 : i32
      %dma_wait3A_193 = arith.constant 0 : i32
      %dma_wait3A_194 = tpu.memref_slice %arg11[%dma_wait3A_192, %dma_wait3A_193] : memref<10240x128xf32, #tpu.memory_space<vmem_shared>> -> memref<10240x128xf32, #tpu.memory_space<vmem_shared>>
      tpu.wait_indirect_dma semaphore(%arg14 : memref<!tpu.dma_semaphore, #tpu.memory_space<semaphore_mem>>) src(%arg9 : memref<128x128xf32, #tpu.memory_space<vmem>>) dst(%dma_wait3A_194 : memref<10240x128xf32, #tpu.memory_space<vmem_shared>>)
      %dma_start3A_195 = arith.constant 6 : i32
      %dma_start3A_196 = arith.constant 0 : i32
      %dma_start3A_197 = tpu.memref_slice %arg7[%dma_start3A_195, %dma_start3A_196] : memref<8x128xi32, #tpu.memory_space<vmem>> -> memref<1x128xi32, #tpu.memory_space<vmem>>
      %dma_start3A_198 = tpu.memref_squeeze %dma_start3A_197 : memref<1x128xi32, #tpu.memory_space<vmem>> -> memref<128xi32, #tpu.memory_space<vmem>>
      %dma_start3A_199 = arith.constant 0 : i32
      %dma_start3A_200 = arith.constant 0 : i32
      %dma_start3A_201 = tpu.memref_slice %arg2[%dma_start3A_199, %dma_start3A_200] : memref<10240x128xf32, #tpu.memory_space<hbm>> -> memref<10240x128xf32, #tpu.memory_space<hbm>>
      tpu.enqueue_indirect_dma source(%dma_start3A_201 : memref<10240x128xf32, #tpu.memory_space<hbm>>) target(%arg9 : memref<128x128xf32, #tpu.memory_space<vmem>>) offsets(%dma_start3A_198 : memref<128xi32, #tpu.memory_space<vmem>>) semaphore(%arg12 : memref<!tpu.dma_semaphore, #tpu.memory_space<semaphore_mem>>)
      %dma_wait3A_202 = arith.constant 6 : i32
      %dma_wait3A_203 = arith.constant 0 : i32
      %dma_wait3A_204 = tpu.memref_slice %arg7[%dma_wait3A_202, %dma_wait3A_203] : memref<8x128xi32, #tpu.memory_space<vmem>> -> memref<1x128xi32, #tpu.memory_space<vmem>>
      %dma_wait3A_205 = tpu.memref_squeeze %dma_wait3A_204 : memref<1x128xi32, #tpu.memory_space<vmem>> -> memref<128xi32, #tpu.memory_space<vmem>>
      %dma_wait3A_206 = arith.constant 0 : i32
      %dma_wait3A_207 = arith.constant 0 : i32
      %dma_wait3A_208 = tpu.memref_slice %arg2[%dma_wait3A_206, %dma_wait3A_207] : memref<10240x128xf32, #tpu.memory_space<hbm>> -> memref<10240x128xf32, #tpu.memory_space<hbm>>
      tpu.wait_indirect_dma semaphore(%arg12 : memref<!tpu.dma_semaphore, #tpu.memory_space<semaphore_mem>>) src(%dma_wait3A_208 : memref<10240x128xf32, #tpu.memory_space<hbm>>) dst(%arg9 : memref<128x128xf32, #tpu.memory_space<vmem>>)
      %dma_start3A_209 = arith.constant 6 : i32
      %dma_start3A_210 = arith.constant 0 : i32
      %dma_start3A_211 = tpu.memref_slice %arg8[%dma_start3A_209, %dma_start3A_210] : memref<8x128xi32, #tpu.memory_space<vmem>> -> memref<1x128xi32, #tpu.memory_space<vmem>>
      %dma_start3A_212 = tpu.memref_squeeze %dma_start3A_211 : memref<1x128xi32, #tpu.memory_space<vmem>> -> memref<128xi32, #tpu.memory_space<vmem>>
      %dma_start3A_213 = arith.constant 0 : i32
      %dma_start3A_214 = arith.constant 0 : i32
      %dma_start3A_215 = tpu.memref_slice %arg11[%dma_start3A_213, %dma_start3A_214] : memref<10240x128xf32, #tpu.memory_space<vmem_shared>> -> memref<10240x128xf32, #tpu.memory_space<vmem_shared>>
      tpu.enqueue_indirect_dma source(%arg9 : memref<128x128xf32, #tpu.memory_space<vmem>>) target(%dma_start3A_215 : memref<10240x128xf32, #tpu.memory_space<vmem_shared>>) offsets(%dma_start3A_212 : memref<128xi32, #tpu.memory_space<vmem>>) semaphore(%arg14 : memref<!tpu.dma_semaphore, #tpu.memory_space<semaphore_mem>>) {add = true}
      %dma_wait3A_216 = arith.constant 5 : i32
      %dma_wait3A_217 = arith.constant 0 : i32
      %dma_wait3A_218 = tpu.memref_slice %arg8[%dma_wait3A_216, %dma_wait3A_217] : memref<8x128xi32, #tpu.memory_space<vmem>> -> memref<1x128xi32, #tpu.memory_space<vmem>>
      %dma_wait3A_219 = tpu.memref_squeeze %dma_wait3A_218 : memref<1x128xi32, #tpu.memory_space<vmem>> -> memref<128xi32, #tpu.memory_space<vmem>>
      %dma_wait3A_220 = arith.constant 0 : i32
      %dma_wait3A_221 = arith.constant 0 : i32
      %dma_wait3A_222 = tpu.memref_slice %arg11[%dma_wait3A_220, %dma_wait3A_221] : memref<10240x128xf32, #tpu.memory_space<vmem_shared>> -> memref<10240x128xf32, #tpu.memory_space<vmem_shared>>
      tpu.wait_indirect_dma semaphore(%arg15 : memref<!tpu.dma_semaphore, #tpu.memory_space<semaphore_mem>>) src(%arg10 : memref<128x128xf32, #tpu.memory_space<vmem>>) dst(%dma_wait3A_222 : memref<10240x128xf32, #tpu.memory_space<vmem_shared>>)
      %dma_start3A_223 = arith.constant 7 : i32
      %dma_start3A_224 = arith.constant 0 : i32
      %dma_start3A_225 = tpu.memref_slice %arg7[%dma_start3A_223, %dma_start3A_224] : memref<8x128xi32, #tpu.memory_space<vmem>> -> memref<1x128xi32, #tpu.memory_space<vmem>>
      %dma_start3A_226 = tpu.memref_squeeze %dma_start3A_225 : memref<1x128xi32, #tpu.memory_space<vmem>> -> memref<128xi32, #tpu.memory_space<vmem>>
      %dma_start3A_227 = arith.constant 0 : i32
      %dma_start3A_228 = arith.constant 0 : i32
      %dma_start3A_229 = tpu.memref_slice %arg2[%dma_start3A_227, %dma_start3A_228] : memref<10240x128xf32, #tpu.memory_space<hbm>> -> memref<10240x128xf32, #tpu.memory_space<hbm>>
      tpu.enqueue_indirect_dma source(%dma_start3A_229 : memref<10240x128xf32, #tpu.memory_space<hbm>>) target(%arg10 : memref<128x128xf32, #tpu.memory_space<vmem>>) offsets(%dma_start3A_226 : memref<128xi32, #tpu.memory_space<vmem>>) semaphore(%arg13 : memref<!tpu.dma_semaphore, #tpu.memory_space<semaphore_mem>>)
      %dma_wait3A_230 = arith.constant 7 : i32
      %dma_wait3A_231 = arith.constant 0 : i32
      %dma_wait3A_232 = tpu.memref_slice %arg7[%dma_wait3A_230, %dma_wait3A_231] : memref<8x128xi32, #tpu.memory_space<vmem>> -> memref<1x128xi32, #tpu.memory_space<vmem>>
      %dma_wait3A_233 = tpu.memref_squeeze %dma_wait3A_232 : memref<1x128xi32, #tpu.memory_space<vmem>> -> memref<128xi32, #tpu.memory_space<vmem>>
      %dma_wait3A_234 = arith.constant 0 : i32
      %dma_wait3A_235 = arith.constant 0 : i32
      %dma_wait3A_236 = tpu.memref_slice %arg2[%dma_wait3A_234, %dma_wait3A_235] : memref<10240x128xf32, #tpu.memory_space<hbm>> -> memref<10240x128xf32, #tpu.memory_space<hbm>>
      tpu.wait_indirect_dma semaphore(%arg13 : memref<!tpu.dma_semaphore, #tpu.memory_space<semaphore_mem>>) src(%dma_wait3A_236 : memref<10240x128xf32, #tpu.memory_space<hbm>>) dst(%arg10 : memref<128x128xf32, #tpu.memory_space<vmem>>)
      %dma_start3A_237 = arith.constant 7 : i32
      %dma_start3A_238 = arith.constant 0 : i32
      %dma_start3A_239 = tpu.memref_slice %arg8[%dma_start3A_237, %dma_start3A_238] : memref<8x128xi32, #tpu.memory_space<vmem>> -> memref<1x128xi32, #tpu.memory_space<vmem>>
      %dma_start3A_240 = tpu.memref_squeeze %dma_start3A_239 : memref<1x128xi32, #tpu.memory_space<vmem>> -> memref<128xi32, #tpu.memory_space<vmem>>
      %dma_start3A_241 = arith.constant 0 : i32
      %dma_start3A_242 = arith.constant 0 : i32
      %dma_start3A_243 = tpu.memref_slice %arg11[%dma_start3A_241, %dma_start3A_242] : memref<10240x128xf32, #tpu.memory_space<vmem_shared>> -> memref<10240x128xf32, #tpu.memory_space<vmem_shared>>
      tpu.enqueue_indirect_dma source(%arg10 : memref<128x128xf32, #tpu.memory_space<vmem>>) target(%dma_start3A_243 : memref<10240x128xf32, #tpu.memory_space<vmem_shared>>) offsets(%dma_start3A_240 : memref<128xi32, #tpu.memory_space<vmem>>) semaphore(%arg15 : memref<!tpu.dma_semaphore, #tpu.memory_space<semaphore_mem>>) {add = true}
      %dma_wait3A_244 = arith.constant 6 : i32
      %dma_wait3A_245 = arith.constant 0 : i32
      %dma_wait3A_246 = tpu.memref_slice %arg8[%dma_wait3A_244, %dma_wait3A_245] : memref<8x128xi32, #tpu.memory_space<vmem>> -> memref<1x128xi32, #tpu.memory_space<vmem>>
      %dma_wait3A_247 = tpu.memref_squeeze %dma_wait3A_246 : memref<1x128xi32, #tpu.memory_space<vmem>> -> memref<128xi32, #tpu.memory_space<vmem>>
      %dma_wait3A_248 = arith.constant 0 : i32
      %dma_wait3A_249 = arith.constant 0 : i32
      %dma_wait3A_250 = tpu.memref_slice %arg11[%dma_wait3A_248, %dma_wait3A_249] : memref<10240x128xf32, #tpu.memory_space<vmem_shared>> -> memref<10240x128xf32, #tpu.memory_space<vmem_shared>>
      tpu.wait_indirect_dma semaphore(%arg14 : memref<!tpu.dma_semaphore, #tpu.memory_space<semaphore_mem>>) src(%arg9 : memref<128x128xf32, #tpu.memory_space<vmem>>) dst(%dma_wait3A_250 : memref<10240x128xf32, #tpu.memory_space<vmem_shared>>)
      %dma_wait3A_251 = arith.constant 7 : i32
      %dma_wait3A_252 = arith.constant 0 : i32
      %dma_wait3A_253 = tpu.memref_slice %arg8[%dma_wait3A_251, %dma_wait3A_252] : memref<8x128xi32, #tpu.memory_space<vmem>> -> memref<1x128xi32, #tpu.memory_space<vmem>>
      %dma_wait3A_254 = tpu.memref_squeeze %dma_wait3A_253 : memref<1x128xi32, #tpu.memory_space<vmem>> -> memref<128xi32, #tpu.memory_space<vmem>>
      %dma_wait3A_255 = arith.constant 0 : i32
      %dma_wait3A_256 = arith.constant 0 : i32
      %dma_wait3A_257 = tpu.memref_slice %arg11[%dma_wait3A_255, %dma_wait3A_256] : memref<10240x128xf32, #tpu.memory_space<vmem_shared>> -> memref<10240x128xf32, #tpu.memory_space<vmem_shared>>
      tpu.wait_indirect_dma semaphore(%arg15 : memref<!tpu.dma_semaphore, #tpu.memory_space<semaphore_mem>>) src(%arg10 : memref<128x128xf32, #tpu.memory_space<vmem>>) dst(%dma_wait3A_257 : memref<10240x128xf32, #tpu.memory_space<vmem_shared>>)
    }
    %scan3A_25 = arith.constant 10 : i32
    %barrier3A_26 = arith.constant 0 : index
    tpu.barrier barrier_id(%barrier3A_26)
    %mul3A_27 = arith.constant 640 : i32
    %mul3A_28 = arith.muli %arg1, %mul3A_27 : i32
    %mul3A_29 = arith.constant 640 : i32
    %mul3A_30 = arith.muli %arg1, %mul3A_29 : i32
    "tpu.region"() ({
      %run_scoped3A = tpu.sem_alloc : memref<!tpu.dma_semaphore, #tpu.memory_space<semaphore_mem>>
      %dma_start3A = arith.constant 0 : i32
      %dma_start3A_31 = tpu.memref_slice %arg6[%arg0, %mul3A_30, %dma_start3A] : memref<2x10240x128xf32, #tpu.memory_space<hbm>> -> memref<1x640x128xf32, #tpu.memory_space<hbm>>
      %dma_start3A_32 = tpu.memref_squeeze %dma_start3A_31 : memref<1x640x128xf32, #tpu.memory_space<hbm>> -> memref<640x128xf32, #tpu.memory_space<hbm>>
      %dma_start3A_33 = arith.constant 0 : i32
      %dma_start3A_34 = tpu.memref_slice %arg11[%mul3A_28, %dma_start3A_33] : memref<10240x128xf32, #tpu.memory_space<vmem_shared>> -> memref<640x128xf32, #tpu.memory_space<vmem_shared>>
      tpu.enqueue_dma source(%dma_start3A_34 : memref<640x128xf32, #tpu.memory_space<vmem_shared>>) target(%dma_start3A_32 : memref<640x128xf32, #tpu.memory_space<hbm>>) target_semaphore(%run_scoped3A : memref<!tpu.dma_semaphore, #tpu.memory_space<semaphore_mem>>)
      %dma_wait3A = arith.constant 0 : i32
      %dma_wait3A_35 = tpu.memref_slice %arg6[%arg0, %mul3A_30, %dma_wait3A] : memref<2x10240x128xf32, #tpu.memory_space<hbm>> -> memref<1x640x128xf32, #tpu.memory_space<hbm>>
      %dma_wait3A_36 = tpu.memref_squeeze %dma_wait3A_35 : memref<1x640x128xf32, #tpu.memory_space<hbm>> -> memref<640x128xf32, #tpu.memory_space<hbm>>
      %dma_wait3A_37 = arith.constant 0 : i32
      %dma_wait3A_38 = tpu.memref_slice %arg11[%mul3A_28, %dma_wait3A_37] : memref<10240x128xf32, #tpu.memory_space<vmem_shared>> -> memref<640x128xf32, #tpu.memory_space<vmem_shared>>
      tpu.wait_dma2 semaphore(%run_scoped3A : memref<!tpu.dma_semaphore, #tpu.memory_space<semaphore_mem>>) src(%dma_wait3A_38 : memref<640x128xf32, #tpu.memory_space<vmem_shared>>) dst(%dma_wait3A_36 : memref<640x128xf32, #tpu.memory_space<hbm>>)
      tpu.yield
    }) : () -> ()
    return
  }
}

#map = affine_map<(d0, d1) -> (0, 0)>
#map1 = affine_map<(d0, d1) -> (0, 0, 0)>
module attributes {stable_mosaic.version = 14 : i64} {
  func.func @_agg_body(%arg0: i32, %arg1: i32, %arg2: memref<10240x128xf32, #tpu.memory_space<hbm>>, %arg3: memref<32x80x128xi32, #tpu.memory_space<hbm>>, %arg4: memref<32x80x128xi32, #tpu.memory_space<hbm>>, %arg5: memref<128x128xf32, #tpu.memory_space<hbm>>, %arg6: memref<2x10240x128xf32, #tpu.memory_space<hbm>>, %arg7: memref<8x128xi32, #tpu.memory_space<vmem>>, %arg8: memref<8x128xi32, #tpu.memory_space<vmem>>, %arg9: memref<128x128xf32, #tpu.memory_space<vmem>>, %arg10: memref<128x128xf32, #tpu.memory_space<vmem>>, %arg11: memref<10240x128xf32, #tpu.memory_space<vmem_shared>>, %arg12: memref<!tpu.dma_semaphore, #tpu.memory_space<semaphore_mem>>, %arg13: memref<!tpu.dma_semaphore, #tpu.memory_space<semaphore_mem>>, %arg14: memref<!tpu.dma_semaphore, #tpu.memory_space<semaphore_mem>>, %arg15: memref<!tpu.dma_semaphore, #tpu.memory_space<semaphore_mem>>) attributes {dimension_semantics = [#tpu.dimension_semantics<core_parallel>, #tpu.dimension_semantics<subcore_parallel>], iteration_bounds = array<i64: 2, 16>, scalar_prefetch = 0 : i64, scratch_operands = 9 : i64, tpu.core_type = #tpu.core_type<sc_vector_subcore>, window_params = [{transform_indices = #map}, {transform_indices = #map1}, {transform_indices = #map1}, {transform_indices = #map}, {transform_indices = #map1}]} {
    %mul3A = arith.constant 2 : i32
    %mul3A_0 = arith.muli %arg1, %mul3A : i32
    %add3A = arith.addi %mul3A_0, %arg0 : i32
    "tpu.region"() ({
      %run_scoped3A = tpu.sem_alloc : memref<!tpu.dma_semaphore, #tpu.memory_space<semaphore_mem>>
      tpu.enqueue_dma source(%arg5 : memref<128x128xf32, #tpu.memory_space<hbm>>) target(%arg9 : memref<128x128xf32, #tpu.memory_space<vmem>>) target_semaphore(%run_scoped3A : memref<!tpu.dma_semaphore, #tpu.memory_space<semaphore_mem>>)
      tpu.wait_dma2 semaphore(%run_scoped3A : memref<!tpu.dma_semaphore, #tpu.memory_space<semaphore_mem>>) src(%arg5 : memref<128x128xf32, #tpu.memory_space<hbm>>) dst(%arg9 : memref<128x128xf32, #tpu.memory_space<vmem>>)
      tpu.yield
    }) : () -> ()
    %mul3A_1 = arith.constant 640 : i32
    %mul3A_2 = arith.muli %arg1, %mul3A_1 : i32
    %add3A_3 = arith.constant 0 : i32
    %add3A_4 = arith.addi %mul3A_2, %add3A_3 : i32
    "tpu.region"() ({
      %run_scoped3A = tpu.sem_alloc : memref<!tpu.dma_semaphore, #tpu.memory_space<semaphore_mem>>
      %dma_start3A = arith.constant 0 : i32
      %dma_start3A_31 = tpu.memref_slice %arg11[%add3A_4, %dma_start3A] : memref<10240x128xf32, #tpu.memory_space<vmem_shared>> -> memref<128x128xf32, #tpu.memory_space<vmem_shared>>
      %dma_start3A_32 = arith.constant 0 : i32
      %dma_start3A_33 = tpu.memref_slice %arg11[%add3A_4, %dma_start3A_32] : memref<10240x128xf32, #tpu.memory_space<vmem_shared>> -> memref<128x128xf32, #tpu.memory_space<vmem_shared>>
      tpu.enqueue_dma source(%arg9 : memref<128x128xf32, #tpu.memory_space<vmem>>) target(%dma_start3A_33 : memref<128x128xf32, #tpu.memory_space<vmem_shared>>) target_semaphore(%run_scoped3A : memref<!tpu.dma_semaphore, #tpu.memory_space<semaphore_mem>>)
      %dma_wait3A = arith.constant 0 : i32
      %dma_wait3A_34 = tpu.memref_slice %arg11[%add3A_4, %dma_wait3A] : memref<10240x128xf32, #tpu.memory_space<vmem_shared>> -> memref<128x128xf32, #tpu.memory_space<vmem_shared>>
      %dma_wait3A_35 = arith.constant 0 : i32
      %dma_wait3A_36 = tpu.memref_slice %arg11[%add3A_4, %dma_wait3A_35] : memref<10240x128xf32, #tpu.memory_space<vmem_shared>> -> memref<128x128xf32, #tpu.memory_space<vmem_shared>>
      tpu.wait_dma2 semaphore(%run_scoped3A : memref<!tpu.dma_semaphore, #tpu.memory_space<semaphore_mem>>) src(%arg9 : memref<128x128xf32, #tpu.memory_space<vmem>>) dst(%dma_wait3A_36 : memref<128x128xf32, #tpu.memory_space<vmem_shared>>)
      tpu.yield
    }) : () -> ()
    %mul3A_5 = arith.constant 640 : i32
    %mul3A_6 = arith.muli %arg1, %mul3A_5 : i32
    %add3A_7 = arith.constant 128 : i32
    %add3A_8 = arith.addi %mul3A_6, %add3A_7 : i32
    "tpu.region"() ({
      %run_scoped3A = tpu.sem_alloc : memref<!tpu.dma_semaphore, #tpu.memory_space<semaphore_mem>>
      %dma_start3A = arith.constant 0 : i32
      %dma_start3A_31 = tpu.memref_slice %arg11[%add3A_8, %dma_start3A] : memref<10240x128xf32, #tpu.memory_space<vmem_shared>> -> memref<128x128xf32, #tpu.memory_space<vmem_shared>>
      %dma_start3A_32 = arith.constant 0 : i32
      %dma_start3A_33 = tpu.memref_slice %arg11[%add3A_8, %dma_start3A_32] : memref<10240x128xf32, #tpu.memory_space<vmem_shared>> -> memref<128x128xf32, #tpu.memory_space<vmem_shared>>
      tpu.enqueue_dma source(%arg9 : memref<128x128xf32, #tpu.memory_space<vmem>>) target(%dma_start3A_33 : memref<128x128xf32, #tpu.memory_space<vmem_shared>>) target_semaphore(%run_scoped3A : memref<!tpu.dma_semaphore, #tpu.memory_space<semaphore_mem>>)
      %dma_wait3A = arith.constant 0 : i32
      %dma_wait3A_34 = tpu.memref_slice %arg11[%add3A_8, %dma_wait3A] : memref<10240x128xf32, #tpu.memory_space<vmem_shared>> -> memref<128x128xf32, #tpu.memory_space<vmem_shared>>
      %dma_wait3A_35 = arith.constant 0 : i32
      %dma_wait3A_36 = tpu.memref_slice %arg11[%add3A_8, %dma_wait3A_35] : memref<10240x128xf32, #tpu.memory_space<vmem_shared>> -> memref<128x128xf32, #tpu.memory_space<vmem_shared>>
      tpu.wait_dma2 semaphore(%run_scoped3A : memref<!tpu.dma_semaphore, #tpu.memory_space<semaphore_mem>>) src(%arg9 : memref<128x128xf32, #tpu.memory_space<vmem>>) dst(%dma_wait3A_36 : memref<128x128xf32, #tpu.memory_space<vmem_shared>>)
      tpu.yield
    }) : () -> ()
    %mul3A_9 = arith.constant 640 : i32
    %mul3A_10 = arith.muli %arg1, %mul3A_9 : i32
    %add3A_11 = arith.constant 256 : i32
    %add3A_12 = arith.addi %mul3A_10, %add3A_11 : i32
    "tpu.region"() ({
      %run_scoped3A = tpu.sem_alloc : memref<!tpu.dma_semaphore, #tpu.memory_space<semaphore_mem>>
      %dma_start3A = arith.constant 0 : i32
      %dma_start3A_31 = tpu.memref_slice %arg11[%add3A_12, %dma_start3A] : memref<10240x128xf32, #tpu.memory_space<vmem_shared>> -> memref<128x128xf32, #tpu.memory_space<vmem_shared>>
      %dma_start3A_32 = arith.constant 0 : i32
      %dma_start3A_33 = tpu.memref_slice %arg11[%add3A_12, %dma_start3A_32] : memref<10240x128xf32, #tpu.memory_space<vmem_shared>> -> memref<128x128xf32, #tpu.memory_space<vmem_shared>>
      tpu.enqueue_dma source(%arg9 : memref<128x128xf32, #tpu.memory_space<vmem>>) target(%dma_start3A_33 : memref<128x128xf32, #tpu.memory_space<vmem_shared>>) target_semaphore(%run_scoped3A : memref<!tpu.dma_semaphore, #tpu.memory_space<semaphore_mem>>)
      %dma_wait3A = arith.constant 0 : i32
      %dma_wait3A_34 = tpu.memref_slice %arg11[%add3A_12, %dma_wait3A] : memref<10240x128xf32, #tpu.memory_space<vmem_shared>> -> memref<128x128xf32, #tpu.memory_space<vmem_shared>>
      %dma_wait3A_35 = arith.constant 0 : i32
      %dma_wait3A_36 = tpu.memref_slice %arg11[%add3A_12, %dma_wait3A_35] : memref<10240x128xf32, #tpu.memory_space<vmem_shared>> -> memref<128x128xf32, #tpu.memory_space<vmem_shared>>
      tpu.wait_dma2 semaphore(%run_scoped3A : memref<!tpu.dma_semaphore, #tpu.memory_space<semaphore_mem>>) src(%arg9 : memref<128x128xf32, #tpu.memory_space<vmem>>) dst(%dma_wait3A_36 : memref<128x128xf32, #tpu.memory_space<vmem_shared>>)
      tpu.yield
    }) : () -> ()
    %mul3A_13 = arith.constant 640 : i32
    %mul3A_14 = arith.muli %arg1, %mul3A_13 : i32
    %add3A_15 = arith.constant 384 : i32
    %add3A_16 = arith.addi %mul3A_14, %add3A_15 : i32
    "tpu.region"() ({
      %run_scoped3A = tpu.sem_alloc : memref<!tpu.dma_semaphore, #tpu.memory_space<semaphore_mem>>
      %dma_start3A = arith.constant 0 : i32
      %dma_start3A_31 = tpu.memref_slice %arg11[%add3A_16, %dma_start3A] : memref<10240x128xf32, #tpu.memory_space<vmem_shared>> -> memref<128x128xf32, #tpu.memory_space<vmem_shared>>
      %dma_start3A_32 = arith.constant 0 : i32
      %dma_start3A_33 = tpu.memref_slice %arg11[%add3A_16, %dma_start3A_32] : memref<10240x128xf32, #tpu.memory_space<vmem_shared>> -> memref<128x128xf32, #tpu.memory_space<vmem_shared>>
      tpu.enqueue_dma source(%arg9 : memref<128x128xf32, #tpu.memory_space<vmem>>) target(%dma_start3A_33 : memref<128x128xf32, #tpu.memory_space<vmem_shared>>) target_semaphore(%run_scoped3A : memref<!tpu.dma_semaphore, #tpu.memory_space<semaphore_mem>>)
      %dma_wait3A = arith.constant 0 : i32
      %dma_wait3A_34 = tpu.memref_slice %arg11[%add3A_16, %dma_wait3A] : memref<10240x128xf32, #tpu.memory_space<vmem_shared>> -> memref<128x128xf32, #tpu.memory_space<vmem_shared>>
      %dma_wait3A_35 = arith.constant 0 : i32
      %dma_wait3A_36 = tpu.memref_slice %arg11[%add3A_16, %dma_wait3A_35] : memref<10240x128xf32, #tpu.memory_space<vmem_shared>> -> memref<128x128xf32, #tpu.memory_space<vmem_shared>>
      tpu.wait_dma2 semaphore(%run_scoped3A : memref<!tpu.dma_semaphore, #tpu.memory_space<semaphore_mem>>) src(%arg9 : memref<128x128xf32, #tpu.memory_space<vmem>>) dst(%dma_wait3A_36 : memref<128x128xf32, #tpu.memory_space<vmem_shared>>)
      tpu.yield
    }) : () -> ()
    %mul3A_17 = arith.constant 640 : i32
    %mul3A_18 = arith.muli %arg1, %mul3A_17 : i32
    %add3A_19 = arith.constant 512 : i32
    %add3A_20 = arith.addi %mul3A_18, %add3A_19 : i32
    "tpu.region"() ({
      %run_scoped3A = tpu.sem_alloc : memref<!tpu.dma_semaphore, #tpu.memory_space<semaphore_mem>>
      %dma_start3A = arith.constant 0 : i32
      %dma_start3A_31 = tpu.memref_slice %arg11[%add3A_20, %dma_start3A] : memref<10240x128xf32, #tpu.memory_space<vmem_shared>> -> memref<128x128xf32, #tpu.memory_space<vmem_shared>>
      %dma_start3A_32 = arith.constant 0 : i32
      %dma_start3A_33 = tpu.memref_slice %arg11[%add3A_20, %dma_start3A_32] : memref<10240x128xf32, #tpu.memory_space<vmem_shared>> -> memref<128x128xf32, #tpu.memory_space<vmem_shared>>
      tpu.enqueue_dma source(%arg9 : memref<128x128xf32, #tpu.memory_space<vmem>>) target(%dma_start3A_33 : memref<128x128xf32, #tpu.memory_space<vmem_shared>>) target_semaphore(%run_scoped3A : memref<!tpu.dma_semaphore, #tpu.memory_space<semaphore_mem>>)
      %dma_wait3A = arith.constant 0 : i32
      %dma_wait3A_34 = tpu.memref_slice %arg11[%add3A_20, %dma_wait3A] : memref<10240x128xf32, #tpu.memory_space<vmem_shared>> -> memref<128x128xf32, #tpu.memory_space<vmem_shared>>
      %dma_wait3A_35 = arith.constant 0 : i32
      %dma_wait3A_36 = tpu.memref_slice %arg11[%add3A_20, %dma_wait3A_35] : memref<10240x128xf32, #tpu.memory_space<vmem_shared>> -> memref<128x128xf32, #tpu.memory_space<vmem_shared>>
      tpu.wait_dma2 semaphore(%run_scoped3A : memref<!tpu.dma_semaphore, #tpu.memory_space<semaphore_mem>>) src(%arg9 : memref<128x128xf32, #tpu.memory_space<vmem>>) dst(%dma_wait3A_36 : memref<128x128xf32, #tpu.memory_space<vmem_shared>>)
      tpu.yield
    }) : () -> ()
    %barrier3A = arith.constant 0 : index
    tpu.barrier barrier_id(%barrier3A)
    %scan3A = arith.constant 0 : i32
    %scan3A_21 = arith.constant 0 : i32
    %scan3A_22 = arith.constant 10 : i32
    %scan3A_23 = arith.addi %scan3A_21, %scan3A_22 : i32
    %scan3A_24 = arith.constant 1 : i32
    scf.for %scan3A_31 = %scan3A_21 to %scan3A_23 step %scan3A_24  : i32 {
      %mul3A_32 = arith.constant 8 : i32
      %mul3A_33 = arith.muli %scan3A_31, %mul3A_32 : i32
      "tpu.region"() ({
        %run_scoped3A = tpu.sem_alloc : memref<!tpu.dma_semaphore, #tpu.memory_space<semaphore_mem>>
        %dma_start3A_258 = arith.constant 0 : i32
        %dma_start3A_259 = tpu.memref_slice %arg3[%add3A, %mul3A_33, %dma_start3A_258] : memref<32x80x128xi32, #tpu.memory_space<hbm>> -> memref<1x8x128xi32, #tpu.memory_space<hbm>>
        %dma_start3A_260 = tpu.memref_squeeze %dma_start3A_259 : memref<1x8x128xi32, #tpu.memory_space<hbm>> -> memref<8x128xi32, #tpu.memory_space<hbm>>
        %dma_start3A_261 = arith.constant 0 : i32
        %dma_start3A_262 = tpu.memref_slice %arg3[%add3A, %mul3A_33, %dma_start3A_261] : memref<32x80x128xi32, #tpu.memory_space<hbm>> -> memref<1x8x128xi32, #tpu.memory_space<hbm>>
        %dma_start3A_263 = tpu.memref_squeeze %dma_start3A_262 : memref<1x8x128xi32, #tpu.memory_space<hbm>> -> memref<8x128xi32, #tpu.memory_space<hbm>>
        tpu.enqueue_dma source(%dma_start3A_263 : memref<8x128xi32, #tpu.memory_space<hbm>>) target(%arg7 : memref<8x128xi32, #tpu.memory_space<vmem>>) target_semaphore(%run_scoped3A : memref<!tpu.dma_semaphore, #tpu.memory_space<semaphore_mem>>)
        %dma_wait3A_264 = arith.constant 0 : i32
        %dma_wait3A_265 = tpu.memref_slice %arg3[%add3A, %mul3A_33, %dma_wait3A_264] : memref<32x80x128xi32, #tpu.memory_space<hbm>> -> memref<1x8x128xi32, #tpu.memory_space<hbm>>
        %dma_wait3A_266 = tpu.memref_squeeze %dma_wait3A_265 : memref<1x8x128xi32, #tpu.memory_space<hbm>> -> memref<8x128xi32, #tpu.memory_space<hbm>>
        %dma_wait3A_267 = arith.constant 0 : i32
        %dma_wait3A_268 = tpu.memref_slice %arg3[%add3A, %mul3A_33, %dma_wait3A_267] : memref<32x80x128xi32, #tpu.memory_space<hbm>> -> memref<1x8x128xi32, #tpu.memory_space<hbm>>
        %dma_wait3A_269 = tpu.memref_squeeze %dma_wait3A_268 : memref<1x8x128xi32, #tpu.memory_space<hbm>> -> memref<8x128xi32, #tpu.memory_space<hbm>>
        tpu.wait_dma2 semaphore(%run_scoped3A : memref<!tpu.dma_semaphore, #tpu.memory_space<semaphore_mem>>) src(%dma_wait3A_269 : memref<8x128xi32, #tpu.memory_space<hbm>>) dst(%arg7 : memref<8x128xi32, #tpu.memory_space<vmem>>)
        tpu.yield
      }) : () -> ()
      %mul3A_34 = arith.constant 8 : i32
      %mul3A_35 = arith.muli %scan3A_31, %mul3A_34 : i32
      "tpu.region"() ({
        %run_scoped3A = tpu.sem_alloc : memref<!tpu.dma_semaphore, #tpu.memory_space<semaphore_mem>>
        %dma_start3A_258 = arith.constant 0 : i32
        %dma_start3A_259 = tpu.memref_slice %arg4[%add3A, %mul3A_35, %dma_start3A_258] : memref<32x80x128xi32, #tpu.memory_space<hbm>> -> memref<1x8x128xi32, #tpu.memory_space<hbm>>
        %dma_start3A_260 = tpu.memref_squeeze %dma_start3A_259 : memref<1x8x128xi32, #tpu.memory_space<hbm>> -> memref<8x128xi32, #tpu.memory_space<hbm>>
        %dma_start3A_261 = arith.constant 0 : i32
        %dma_start3A_262 = tpu.memref_slice %arg4[%add3A, %mul3A_35, %dma_start3A_261] : memref<32x80x128xi32, #tpu.memory_space<hbm>> -> memref<1x8x128xi32, #tpu.memory_space<hbm>>
        %dma_start3A_263 = tpu.memref_squeeze %dma_start3A_262 : memref<1x8x128xi32, #tpu.memory_space<hbm>> -> memref<8x128xi32, #tpu.memory_space<hbm>>
        tpu.enqueue_dma source(%dma_start3A_263 : memref<8x128xi32, #tpu.memory_space<hbm>>) target(%arg8 : memref<8x128xi32, #tpu.memory_space<vmem>>) target_semaphore(%run_scoped3A : memref<!tpu.dma_semaphore, #tpu.memory_space<semaphore_mem>>)
        %dma_wait3A_264 = arith.constant 0 : i32
        %dma_wait3A_265 = tpu.memref_slice %arg4[%add3A, %mul3A_35, %dma_wait3A_264] : memref<32x80x128xi32, #tpu.memory_space<hbm>> -> memref<1x8x128xi32, #tpu.memory_space<hbm>>
        %dma_wait3A_266 = tpu.memref_squeeze %dma_wait3A_265 : memref<1x8x128xi32, #tpu.memory_space<hbm>> -> memref<8x128xi32, #tpu.memory_space<hbm>>
        %dma_wait3A_267 = arith.constant 0 : i32
        %dma_wait3A_268 = tpu.memref_slice %arg4[%add3A, %mul3A_35, %dma_wait3A_267] : memref<32x80x128xi32, #tpu.memory_space<hbm>> -> memref<1x8x128xi32, #tpu.memory_space<hbm>>
        %dma_wait3A_269 = tpu.memref_squeeze %dma_wait3A_268 : memref<1x8x128xi32, #tpu.memory_space<hbm>> -> memref<8x128xi32, #tpu.memory_space<hbm>>
        tpu.wait_dma2 semaphore(%run_scoped3A : memref<!tpu.dma_semaphore, #tpu.memory_space<semaphore_mem>>) src(%dma_wait3A_269 : memref<8x128xi32, #tpu.memory_space<hbm>>) dst(%arg8 : memref<8x128xi32, #tpu.memory_space<vmem>>)
        tpu.yield
      }) : () -> ()
      %dma_start3A = arith.constant 0 : i32
      %dma_start3A_36 = arith.constant 0 : i32
      %dma_start3A_37 = tpu.memref_slice %arg7[%dma_start3A, %dma_start3A_36] : memref<8x128xi32, #tpu.memory_space<vmem>> -> memref<1x128xi32, #tpu.memory_space<vmem>>
      %dma_start3A_38 = tpu.memref_squeeze %dma_start3A_37 : memref<1x128xi32, #tpu.memory_space<vmem>> -> memref<128xi32, #tpu.memory_space<vmem>>
      %dma_start3A_39 = arith.constant 0 : i32
      %dma_start3A_40 = arith.constant 0 : i32
      %dma_start3A_41 = tpu.memref_slice %arg2[%dma_start3A_39, %dma_start3A_40] : memref<10240x128xf32, #tpu.memory_space<hbm>> -> memref<10240x128xf32, #tpu.memory_space<hbm>>
      tpu.enqueue_indirect_dma source(%dma_start3A_41 : memref<10240x128xf32, #tpu.memory_space<hbm>>) target(%arg9 : memref<128x128xf32, #tpu.memory_space<vmem>>) offsets(%dma_start3A_38 : memref<128xi32, #tpu.memory_space<vmem>>) semaphore(%arg12 : memref<!tpu.dma_semaphore, #tpu.memory_space<semaphore_mem>>)
      %dma_wait3A = arith.constant 0 : i32
      %dma_wait3A_42 = arith.constant 0 : i32
      %dma_wait3A_43 = tpu.memref_slice %arg7[%dma_wait3A, %dma_wait3A_42] : memref<8x128xi32, #tpu.memory_space<vmem>> -> memref<1x128xi32, #tpu.memory_space<vmem>>
      %dma_wait3A_44 = tpu.memref_squeeze %dma_wait3A_43 : memref<1x128xi32, #tpu.memory_space<vmem>> -> memref<128xi32, #tpu.memory_space<vmem>>
      %dma_wait3A_45 = arith.constant 0 : i32
      %dma_wait3A_46 = arith.constant 0 : i32
      %dma_wait3A_47 = tpu.memref_slice %arg2[%dma_wait3A_45, %dma_wait3A_46] : memref<10240x128xf32, #tpu.memory_space<hbm>> -> memref<10240x128xf32, #tpu.memory_space<hbm>>
      tpu.wait_indirect_dma semaphore(%arg12 : memref<!tpu.dma_semaphore, #tpu.memory_space<semaphore_mem>>) src(%dma_wait3A_47 : memref<10240x128xf32, #tpu.memory_space<hbm>>) dst(%arg9 : memref<128x128xf32, #tpu.memory_space<vmem>>)
      %dma_start3A_48 = arith.constant 0 : i32
      %dma_start3A_49 = arith.constant 0 : i32
      %dma_start3A_50 = tpu.memref_slice %arg8[%dma_start3A_48, %dma_start3A_49] : memref<8x128xi32, #tpu.memory_space<vmem>> -> memref<1x128xi32, #tpu.memory_space<vmem>>
      %dma_start3A_51 = tpu.memref_squeeze %dma_start3A_50 : memref<1x128xi32, #tpu.memory_space<vmem>> -> memref<128xi32, #tpu.memory_space<vmem>>
      %dma_start3A_52 = arith.constant 0 : i32
      %dma_start3A_53 = arith.constant 0 : i32
      %dma_start3A_54 = tpu.memref_slice %arg11[%dma_start3A_52, %dma_start3A_53] : memref<10240x128xf32, #tpu.memory_space<vmem_shared>> -> memref<10240x128xf32, #tpu.memory_space<vmem_shared>>
      tpu.enqueue_indirect_dma source(%arg9 : memref<128x128xf32, #tpu.memory_space<vmem>>) target(%dma_start3A_54 : memref<10240x128xf32, #tpu.memory_space<vmem_shared>>) offsets(%dma_start3A_51 : memref<128xi32, #tpu.memory_space<vmem>>) semaphore(%arg14 : memref<!tpu.dma_semaphore, #tpu.memory_space<semaphore_mem>>) {add = true}
      %dma_start3A_55 = arith.constant 1 : i32
      %dma_start3A_56 = arith.constant 0 : i32
      %dma_start3A_57 = tpu.memref_slice %arg7[%dma_start3A_55, %dma_start3A_56] : memref<8x128xi32, #tpu.memory_space<vmem>> -> memref<1x128xi32, #tpu.memory_space<vmem>>
      %dma_start3A_58 = tpu.memref_squeeze %dma_start3A_57 : memref<1x128xi32, #tpu.memory_space<vmem>> -> memref<128xi32, #tpu.memory_space<vmem>>
      %dma_start3A_59 = arith.constant 0 : i32
      %dma_start3A_60 = arith.constant 0 : i32
      %dma_start3A_61 = tpu.memref_slice %arg2[%dma_start3A_59, %dma_start3A_60] : memref<10240x128xf32, #tpu.memory_space<hbm>> -> memref<10240x128xf32, #tpu.memory_space<hbm>>
      tpu.enqueue_indirect_dma source(%dma_start3A_61 : memref<10240x128xf32, #tpu.memory_space<hbm>>) target(%arg10 : memref<128x128xf32, #tpu.memory_space<vmem>>) offsets(%dma_start3A_58 : memref<128xi32, #tpu.memory_space<vmem>>) semaphore(%arg13 : memref<!tpu.dma_semaphore, #tpu.memory_space<semaphore_mem>>)
      %dma_wait3A_62 = arith.constant 1 : i32
      %dma_wait3A_63 = arith.constant 0 : i32
      %dma_wait3A_64 = tpu.memref_slice %arg7[%dma_wait3A_62, %dma_wait3A_63] : memref<8x128xi32, #tpu.memory_space<vmem>> -> memref<1x128xi32, #tpu.memory_space<vmem>>
      %dma_wait3A_65 = tpu.memref_squeeze %dma_wait3A_64 : memref<1x128xi32, #tpu.memory_space<vmem>> -> memref<128xi32, #tpu.memory_space<vmem>>
      %dma_wait3A_66 = arith.constant 0 : i32
      %dma_wait3A_67 = arith.constant 0 : i32
      %dma_wait3A_68 = tpu.memref_slice %arg2[%dma_wait3A_66, %dma_wait3A_67] : memref<10240x128xf32, #tpu.memory_space<hbm>> -> memref<10240x128xf32, #tpu.memory_space<hbm>>
      tpu.wait_indirect_dma semaphore(%arg13 : memref<!tpu.dma_semaphore, #tpu.memory_space<semaphore_mem>>) src(%dma_wait3A_68 : memref<10240x128xf32, #tpu.memory_space<hbm>>) dst(%arg10 : memref<128x128xf32, #tpu.memory_space<vmem>>)
      %dma_start3A_69 = arith.constant 1 : i32
      %dma_start3A_70 = arith.constant 0 : i32
      %dma_start3A_71 = tpu.memref_slice %arg8[%dma_start3A_69, %dma_start3A_70] : memref<8x128xi32, #tpu.memory_space<vmem>> -> memref<1x128xi32, #tpu.memory_space<vmem>>
      %dma_start3A_72 = tpu.memref_squeeze %dma_start3A_71 : memref<1x128xi32, #tpu.memory_space<vmem>> -> memref<128xi32, #tpu.memory_space<vmem>>
      %dma_start3A_73 = arith.constant 0 : i32
      %dma_start3A_74 = arith.constant 0 : i32
      %dma_start3A_75 = tpu.memref_slice %arg11[%dma_start3A_73, %dma_start3A_74] : memref<10240x128xf32, #tpu.memory_space<vmem_shared>> -> memref<10240x128xf32, #tpu.memory_space<vmem_shared>>
      tpu.enqueue_indirect_dma source(%arg10 : memref<128x128xf32, #tpu.memory_space<vmem>>) target(%dma_start3A_75 : memref<10240x128xf32, #tpu.memory_space<vmem_shared>>) offsets(%dma_start3A_72 : memref<128xi32, #tpu.memory_space<vmem>>) semaphore(%arg15 : memref<!tpu.dma_semaphore, #tpu.memory_space<semaphore_mem>>) {add = true}
      %dma_wait3A_76 = arith.constant 0 : i32
      %dma_wait3A_77 = arith.constant 0 : i32
      %dma_wait3A_78 = tpu.memref_slice %arg8[%dma_wait3A_76, %dma_wait3A_77] : memref<8x128xi32, #tpu.memory_space<vmem>> -> memref<1x128xi32, #tpu.memory_space<vmem>>
      %dma_wait3A_79 = tpu.memref_squeeze %dma_wait3A_78 : memref<1x128xi32, #tpu.memory_space<vmem>> -> memref<128xi32, #tpu.memory_space<vmem>>
      %dma_wait3A_80 = arith.constant 0 : i32
      %dma_wait3A_81 = arith.constant 0 : i32
      %dma_wait3A_82 = tpu.memref_slice %arg11[%dma_wait3A_80, %dma_wait3A_81] : memref<10240x128xf32, #tpu.memory_space<vmem_shared>> -> memref<10240x128xf32, #tpu.memory_space<vmem_shared>>
      tpu.wait_indirect_dma semaphore(%arg14 : memref<!tpu.dma_semaphore, #tpu.memory_space<semaphore_mem>>) src(%arg9 : memref<128x128xf32, #tpu.memory_space<vmem>>) dst(%dma_wait3A_82 : memref<10240x128xf32, #tpu.memory_space<vmem_shared>>)
      %dma_start3A_83 = arith.constant 2 : i32
      %dma_start3A_84 = arith.constant 0 : i32
      %dma_start3A_85 = tpu.memref_slice %arg7[%dma_start3A_83, %dma_start3A_84] : memref<8x128xi32, #tpu.memory_space<vmem>> -> memref<1x128xi32, #tpu.memory_space<vmem>>
      %dma_start3A_86 = tpu.memref_squeeze %dma_start3A_85 : memref<1x128xi32, #tpu.memory_space<vmem>> -> memref<128xi32, #tpu.memory_space<vmem>>
      %dma_start3A_87 = arith.constant 0 : i32
      %dma_start3A_88 = arith.constant 0 : i32
      %dma_start3A_89 = tpu.memref_slice %arg2[%dma_start3A_87, %dma_start3A_88] : memref<10240x128xf32, #tpu.memory_space<hbm>> -> memref<10240x128xf32, #tpu.memory_space<hbm>>
      tpu.enqueue_indirect_dma source(%dma_start3A_89 : memref<10240x128xf32, #tpu.memory_space<hbm>>) target(%arg9 : memref<128x128xf32, #tpu.memory_space<vmem>>) offsets(%dma_start3A_86 : memref<128xi32, #tpu.memory_space<vmem>>) semaphore(%arg12 : memref<!tpu.dma_semaphore, #tpu.memory_space<semaphore_mem>>)
      %dma_wait3A_90 = arith.constant 2 : i32
      %dma_wait3A_91 = arith.constant 0 : i32
      %dma_wait3A_92 = tpu.memref_slice %arg7[%dma_wait3A_90, %dma_wait3A_91] : memref<8x128xi32, #tpu.memory_space<vmem>> -> memref<1x128xi32, #tpu.memory_space<vmem>>
      %dma_wait3A_93 = tpu.memref_squeeze %dma_wait3A_92 : memref<1x128xi32, #tpu.memory_space<vmem>> -> memref<128xi32, #tpu.memory_space<vmem>>
      %dma_wait3A_94 = arith.constant 0 : i32
      %dma_wait3A_95 = arith.constant 0 : i32
      %dma_wait3A_96 = tpu.memref_slice %arg2[%dma_wait3A_94, %dma_wait3A_95] : memref<10240x128xf32, #tpu.memory_space<hbm>> -> memref<10240x128xf32, #tpu.memory_space<hbm>>
      tpu.wait_indirect_dma semaphore(%arg12 : memref<!tpu.dma_semaphore, #tpu.memory_space<semaphore_mem>>) src(%dma_wait3A_96 : memref<10240x128xf32, #tpu.memory_space<hbm>>) dst(%arg9 : memref<128x128xf32, #tpu.memory_space<vmem>>)
      %dma_start3A_97 = arith.constant 2 : i32
      %dma_start3A_98 = arith.constant 0 : i32
      %dma_start3A_99 = tpu.memref_slice %arg8[%dma_start3A_97, %dma_start3A_98] : memref<8x128xi32, #tpu.memory_space<vmem>> -> memref<1x128xi32, #tpu.memory_space<vmem>>
      %dma_start3A_100 = tpu.memref_squeeze %dma_start3A_99 : memref<1x128xi32, #tpu.memory_space<vmem>> -> memref<128xi32, #tpu.memory_space<vmem>>
      %dma_start3A_101 = arith.constant 0 : i32
      %dma_start3A_102 = arith.constant 0 : i32
      %dma_start3A_103 = tpu.memref_slice %arg11[%dma_start3A_101, %dma_start3A_102] : memref<10240x128xf32, #tpu.memory_space<vmem_shared>> -> memref<10240x128xf32, #tpu.memory_space<vmem_shared>>
      tpu.enqueue_indirect_dma source(%arg9 : memref<128x128xf32, #tpu.memory_space<vmem>>) target(%dma_start3A_103 : memref<10240x128xf32, #tpu.memory_space<vmem_shared>>) offsets(%dma_start3A_100 : memref<128xi32, #tpu.memory_space<vmem>>) semaphore(%arg14 : memref<!tpu.dma_semaphore, #tpu.memory_space<semaphore_mem>>) {add = true}
      %dma_wait3A_104 = arith.constant 1 : i32
      %dma_wait3A_105 = arith.constant 0 : i32
      %dma_wait3A_106 = tpu.memref_slice %arg8[%dma_wait3A_104, %dma_wait3A_105] : memref<8x128xi32, #tpu.memory_space<vmem>> -> memref<1x128xi32, #tpu.memory_space<vmem>>
      %dma_wait3A_107 = tpu.memref_squeeze %dma_wait3A_106 : memref<1x128xi32, #tpu.memory_space<vmem>> -> memref<128xi32, #tpu.memory_space<vmem>>
      %dma_wait3A_108 = arith.constant 0 : i32
      %dma_wait3A_109 = arith.constant 0 : i32
      %dma_wait3A_110 = tpu.memref_slice %arg11[%dma_wait3A_108, %dma_wait3A_109] : memref<10240x128xf32, #tpu.memory_space<vmem_shared>> -> memref<10240x128xf32, #tpu.memory_space<vmem_shared>>
      tpu.wait_indirect_dma semaphore(%arg15 : memref<!tpu.dma_semaphore, #tpu.memory_space<semaphore_mem>>) src(%arg10 : memref<128x128xf32, #tpu.memory_space<vmem>>) dst(%dma_wait3A_110 : memref<10240x128xf32, #tpu.memory_space<vmem_shared>>)
      %dma_start3A_111 = arith.constant 3 : i32
      %dma_start3A_112 = arith.constant 0 : i32
      %dma_start3A_113 = tpu.memref_slice %arg7[%dma_start3A_111, %dma_start3A_112] : memref<8x128xi32, #tpu.memory_space<vmem>> -> memref<1x128xi32, #tpu.memory_space<vmem>>
      %dma_start3A_114 = tpu.memref_squeeze %dma_start3A_113 : memref<1x128xi32, #tpu.memory_space<vmem>> -> memref<128xi32, #tpu.memory_space<vmem>>
      %dma_start3A_115 = arith.constant 0 : i32
      %dma_start3A_116 = arith.constant 0 : i32
      %dma_start3A_117 = tpu.memref_slice %arg2[%dma_start3A_115, %dma_start3A_116] : memref<10240x128xf32, #tpu.memory_space<hbm>> -> memref<10240x128xf32, #tpu.memory_space<hbm>>
      tpu.enqueue_indirect_dma source(%dma_start3A_117 : memref<10240x128xf32, #tpu.memory_space<hbm>>) target(%arg10 : memref<128x128xf32, #tpu.memory_space<vmem>>) offsets(%dma_start3A_114 : memref<128xi32, #tpu.memory_space<vmem>>) semaphore(%arg13 : memref<!tpu.dma_semaphore, #tpu.memory_space<semaphore_mem>>)
      %dma_wait3A_118 = arith.constant 3 : i32
      %dma_wait3A_119 = arith.constant 0 : i32
      %dma_wait3A_120 = tpu.memref_slice %arg7[%dma_wait3A_118, %dma_wait3A_119] : memref<8x128xi32, #tpu.memory_space<vmem>> -> memref<1x128xi32, #tpu.memory_space<vmem>>
      %dma_wait3A_121 = tpu.memref_squeeze %dma_wait3A_120 : memref<1x128xi32, #tpu.memory_space<vmem>> -> memref<128xi32, #tpu.memory_space<vmem>>
      %dma_wait3A_122 = arith.constant 0 : i32
      %dma_wait3A_123 = arith.constant 0 : i32
      %dma_wait3A_124 = tpu.memref_slice %arg2[%dma_wait3A_122, %dma_wait3A_123] : memref<10240x128xf32, #tpu.memory_space<hbm>> -> memref<10240x128xf32, #tpu.memory_space<hbm>>
      tpu.wait_indirect_dma semaphore(%arg13 : memref<!tpu.dma_semaphore, #tpu.memory_space<semaphore_mem>>) src(%dma_wait3A_124 : memref<10240x128xf32, #tpu.memory_space<hbm>>) dst(%arg10 : memref<128x128xf32, #tpu.memory_space<vmem>>)
      %dma_start3A_125 = arith.constant 3 : i32
      %dma_start3A_126 = arith.constant 0 : i32
      %dma_start3A_127 = tpu.memref_slice %arg8[%dma_start3A_125, %dma_start3A_126] : memref<8x128xi32, #tpu.memory_space<vmem>> -> memref<1x128xi32, #tpu.memory_space<vmem>>
      %dma_start3A_128 = tpu.memref_squeeze %dma_start3A_127 : memref<1x128xi32, #tpu.memory_space<vmem>> -> memref<128xi32, #tpu.memory_space<vmem>>
      %dma_start3A_129 = arith.constant 0 : i32
      %dma_start3A_130 = arith.constant 0 : i32
      %dma_start3A_131 = tpu.memref_slice %arg11[%dma_start3A_129, %dma_start3A_130] : memref<10240x128xf32, #tpu.memory_space<vmem_shared>> -> memref<10240x128xf32, #tpu.memory_space<vmem_shared>>
      tpu.enqueue_indirect_dma source(%arg10 : memref<128x128xf32, #tpu.memory_space<vmem>>) target(%dma_start3A_131 : memref<10240x128xf32, #tpu.memory_space<vmem_shared>>) offsets(%dma_start3A_128 : memref<128xi32, #tpu.memory_space<vmem>>) semaphore(%arg15 : memref<!tpu.dma_semaphore, #tpu.memory_space<semaphore_mem>>) {add = true}
      %dma_wait3A_132 = arith.constant 2 : i32
      %dma_wait3A_133 = arith.constant 0 : i32
      %dma_wait3A_134 = tpu.memref_slice %arg8[%dma_wait3A_132, %dma_wait3A_133] : memref<8x128xi32, #tpu.memory_space<vmem>> -> memref<1x128xi32, #tpu.memory_space<vmem>>
      %dma_wait3A_135 = tpu.memref_squeeze %dma_wait3A_134 : memref<1x128xi32, #tpu.memory_space<vmem>> -> memref<128xi32, #tpu.memory_space<vmem>>
      %dma_wait3A_136 = arith.constant 0 : i32
      %dma_wait3A_137 = arith.constant 0 : i32
      %dma_wait3A_138 = tpu.memref_slice %arg11[%dma_wait3A_136, %dma_wait3A_137] : memref<10240x128xf32, #tpu.memory_space<vmem_shared>> -> memref<10240x128xf32, #tpu.memory_space<vmem_shared>>
      tpu.wait_indirect_dma semaphore(%arg14 : memref<!tpu.dma_semaphore, #tpu.memory_space<semaphore_mem>>) src(%arg9 : memref<128x128xf32, #tpu.memory_space<vmem>>) dst(%dma_wait3A_138 : memref<10240x128xf32, #tpu.memory_space<vmem_shared>>)
      %dma_start3A_139 = arith.constant 4 : i32
      %dma_start3A_140 = arith.constant 0 : i32
      %dma_start3A_141 = tpu.memref_slice %arg7[%dma_start3A_139, %dma_start3A_140] : memref<8x128xi32, #tpu.memory_space<vmem>> -> memref<1x128xi32, #tpu.memory_space<vmem>>
      %dma_start3A_142 = tpu.memref_squeeze %dma_start3A_141 : memref<1x128xi32, #tpu.memory_space<vmem>> -> memref<128xi32, #tpu.memory_space<vmem>>
      %dma_start3A_143 = arith.constant 0 : i32
      %dma_start3A_144 = arith.constant 0 : i32
      %dma_start3A_145 = tpu.memref_slice %arg2[%dma_start3A_143, %dma_start3A_144] : memref<10240x128xf32, #tpu.memory_space<hbm>> -> memref<10240x128xf32, #tpu.memory_space<hbm>>
      tpu.enqueue_indirect_dma source(%dma_start3A_145 : memref<10240x128xf32, #tpu.memory_space<hbm>>) target(%arg9 : memref<128x128xf32, #tpu.memory_space<vmem>>) offsets(%dma_start3A_142 : memref<128xi32, #tpu.memory_space<vmem>>) semaphore(%arg12 : memref<!tpu.dma_semaphore, #tpu.memory_space<semaphore_mem>>)
      %dma_wait3A_146 = arith.constant 4 : i32
      %dma_wait3A_147 = arith.constant 0 : i32
      %dma_wait3A_148 = tpu.memref_slice %arg7[%dma_wait3A_146, %dma_wait3A_147] : memref<8x128xi32, #tpu.memory_space<vmem>> -> memref<1x128xi32, #tpu.memory_space<vmem>>
      %dma_wait3A_149 = tpu.memref_squeeze %dma_wait3A_148 : memref<1x128xi32, #tpu.memory_space<vmem>> -> memref<128xi32, #tpu.memory_space<vmem>>
      %dma_wait3A_150 = arith.constant 0 : i32
      %dma_wait3A_151 = arith.constant 0 : i32
      %dma_wait3A_152 = tpu.memref_slice %arg2[%dma_wait3A_150, %dma_wait3A_151] : memref<10240x128xf32, #tpu.memory_space<hbm>> -> memref<10240x128xf32, #tpu.memory_space<hbm>>
      tpu.wait_indirect_dma semaphore(%arg12 : memref<!tpu.dma_semaphore, #tpu.memory_space<semaphore_mem>>) src(%dma_wait3A_152 : memref<10240x128xf32, #tpu.memory_space<hbm>>) dst(%arg9 : memref<128x128xf32, #tpu.memory_space<vmem>>)
      %dma_start3A_153 = arith.constant 4 : i32
      %dma_start3A_154 = arith.constant 0 : i32
      %dma_start3A_155 = tpu.memref_slice %arg8[%dma_start3A_153, %dma_start3A_154] : memref<8x128xi32, #tpu.memory_space<vmem>> -> memref<1x128xi32, #tpu.memory_space<vmem>>
      %dma_start3A_156 = tpu.memref_squeeze %dma_start3A_155 : memref<1x128xi32, #tpu.memory_space<vmem>> -> memref<128xi32, #tpu.memory_space<vmem>>
      %dma_start3A_157 = arith.constant 0 : i32
      %dma_start3A_158 = arith.constant 0 : i32
      %dma_start3A_159 = tpu.memref_slice %arg11[%dma_start3A_157, %dma_start3A_158] : memref<10240x128xf32, #tpu.memory_space<vmem_shared>> -> memref<10240x128xf32, #tpu.memory_space<vmem_shared>>
      tpu.enqueue_indirect_dma source(%arg9 : memref<128x128xf32, #tpu.memory_space<vmem>>) target(%dma_start3A_159 : memref<10240x128xf32, #tpu.memory_space<vmem_shared>>) offsets(%dma_start3A_156 : memref<128xi32, #tpu.memory_space<vmem>>) semaphore(%arg14 : memref<!tpu.dma_semaphore, #tpu.memory_space<semaphore_mem>>) {add = true}
      %dma_wait3A_160 = arith.constant 3 : i32
      %dma_wait3A_161 = arith.constant 0 : i32
      %dma_wait3A_162 = tpu.memref_slice %arg8[%dma_wait3A_160, %dma_wait3A_161] : memref<8x128xi32, #tpu.memory_space<vmem>> -> memref<1x128xi32, #tpu.memory_space<vmem>>
      %dma_wait3A_163 = tpu.memref_squeeze %dma_wait3A_162 : memref<1x128xi32, #tpu.memory_space<vmem>> -> memref<128xi32, #tpu.memory_space<vmem>>
      %dma_wait3A_164 = arith.constant 0 : i32
      %dma_wait3A_165 = arith.constant 0 : i32
      %dma_wait3A_166 = tpu.memref_slice %arg11[%dma_wait3A_164, %dma_wait3A_165] : memref<10240x128xf32, #tpu.memory_space<vmem_shared>> -> memref<10240x128xf32, #tpu.memory_space<vmem_shared>>
      tpu.wait_indirect_dma semaphore(%arg15 : memref<!tpu.dma_semaphore, #tpu.memory_space<semaphore_mem>>) src(%arg10 : memref<128x128xf32, #tpu.memory_space<vmem>>) dst(%dma_wait3A_166 : memref<10240x128xf32, #tpu.memory_space<vmem_shared>>)
      %dma_start3A_167 = arith.constant 5 : i32
      %dma_start3A_168 = arith.constant 0 : i32
      %dma_start3A_169 = tpu.memref_slice %arg7[%dma_start3A_167, %dma_start3A_168] : memref<8x128xi32, #tpu.memory_space<vmem>> -> memref<1x128xi32, #tpu.memory_space<vmem>>
      %dma_start3A_170 = tpu.memref_squeeze %dma_start3A_169 : memref<1x128xi32, #tpu.memory_space<vmem>> -> memref<128xi32, #tpu.memory_space<vmem>>
      %dma_start3A_171 = arith.constant 0 : i32
      %dma_start3A_172 = arith.constant 0 : i32
      %dma_start3A_173 = tpu.memref_slice %arg2[%dma_start3A_171, %dma_start3A_172] : memref<10240x128xf32, #tpu.memory_space<hbm>> -> memref<10240x128xf32, #tpu.memory_space<hbm>>
      tpu.enqueue_indirect_dma source(%dma_start3A_173 : memref<10240x128xf32, #tpu.memory_space<hbm>>) target(%arg10 : memref<128x128xf32, #tpu.memory_space<vmem>>) offsets(%dma_start3A_170 : memref<128xi32, #tpu.memory_space<vmem>>) semaphore(%arg13 : memref<!tpu.dma_semaphore, #tpu.memory_space<semaphore_mem>>)
      %dma_wait3A_174 = arith.constant 5 : i32
      %dma_wait3A_175 = arith.constant 0 : i32
      %dma_wait3A_176 = tpu.memref_slice %arg7[%dma_wait3A_174, %dma_wait3A_175] : memref<8x128xi32, #tpu.memory_space<vmem>> -> memref<1x128xi32, #tpu.memory_space<vmem>>
      %dma_wait3A_177 = tpu.memref_squeeze %dma_wait3A_176 : memref<1x128xi32, #tpu.memory_space<vmem>> -> memref<128xi32, #tpu.memory_space<vmem>>
      %dma_wait3A_178 = arith.constant 0 : i32
      %dma_wait3A_179 = arith.constant 0 : i32
      %dma_wait3A_180 = tpu.memref_slice %arg2[%dma_wait3A_178, %dma_wait3A_179] : memref<10240x128xf32, #tpu.memory_space<hbm>> -> memref<10240x128xf32, #tpu.memory_space<hbm>>
      tpu.wait_indirect_dma semaphore(%arg13 : memref<!tpu.dma_semaphore, #tpu.memory_space<semaphore_mem>>) src(%dma_wait3A_180 : memref<10240x128xf32, #tpu.memory_space<hbm>>) dst(%arg10 : memref<128x128xf32, #tpu.memory_space<vmem>>)
      %dma_start3A_181 = arith.constant 5 : i32
      %dma_start3A_182 = arith.constant 0 : i32
      %dma_start3A_183 = tpu.memref_slice %arg8[%dma_start3A_181, %dma_start3A_182] : memref<8x128xi32, #tpu.memory_space<vmem>> -> memref<1x128xi32, #tpu.memory_space<vmem>>
      %dma_start3A_184 = tpu.memref_squeeze %dma_start3A_183 : memref<1x128xi32, #tpu.memory_space<vmem>> -> memref<128xi32, #tpu.memory_space<vmem>>
      %dma_start3A_185 = arith.constant 0 : i32
      %dma_start3A_186 = arith.constant 0 : i32
      %dma_start3A_187 = tpu.memref_slice %arg11[%dma_start3A_185, %dma_start3A_186] : memref<10240x128xf32, #tpu.memory_space<vmem_shared>> -> memref<10240x128xf32, #tpu.memory_space<vmem_shared>>
      tpu.enqueue_indirect_dma source(%arg10 : memref<128x128xf32, #tpu.memory_space<vmem>>) target(%dma_start3A_187 : memref<10240x128xf32, #tpu.memory_space<vmem_shared>>) offsets(%dma_start3A_184 : memref<128xi32, #tpu.memory_space<vmem>>) semaphore(%arg15 : memref<!tpu.dma_semaphore, #tpu.memory_space<semaphore_mem>>) {add = true}
      %dma_wait3A_188 = arith.constant 4 : i32
      %dma_wait3A_189 = arith.constant 0 : i32
      %dma_wait3A_190 = tpu.memref_slice %arg8[%dma_wait3A_188, %dma_wait3A_189] : memref<8x128xi32, #tpu.memory_space<vmem>> -> memref<1x128xi32, #tpu.memory_space<vmem>>
      %dma_wait3A_191 = tpu.memref_squeeze %dma_wait3A_190 : memref<1x128xi32, #tpu.memory_space<vmem>> -> memref<128xi32, #tpu.memory_space<vmem>>
      %dma_wait3A_192 = arith.constant 0 : i32
      %dma_wait3A_193 = arith.constant 0 : i32
      %dma_wait3A_194 = tpu.memref_slice %arg11[%dma_wait3A_192, %dma_wait3A_193] : memref<10240x128xf32, #tpu.memory_space<vmem_shared>> -> memref<10240x128xf32, #tpu.memory_space<vmem_shared>>
      tpu.wait_indirect_dma semaphore(%arg14 : memref<!tpu.dma_semaphore, #tpu.memory_space<semaphore_mem>>) src(%arg9 : memref<128x128xf32, #tpu.memory_space<vmem>>) dst(%dma_wait3A_194 : memref<10240x128xf32, #tpu.memory_space<vmem_shared>>)
      %dma_start3A_195 = arith.constant 6 : i32
      %dma_start3A_196 = arith.constant 0 : i32
      %dma_start3A_197 = tpu.memref_slice %arg7[%dma_start3A_195, %dma_start3A_196] : memref<8x128xi32, #tpu.memory_space<vmem>> -> memref<1x128xi32, #tpu.memory_space<vmem>>
      %dma_start3A_198 = tpu.memref_squeeze %dma_start3A_197 : memref<1x128xi32, #tpu.memory_space<vmem>> -> memref<128xi32, #tpu.memory_space<vmem>>
      %dma_start3A_199 = arith.constant 0 : i32
      %dma_start3A_200 = arith.constant 0 : i32
      %dma_start3A_201 = tpu.memref_slice %arg2[%dma_start3A_199, %dma_start3A_200] : memref<10240x128xf32, #tpu.memory_space<hbm>> -> memref<10240x128xf32, #tpu.memory_space<hbm>>
      tpu.enqueue_indirect_dma source(%dma_start3A_201 : memref<10240x128xf32, #tpu.memory_space<hbm>>) target(%arg9 : memref<128x128xf32, #tpu.memory_space<vmem>>) offsets(%dma_start3A_198 : memref<128xi32, #tpu.memory_space<vmem>>) semaphore(%arg12 : memref<!tpu.dma_semaphore, #tpu.memory_space<semaphore_mem>>)
      %dma_wait3A_202 = arith.constant 6 : i32
      %dma_wait3A_203 = arith.constant 0 : i32
      %dma_wait3A_204 = tpu.memref_slice %arg7[%dma_wait3A_202, %dma_wait3A_203] : memref<8x128xi32, #tpu.memory_space<vmem>> -> memref<1x128xi32, #tpu.memory_space<vmem>>
      %dma_wait3A_205 = tpu.memref_squeeze %dma_wait3A_204 : memref<1x128xi32, #tpu.memory_space<vmem>> -> memref<128xi32, #tpu.memory_space<vmem>>
      %dma_wait3A_206 = arith.constant 0 : i32
      %dma_wait3A_207 = arith.constant 0 : i32
      %dma_wait3A_208 = tpu.memref_slice %arg2[%dma_wait3A_206, %dma_wait3A_207] : memref<10240x128xf32, #tpu.memory_space<hbm>> -> memref<10240x128xf32, #tpu.memory_space<hbm>>
      tpu.wait_indirect_dma semaphore(%arg12 : memref<!tpu.dma_semaphore, #tpu.memory_space<semaphore_mem>>) src(%dma_wait3A_208 : memref<10240x128xf32, #tpu.memory_space<hbm>>) dst(%arg9 : memref<128x128xf32, #tpu.memory_space<vmem>>)
      %dma_start3A_209 = arith.constant 6 : i32
      %dma_start3A_210 = arith.constant 0 : i32
      %dma_start3A_211 = tpu.memref_slice %arg8[%dma_start3A_209, %dma_start3A_210] : memref<8x128xi32, #tpu.memory_space<vmem>> -> memref<1x128xi32, #tpu.memory_space<vmem>>
      %dma_start3A_212 = tpu.memref_squeeze %dma_start3A_211 : memref<1x128xi32, #tpu.memory_space<vmem>> -> memref<128xi32, #tpu.memory_space<vmem>>
      %dma_start3A_213 = arith.constant 0 : i32
      %dma_start3A_214 = arith.constant 0 : i32
      %dma_start3A_215 = tpu.memref_slice %arg11[%dma_start3A_213, %dma_start3A_214] : memref<10240x128xf32, #tpu.memory_space<vmem_shared>> -> memref<10240x128xf32, #tpu.memory_space<vmem_shared>>
      tpu.enqueue_indirect_dma source(%arg9 : memref<128x128xf32, #tpu.memory_space<vmem>>) target(%dma_start3A_215 : memref<10240x128xf32, #tpu.memory_space<vmem_shared>>) offsets(%dma_start3A_212 : memref<128xi32, #tpu.memory_space<vmem>>) semaphore(%arg14 : memref<!tpu.dma_semaphore, #tpu.memory_space<semaphore_mem>>) {add = true}
      %dma_wait3A_216 = arith.constant 5 : i32
      %dma_wait3A_217 = arith.constant 0 : i32
      %dma_wait3A_218 = tpu.memref_slice %arg8[%dma_wait3A_216, %dma_wait3A_217] : memref<8x128xi32, #tpu.memory_space<vmem>> -> memref<1x128xi32, #tpu.memory_space<vmem>>
      %dma_wait3A_219 = tpu.memref_squeeze %dma_wait3A_218 : memref<1x128xi32, #tpu.memory_space<vmem>> -> memref<128xi32, #tpu.memory_space<vmem>>
      %dma_wait3A_220 = arith.constant 0 : i32
      %dma_wait3A_221 = arith.constant 0 : i32
      %dma_wait3A_222 = tpu.memref_slice %arg11[%dma_wait3A_220, %dma_wait3A_221] : memref<10240x128xf32, #tpu.memory_space<vmem_shared>> -> memref<10240x128xf32, #tpu.memory_space<vmem_shared>>
      tpu.wait_indirect_dma semaphore(%arg15 : memref<!tpu.dma_semaphore, #tpu.memory_space<semaphore_mem>>) src(%arg10 : memref<128x128xf32, #tpu.memory_space<vmem>>) dst(%dma_wait3A_222 : memref<10240x128xf32, #tpu.memory_space<vmem_shared>>)
      %dma_start3A_223 = arith.constant 7 : i32
      %dma_start3A_224 = arith.constant 0 : i32
      %dma_start3A_225 = tpu.memref_slice %arg7[%dma_start3A_223, %dma_start3A_224] : memref<8x128xi32, #tpu.memory_space<vmem>> -> memref<1x128xi32, #tpu.memory_space<vmem>>
      %dma_start3A_226 = tpu.memref_squeeze %dma_start3A_225 : memref<1x128xi32, #tpu.memory_space<vmem>> -> memref<128xi32, #tpu.memory_space<vmem>>
      %dma_start3A_227 = arith.constant 0 : i32
      %dma_start3A_228 = arith.constant 0 : i32
      %dma_start3A_229 = tpu.memref_slice %arg2[%dma_start3A_227, %dma_start3A_228] : memref<10240x128xf32, #tpu.memory_space<hbm>> -> memref<10240x128xf32, #tpu.memory_space<hbm>>
      tpu.enqueue_indirect_dma source(%dma_start3A_229 : memref<10240x128xf32, #tpu.memory_space<hbm>>) target(%arg10 : memref<128x128xf32, #tpu.memory_space<vmem>>) offsets(%dma_start3A_226 : memref<128xi32, #tpu.memory_space<vmem>>) semaphore(%arg13 : memref<!tpu.dma_semaphore, #tpu.memory_space<semaphore_mem>>)
      %dma_wait3A_230 = arith.constant 7 : i32
      %dma_wait3A_231 = arith.constant 0 : i32
      %dma_wait3A_232 = tpu.memref_slice %arg7[%dma_wait3A_230, %dma_wait3A_231] : memref<8x128xi32, #tpu.memory_space<vmem>> -> memref<1x128xi32, #tpu.memory_space<vmem>>
      %dma_wait3A_233 = tpu.memref_squeeze %dma_wait3A_232 : memref<1x128xi32, #tpu.memory_space<vmem>> -> memref<128xi32, #tpu.memory_space<vmem>>
      %dma_wait3A_234 = arith.constant 0 : i32
      %dma_wait3A_235 = arith.constant 0 : i32
      %dma_wait3A_236 = tpu.memref_slice %arg2[%dma_wait3A_234, %dma_wait3A_235] : memref<10240x128xf32, #tpu.memory_space<hbm>> -> memref<10240x128xf32, #tpu.memory_space<hbm>>
      tpu.wait_indirect_dma semaphore(%arg13 : memref<!tpu.dma_semaphore, #tpu.memory_space<semaphore_mem>>) src(%dma_wait3A_236 : memref<10240x128xf32, #tpu.memory_space<hbm>>) dst(%arg10 : memref<128x128xf32, #tpu.memory_space<vmem>>)
      %dma_start3A_237 = arith.constant 7 : i32
      %dma_start3A_238 = arith.constant 0 : i32
      %dma_start3A_239 = tpu.memref_slice %arg8[%dma_start3A_237, %dma_start3A_238] : memref<8x128xi32, #tpu.memory_space<vmem>> -> memref<1x128xi32, #tpu.memory_space<vmem>>
      %dma_start3A_240 = tpu.memref_squeeze %dma_start3A_239 : memref<1x128xi32, #tpu.memory_space<vmem>> -> memref<128xi32, #tpu.memory_space<vmem>>
      %dma_start3A_241 = arith.constant 0 : i32
      %dma_start3A_242 = arith.constant 0 : i32
      %dma_start3A_243 = tpu.memref_slice %arg11[%dma_start3A_241, %dma_start3A_242] : memref<10240x128xf32, #tpu.memory_space<vmem_shared>> -> memref<10240x128xf32, #tpu.memory_space<vmem_shared>>
      tpu.enqueue_indirect_dma source(%arg10 : memref<128x128xf32, #tpu.memory_space<vmem>>) target(%dma_start3A_243 : memref<10240x128xf32, #tpu.memory_space<vmem_shared>>) offsets(%dma_start3A_240 : memref<128xi32, #tpu.memory_space<vmem>>) semaphore(%arg15 : memref<!tpu.dma_semaphore, #tpu.memory_space<semaphore_mem>>) {add = true}
      %dma_wait3A_244 = arith.constant 6 : i32
      %dma_wait3A_245 = arith.constant 0 : i32
      %dma_wait3A_246 = tpu.memref_slice %arg8[%dma_wait3A_244, %dma_wait3A_245] : memref<8x128xi32, #tpu.memory_space<vmem>> -> memref<1x128xi32, #tpu.memory_space<vmem>>
      %dma_wait3A_247 = tpu.memref_squeeze %dma_wait3A_246 : memref<1x128xi32, #tpu.memory_space<vmem>> -> memref<128xi32, #tpu.memory_space<vmem>>
      %dma_wait3A_248 = arith.constant 0 : i32
      %dma_wait3A_249 = arith.constant 0 : i32
      %dma_wait3A_250 = tpu.memref_slice %arg11[%dma_wait3A_248, %dma_wait3A_249] : memref<10240x128xf32, #tpu.memory_space<vmem_shared>> -> memref<10240x128xf32, #tpu.memory_space<vmem_shared>>
      tpu.wait_indirect_dma semaphore(%arg14 : memref<!tpu.dma_semaphore, #tpu.memory_space<semaphore_mem>>) src(%arg9 : memref<128x128xf32, #tpu.memory_space<vmem>>) dst(%dma_wait3A_250 : memref<10240x128xf32, #tpu.memory_space<vmem_shared>>)
      %dma_wait3A_251 = arith.constant 7 : i32
      %dma_wait3A_252 = arith.constant 0 : i32
      %dma_wait3A_253 = tpu.memref_slice %arg8[%dma_wait3A_251, %dma_wait3A_252] : memref<8x128xi32, #tpu.memory_space<vmem>> -> memref<1x128xi32, #tpu.memory_space<vmem>>
      %dma_wait3A_254 = tpu.memref_squeeze %dma_wait3A_253 : memref<1x128xi32, #tpu.memory_space<vmem>> -> memref<128xi32, #tpu.memory_space<vmem>>
      %dma_wait3A_255 = arith.constant 0 : i32
      %dma_wait3A_256 = arith.constant 0 : i32
      %dma_wait3A_257 = tpu.memref_slice %arg11[%dma_wait3A_255, %dma_wait3A_256] : memref<10240x128xf32, #tpu.memory_space<vmem_shared>> -> memref<10240x128xf32, #tpu.memory_space<vmem_shared>>
      tpu.wait_indirect_dma semaphore(%arg15 : memref<!tpu.dma_semaphore, #tpu.memory_space<semaphore_mem>>) src(%arg10 : memref<128x128xf32, #tpu.memory_space<vmem>>) dst(%dma_wait3A_257 : memref<10240x128xf32, #tpu.memory_space<vmem_shared>>)
    }
    %scan3A_25 = arith.constant 10 : i32
    %barrier3A_26 = arith.constant 0 : index
    tpu.barrier barrier_id(%barrier3A_26)
    %mul3A_27 = arith.constant 640 : i32
    %mul3A_28 = arith.muli %arg1, %mul3A_27 : i32
    %mul3A_29 = arith.constant 640 : i32
    %mul3A_30 = arith.muli %arg1, %mul3A_29 : i32
    "tpu.region"() ({
      %run_scoped3A = tpu.sem_alloc : memref<!tpu.dma_semaphore, #tpu.memory_space<semaphore_mem>>
      %dma_start3A = arith.constant 0 : i32
      %dma_start3A_31 = tpu.memref_slice %arg6[%arg0, %mul3A_30, %dma_start3A] : memref<2x10240x128xf32, #tpu.memory_space<hbm>> -> memref<1x640x128xf32, #tpu.memory_space<hbm>>
      %dma_start3A_32 = tpu.memref_squeeze %dma_start3A_31 : memref<1x640x128xf32, #tpu.memory_space<hbm>> -> memref<640x128xf32, #tpu.memory_space<hbm>>
      %dma_start3A_33 = arith.constant 0 : i32
      %dma_start3A_34 = tpu.memref_slice %arg11[%mul3A_28, %dma_start3A_33] : memref<10240x128xf32, #tpu.memory_space<vmem_shared>> -> memref<640x128xf32, #tpu.memory_space<vmem_shared>>
      tpu.enqueue_dma source(%dma_start3A_34 : memref<640x128xf32, #tpu.memory_space<vmem_shared>>) target(%dma_start3A_32 : memref<640x128xf32, #tpu.memory_space<hbm>>) target_semaphore(%run_scoped3A : memref<!tpu.dma_semaphore, #tpu.memory_space<semaphore_mem>>)
      %dma_wait3A = arith.constant 0 : i32
      %dma_wait3A_35 = tpu.memref_slice %arg6[%arg0, %mul3A_30, %dma_wait3A] : memref<2x10240x128xf32, #tpu.memory_space<hbm>> -> memref<1x640x128xf32, #tpu.memory_space<hbm>>
      %dma_wait3A_36 = tpu.memref_squeeze %dma_wait3A_35 : memref<1x640x128xf32, #tpu.memory_space<hbm>> -> memref<640x128xf32, #tpu.memory_space<hbm>>
      %dma_wait3A_37 = arith.constant 0 : i32
      %dma_wait3A_38 = tpu.memref_slice %arg11[%mul3A_28, %dma_wait3A_37] : memref<10240x128xf32, #tpu.memory_space<vmem_shared>> -> memref<640x128xf32, #tpu.memory_space<vmem_shared>>
      tpu.wait_dma2 semaphore(%run_scoped3A : memref<!tpu.dma_semaphore, #tpu.memory_space<semaphore_mem>>) src(%dma_wait3A_38 : memref<640x128xf32, #tpu.memory_space<vmem_shared>>) dst(%dma_wait3A_36 : memref<640x128xf32, #tpu.memory_space<hbm>>)
      tpu.yield
    }) : () -> ()
    return
  }
}

module attributes {stable_mosaic.version = 14 : i64} {
  func.func @_mm_first_body(%arg0: i32, %arg1: memref<1024x128xf32, #tpu.memory_space<vmem>>, %arg2: memref<1024xf32, #tpu.memory_space<vmem>>, %arg3: memref<128x128xf32, #tpu.memory_space<vmem>>, %arg4: memref<1024x128xf32, #tpu.memory_space<vmem>>) attributes {dimension_semantics = [#tpu.dimension_semantics<arbitrary>], iteration_bounds = array<i64: 10>, scalar_prefetch = 0 : i64, scratch_operands = 0 : i64, tpu.core_type = #tpu.core_type<tc>, window_params = [{transform_indices = @transform_0, window_bounds = array<i64: 1024, 128>}, {transform_indices = @transform_1, window_bounds = array<i64: 1024>}, {pipeline_mode = #tpu.pipeline_mode<synchronous>, transform_indices = @transform_2, window_bounds = array<i64: 128, 128>}, {transform_indices = @transform_3, window_bounds = array<i64: 1024, 128>}]} {
    %get3A = arith.constant 0 : index
    %get3A_0 = vector.load %arg2[%get3A] : memref<1024xf32, #tpu.memory_space<vmem>>, vector<1024xf32>
    %max3A = arith.constant 1.000000e+00 : f32
    %max3A_1 = vector.broadcast %max3A : f32 to vector<1024xf32>
    %max3A_2 = arith.maximumf %get3A_0, %max3A_1 : vector<1024xf32>
    %rsqrt3A = math.rsqrt %max3A_2 : vector<1024xf32>
    %get3A_3 = arith.constant 0 : index
    %get3A_4 = arith.constant 0 : index
    %get3A_5 = vector.load %arg1[%get3A_3, %get3A_4] : memref<1024x128xf32, #tpu.memory_space<vmem>>, vector<1024x128xf32>
    %broadcast_in_dim3A = vector.shape_cast %rsqrt3A : vector<1024xf32> to vector<1024x1xf32>
    %mul3A = vector.broadcast %broadcast_in_dim3A : vector<1024x1xf32> to vector<1024x128xf32>
    %mul3A_6 = arith.mulf %get3A_5, %mul3A : vector<1024x128xf32>
    %get3A_7 = arith.constant 0 : index
    %get3A_8 = arith.constant 0 : index
    %get3A_9 = vector.load %arg3[%get3A_7, %get3A_8] : memref<128x128xf32, #tpu.memory_space<vmem>>, vector<128x128xf32>
    %dot_general3A = arith.constant dense<0.000000e+00> : vector<1024x128xf32>
    %dot_general3A_10 = tpu.matmul %mul3A_6, %get3A_9, %dot_general3A {dimension_numbers = #tpu.dot_dimension_numbers<[1], [0], [0], [1], [0, 0, 1, 1], [], []>, transpose_lhs_hint = false} : vector<1024x128xf32>, vector<128x128xf32>, vector<1024x128xf32> -> vector<1024x128xf32>
    %swap3A = arith.constant 0 : index
    %swap3A_11 = arith.constant 0 : index
    %swap3A_12 = vector.load %arg4[%swap3A, %swap3A_11] : memref<1024x128xf32, #tpu.memory_space<vmem>>, vector<1024x128xf32>
    tpu.vector_store %arg4[%swap3A, %swap3A_11], %dot_general3A_10 {strides = array<i32>} : memref<1024x128xf32, #tpu.memory_space<vmem>>, vector<1024x128xf32>,
    return
  }
  func.func @transform_0(%arg0: i32) -> (i32, i32) {
    %c0_i32 = arith.constant 0 : i32
    %c0_i32_0 = arith.constant 0 : i32
    return %arg0, %c0_i32 : i32, i32
  }
  func.func @transform_1(%arg0: i32) -> i32 {
    %c0_i32 = arith.constant 0 : i32
    return %arg0 : i32
  }
  func.func @transform_2(%arg0: i32) -> (i32, i32) {
    %c0_i32 = arith.constant 0 : i32
    %c0_i32_0 = arith.constant 0 : i32
    %c0_i32_1 = arith.constant 0 : i32
    return %c0_i32, %c0_i32_0 : i32, i32
  }
  func.func @transform_3(%arg0: i32) -> (i32, i32) {
    %c0_i32 = arith.constant 0 : i32
    %c0_i32_0 = arith.constant 0 : i32
    return %arg0, %c0_i32 : i32, i32
  }
}

module attributes {stable_mosaic.version = 14 : i64} {
  func.func @_mm_mid_body(%arg0: i32, %arg1: memref<1024x128xf32, #tpu.memory_space<vmem>>, %arg2: memref<1024x128xf32, #tpu.memory_space<vmem>>, %arg3: memref<1024xf32, #tpu.memory_space<vmem>>, %arg4: memref<1024xf32, #tpu.memory_space<vmem>>, %arg5: memref<1x128xf32, #tpu.memory_space<vmem>>, %arg6: memref<128x128xf32, #tpu.memory_space<vmem>>, %arg7: memref<1024x128xf32, #tpu.memory_space<vmem>>) attributes {dimension_semantics = [#tpu.dimension_semantics<arbitrary>], iteration_bounds = array<i64: 10>, scalar_prefetch = 0 : i64, scratch_operands = 0 : i64, tpu.core_type = #tpu.core_type<tc>, window_params = [{transform_indices = @transform_0, window_bounds = array<i64: 1024, 128>}, {transform_indices = @transform_1, window_bounds = array<i64: 1024, 128>}, {transform_indices = @transform_2, window_bounds = array<i64: 1024>}, {transform_indices = @transform_3, window_bounds = array<i64: 1024>}, {pipeline_mode = #tpu.pipeline_mode<synchronous>, transform_indices = @transform_4, window_bounds = array<i64: 1, 128>}, {pipeline_mode = #tpu.pipeline_mode<synchronous>, transform_indices = @transform_5, window_bounds = array<i64: 128, 128>}, {transform_indices = @transform_6, window_bounds = array<i64: 1024, 128>}]} {
    %get3A = arith.constant 0 : index
    %get3A_0 = vector.load %arg3[%get3A] : memref<1024xf32, #tpu.memory_space<vmem>>, vector<1024xf32>
    %max3A = arith.constant 1.000000e+00 : f32
    %max3A_1 = vector.broadcast %max3A : f32 to vector<1024xf32>
    %max3A_2 = arith.maximumf %get3A_0, %max3A_1 : vector<1024xf32>
    %rsqrt3A = math.rsqrt %max3A_2 : vector<1024xf32>
    %get3A_3 = arith.constant 0 : index
    %get3A_4 = vector.load %arg4[%get3A_3] : memref<1024xf32, #tpu.memory_space<vmem>>, vector<1024xf32>
    %max3A_5 = arith.constant 1.000000e+00 : f32
    %max3A_6 = vector.broadcast %max3A_5 : f32 to vector<1024xf32>
    %max3A_7 = arith.maximumf %get3A_4, %max3A_6 : vector<1024xf32>
    %rsqrt3A_8 = math.rsqrt %max3A_7 : vector<1024xf32>
    %get3A_9 = arith.constant 0 : index
    %get3A_10 = arith.constant 0 : index
    %get3A_11 = vector.load %arg1[%get3A_9, %get3A_10] : memref<1024x128xf32, #tpu.memory_space<vmem>>, vector<1024x128xf32>
    %get3A_12 = arith.constant 0 : index
    %get3A_13 = arith.constant 0 : index
    %get3A_14 = vector.load %arg2[%get3A_12, %get3A_13] : memref<1024x128xf32, #tpu.memory_space<vmem>>, vector<1024x128xf32>
    %add3A = arith.addf %get3A_11, %get3A_14 : vector<1024x128xf32>
    %broadcast_in_dim3A = vector.shape_cast %rsqrt3A : vector<1024xf32> to vector<1024x1xf32>
    %mul3A = vector.broadcast %broadcast_in_dim3A : vector<1024x1xf32> to vector<1024x128xf32>
    %mul3A_15 = arith.mulf %add3A, %mul3A : vector<1024x128xf32>
    %get3A_16 = arith.constant 0 : index
    %get3A_17 = arith.constant 0 : index
    %get3A_18 = vector.load %arg5[%get3A_16, %get3A_17] : memref<1x128xf32, #tpu.memory_space<vmem>>, vector<1x128xf32>
    %add3A_19 = vector.broadcast %get3A_18 : vector<1x128xf32> to vector<1024x128xf32>
    %add3A_20 = arith.addf %mul3A_15, %add3A_19 : vector<1024x128xf32>
    %max3A_21 = arith.constant 0.000000e+00 : f32
    %max3A_22 = vector.broadcast %max3A_21 : f32 to vector<1024x128xf32>
    %max3A_23 = arith.maximumf %add3A_20, %max3A_22 : vector<1024x128xf32>
    %broadcast_in_dim3A_24 = vector.shape_cast %rsqrt3A_8 : vector<1024xf32> to vector<1024x1xf32>
    %mul3A_25 = vector.broadcast %broadcast_in_dim3A_24 : vector<1024x1xf32> to vector<1024x128xf32>
    %mul3A_26 = arith.mulf %max3A_23, %mul3A_25 : vector<1024x128xf32>
    %get3A_27 = arith.constant 0 : index
    %get3A_28 = arith.constant 0 : index
    %get3A_29 = vector.load %arg6[%get3A_27, %get3A_28] : memref<128x128xf32, #tpu.memory_space<vmem>>, vector<128x128xf32>
    %dot_general3A = arith.constant dense<0.000000e+00> : vector<1024x128xf32>
    %dot_general3A_30 = tpu.matmul %mul3A_26, %get3A_29, %dot_general3A {dimension_numbers = #tpu.dot_dimension_numbers<[1], [0], [0], [1], [0, 0, 1, 1], [], []>, transpose_lhs_hint = false} : vector<1024x128xf32>, vector<128x128xf32>, vector<1024x128xf32> -> vector<1024x128xf32>
    %swap3A = arith.constant 0 : index
    %swap3A_31 = arith.constant 0 : index
    %swap3A_32 = vector.load %arg7[%swap3A, %swap3A_31] : memref<1024x128xf32, #tpu.memory_space<vmem>>, vector<1024x128xf32>
    tpu.vector_store %arg7[%swap3A, %swap3A_31], %dot_general3A_30 {strides = array<i32>} : memref<1024x128xf32, #tpu.memory_space<vmem>>, vector<1024x128xf32>,
    return
  }
  func.func @transform_0(%arg0: i32) -> (i32, i32) {
    %c0_i32 = arith.constant 0 : i32
    %c0_i32_0 = arith.constant 0 : i32
    return %arg0, %c0_i32 : i32, i32
  }
  func.func @transform_1(%arg0: i32) -> (i32, i32) {
    %c0_i32 = arith.constant 0 : i32
    %c0_i32_0 = arith.constant 0 : i32
    return %arg0, %c0_i32 : i32, i32
  }
  func.func @transform_2(%arg0: i32) -> i32 {
    %c0_i32 = arith.constant 0 : i32
    return %arg0 : i32
  }
  func.func @transform_3(%arg0: i32) -> i32 {
    %c0_i32 = arith.constant 0 : i32
    return %arg0 : i32
  }
  func.func @transform_4(%arg0: i32) -> (i32, i32) {
    %c0_i32 = arith.constant 0 : i32
    %c0_i32_0 = arith.constant 0 : i32
    %c0_i32_1 = arith.constant 0 : i32
    return %c0_i32, %c0_i32_0 : i32, i32
  }
  func.func @transform_5(%arg0: i32) -> (i32, i32) {
    %c0_i32 = arith.constant 0 : i32
    %c0_i32_0 = arith.constant 0 : i32
    %c0_i32_1 = arith.constant 0 : i32
    return %c0_i32, %c0_i32_0 : i32, i32
  }
  func.func @transform_6(%arg0: i32) -> (i32, i32) {
    %c0_i32 = arith.constant 0 : i32
    %c0_i32_0 = arith.constant 0 : i32
    return %arg0, %c0_i32 : i32, i32
  }
}

module attributes {stable_mosaic.version = 14 : i64} {
  func.func @_final_body(%arg0: i32, %arg1: memref<1024x128xf32, #tpu.memory_space<vmem>>, %arg2: memref<1024x128xf32, #tpu.memory_space<vmem>>, %arg3: memref<1024xf32, #tpu.memory_space<vmem>>, %arg4: memref<1x128xf32, #tpu.memory_space<vmem>>, %arg5: memref<1024x128xf32, #tpu.memory_space<vmem>>) attributes {dimension_semantics = [#tpu.dimension_semantics<arbitrary>], iteration_bounds = array<i64: 10>, scalar_prefetch = 0 : i64, scratch_operands = 0 : i64, tpu.core_type = #tpu.core_type<tc>, window_params = [{transform_indices = @transform_0, window_bounds = array<i64: 1024, 128>}, {transform_indices = @transform_1, window_bounds = array<i64: 1024, 128>}, {transform_indices = @transform_2, window_bounds = array<i64: 1024>}, {pipeline_mode = #tpu.pipeline_mode<synchronous>, transform_indices = @transform_3, window_bounds = array<i64: 1, 128>}, {transform_indices = @transform_4, window_bounds = array<i64: 1024, 128>}]} {
    %get3A = arith.constant 0 : index
    %get3A_0 = vector.load %arg3[%get3A] : memref<1024xf32, #tpu.memory_space<vmem>>, vector<1024xf32>
    %max3A = arith.constant 1.000000e+00 : f32
    %max3A_1 = vector.broadcast %max3A : f32 to vector<1024xf32>
    %max3A_2 = arith.maximumf %get3A_0, %max3A_1 : vector<1024xf32>
    %rsqrt3A = math.rsqrt %max3A_2 : vector<1024xf32>
    %get3A_3 = arith.constant 0 : index
    %get3A_4 = arith.constant 0 : index
    %get3A_5 = vector.load %arg1[%get3A_3, %get3A_4] : memref<1024x128xf32, #tpu.memory_space<vmem>>, vector<1024x128xf32>
    %get3A_6 = arith.constant 0 : index
    %get3A_7 = arith.constant 0 : index
    %get3A_8 = vector.load %arg2[%get3A_6, %get3A_7] : memref<1024x128xf32, #tpu.memory_space<vmem>>, vector<1024x128xf32>
    %add3A = arith.addf %get3A_5, %get3A_8 : vector<1024x128xf32>
    %broadcast_in_dim3A = vector.shape_cast %rsqrt3A : vector<1024xf32> to vector<1024x1xf32>
    %mul3A = vector.broadcast %broadcast_in_dim3A : vector<1024x1xf32> to vector<1024x128xf32>
    %mul3A_9 = arith.mulf %add3A, %mul3A : vector<1024x128xf32>
    %get3A_10 = arith.constant 0 : index
    %get3A_11 = arith.constant 0 : index
    %get3A_12 = vector.load %arg4[%get3A_10, %get3A_11] : memref<1x128xf32, #tpu.memory_space<vmem>>, vector<1x128xf32>
    %add3A_13 = vector.broadcast %get3A_12 : vector<1x128xf32> to vector<1024x128xf32>
    %add3A_14 = arith.addf %mul3A_9, %add3A_13 : vector<1024x128xf32>
    %swap3A = arith.constant 0 : index
    %swap3A_15 = arith.constant 0 : index
    %swap3A_16 = vector.load %arg5[%swap3A, %swap3A_15] : memref<1024x128xf32, #tpu.memory_space<vmem>>, vector<1024x128xf32>
    tpu.vector_store %arg5[%swap3A, %swap3A_15], %add3A_14 {strides = array<i32>} : memref<1024x128xf32, #tpu.memory_space<vmem>>, vector<1024x128xf32>,
    return
  }
  func.func @transform_0(%arg0: i32) -> (i32, i32) {
    %c0_i32 = arith.constant 0 : i32
    %c0_i32_0 = arith.constant 0 : i32
    return %arg0, %c0_i32 : i32, i32
  }
  func.func @transform_1(%arg0: i32) -> (i32, i32) {
    %c0_i32 = arith.constant 0 : i32
    %c0_i32_0 = arith.constant 0 : i32
    return %arg0, %c0_i32 : i32, i32
  }
  func.func @transform_2(%arg0: i32) -> i32 {
    %c0_i32 = arith.constant 0 : i32
    return %arg0 : i32
  }
  func.func @transform_3(%arg0: i32) -> (i32, i32) {
    %c0_i32 = arith.constant 0 : i32
    %c0_i32_0 = arith.constant 0 : i32
    %c0_i32_1 = arith.constant 0 : i32
    return %c0_i32, %c0_i32_0 : i32, i32
  }
  func.func @transform_4(%arg0: i32) -> (i32, i32) {
    %c0_i32 = arith.constant 0 : i32
    %c0_i32_0 = arith.constant 0 : i32
    return %arg0, %c0_i32 : i32, i32
  }
}

</mosaic_0001>

<sc_bundles>
// kernel: kernel.10.cloned.1.call-start
scs
__scs_entry_jumppad:
0x0: {  	(pc) =	sbr.rel $0x88, $3  }
0x1: {  	(tag) =	ssettag $0x0;
	lr =	simm.s32 $0x1  }
0x2: {  	[smem:$0x3F99] =	sst lr;
	_ =	strace $0xD0000000  }
0x3: {  	_ = 	snop  }
0x4: {  	_ = 	snop  }
0x5: {  	_ = 	snop  }
0x6: {  	_ = 	snop  }
0x7: {  	_ = 	snop  }
__scs_overlays_trampoline_lowered:
0x8: {  	[smem:$0x3FA8] =	sst s0  }
0x9: {  	[smem:$0x3FA9] =	sst s1  }
0xa: {  	[smem:$0x3FAA] =	sst s2  }
0xb: {  	[smem:$0x3FAB] =	sst s3  }
0xc: {  	[smem:$0x3FAC] =	sst s4  }
0xd: {  	[smem:$0x3FAD] =	sst s5  }
0xe: {  	[smem:$0x3FAE] =	sst s6  }
0xf: {  	[smem:$0x3FAF] =	sst s7  }
0x10: {  	[smem:$0x3FB0] =	sst s8  }
0x11: {  	[smem:$0x3FB1] =	sst s9;
	s0 =	simm.s32 @!p0 $0x0  }
0x12: {  	s1 =	sld [smem:$0x3F97];
	s0 =	simm.s32 @p0 $0x1  }
0x13: {  	[smem:$0x3FB2] =	sst s0;
	s0 =	simm.s32 @!p1 $0x0  }
0x14: {  	s2 =	sld [smem:$0x3F96];
	s0 =	simm.s32 @p1 $0x1  }
0x15: {  	[smem:$0x3FB3] =	sst s0;
	s0 =	simm.s32 @!p2 $0x0  }
0x16: {  	s3 =	sld [smem:$0x3FDB];
	s0 =	simm.s32 @p2 $0x1  }
0x17: {  	s4 =	simm.s32 $0x1BF5;
	[smem:$0x3FB5] =	sst s0  }
0x18: {  	s0 =	sld [smem:$0x3F98];
	_ =	swait.ge [sflag:s4], $0x0  }
0x19: {  	s7 =	sld [smem:$0x3F99]  }
0x1a: {  	s8 =	sadd.s32 $0xFFFFE003, lr  }
0x1b: {  	s9 =	sadd.s32 $0xFFFFFEF7, lr;
	s5 =	simm.s32 $0xFFFFFFFF;
	p2 =	slt.u32 s8, $0xFFFFF086  }
0x1c: {  	p1 =	slt.u32 s9, $0xF7A;
	s5 =	simm.s32 @!p2 $0x0  }
0x1d: {  	s5 =	simm.s32 @p1 $0x1;
	p0 =	seq.s32 s7, s2  }
0x1e: {  	s7 =	smul.u32 @!p0 $0xF7A, s2;
	p2 =	seq.s32 @!p0 s5, $0x0  }
0x1f: {  	s9 =	smul.u32 $0xF7A, s1;
	s8 =	simm.s32 @!p0 $0x1BF5;
	p2 =	por !p2, p0  }
0x20: {  	[sflag:s8] =	ssyncset.s32 @!p0 $0xFFFFF086;
	s6 =	sadd.s32 @!p0 s3, s7;
	s7 =	simm.s32 @!p0 $0x108  }
0x21: {  	s3 =	sadd.s32 s3, s9;
	s6 =	sadd.s32 @!p0 $0x88, s6;
	s7 =	simm.s32 @p2 $0x1082  }
0x22: {  	[simem:s7], [sflag:s8] =	dma.local @!p0 [hbm:s6], $0xF7A  }
0x23: {  	s9 =	sor.u32 $0xD0000000, s2;
	s6 =	simm.s32 $0x108;
	_ =	swait.ge @!p0 [sflag:s8], $0x0  }
0x24: {  	s3 =	sadd.s32 $0x88, s3;
	s6 =	simm.s32 @!p1 $0x1082;
	[sflag:s4] =	ssyncset.s32 $0xFFFFF086  }
0x25: {  	[simem:s6], [sflag:s4] =	dma.local [hbm:s3], $0xF7A  }
0x26: {  	[smem:$0x3F99] =	sst s1;
	(tag) =	ssettag s2;
	_ =	strace s9  }
0x27: {  	s1 =	sld [smem:$0x3FA9]  }
0x28: {  	s2 =	sld [smem:$0x3FAA]  }
0x29: {  	s4 =	sld [smem:$0x3FAC]  }
0x2a: {  	p0 =	seq.s32 s5, $0x0;
	s5 =	sld [smem:$0x3FAD]  }
0x2b: {  	s6 =	sld [smem:$0x3FAE]  }
0x2c: {  	s7 =	sld [smem:$0x3FAF]  }
0x2d: {  	s3 =	simm.s32 $0x108;
	s8 =	sld [smem:$0x3FB0]  }
0x2e: {  	s3 =	simm.s32 @!p0 $0x1082;
	s9 =	sld [smem:$0x3FB1]  }
0x2f: {  	lr =	sadd.s32 s0, s3;
	s0 =	sld [smem:$0x3FA8]  }
0x30: {  	s3 =	sld [smem:$0x3FAB]  }
0x31: {  	[smem:$0x3FB4] =	sst s10  }
0x32: {  	s10 =	sld [smem:$0x3FB2];
	_ =	sdelay $0x3  }
0x33: {  	p0 =	seq.s32 s10, $0x1;
	s10 =	sld [smem:$0x3FB4];
	_ =	sdelay $0x3  }
0x34: {  	[smem:$0x3FB4] =	sst s10  }
0x35: {  	s10 =	sld [smem:$0x3FB3];
	_ =	sdelay $0x3  }
0x36: {  	p1 =	seq.s32 s10, $0x1;
	s10 =	sld [smem:$0x3FB4];
	_ =	sdelay $0x3  }
0x37: {  	[smem:$0x3FB4] =	sst s10  }
0x38: {  	s10 =	sld [smem:$0x3FB5]  }
0x39: {  	_ = 	snop;
	(pc) =	sbr.ind lr, $3  }
0x3a: {  	_ = 	snop  }
0x3b: {  	_ = 	snop  }
0x3c: {  	p2 =	seq.s32 s10, $0x1;
	s10 =	sld [smem:$0x3FB4]  }
0x3d: {  	_ =	shalt  }
0x3e: {  	_ =	shalt  }
0x3f: {  	_ =	shalt  }
0x40: {  	_ =	shalt  }
0x41: {  	_ =	shalt  }
0x42: {  	_ =	shalt  }
0x43: {  	_ =	shalt  }
0x44: {  	_ =	shalt  }
0x45: {  	_ =	shalt  }
0x46: {  	_ =	shalt  }
0x47: {  	_ =	shalt  }
0x48: {  	_ =	shalt  }
0x49: {  	_ =	shalt  }
0x4a: {  	_ =	shalt  }
0x4b: {  	_ =	shalt  }
0x4c: {  	_ =	shalt  }
0x4d: {  	_ =	shalt  }
0x4e: {  	_ =	shalt  }
0x4f: {  	_ =	shalt  }
0x50: {  	_ =	shalt  }
0x51: {  	_ =	shalt  }
0x52: {  	_ =	shalt  }
0x53: {  	_ =	shalt  }
0x54: {  	_ =	shalt  }
0x55: {  	_ =	shalt  }
0x56: {  	_ =	shalt  }
0x57: {  	_ =	shalt  }
0x58: {  	_ =	shalt  }
0x59: {  	_ =	shalt  }
0x5a: {  	_ =	shalt  }
0x5b: {  	_ =	shalt  }
0x5c: {  	_ =	shalt  }
0x5d: {  	_ =	shalt  }
0x5e: {  	_ =	shalt  }
0x5f: {  	_ =	shalt  }
0x60: {  	_ =	shalt  }
0x61: {  	_ =	shalt  }
0x62: {  	_ =	shalt  }
0x63: {  	_ =	shalt  }
0x64: {  	_ =	shalt  }
0x65: {  	_ =	shalt  }
0x66: {  	_ =	shalt  }
0x67: {  	_ =	shalt  }
0x68: {  	_ =	shalt  }
0x69: {  	_ =	shalt  }
0x6a: {  	_ =	shalt  }
0x6b: {  	_ =	shalt  }
0x6c: {  	_ =	shalt  }
0x6d: {  	_ =	shalt  }
0x6e: {  	_ =	shalt  }
0x6f: {  	_ =	shalt  }
0x70: {  	_ =	shalt  }
0x71: {  	_ =	shalt  }
0x72: {  	_ =	shalt  }
0x73: {  	_ =	shalt  }
0x74: {  	_ =	shalt  }
0x75: {  	_ =	shalt  }
0x76: {  	_ =	shalt  }
0x77: {  	_ =	shalt  }
0x78: {  	_ =	shalt  }
0x79: {  	_ =	shalt  }
0x7a: {  	_ =	shalt  }
0x7b: {  	_ =	shalt  }
0x7c: {  	_ =	shalt  }
0x7d: {  	_ =	shalt  }
0x7e: {  	_ =	shalt  }
0x7f: {  	_ =	shalt  }
0x80: {  	_ =	shalt  }
0x81: {  	_ =	shalt  }
0x82: {  	_ =	shalt  }
0x83: {  	_ =	shalt  }
0x84: {  	_ =	shalt  }
0x85: {  	_ =	shalt  }
0x86: {  	_ =	shalt  }
0x87: {  	_ =	shalt  }
.Lfunc_end0:
.L_simem_size_0:
called_computation_lowered:
.L_overlay_start_0:
0x88: {  	s2 =	sld [smem:$0x3FD9]  }
0x89: {  	s3 =	sld [smem:$0x3FFE];
	_ =	sdelay $0x1  }
0x8a: {  	s1 =	srdreg.scid  }
0x8b: {  	s0 =	sand.u32 $0x1, s1  }
0x8c: {  	s17 =	sshll.u32 s0, $0xA;
	s2 =	sadd.s32 s3, s2  }
0x8d: {  	s2 =	sadd.s32 s2, s17  }
0x8e: {  	[smem:$0x3FC0] =	sst s2  }
0x8f: {  	_ = 	snop  }
0x90: {  	s2 =	sld [smem:$0x3FD0];
	(tm) =	ssettm $0x1  }
0x91: {  	s18 =	sld [smem:$0x3FFB];
	_ =	sdelay $0x3  }
0x92: {  	_ =	strace s18  }
0x93: {  	s3 =	sld [smem:$0x3FFC];
	_ =	sdelay $0x3  }
0x94: {  	_ =	strace s3  }
0x95: {  	s3 =	sld [smem:$0x3FFD];
	_ =	sdelay $0x3  }
0x96: {  	_ =	strace s3  }
0x97: {  	_ =	strace $0x8FFFFFFF  }
0x98: {  	s19 =	sld [smem:$0x3FDB];
	_ =	sdelay $0x1  }
0x99: {  	s4 =	simm.s32 $_scs_section_size  }
0x9a: {  	s5 =	simm.s32 $_size__tile_overlayer_lowered;
	s6 =	simm.s32 $_tile_overlayer_lowered  }
0x9b: {  	s22 =	simm.s32 $0x1BFF;
	s21 =	sshll.u32 s6, $0x1;
	s3 =	sadd.s32 s4, s19  }
0x9c: {  	s7 =	simm.s32 $0x0;
	s20 =	sshll.u32 s5, $0x1;
	s5 =	sadd.s32 s21, s3  }
0x9d: {  	[timem:s7], [sflag:s22] =	dma.local [hbm:s5], s20  }
0x9e: {  	_ =	swait.ge [sflag:s22], s20  }
0x9f: {  	s4 =	ssub.s32 $0x0, s20;
	[sflag:s22] =	ssyncset.done $0x0  }
0xa0: {  	[sflag:s22] =	ssyncadd.s32 s4;
	_ =	sdelay $0x1  }
0xa1: {  	s23 =	simm.s32 $0x1B8B  }
0xa2: {  	_ =	swait.ge [sflag:s23], $0x1  }
0xa3: {  	[sflag:s23] =	ssyncset.done $0x0  }
0xa4: {  	s25 =	simm.s32 $0x1B8E;
	s24 =	sld [smem:$0x3FFE];
	[sflag:s23] =	ssyncadd.s32 $0xFFFFFFFF  }
0xa5: {  	s26 =	simm.s32 $execute0_lowered;
	[smem:$0x3FD2] =	sst s25  }
0xa6: {  	s5 =	sshll.u32 s26, $0x1;
	_ =	strace $0x80000046;
	[dreg:$0x1] =	wrdreg $0xFFFFFFFF  }
0xa7: {  	s28 =	simm.s32 $_size_execute0_lowered;
	s3 =	sadd.s32 s3, s5;
	[dreg:$0x0] =	wrdreg $0x0  }
0xa8: {  	s5 =	sshll.u32 s28, $0x1;
	[dreg:$0x2] =	wrdreg s3  }
0xa9: {  	[dreg:$0x3] =	wrdreg s5  }
0xaa: {  	[dreg:$0x4] =	wrdreg $0xC0  }
0xab: {  	_ =	task [dreg:s7], $0x5FFFF  }
0xac: {  	[dreg:$0x1] =	wrdreg $0xFFFFFFFF  }
0xad: {  	[dreg:$0x0] =	wrdreg $0x60  }
0xae: {  	[dreg:$0x2] =	wrdreg s24  }
0xaf: {  	[dreg:$0x3] =	wrdreg s2  }
0xb0: {  	[dreg:$0x4] =	wrdreg $0x90000  }
0xb1: {  	[dreg:$0x5] =	wrdreg $0x9  }
0xb2: {  	_ =	task.clear_ibuf [dreg:s7], $0x6FFFF;
	_ =	strace $0x90000046  }
0xb3: {  	s29 =	simm.s32 $0x9;
	_ =	strace $0x80000048  }
0xb4: {  	_ =	swait.ge [sflag:s29], $0x1  }
0xb5: {  	[sflag:s29] =	ssyncadd.s32 $0xFFFFFFFF  }
0xb6: {  	_ =	strace $0x90000048  }
0xb7: {  	_ =	sfence  }
0xb8: {  	s30 =	sld [smem:$0x0];
	_ =	sdelay $0x2  }
0xb9: {  	s31 =	sshll.u32 s1, $0xD;
	s1 =	sshrl.u32 s1, $0x2  }
0xba: {  	s3 =	sand.u32 $0x4000, s31;
	s1 =	sadd.s32 s1, s30  }
0xbb: {  	s0 =	sor.u32 s3, s0;
	s1 =	sshll.u32 s1, $0x11  }
0xbc: {  	s0 =	sor.u32 s1, s0  }
0xbd: {  	s0 =	sadd.s32 $0x8F2B, s0  }
0xbe: {  	[sflag:s0] =	ssyncadd.remote.s32 $0x1  }
0xbf: {  	_ =	sfence.sel $0xFFFF  }
0xc0: {  	[dreg:$0x0] =	wrdreg $0xFFFFFFFF;
	(pc) =	sbr.abs _section_cstart, $3  }
0xc1: {  	[dreg:$0x1] =	wrdreg $0xFFFFFFFF  }
0xc2: {  	_ =	task.clear_ibuf [dreg:s7], $0x2FFFF;
	_ =	strace $0x9FFFFFFF  }
0xc3: {  	(tm) =	ssettm $0x7FFFFFFF  }
tec
execute0_lowered:
.L_overlay_start_1:
0x0: {  	(tag) =	ssettag $0x1  }
0x1: {  	s6 =	rddreg [dreg:$0x0]  }
0x2: {  	s13 =	rddreg [dreg:$0x1]  }
0x3: {  	s1 =	rddreg [dreg:$0x2]  }
0x4: {  	s0 =	rddreg [dreg:$0x3];
	s3 =	simm.s32 $0x0;
	s2 =	srdreg.scid  }
0x5: {  	s17 =	simm.s32 $0x1;
	s18 =	simm.s32 $0x2;
	s19 =	simm.s32 $0x3  }
0x6: {  	s20 =	simm.s32 $0x4;
	[smem:$0x7FF] =	sst s3;
	s11 =	sand.u32 $0x1, s2  }
0x7: {  	s23 =	simm.s32 $0x0;
	s2 =	stileid.u32;
	s7 =	smul.u32 $0x140000, s11  }
0x8: {  	s14 =	sadd.s32 $0x2000, s6;
	s4 =	sadd.s32 $0xC800, s6;
	s8 =	smul.u32 $0x14000, s2  }
0x9: {  	s5 =	sadd.s32 $0xC000, s6;
	_ =	strace $0x80000047;
	s9 =	smul.u32 $0x50000, s2  }
0xa: {  	s31 =	ssub.s32 $0x2, s11;
	p0 =	seq.s32 s11, $0x1;
	s16 =	smul.u32 $0xA00, s2  }
0xb: {  	s21 =	sshll.u32 s2, $0x6;
	s10 =	sshrl.u32 s31, $0x1;
	s14 =	smov.u32 @p0 s13  }
0xc: {  	s21 =	sor.u32 $0x1C05, s21;
	s7 =	sadd.s32 s8, s7;
	s9 =	sshrl.u32 s9, $0x2  }
0xd: {  	s15 =	ssub.s32 s31, s10;
	s13 =	sadd.s32 s14, s16;
	s7 =	sshrl.u32 s7, $0x3  }
0xe: {  	s14 =	simm.s32 $0x5000;
	s12 =	sadd.s32 s7, s6;
	s6 =	sadd.s32 s9, s1  }
0xf: {  	s16 =	simm.s32 $0x80;
	s7 =	sadd.s32 $0x4000, s6;
	s8 =	sadd.s32 $0x8000, s6  }
0x10: {  	s9 =	sadd.s32 $0xC000, s6;
	s10 =	sadd.s32 $0x10000, s6;
	s11 =	sadd.s32 $0xD000, s12  }
0x11: {  	s12 =	smax.u32 s15, $0x1;
	s15 =	simm.s32 $0x5;
	s22 =	sshrl.u32 s6, $0x3  }
.LBB2_1:
0x12: {  	[tilespmem:s14], [sflag:$0x5] =	stream.linear.gather [hbm4b:s5+s3], $0x4000, $0x38;
	[tilespmem:$0x1D000] =	vst v63  }
0x13: {  	_ =	swait.ge [sflag:s15], $0x4000  }
0x14: {  	[sflag:s15] =	ssyncset.done $0x0  }
0x15: {  	[sflag:s15] =	ssyncadd.s32 $0xFFFFC000  }
0x16: {  	[spmem:s6] =	stream.linear.scatter [tilespmem:s14], [sflag:$0x5], $0x4000, $0x38;
	[tilespmem:$0x1D000] =	vst v63  }
0x17: {  	_ =	swait.ge [sflag:s15], $0x4000  }
0x18: {  	[sflag:s15] =	ssyncset.done $0x0  }
0x19: {  	[sflag:s15] =	ssyncadd.s32 $0xFFFFC000  }
0x1a: {  	[spmem:s7] =	stream.linear.scatter [tilespmem:s14], [sflag:$0x5], $0x4000, $0x38;
	[tilespmem:$0x1D000] =	vst v63  }
0x1b: {  	_ =	swait.ge [sflag:s15], $0x4000  }
0x1c: {  	[sflag:s15] =	ssyncset.done $0x0  }
0x1d: {  	[sflag:s15] =	ssyncadd.s32 $0xFFFFC000  }
0x1e: {  	[spmem:s8] =	stream.linear.scatter [tilespmem:s14], [sflag:$0x5], $0x4000, $0x38;
	[tilespmem:$0x1D000] =	vst v63  }
0x1f: {  	_ =	swait.ge [sflag:s15], $0x4000  }
0x20: {  	[sflag:s15] =	ssyncset.done $0x0  }
0x21: {  	[sflag:s15] =	ssyncadd.s32 $0xFFFFC000  }
0x22: {  	[spmem:s9] =	stream.linear.scatter [tilespmem:s14], [sflag:$0x5], $0x4000, $0x38;
	[tilespmem:$0x1D000] =	vst v63  }
0x23: {  	_ =	swait.ge [sflag:s15], $0x4000  }
0x24: {  	[sflag:s15] =	ssyncset.done $0x0  }
0x25: {  	[sflag:s15] =	ssyncadd.s32 $0xFFFFC000  }
0x26: {  	[spmem:s10] =	stream.linear.scatter [tilespmem:s14], [sflag:$0x5], $0x4000, $0x38;
	[tilespmem:$0x1D000] =	vst v63  }
0x27: {  	_ =	swait.ge [sflag:s15], $0x4000  }
0x28: {  	[sflag:s15] =	ssyncset.done $0x0  }
0x29: {  	[sflag:s15] =	ssyncadd.s32 $0xFFFFC000  }
0x2a: {  	[tilespmem:s3], [sflag:$0x5] =	stream.linear.gather [hbm4b:s13+s3], $0x5000, $0x38;
	[tilespmem:$0x1D000] =	vst v63  }
0x2b: {  	_ =	swait.ge [sflag:s15], $0x5000  }
0x2c: {  	[sflag:s15] =	ssyncset.done $0x0  }
0x2d: {  	[sflag:s15] =	ssyncadd.s32 $0xFFFFB000  }
0x2e: {  	[tilespmem:s14], [sflag:$0x5] =	stream.linear.gather [hbm4b:s4+s3], $0x4000, $0x38;
	[tilespmem:$0x1D000] =	vst v63  }
0x2f: {  	_ =	swait.ge [sflag:s15], $0x4000  }
0x30: {  	[sflag:s15] =	ssyncset.done $0x0  }
0x31: {  	[sflag:s15] =	ssyncadd.s32 $0xFFFFC000  }
0x32: {  	s24 =	simm.s32 $0x0;
	[bflag:$0x0] =	sbarrier.arrive $0xFFFF  }
0x33: {  	[spmem:s1] =	stream.indirect.scatter.add.f32 [tilespmem:s14], [sflag:$0x1], $0x80, s24, s16, $0xb8;
	[tilespmem:$0x1D000] =	vst v63  }
0x34: {  	s29 =	simm.s32 $0x80  }
0x35: {  	[spmem:s1] =	stream.indirect.scatter.add.f32 [tilespmem:s14], [sflag:$0x2], $0x80, s29, s16, $0xb8;
	[tilespmem:$0x1D000] =	vst v63  }
0x36: {  	s30 =	simm.s32 $0x100  }
0x37: {  	[spmem:s1] =	stream.indirect.scatter.add.f32 [tilespmem:s14], [sflag:$0x3], $0x80, s30, s16, $0xb8;
	[tilespmem:$0x1D000] =	vst v63  }
0x38: {  	s31 =	simm.s32 $0x180  }
0x39: {  	[spmem:s1] =	stream.indirect.scatter.add.f32 [tilespmem:s14], [sflag:$0x4], $0x80, s31, s16, $0xb8;
	[tilespmem:$0x1D000] =	vst v63  }
0x3a: {  	_ =	swait.ge [sflag:s17], $0x4000  }
0x3b: {  	[sflag:s17] =	ssyncset.done $0x0  }
0x3c: {  	[sflag:s17] =	ssyncadd.s32 $0xFFFFC000  }
0x3d: {  	_ =	swait.ge [sflag:s18], $0x4000  }
0x3e: {  	[sflag:s18] =	ssyncset.done $0x0  }
0x3f: {  	[sflag:s18] =	ssyncadd.s32 $0xFFFFC000  }
0x40: {  	_ =	swait.ge [sflag:s19], $0x4000  }
0x41: {  	[sflag:s19] =	ssyncset.done $0x0  }
0x42: {  	[sflag:s19] =	ssyncadd.s32 $0xFFFFC000  }
0x43: {  	_ =	swait.ge [sflag:s20], $0x4000  }
0x44: {  	s25 =	simm.s32 $0x1000;
	s24 =	simm.s32 $0x800;
	[sflag:s20] =	ssyncset.done $0x0  }
.LBB2_2:
0x45: {  	s26 =	sshra.s32 s24, $0x2  }
0x46: {  	[sflag:s20] =	ssyncadd.s32 $0xFFFFC000;
	s24 =	smov.u32 s25;
	s28 =	sadd.s32 $0x800, s25  }
0x47: {  	[spmem:s1] =	stream.indirect.scatter.add.f32 [tilespmem:s14], [sflag:$0x1], $0x80, s26, s16, $0xb8;
	[tilespmem:$0x1D000] =	vst v63  }
0x48: {  	p0 =	sne.s32 s25, $0x13800;
	s25 =	sadd.s32 $0x80, s26  }
0x49: {  	[spmem:s1] =	stream.indirect.scatter.add.f32 [tilespmem:s14], [sflag:$0x2], $0x80, s25, s16, $0xb8;
	[tilespmem:$0x1D000] =	vst v63  }
0x4a: {  	s25 =	sadd.s32 $0x100, s26  }
0x4b: {  	[spmem:s1] =	stream.indirect.scatter.add.f32 [tilespmem:s14], [sflag:$0x3], $0x80, s25, s16, $0xb8;
	[tilespmem:$0x1D000] =	vst v63  }
0x4c: {  	s25 =	sadd.s32 $0x180, s26  }
0x4d: {  	[spmem:s1] =	stream.indirect.scatter.add.f32 [tilespmem:s14], [sflag:$0x4], $0x80, s25, s16, $0xb8;
	[tilespmem:$0x1D000] =	vst v63  }
0x4e: {  	_ =	swait.ge [sflag:s17], $0x4000  }
0x4f: {  	[sflag:s17] =	ssyncset.done $0x0  }
0x50: {  	[sflag:s17] =	ssyncadd.s32 $0xFFFFC000  }
0x51: {  	_ =	swait.ge [sflag:s18], $0x4000  }
0x52: {  	[sflag:s18] =	ssyncset.done $0x0  }
0x53: {  	[sflag:s18] =	ssyncadd.s32 $0xFFFFC000  }
.Ltmp0:
0x54: {  	_ =	swait.ge [sflag:s19], $0x4000;
	(pc) =	sbr.rel @p0 .LBB2_2-.Ltmp0, $4  }
0x55: {  	[sflag:s19] =	ssyncset.done $0x0  }
0x56: {  	[sflag:s19] =	ssyncadd.s32 $0xFFFFC000  }
0x57: {  	_ =	swait.ge [sflag:s20], $0x4000  }
0x58: {  	s25 =	smov.u32 s28;
	[sflag:s20] =	ssyncset.done $0x0  }
0x59: {  	s24 =	sshra.s32 s24, $0x2;
	[sflag:s20] =	ssyncadd.s32 $0xFFFFC000  }
0x5a: {  	[spmem:s1] =	stream.indirect.scatter.add.f32 [tilespmem:s14], [sflag:$0x1], $0x80, s24, s16, $0xb8;
	[tilespmem:$0x1D000] =	vst v63  }
0x5b: {  	s25 =	sadd.s32 $0x80, s24  }
0x5c: {  	[spmem:s1] =	stream.indirect.scatter.add.f32 [tilespmem:s14], [sflag:$0x2], $0x80, s25, s16, $0xb8;
	[tilespmem:$0x1D000] =	vst v63  }
0x5d: {  	s31 =	sadd.s32 $0x100, s24  }
0x5e: {  	[spmem:s1] =	stream.indirect.scatter.add.f32 [tilespmem:s14], [sflag:$0x3], $0x80, s31, s16, $0xb8;
	[tilespmem:$0x1D000] =	vst v63  }
0x5f: {  	s24 =	sadd.s32 $0x180, s24  }
0x60: {  	[spmem:s1] =	stream.indirect.scatter.add.f32 [tilespmem:s14], [sflag:$0x4], $0x80, s24, s16, $0xb8;
	[tilespmem:$0x1D000] =	vst v63  }
0x61: {  	_ =	swait.ge [sflag:s17], $0x4000  }
0x62: {  	[sflag:s17] =	ssyncset.done $0x0  }
0x63: {  	[sflag:s17] =	ssyncadd.s32 $0xFFFFC000  }
0x64: {  	_ =	swait.ge [sflag:s18], $0x4000  }
0x65: {  	[sflag:s18] =	ssyncset.done $0x0  }
0x66: {  	[sflag:s18] =	ssyncadd.s32 $0xFFFFC000  }
0x67: {  	_ =	swait.ge [sflag:s19], $0x4000  }
0x68: {  	[sflag:s19] =	ssyncset.done $0x0  }
0x69: {  	[sflag:s19] =	ssyncadd.s32 $0xFFFFC000  }
0x6a: {  	_ =	swait.ge [sflag:s20], $0x4000  }
0x6b: {  	s23 =	sadd.s32 $0x1, s23;
	[sflag:s20] =	ssyncset.done $0x0  }
0x6c: {  	p0 =	sne.s32 s23, s12;
	[sflag:s20] =	ssyncadd.s32 $0xFFFFC000  }
.Ltmp1:
0x6d: {  	[bflag:$0x0] =	sbarrier.arrive $0xFFFF;
	(pc) =	sbr.rel @p0 .LBB2_1-.Ltmp1, $4  }
0x6e: {  	[hbm:s11], [sflag:s21] =	dma.local [spmem:s22], $0x2800  }
0x6f: {  	_ =	swait.ge [sflag:s15], $0x2800  }
0x70: {  	[sflag:s15] =	ssyncset.done $0x0  }
0x71: {  	[sflag:s15] =	ssyncadd.s32 $0xFFFFD800  }
0x72: {  	_ =	sfence.sel $0x180000  }
0x73: {  	[bflag:$0x0] =	sbarrier.arrive $0xFFFF  }
0x74: {  	p0 =	sne.s32 s2, $0x0;
	_ =	strace $0x90000047  }
0x75: {  	s0 =	sadd.s32 @!p0 $0x100000, s0;
	[bflag:$0x2] =	sbarrier.arrive $0xFFFF  }
0x76: {  	[sflag:s0] =	ssyncadd.tile.s32 @!p0 $0x1;
	_ =	shalt  }
.Lfunc_end2:
_tile_overlayer_lowered:
.L_overlay_start_2:
0x77: {  	(tag) =	ssettag $0x2  }
0x78: {  	s0 =	rddreg [dreg:$0x0];
	s2 =	stileid.u32  }
0x79: {  	s1 =	rddreg [dreg:$0x1];
	p0 =	sne.s32 s2, $0x0  }
0x7a: {  	s3 =	rddreg [dreg:$0x2];
	[bflag:$0x3] =	sbarrier.arrive $0xFFFF;
	s2 =	simm.s32 @!p0 $0x1C05  }
0x7b: {  	[timem:s3], [sflag:s2] =	dma.local @!p0 [hbm:s0], s1  }
0x7c: {  	s0 =	simm.s32 @!p0 $0x5  }
0x7d: {  	_ =	swait.ge @!p0 [sflag:s0], s1  }
0x7e: {  	s1 =	ssub.s32 @!p0 $0x0, s1;
	[sflag:s0] =	ssyncset.done @!p0 $0x0  }
0x7f: {  	[sflag:s0] =	ssyncadd.s32 @!p0 s1  }
0x80: {  	[bflag:$0x3] =	sbarrier.arrive $0xFFFF  }
0x81: {  	_ =	shalt  }

// kernel: kernel.13.cloned.1.call-start
scs
__scs_entry_jumppad:
0x0: {  	(pc) =	sbr.rel $0x88, $3  }
0x1: {  	(tag) =	ssettag $0x0;
	lr =	simm.s32 $0x1  }
0x2: {  	[smem:$0x3F99] =	sst lr;
	_ =	strace $0xD0000000  }
0x3: {  	_ = 	snop  }
0x4: {  	_ = 	snop  }
0x5: {  	_ = 	snop  }
0x6: {  	_ = 	snop  }
0x7: {  	_ = 	snop  }
__scs_overlays_trampoline_lowered:
0x8: {  	[smem:$0x3FA8] =	sst s0  }
0x9: {  	[smem:$0x3FA9] =	sst s1  }
0xa: {  	[smem:$0x3FAA] =	sst s2  }
0xb: {  	[smem:$0x3FAB] =	sst s3  }
0xc: {  	[smem:$0x3FAC] =	sst s4  }
0xd: {  	[smem:$0x3FAD] =	sst s5  }
0xe: {  	[smem:$0x3FAE] =	sst s6  }
0xf: {  	[smem:$0x3FAF] =	sst s7  }
0x10: {  	[smem:$0x3FB0] =	sst s8  }
0x11: {  	[smem:$0x3FB1] =	sst s9;
	s0 =	simm.s32 @!p0 $0x0  }
0x12: {  	s1 =	sld [smem:$0x3F97];
	s0 =	simm.s32 @p0 $0x1  }
0x13: {  	[smem:$0x3FB2] =	sst s0;
	s0 =	simm.s32 @!p1 $0x0  }
0x14: {  	s2 =	sld [smem:$0x3F96];
	s0 =	simm.s32 @p1 $0x1  }
0x15: {  	[smem:$0x3FB3] =	sst s0;
	s0 =	simm.s32 @!p2 $0x0  }
0x16: {  	s3 =	sld [smem:$0x3FDB];
	s0 =	simm.s32 @p2 $0x1  }
0x17: {  	s4 =	simm.s32 $0x1BF5;
	[smem:$0x3FB5] =	sst s0  }
0x18: {  	s0 =	sld [smem:$0x3F98];
	_ =	swait.ge [sflag:s4], $0x0  }
0x19: {  	s7 =	sld [smem:$0x3F99]  }
0x1a: {  	s8 =	sadd.s32 $0xFFFFE003, lr  }
0x1b: {  	s9 =	sadd.s32 $0xFFFFFEF7, lr;
	s5 =	simm.s32 $0xFFFFFFFF;
	p2 =	slt.u32 s8, $0xFFFFF086  }
0x1c: {  	p1 =	slt.u32 s9, $0xF7A;
	s5 =	simm.s32 @!p2 $0x0  }
0x1d: {  	s5 =	simm.s32 @p1 $0x1;
	p0 =	seq.s32 s7, s2  }
0x1e: {  	s7 =	smul.u32 @!p0 $0xF7A, s2;
	p2 =	seq.s32 @!p0 s5, $0x0  }
0x1f: {  	s9 =	smul.u32 $0xF7A, s1;
	s8 =	simm.s32 @!p0 $0x1BF5;
	p2 =	por !p2, p0  }
0x20: {  	[sflag:s8] =	ssyncset.s32 @!p0 $0xFFFFF086;
	s6 =	sadd.s32 @!p0 s3, s7;
	s7 =	simm.s32 @!p0 $0x108  }
0x21: {  	s3 =	sadd.s32 s3, s9;
	s6 =	sadd.s32 @!p0 $0x88, s6;
	s7 =	simm.s32 @p2 $0x1082  }
0x22: {  	[simem:s7], [sflag:s8] =	dma.local @!p0 [hbm:s6], $0xF7A  }
0x23: {  	s9 =	sor.u32 $0xD0000000, s2;
	s6 =	simm.s32 $0x108;
	_ =	swait.ge @!p0 [sflag:s8], $0x0  }
0x24: {  	s3 =	sadd.s32 $0x88, s3;
	s6 =	simm.s32 @!p1 $0x1082;
	[sflag:s4] =	ssyncset.s32 $0xFFFFF086  }
0x25: {  	[simem:s6], [sflag:s4] =	dma.local [hbm:s3], $0xF7A  }
0x26: {  	[smem:$0x3F99] =	sst s1;
	(tag) =	ssettag s2;
	_ =	strace s9  }
0x27: {  	s1 =	sld [smem:$0x3FA9]  }
0x28: {  	s2 =	sld [smem:$0x3FAA]  }
0x29: {  	s4 =	sld [smem:$0x3FAC]  }
0x2a: {  	p0 =	seq.s32 s5, $0x0;
	s5 =	sld [smem:$0x3FAD]  }
0x2b: {  	s6 =	sld [smem:$0x3FAE]  }
0x2c: {  	s7 =	sld [smem:$0x3FAF]  }
0x2d: {  	s3 =	simm.s32 $0x108;
	s8 =	sld [smem:$0x3FB0]  }
0x2e: {  	s3 =	simm.s32 @!p0 $0x1082;
	s9 =	sld [smem:$0x3FB1]  }
0x2f: {  	lr =	sadd.s32 s0, s3;
	s0 =	sld [smem:$0x3FA8]  }
0x30: {  	s3 =	sld [smem:$0x3FAB]  }
0x31: {  	[smem:$0x3FB4] =	sst s10  }
0x32: {  	s10 =	sld [smem:$0x3FB2];
	_ =	sdelay $0x3  }
0x33: {  	p0 =	seq.s32 s10, $0x1;
	s10 =	sld [smem:$0x3FB4];
	_ =	sdelay $0x3  }
0x34: {  	[smem:$0x3FB4] =	sst s10  }
0x35: {  	s10 =	sld [smem:$0x3FB3];
	_ =	sdelay $0x3  }
0x36: {  	p1 =	seq.s32 s10, $0x1;
	s10 =	sld [smem:$0x3FB4];
	_ =	sdelay $0x3  }
0x37: {  	[smem:$0x3FB4] =	sst s10  }
0x38: {  	s10 =	sld [smem:$0x3FB5]  }
0x39: {  	_ = 	snop;
	(pc) =	sbr.ind lr, $3  }
0x3a: {  	_ = 	snop  }
0x3b: {  	_ = 	snop  }
0x3c: {  	p2 =	seq.s32 s10, $0x1;
	s10 =	sld [smem:$0x3FB4]  }
0x3d: {  	_ =	shalt  }
0x3e: {  	_ =	shalt  }
0x3f: {  	_ =	shalt  }
0x40: {  	_ =	shalt  }
0x41: {  	_ =	shalt  }
0x42: {  	_ =	shalt  }
0x43: {  	_ =	shalt  }
0x44: {  	_ =	shalt  }
0x45: {  	_ =	shalt  }
0x46: {  	_ =	shalt  }
0x47: {  	_ =	shalt  }
0x48: {  	_ =	shalt  }
0x49: {  	_ =	shalt  }
0x4a: {  	_ =	shalt  }
0x4b: {  	_ =	shalt  }
0x4c: {  	_ =	shalt  }
0x4d: {  	_ =	shalt  }
0x4e: {  	_ =	shalt  }
0x4f: {  	_ =	shalt  }
0x50: {  	_ =	shalt  }
0x51: {  	_ =	shalt  }
0x52: {  	_ =	shalt  }
0x53: {  	_ =	shalt  }
0x54: {  	_ =	shalt  }
0x55: {  	_ =	shalt  }
0x56: {  	_ =	shalt  }
0x57: {  	_ =	shalt  }
0x58: {  	_ =	shalt  }
0x59: {  	_ =	shalt  }
0x5a: {  	_ =	shalt  }
0x5b: {  	_ =	shalt  }
0x5c: {  	_ =	shalt  }
0x5d: {  	_ =	shalt  }
0x5e: {  	_ =	shalt  }
0x5f: {  	_ =	shalt  }
0x60: {  	_ =	shalt  }
0x61: {  	_ =	shalt  }
0x62: {  	_ =	shalt  }
0x63: {  	_ =	shalt  }
0x64: {  	_ =	shalt  }
0x65: {  	_ =	shalt  }
0x66: {  	_ =	shalt  }
0x67: {  	_ =	shalt  }
0x68: {  	_ =	shalt  }
0x69: {  	_ =	shalt  }
0x6a: {  	_ =	shalt  }
0x6b: {  	_ =	shalt  }
0x6c: {  	_ =	shalt  }
0x6d: {  	_ =	shalt  }
0x6e: {  	_ =	shalt  }
0x6f: {  	_ =	shalt  }
0x70: {  	_ =	shalt  }
0x71: {  	_ =	shalt  }
0x72: {  	_ =	shalt  }
0x73: {  	_ =	shalt  }
0x74: {  	_ =	shalt  }
0x75: {  	_ =	shalt  }
0x76: {  	_ =	shalt  }
0x77: {  	_ =	shalt  }
0x78: {  	_ =	shalt  }
0x79: {  	_ =	shalt  }
0x7a: {  	_ =	shalt  }
0x7b: {  	_ =	shalt  }
0x7c: {  	_ =	shalt  }
0x7d: {  	_ =	shalt  }
0x7e: {  	_ =	shalt  }
0x7f: {  	_ =	shalt  }
0x80: {  	_ =	shalt  }
0x81: {  	_ =	shalt  }
0x82: {  	_ =	shalt  }
0x83: {  	_ =	shalt  }
0x84: {  	_ =	shalt  }
0x85: {  	_ =	shalt  }
0x86: {  	_ =	shalt  }
0x87: {  	_ =	shalt  }
.Lfunc_end0:
.L_simem_size_0:
called_computation.1_lowered:
.L_overlay_start_0:
0x88: {  	s2 =	sld [smem:$0x3FD9]  }
0x89: {  	s3 =	sld [smem:$0x3FFE];
	_ =	sdelay $0x1  }
0x8a: {  	s1 =	srdreg.scid  }
0x8b: {  	s0 =	sand.u32 $0x1, s1  }
0x8c: {  	s17 =	sshll.u32 s0, $0xA;
	s2 =	sadd.s32 s3, s2  }
0x8d: {  	s2 =	sadd.s32 s2, s17  }
0x8e: {  	[smem:$0x3FC0] =	sst s2  }
0x8f: {  	_ = 	snop  }
0x90: {  	s2 =	sld [smem:$0x3FD0];
	(tm) =	ssettm $0x1  }
0x91: {  	s18 =	sld [smem:$0x3FFB];
	_ =	sdelay $0x3  }
0x92: {  	_ =	strace s18  }
0x93: {  	s3 =	sld [smem:$0x3FFC];
	_ =	sdelay $0x3  }
0x94: {  	_ =	strace s3  }
0x95: {  	s3 =	sld [smem:$0x3FFD];
	_ =	sdelay $0x3  }
0x96: {  	_ =	strace s3  }
0x97: {  	_ =	strace $0x8FFFFFFF  }
0x98: {  	s19 =	sld [smem:$0x3FDB];
	_ =	sdelay $0x1  }
0x99: {  	s4 =	simm.s32 $_scs_section_size  }
0x9a: {  	s5 =	simm.s32 $_size__tile_overlayer_lowered;
	s6 =	simm.s32 $_tile_overlayer_lowered  }
0x9b: {  	s22 =	simm.s32 $0x1BFF;
	s21 =	sshll.u32 s6, $0x1;
	s3 =	sadd.s32 s4, s19  }
0x9c: {  	s7 =	simm.s32 $0x0;
	s20 =	sshll.u32 s5, $0x1;
	s5 =	sadd.s32 s21, s3  }
0x9d: {  	[timem:s7], [sflag:s22] =	dma.local [hbm:s5], s20  }
0x9e: {  	_ =	swait.ge [sflag:s22], s20  }
0x9f: {  	s4 =	ssub.s32 $0x0, s20;
	[sflag:s22] =	ssyncset.done $0x0  }
0xa0: {  	[sflag:s22] =	ssyncadd.s32 s4;
	_ =	sdelay $0x1  }
0xa1: {  	s23 =	simm.s32 $0x1B8B  }
0xa2: {  	_ =	swait.ge [sflag:s23], $0x1  }
0xa3: {  	[sflag:s23] =	ssyncset.done $0x0  }
0xa4: {  	s25 =	simm.s32 $0x1B8E;
	s24 =	sld [smem:$0x3FFE];
	[sflag:s23] =	ssyncadd.s32 $0xFFFFFFFF  }
0xa5: {  	s26 =	simm.s32 $execute0_lowered;
	[smem:$0x3FD2] =	sst s25  }
0xa6: {  	s5 =	sshll.u32 s26, $0x1;
	_ =	strace $0x80000049;
	[dreg:$0x1] =	wrdreg $0xFFFFFFFF  }
0xa7: {  	s28 =	simm.s32 $_size_execute0_lowered;
	s3 =	sadd.s32 s3, s5;
	[dreg:$0x0] =	wrdreg $0x0  }
0xa8: {  	s5 =	sshll.u32 s28, $0x1;
	[dreg:$0x2] =	wrdreg s3  }
0xa9: {  	[dreg:$0x3] =	wrdreg s5  }
0xaa: {  	[dreg:$0x4] =	wrdreg $0xC0  }
0xab: {  	_ =	task [dreg:s7], $0x5FFFF  }
0xac: {  	[dreg:$0x1] =	wrdreg $0xFFFFFFFF  }
0xad: {  	[dreg:$0x0] =	wrdreg $0x60  }
0xae: {  	[dreg:$0x2] =	wrdreg s24  }
0xaf: {  	[dreg:$0x3] =	wrdreg s2  }
0xb0: {  	[dreg:$0x4] =	wrdreg $0x88000  }
0xb1: {  	[dreg:$0x5] =	wrdreg $0x9  }
0xb2: {  	_ =	task.clear_ibuf [dreg:s7], $0x6FFFF;
	_ =	strace $0x90000049  }
0xb3: {  	s29 =	simm.s32 $0x9;
	_ =	strace $0x8000004B  }
0xb4: {  	_ =	swait.ge [sflag:s29], $0x1  }
0xb5: {  	[sflag:s29] =	ssyncadd.s32 $0xFFFFFFFF  }
0xb6: {  	_ =	strace $0x9000004B  }
0xb7: {  	_ =	sfence  }
0xb8: {  	s30 =	sld [smem:$0x0];
	_ =	sdelay $0x2  }
0xb9: {  	s31 =	sshll.u32 s1, $0xD;
	s1 =	sshrl.u32 s1, $0x2  }
0xba: {  	s3 =	sand.u32 $0x4000, s31;
	s1 =	sadd.s32 s1, s30  }
0xbb: {  	s0 =	sor.u32 s3, s0;
	s1 =	sshll.u32 s1, $0x11  }
0xbc: {  	s0 =	sor.u32 s1, s0  }
0xbd: {  	s0 =	sadd.s32 $0x8F2B, s0  }
0xbe: {  	[sflag:s0] =	ssyncadd.remote.s32 $0x1  }
0xbf: {  	_ =	sfence.sel $0xFFFF  }
0xc0: {  	[dreg:$0x0] =	wrdreg $0xFFFFFFFF;
	(pc) =	sbr.abs _section_cstart, $3  }
0xc1: {  	[dreg:$0x1] =	wrdreg $0xFFFFFFFF  }
0xc2: {  	_ =	task.clear_ibuf [dreg:s7], $0x2FFFF;
	_ =	strace $0x9FFFFFFF  }
0xc3: {  	(tm) =	ssettm $0x7FFFFFFF  }
tec
execute0_lowered:
.L_overlay_start_1:
0x0: {  	(tag) =	ssettag $0x1  }
0x1: {  	s0 =	rddreg [dreg:$0x0]  }
0x2: {  	s1 =	rddreg [dreg:$0x1]  }
0x3: {  	s3 =	srdreg.scid;
	s10 =	stileid.u32  }
0x4: {  	s2 =	rddreg [dreg:$0x2];
	s14 =	simm.s32 $0x800;
	s15 =	simm.s32 $0x5  }
0x5: {  	s16 =	simm.s32 $0x400;
	s17 =	simm.s32 $0x80;
	s18 =	simm.s32 $0x1  }
0x6: {  	s19 =	simm.s32 $0x4800;
	s28 =	simm.s32 $0x580;
	s4 =	smul.u32 $0x5000, s10  }
0x7: {  	s29 =	simm.s32 $0x200;
	s30 =	simm.s32 $0x600;
	s8 =	smul.u32 $0x14000, s10  }
0x8: {  	s31 =	simm.s32 $0x280;
	s5 =	sand.u32 $0x1, s3;
	s20 =	smul.u32 $0x50000, s10  }
0x9: {  	s3 =	simm.s32 $0x0;
	s11 =	sadd.s32 $0xC000, s0;
	s6 =	smul.u32 $0x2800, s5  }
0xa: {  	[smem:$0x7FF] =	sst s3;
	s7 =	smul.u32 $0x140000, s5;
	s5 =	ssub.s32 $0x2, s5  }
0xb: {  	_ =	strace $0x8000004A;
	[dreg:$0x5] =	wrdreg s11;
	s22 =	sshrl.u32 s5, $0x1  }
0xc: {  	s6 =	sadd.s32 s6, s4;
	s4 =	sadd.s32 $0xC800, s0;
	s7 =	sadd.s32 s8, s7  }
0xd: {  	s5 =	ssub.s32 s5, s22;
	s22 =	simm.s32 $0x3;
	s8 =	simm.s32 $0x780  }
0xe: {  	s9 =	sshrl.u32 s6, $0x3;
	s7 =	sshrl.u32 s7, $0x3;
	s6 =	sshrl.u32 s20, $0x2  }
0xf: {  	s26 =	smax.u32 s5, $0x1;
	s20 =	simm.s32 $0x2;
	s5 =	simm.s32 $0x700  }
0x10: {  	s21 =	sadd.s32 s9, s0;
	s1 =	sadd.s32 s9, s1;
	[dreg:$0xc] =	wrdreg s26  }
0x11: {  	s0 =	sadd.s32 s7, s0;
	s11 =	sadd.s32 s6, s2;
	[dreg:$0x4] =	wrdreg s1  }
0x12: {  	s26 =	simm.s32 $0x180;
	s6 =	sadd.s32 $0x4000, s11;
	[dreg:$0x6] =	wrdreg s11  }
0x13: {  	s7 =	simm.s32 $0x380;
	s23 =	sadd.s32 $0x8000, s11;
	[dreg:$0x7] =	wrdreg s6  }
0x14: {  	s9 =	simm.s32 $0x0;
	s24 =	sadd.s32 $0xC000, s11;
	[dreg:$0x8] =	wrdreg s23  }
0x15: {  	s25 =	sadd.s32 $0x10000, s11;
	s0 =	sadd.s32 $0x34800, s0;
	[dreg:$0x9] =	wrdreg s24  }
0x16: {  	s13 =	sadd.s32 $0x2000, s21;
	s21 =	simm.s32 $0x480;
	[dreg:$0xa] =	wrdreg s25  }
0x17: {  	s1 =	simm.s32 $0x680;
	[dreg:$0xb] =	wrdreg s0;
	s23 =	simm.s32 $0x100  }
0x18: {  	s24 =	simm.s32 $0x500;
	s25 =	simm.s32 $0x4;
	s0 =	simm.s32 $0x300  }
.LBB2_1:
0x19: {  	[dreg:$0xd] =	wrdreg s9  }
0x1a: {  	s6 =	rddreg [dreg:$0x5]  }
0x1b: {  	[tilespmem:s14], [sflag:$0x5] =	stream.linear.gather [hbm4b:s6+s3], $0x4000, $0x38;
	[tilespmem:$0x1C800] =	vst v63  }
0x1c: {  	_ =	swait.ge [sflag:s15], $0x4000  }
0x1d: {  	[sflag:s15] =	ssyncset.done $0x0  }
0x1e: {  	[sflag:s15] =	ssyncadd.s32 $0xFFFFC000  }
0x1f: {  	[spmem:s11] =	stream.linear.scatter [tilespmem:s14], [sflag:$0x5], $0x4000, $0x38;
	[tilespmem:$0x1C800] =	vst v63  }
0x20: {  	_ =	swait.ge [sflag:s15], $0x4000  }
0x21: {  	[sflag:s15] =	ssyncset.done $0x0  }
0x22: {  	s12 =	rddreg [dreg:$0x7];
	[sflag:s15] =	ssyncadd.s32 $0xFFFFC000  }
0x23: {  	[spmem:s12] =	stream.linear.scatter [tilespmem:s14], [sflag:$0x5], $0x4000, $0x38;
	[tilespmem:$0x1C800] =	vst v63  }
0x24: {  	_ =	swait.ge [sflag:s15], $0x4000  }
0x25: {  	[sflag:s15] =	ssyncset.done $0x0  }
0x26: {  	s9 =	rddreg [dreg:$0x8];
	[sflag:s15] =	ssyncadd.s32 $0xFFFFC000  }
0x27: {  	[spmem:s9] =	stream.linear.scatter [tilespmem:s14], [sflag:$0x5], $0x4000, $0x38;
	[tilespmem:$0x1C800] =	vst v63  }
0x28: {  	_ =	swait.ge [sflag:s15], $0x4000  }
0x29: {  	[sflag:s15] =	ssyncset.done $0x0  }
0x2a: {  	s10 =	rddreg [dreg:$0x9];
	[sflag:s15] =	ssyncadd.s32 $0xFFFFC000  }
0x2b: {  	[spmem:s10] =	stream.linear.scatter [tilespmem:s14], [sflag:$0x5], $0x4000, $0x38;
	[tilespmem:$0x1C800] =	vst v63  }
0x2c: {  	_ =	swait.ge [sflag:s15], $0x4000  }
0x2d: {  	[sflag:s15] =	ssyncset.done $0x0  }
0x2e: {  	s11 =	rddreg [dreg:$0xa];
	[sflag:s15] =	ssyncadd.s32 $0xFFFFC000  }
0x2f: {  	[spmem:s11] =	stream.linear.scatter [tilespmem:s14], [sflag:$0x5], $0x4000, $0x38;
	[tilespmem:$0x1C800] =	vst v63  }
0x30: {  	_ =	swait.ge [sflag:s15], $0x4000  }
0x31: {  	[sflag:s15] =	ssyncset.done $0x0  }
0x32: {  	[sflag:s15] =	ssyncadd.s32 $0xFFFFC000  }
0x33: {  	s10 =	sadd.s32 $0x0, s13;
	[bflag:$0x0] =	sbarrier.arrive $0xFFFF  }
0x34: {  	[tilespmem:s3], [sflag:$0x5] =	stream.linear.gather [hbm4b:s10+s3], $0x400, $0x38;
	[tilespmem:$0x1C800] =	vst v63  }
0x35: {  	_ =	swait.ge [sflag:s15], $0x400  }
0x36: {  	s12 =	rddreg [dreg:$0x4];
	[sflag:s15] =	ssyncset.done $0x0  }
0x37: {  	[sflag:s15] =	ssyncadd.s32 $0xFFFFFC00;
	s10 =	sadd.s32 $0x0, s12  }
0x38: {  	[tilespmem:s16], [sflag:$0x5] =	stream.linear.gather [hbm4b:s10+s3], $0x400, $0x38;
	[tilespmem:$0x1C800] =	vst v63  }
0x39: {  	_ =	swait.ge [sflag:s15], $0x400  }
0x3a: {  	[sflag:s15] =	ssyncset.done $0x0  }
0x3b: {  	[sflag:s15] =	ssyncadd.s32 $0xFFFFFC00  }
0x3c: {  	[tilespmem:s14], [sflag:$0x1] =	stream.indirect.gather [hbm4b:s4+s17], $0x80, s3, s17, $0xb8;
	[tilespmem:$0x1C800] =	vst v63  }
0x3d: {  	_ =	swait.ge [sflag:s18], $0x4000  }
0x3e: {  	[sflag:s18] =	ssyncset.done $0x0  }
0x3f: {  	[sflag:s18] =	ssyncadd.s32 $0xFFFFC000  }
0x40: {  	[spmem:s2] =	stream.indirect.scatter.add.f32 [tilespmem:s14], [sflag:$0x3], $0x80, s16, s17, $0xb8;
	[tilespmem:$0x1C800] =	vst v63  }
0x41: {  	_ = 	snop  }
0x42: {  	[tilespmem:s19], [sflag:$0x2] =	stream.indirect.gather [hbm4b:s4+s17], $0x80, s17, s17, $0xb8;
	[tilespmem:$0x1C800] =	vst v63  }
0x43: {  	_ =	swait.ge [sflag:s20], $0x4000  }
0x44: {  	[sflag:s20] =	ssyncset.done $0x0  }
0x45: {  	[sflag:s20] =	ssyncadd.s32 $0xFFFFC000  }
0x46: {  	[spmem:s2] =	stream.indirect.scatter.add.f32 [tilespmem:s19], [sflag:$0x4], $0x80, s21, s17, $0xb8;
	[tilespmem:$0x1C800] =	vst v63  }
0x47: {  	_ =	swait.ge [sflag:s22], $0x4000  }
0x48: {  	[sflag:s22] =	ssyncset.done $0x0  }
0x49: {  	[sflag:s22] =	ssyncadd.s32 $0xFFFFC000  }
0x4a: {  	[tilespmem:s14], [sflag:$0x1] =	stream.indirect.gather [hbm4b:s4+s17], $0x80, s23, s17, $0xb8;
	[tilespmem:$0x1C800] =	vst v63  }
0x4b: {  	_ =	swait.ge [sflag:s18], $0x4000  }
0x4c: {  	[sflag:s18] =	ssyncset.done $0x0  }
0x4d: {  	[sflag:s18] =	ssyncadd.s32 $0xFFFFC000  }
0x4e: {  	[spmem:s2] =	stream.indirect.scatter.add.f32 [tilespmem:s14], [sflag:$0x3], $0x80, s24, s17, $0xb8;
	[tilespmem:$0x1C800] =	vst v63  }
0x4f: {  	_ =	swait.ge [sflag:s25], $0x4000  }
0x50: {  	[sflag:s25] =	ssyncset.done $0x0  }
0x51: {  	[sflag:s25] =	ssyncadd.s32 $0xFFFFC000  }
0x52: {  	[tilespmem:s19], [sflag:$0x2] =	stream.indirect.gather [hbm4b:s4+s17], $0x80, s26, s17, $0xb8;
	[tilespmem:$0x1C800] =	vst v63  }
0x53: {  	_ =	swait.ge [sflag:s20], $0x4000  }
0x54: {  	[sflag:s20] =	ssyncset.done $0x0  }
0x55: {  	[sflag:s20] =	ssyncadd.s32 $0xFFFFC000  }
0x56: {  	[spmem:s2] =	stream.indirect.scatter.add.f32 [tilespmem:s19], [sflag:$0x4], $0x80, s28, s17, $0xb8;
	[tilespmem:$0x1C800] =	vst v63  }
0x57: {  	_ =	swait.ge [sflag:s22], $0x4000  }
0x58: {  	[sflag:s22] =	ssyncset.done $0x0  }
0x59: {  	[sflag:s22] =	ssyncadd.s32 $0xFFFFC000  }
0x5a: {  	[tilespmem:s14], [sflag:$0x1] =	stream.indirect.gather [hbm4b:s4+s17], $0x80, s29, s17, $0xb8;
	[tilespmem:$0x1C800] =	vst v63  }
0x5b: {  	_ =	swait.ge [sflag:s18], $0x4000  }
0x5c: {  	[sflag:s18] =	ssyncset.done $0x0  }
0x5d: {  	[sflag:s18] =	ssyncadd.s32 $0xFFFFC000  }
0x5e: {  	[spmem:s2] =	stream.indirect.scatter.add.f32 [tilespmem:s14], [sflag:$0x3], $0x80, s30, s17, $0xb8;
	[tilespmem:$0x1C800] =	vst v63  }
0x5f: {  	_ =	swait.ge [sflag:s25], $0x4000  }
0x60: {  	[sflag:s25] =	ssyncset.done $0x0  }
0x61: {  	[sflag:s25] =	ssyncadd.s32 $0xFFFFC000  }
0x62: {  	[tilespmem:s19], [sflag:$0x2] =	stream.indirect.gather [hbm4b:s4+s17], $0x80, s31, s17, $0xb8;
	[tilespmem:$0x1C800] =	vst v63  }
0x63: {  	_ =	swait.ge [sflag:s20], $0x4000  }
0x64: {  	[sflag:s20] =	ssyncset.done $0x0  }
0x65: {  	[sflag:s20] =	ssyncadd.s32 $0xFFFFC000  }
0x66: {  	[spmem:s2] =	stream.indirect.scatter.add.f32 [tilespmem:s19], [sflag:$0x4], $0x80, s1, s17, $0xb8;
	[tilespmem:$0x1C800] =	vst v63  }
0x67: {  	_ =	swait.ge [sflag:s22], $0x4000  }
0x68: {  	[sflag:s22] =	ssyncset.done $0x0  }
0x69: {  	[sflag:s22] =	ssyncadd.s32 $0xFFFFC000  }
0x6a: {  	[tilespmem:s14], [sflag:$0x1] =	stream.indirect.gather [hbm4b:s4+s17], $0x80, s0, s17, $0xb8;
	[tilespmem:$0x1C800] =	vst v63  }
0x6b: {  	_ =	swait.ge [sflag:s18], $0x4000  }
0x6c: {  	[sflag:s18] =	ssyncset.done $0x0  }
0x6d: {  	[sflag:s18] =	ssyncadd.s32 $0xFFFFC000  }
0x6e: {  	[spmem:s2] =	stream.indirect.scatter.add.f32 [tilespmem:s14], [sflag:$0x3], $0x80, s5, s17, $0xb8;
	[tilespmem:$0x1C800] =	vst v63  }
0x6f: {  	_ =	swait.ge [sflag:s25], $0x4000  }
0x70: {  	[sflag:s25] =	ssyncset.done $0x0  }
0x71: {  	[sflag:s25] =	ssyncadd.s32 $0xFFFFC000  }
0x72: {  	[tilespmem:s19], [sflag:$0x2] =	stream.indirect.gather [hbm4b:s4+s17], $0x80, s7, s17, $0xb8;
	[tilespmem:$0x1C800] =	vst v63  }
0x73: {  	_ =	swait.ge [sflag:s20], $0x4000  }
0x74: {  	[sflag:s20] =	ssyncset.done $0x0  }
0x75: {  	[sflag:s20] =	ssyncadd.s32 $0xFFFFC000  }
0x76: {  	[spmem:s2] =	stream.indirect.scatter.add.f32 [tilespmem:s19], [sflag:$0x4], $0x80, s8, s17, $0xb8;
	[tilespmem:$0x1C800] =	vst v63  }
0x77: {  	_ =	swait.ge [sflag:s22], $0x4000  }
0x78: {  	[sflag:s22] =	ssyncset.done $0x0  }
0x79: {  	[sflag:s22] =	ssyncadd.s32 $0xFFFFC000  }
0x7a: {  	_ =	swait.ge [sflag:s25], $0x4000  }
0x7b: {  	s11 =	simm.s32 $0x100;
	s10 =	simm.s32 $0x80;
	[sflag:s25] =	ssyncset.done $0x0  }
.LBB2_2:
0x7c: {  	s6 =	sadd.s32 s10, s13;
	[sflag:s25] =	ssyncadd.s32 $0xFFFFC000  }
0x7d: {  	[tilespmem:s3], [sflag:$0x5] =	stream.linear.gather [hbm4b:s6+s3], $0x400, $0x38;
	[tilespmem:$0x1C800] =	vst v63  }
0x7e: {  	s9 =	smov.u32 s11;
	s12 =	sadd.s32 $0x80, s11;
	_ =	swait.ge [sflag:s15], $0x400  }
0x7f: {  	p0 =	sne.s32 s11, $0x480;
	s11 =	rddreg [dreg:$0x4];
	[sflag:s15] =	ssyncset.done $0x0  }
0x80: {  	[sflag:s15] =	ssyncadd.s32 $0xFFFFFC00;
	s6 =	sadd.s32 s10, s11  }
0x81: {  	[tilespmem:s16], [sflag:$0x5] =	stream.linear.gather [hbm4b:s6+s3], $0x400, $0x38;
	[tilespmem:$0x1C800] =	vst v63  }
0x82: {  	_ =	swait.ge [sflag:s15], $0x400  }
0x83: {  	[sflag:s15] =	ssyncset.done $0x0  }
0x84: {  	[sflag:s15] =	ssyncadd.s32 $0xFFFFFC00  }
0x85: {  	[tilespmem:s14], [sflag:$0x1] =	stream.indirect.gather [hbm4b:s4+s17], $0x80, s3, s17, $0xb8;
	[tilespmem:$0x1C800] =	vst v63  }
0x86: {  	_ =	swait.ge [sflag:s18], $0x4000  }
0x87: {  	[sflag:s18] =	ssyncset.done $0x0  }
0x88: {  	[sflag:s18] =	ssyncadd.s32 $0xFFFFC000  }
0x89: {  	[spmem:s2] =	stream.indirect.scatter.add.f32 [tilespmem:s14], [sflag:$0x3], $0x80, s16, s17, $0xb8;
	[tilespmem:$0x1C800] =	vst v63  }
0x8a: {  	_ = 	snop  }
0x8b: {  	[tilespmem:s19], [sflag:$0x2] =	stream.indirect.gather [hbm4b:s4+s17], $0x80, s17, s17, $0xb8;
	[tilespmem:$0x1C800] =	vst v63  }
0x8c: {  	_ =	swait.ge [sflag:s20], $0x4000  }
0x8d: {  	[sflag:s20] =	ssyncset.done $0x0  }
0x8e: {  	[sflag:s20] =	ssyncadd.s32 $0xFFFFC000  }
0x8f: {  	[spmem:s2] =	stream.indirect.scatter.add.f32 [tilespmem:s19], [sflag:$0x4], $0x80, s21, s17, $0xb8;
	[tilespmem:$0x1C800] =	vst v63  }
0x90: {  	_ =	swait.ge [sflag:s22], $0x4000  }
0x91: {  	[sflag:s22] =	ssyncset.done $0x0  }
0x92: {  	[sflag:s22] =	ssyncadd.s32 $0xFFFFC000  }
0x93: {  	[tilespmem:s14], [sflag:$0x1] =	stream.indirect.gather [hbm4b:s4+s17], $0x80, s23, s17, $0xb8;
	[tilespmem:$0x1C800] =	vst v63  }
0x94: {  	_ =	swait.ge [sflag:s18], $0x4000  }
0x95: {  	[sflag:s18] =	ssyncset.done $0x0  }
0x96: {  	[sflag:s18] =	ssyncadd.s32 $0xFFFFC000  }
0x97: {  	[spmem:s2] =	stream.indirect.scatter.add.f32 [tilespmem:s14], [sflag:$0x3], $0x80, s24, s17, $0xb8;
	[tilespmem:$0x1C800] =	vst v63  }
0x98: {  	_ =	swait.ge [sflag:s25], $0x4000  }
0x99: {  	[sflag:s25] =	ssyncset.done $0x0  }
0x9a: {  	[sflag:s25] =	ssyncadd.s32 $0xFFFFC000  }
0x9b: {  	[tilespmem:s19], [sflag:$0x2] =	stream.indirect.gather [hbm4b:s4+s17], $0x80, s26, s17, $0xb8;
	[tilespmem:$0x1C800] =	vst v63  }
0x9c: {  	_ =	swait.ge [sflag:s20], $0x4000  }
0x9d: {  	[sflag:s20] =	ssyncset.done $0x0  }
0x9e: {  	[sflag:s20] =	ssyncadd.s32 $0xFFFFC000  }
0x9f: {  	[spmem:s2] =	stream.indirect.scatter.add.f32 [tilespmem:s19], [sflag:$0x4], $0x80, s28, s17, $0xb8;
	[tilespmem:$0x1C800] =	vst v63  }
0xa0: {  	_ =	swait.ge [sflag:s22], $0x4000  }
0xa1: {  	[sflag:s22] =	ssyncset.done $0x0  }
0xa2: {  	[sflag:s22] =	ssyncadd.s32 $0xFFFFC000  }
0xa3: {  	[tilespmem:s14], [sflag:$0x1] =	stream.indirect.gather [hbm4b:s4+s17], $0x80, s29, s17, $0xb8;
	[tilespmem:$0x1C800] =	vst v63  }
0xa4: {  	_ =	swait.ge [sflag:s18], $0x4000  }
0xa5: {  	[sflag:s18] =	ssyncset.done $0x0  }
0xa6: {  	[sflag:s18] =	ssyncadd.s32 $0xFFFFC000  }
0xa7: {  	[spmem:s2] =	stream.indirect.scatter.add.f32 [tilespmem:s14], [sflag:$0x3], $0x80, s30, s17, $0xb8;
	[tilespmem:$0x1C800] =	vst v63  }
0xa8: {  	_ =	swait.ge [sflag:s25], $0x4000  }
0xa9: {  	[sflag:s25] =	ssyncset.done $0x0  }
0xaa: {  	[sflag:s25] =	ssyncadd.s32 $0xFFFFC000  }
0xab: {  	[tilespmem:s19], [sflag:$0x2] =	stream.indirect.gather [hbm4b:s4+s17], $0x80, s31, s17, $0xb8;
	[tilespmem:$0x1C800] =	vst v63  }
0xac: {  	_ =	swait.ge [sflag:s20], $0x4000  }
0xad: {  	[sflag:s20] =	ssyncset.done $0x0  }
0xae: {  	[sflag:s20] =	ssyncadd.s32 $0xFFFFC000  }
0xaf: {  	[spmem:s2] =	stream.indirect.scatter.add.f32 [tilespmem:s19], [sflag:$0x4], $0x80, s1, s17, $0xb8;
	[tilespmem:$0x1C800] =	vst v63  }
0xb0: {  	_ =	swait.ge [sflag:s22], $0x4000  }
0xb1: {  	[sflag:s22] =	ssyncset.done $0x0  }
0xb2: {  	[sflag:s22] =	ssyncadd.s32 $0xFFFFC000  }
0xb3: {  	[tilespmem:s14], [sflag:$0x1] =	stream.indirect.gather [hbm4b:s4+s17], $0x80, s0, s17, $0xb8;
	[tilespmem:$0x1C800] =	vst v63  }
0xb4: {  	_ =	swait.ge [sflag:s18], $0x4000  }
0xb5: {  	[sflag:s18] =	ssyncset.done $0x0  }
0xb6: {  	[sflag:s18] =	ssyncadd.s32 $0xFFFFC000  }
0xb7: {  	[spmem:s2] =	stream.indirect.scatter.add.f32 [tilespmem:s14], [sflag:$0x3], $0x80, s5, s17, $0xb8;
	[tilespmem:$0x1C800] =	vst v63  }
0xb8: {  	_ =	swait.ge [sflag:s25], $0x4000  }
0xb9: {  	[sflag:s25] =	ssyncset.done $0x0  }
0xba: {  	[sflag:s25] =	ssyncadd.s32 $0xFFFFC000  }
0xbb: {  	[tilespmem:s19], [sflag:$0x2] =	stream.indirect.gather [hbm4b:s4+s17], $0x80, s7, s17, $0xb8;
	[tilespmem:$0x1C800] =	vst v63  }
0xbc: {  	_ =	swait.ge [sflag:s20], $0x4000  }
0xbd: {  	[sflag:s20] =	ssyncset.done $0x0  }
0xbe: {  	[sflag:s20] =	ssyncadd.s32 $0xFFFFC000  }
0xbf: {  	[spmem:s2] =	stream.indirect.scatter.add.f32 [tilespmem:s19], [sflag:$0x4], $0x80, s8, s17, $0xb8;
	[tilespmem:$0x1C800] =	vst v63  }
.Ltmp0:
0xc0: {  	_ =	swait.ge [sflag:s22], $0x4000;
	(pc) =	sbr.rel @p0 .LBB2_2-.Ltmp0, $4  }
0xc1: {  	[sflag:s22] =	ssyncset.done $0x0  }
0xc2: {  	[sflag:s22] =	ssyncadd.s32 $0xFFFFC000  }
0xc3: {  	_ =	swait.ge [sflag:s25], $0x4000  }
0xc4: {  	s10 =	smov.u32 s9;
	s11 =	smov.u32 s12;
	[sflag:s25] =	ssyncset.done $0x0  }
0xc5: {  	s6 =	sadd.s32 s10, s13;
	[sflag:s25] =	ssyncadd.s32 $0xFFFFC000  }
0xc6: {  	[tilespmem:s3], [sflag:$0x5] =	stream.linear.gather [hbm4b:s6+s3], $0x400, $0x38;
	[tilespmem:$0x1C800] =	vst v63  }
0xc7: {  	_ =	swait.ge [sflag:s15], $0x400  }
0xc8: {  	s9 =	rddreg [dreg:$0x4];
	[sflag:s15] =	ssyncset.done $0x0  }
0xc9: {  	[sflag:s15] =	ssyncadd.s32 $0xFFFFFC00;
	s6 =	sadd.s32 s10, s9  }
0xca: {  	[tilespmem:s16], [sflag:$0x5] =	stream.linear.gather [hbm4b:s6+s3], $0x400, $0x38;
	[tilespmem:$0x1C800] =	vst v63  }
0xcb: {  	_ =	swait.ge [sflag:s15], $0x400  }
0xcc: {  	[sflag:s15] =	ssyncset.done $0x0  }
0xcd: {  	[sflag:s15] =	ssyncadd.s32 $0xFFFFFC00  }
0xce: {  	[tilespmem:s14], [sflag:$0x1] =	stream.indirect.gather [hbm4b:s4+s17], $0x80, s3, s17, $0xb8;
	[tilespmem:$0x1C800] =	vst v63  }
0xcf: {  	_ =	swait.ge [sflag:s18], $0x4000  }
0xd0: {  	[sflag:s18] =	ssyncset.done $0x0  }
0xd1: {  	[sflag:s18] =	ssyncadd.s32 $0xFFFFC000  }
0xd2: {  	[spmem:s2] =	stream.indirect.scatter.add.f32 [tilespmem:s14], [sflag:$0x3], $0x80, s16, s17, $0xb8;
	[tilespmem:$0x1C800] =	vst v63  }
0xd3: {  	_ = 	snop  }
0xd4: {  	[tilespmem:s19], [sflag:$0x2] =	stream.indirect.gather [hbm4b:s4+s17], $0x80, s17, s17, $0xb8;
	[tilespmem:$0x1C800] =	vst v63  }
0xd5: {  	_ =	swait.ge [sflag:s20], $0x4000  }
0xd6: {  	[sflag:s20] =	ssyncset.done $0x0  }
0xd7: {  	[sflag:s20] =	ssyncadd.s32 $0xFFFFC000  }
0xd8: {  	[spmem:s2] =	stream.indirect.scatter.add.f32 [tilespmem:s19], [sflag:$0x4], $0x80, s21, s17, $0xb8;
	[tilespmem:$0x1C800] =	vst v63  }
0xd9: {  	_ =	swait.ge [sflag:s22], $0x4000  }
0xda: {  	[sflag:s22] =	ssyncset.done $0x0  }
0xdb: {  	[sflag:s22] =	ssyncadd.s32 $0xFFFFC000  }
0xdc: {  	[tilespmem:s14], [sflag:$0x1] =	stream.indirect.gather [hbm4b:s4+s17], $0x80, s23, s17, $0xb8;
	[tilespmem:$0x1C800] =	vst v63  }
0xdd: {  	_ =	swait.ge [sflag:s18], $0x4000  }
0xde: {  	[sflag:s18] =	ssyncset.done $0x0  }
0xdf: {  	[sflag:s18] =	ssyncadd.s32 $0xFFFFC000  }
0xe0: {  	[spmem:s2] =	stream.indirect.scatter.add.f32 [tilespmem:s14], [sflag:$0x3], $0x80, s24, s17, $0xb8;
	[tilespmem:$0x1C800] =	vst v63  }
0xe1: {  	_ =	swait.ge [sflag:s25], $0x4000  }
0xe2: {  	[sflag:s25] =	ssyncset.done $0x0  }
0xe3: {  	[sflag:s25] =	ssyncadd.s32 $0xFFFFC000  }
0xe4: {  	[tilespmem:s19], [sflag:$0x2] =	stream.indirect.gather [hbm4b:s4+s17], $0x80, s26, s17, $0xb8;
	[tilespmem:$0x1C800] =	vst v63  }
0xe5: {  	_ =	swait.ge [sflag:s20], $0x4000  }
0xe6: {  	[sflag:s20] =	ssyncset.done $0x0  }
0xe7: {  	[sflag:s20] =	ssyncadd.s32 $0xFFFFC000  }
0xe8: {  	[spmem:s2] =	stream.indirect.scatter.add.f32 [tilespmem:s19], [sflag:$0x4], $0x80, s28, s17, $0xb8;
	[tilespmem:$0x1C800] =	vst v63  }
0xe9: {  	_ =	swait.ge [sflag:s22], $0x4000  }
0xea: {  	[sflag:s22] =	ssyncset.done $0x0  }
0xeb: {  	[sflag:s22] =	ssyncadd.s32 $0xFFFFC000  }
0xec: {  	[tilespmem:s14], [sflag:$0x1] =	stream.indirect.gather [hbm4b:s4+s17], $0x80, s29, s17, $0xb8;
	[tilespmem:$0x1C800] =	vst v63  }
0xed: {  	_ =	swait.ge [sflag:s18], $0x4000  }
0xee: {  	[sflag:s18] =	ssyncset.done $0x0  }
0xef: {  	[sflag:s18] =	ssyncadd.s32 $0xFFFFC000  }
0xf0: {  	[spmem:s2] =	stream.indirect.scatter.add.f32 [tilespmem:s14], [sflag:$0x3], $0x80, s30, s17, $0xb8;
	[tilespmem:$0x1C800] =	vst v63  }
0xf1: {  	_ =	swait.ge [sflag:s25], $0x4000  }
0xf2: {  	[sflag:s25] =	ssyncset.done $0x0  }
0xf3: {  	[sflag:s25] =	ssyncadd.s32 $0xFFFFC000  }
0xf4: {  	[tilespmem:s19], [sflag:$0x2] =	stream.indirect.gather [hbm4b:s4+s17], $0x80, s31, s17, $0xb8;
	[tilespmem:$0x1C800] =	vst v63  }
0xf5: {  	_ =	swait.ge [sflag:s20], $0x4000  }
0xf6: {  	[sflag:s20] =	ssyncset.done $0x0  }
0xf7: {  	[sflag:s20] =	ssyncadd.s32 $0xFFFFC000  }
0xf8: {  	[spmem:s2] =	stream.indirect.scatter.add.f32 [tilespmem:s19], [sflag:$0x4], $0x80, s1, s17, $0xb8;
	[tilespmem:$0x1C800] =	vst v63  }
0xf9: {  	_ =	swait.ge [sflag:s22], $0x4000  }
0xfa: {  	[sflag:s22] =	ssyncset.done $0x0  }
0xfb: {  	[sflag:s22] =	ssyncadd.s32 $0xFFFFC000  }
0xfc: {  	[tilespmem:s14], [sflag:$0x1] =	stream.indirect.gather [hbm4b:s4+s17], $0x80, s0, s17, $0xb8;
	[tilespmem:$0x1C800] =	vst v63  }
0xfd: {  	_ =	swait.ge [sflag:s18], $0x4000  }
0xfe: {  	[sflag:s18] =	ssyncset.done $0x0  }
0xff: {  	[sflag:s18] =	ssyncadd.s32 $0xFFFFC000  }
0x100: {  	[spmem:s2] =	stream.indirect.scatter.add.f32 [tilespmem:s14], [sflag:$0x3], $0x80, s5, s17, $0xb8;
	[tilespmem:$0x1C800] =	vst v63  }
0x101: {  	_ =	swait.ge [sflag:s25], $0x4000  }
0x102: {  	[sflag:s25] =	ssyncset.done $0x0  }
0x103: {  	[sflag:s25] =	ssyncadd.s32 $0xFFFFC000  }
0x104: {  	[tilespmem:s19], [sflag:$0x2] =	stream.indirect.gather [hbm4b:s4+s17], $0x80, s7, s17, $0xb8;
	[tilespmem:$0x1C800] =	vst v63  }
0x105: {  	_ =	swait.ge [sflag:s20], $0x4000  }
0x106: {  	[sflag:s20] =	ssyncset.done $0x0  }
0x107: {  	[sflag:s20] =	ssyncadd.s32 $0xFFFFC000  }
0x108: {  	[spmem:s2] =	stream.indirect.scatter.add.f32 [tilespmem:s19], [sflag:$0x4], $0x80, s8, s17, $0xb8;
	[tilespmem:$0x1C800] =	vst v63  }
0x109: {  	_ =	swait.ge [sflag:s22], $0x4000  }
0x10a: {  	[sflag:s22] =	ssyncset.done $0x0  }
0x10b: {  	[sflag:s22] =	ssyncadd.s32 $0xFFFFC000  }
0x10c: {  	_ =	swait.ge [sflag:s25], $0x4000  }
0x10d: {  	[sflag:s25] =	ssyncset.done $0x0  }
0x10e: {  	[sflag:s25] =	ssyncadd.s32 $0xFFFFC000  }
0x10f: {  	s11 =	stileid.u32;
	[bflag:$0x0] =	sbarrier.arrive $0xFFFF  }
0x110: {  	s6 =	sshll.u32 s11, $0x6;
	s11 =	rddreg [dreg:$0x6]  }
0x111: {  	s6 =	sor.u32 $0x1C05, s6;
	s12 =	rddreg [dreg:$0xb];
	s9 =	sshrl.u32 s11, $0x3  }
0x112: {  	[hbm:s12], [sflag:s6] =	dma.local [spmem:s9], $0x2800  }
0x113: {  	_ =	swait.ge [sflag:s15], $0x2800  }
0x114: {  	s10 =	rddreg [dreg:$0xd]  }
0x115: {  	s12 =	rddreg [dreg:$0xc];
	s9 =	sadd.s32 $0x1, s10  }
0x116: {  	p0 =	sne.s32 s9, s12  }
.Ltmp1:
0x117: {  	_ = 	snop;
	(pc) =	sbr.rel @p0 .LBB2_1-.Ltmp1, $3  }
0x118: {  	_ =	sdelay $0x1  }
0x119: {  	[sflag:s15] =	ssyncset.done $0x0  }
0x11a: {  	[sflag:s15] =	ssyncadd.s32 $0xFFFFD800  }
0x11b: {  	_ =	sfence.sel $0x180000  }
0x11c: {  	[bflag:$0x0] =	sbarrier.arrive $0xFFFF  }
0x11d: {  	_ =	strace $0x9000004A  }
0x11e: {  	s0 =	stileid.u32;
	[bflag:$0x2] =	sbarrier.arrive $0xFFFF  }
0x11f: {  	p0 =	sne.s32 s0, $0x0;
	s0 =	rddreg [dreg:$0x3]  }
0x120: {  	s0 =	sadd.s32 @!p0 $0x100000, s0  }
0x121: {  	[sflag:s0] =	ssyncadd.tile.s32 @!p0 $0x1;
	_ =	shalt  }
.Lfunc_end2:
_tile_overlayer_lowered:
.L_overlay_start_2:
0x122: {  	(tag) =	ssettag $0x2  }
0x123: {  	s0 =	rddreg [dreg:$0x0];
	s2 =	stileid.u32  }
0x124: {  	s1 =	rddreg [dreg:$0x1];
	p0 =	sne.s32 s2, $0x0  }
0x125: {  	s3 =	rddreg [dreg:$0x2];
	[bflag:$0x3] =	sbarrier.arrive $0xFFFF;
	s2 =	simm.s32 @!p0 $0x1C05  }
0x126: {  	[timem:s3], [sflag:s2] =	dma.local @!p0 [hbm:s0], s1  }
0x127: {  	s0 =	simm.s32 @!p0 $0x5  }
0x128: {  	_ =	swait.ge @!p0 [sflag:s0], s1  }
0x129: {  	s1 =	ssub.s32 @!p0 $0x0, s1;
	[sflag:s0] =	ssyncset.done @!p0 $0x0  }
0x12a: {  	[sflag:s0] =	ssyncadd.s32 @!p0 s1  }
0x12b: {  	[bflag:$0x3] =	sbarrier.arrive $0xFFFF  }
0x12c: {  	_ =	shalt  }

// kernel: kernel.16.cloned.1.call-start
scs
__scs_entry_jumppad:
0x0: {  	(pc) =	sbr.rel $0x88, $3  }
0x1: {  	(tag) =	ssettag $0x0;
	lr =	simm.s32 $0x1  }
0x2: {  	[smem:$0x3F99] =	sst lr;
	_ =	strace $0xD0000000  }
0x3: {  	_ = 	snop  }
0x4: {  	_ = 	snop  }
0x5: {  	_ = 	snop  }
0x6: {  	_ = 	snop  }
0x7: {  	_ = 	snop  }
__scs_overlays_trampoline_lowered:
0x8: {  	[smem:$0x3FA8] =	sst s0  }
0x9: {  	[smem:$0x3FA9] =	sst s1  }
0xa: {  	[smem:$0x3FAA] =	sst s2  }
0xb: {  	[smem:$0x3FAB] =	sst s3  }
0xc: {  	[smem:$0x3FAC] =	sst s4  }
0xd: {  	[smem:$0x3FAD] =	sst s5  }
0xe: {  	[smem:$0x3FAE] =	sst s6  }
0xf: {  	[smem:$0x3FAF] =	sst s7  }
0x10: {  	[smem:$0x3FB0] =	sst s8  }
0x11: {  	[smem:$0x3FB1] =	sst s9;
	s0 =	simm.s32 @!p0 $0x0  }
0x12: {  	s1 =	sld [smem:$0x3F97];
	s0 =	simm.s32 @p0 $0x1  }
0x13: {  	[smem:$0x3FB2] =	sst s0;
	s0 =	simm.s32 @!p1 $0x0  }
0x14: {  	s2 =	sld [smem:$0x3F96];
	s0 =	simm.s32 @p1 $0x1  }
0x15: {  	[smem:$0x3FB3] =	sst s0;
	s0 =	simm.s32 @!p2 $0x0  }
0x16: {  	s3 =	sld [smem:$0x3FDB];
	s0 =	simm.s32 @p2 $0x1  }
0x17: {  	s4 =	simm.s32 $0x1BF5;
	[smem:$0x3FB5] =	sst s0  }
0x18: {  	s0 =	sld [smem:$0x3F98];
	_ =	swait.ge [sflag:s4], $0x0  }
0x19: {  	s7 =	sld [smem:$0x3F99]  }
0x1a: {  	s8 =	sadd.s32 $0xFFFFE003, lr  }
0x1b: {  	s9 =	sadd.s32 $0xFFFFFEF7, lr;
	s5 =	simm.s32 $0xFFFFFFFF;
	p2 =	slt.u32 s8, $0xFFFFF086  }
0x1c: {  	p1 =	slt.u32 s9, $0xF7A;
	s5 =	simm.s32 @!p2 $0x0  }
0x1d: {  	s5 =	simm.s32 @p1 $0x1;
	p0 =	seq.s32 s7, s2  }
0x1e: {  	s7 =	smul.u32 @!p0 $0xF7A, s2;
	p2 =	seq.s32 @!p0 s5, $0x0  }
0x1f: {  	s9 =	smul.u32 $0xF7A, s1;
	s8 =	simm.s32 @!p0 $0x1BF5;
	p2 =	por !p2, p0  }
0x20: {  	[sflag:s8] =	ssyncset.s32 @!p0 $0xFFFFF086;
	s6 =	sadd.s32 @!p0 s3, s7;
	s7 =	simm.s32 @!p0 $0x108  }
0x21: {  	s3 =	sadd.s32 s3, s9;
	s6 =	sadd.s32 @!p0 $0x88, s6;
	s7 =	simm.s32 @p2 $0x1082  }
0x22: {  	[simem:s7], [sflag:s8] =	dma.local @!p0 [hbm:s6], $0xF7A  }
0x23: {  	s9 =	sor.u32 $0xD0000000, s2;
	s6 =	simm.s32 $0x108;
	_ =	swait.ge @!p0 [sflag:s8], $0x0  }
0x24: {  	s3 =	sadd.s32 $0x88, s3;
	s6 =	simm.s32 @!p1 $0x1082;
	[sflag:s4] =	ssyncset.s32 $0xFFFFF086  }
0x25: {  	[simem:s6], [sflag:s4] =	dma.local [hbm:s3], $0xF7A  }
0x26: {  	[smem:$0x3F99] =	sst s1;
	(tag) =	ssettag s2;
	_ =	strace s9  }
0x27: {  	s1 =	sld [smem:$0x3FA9]  }
0x28: {  	s2 =	sld [smem:$0x3FAA]  }
0x29: {  	s4 =	sld [smem:$0x3FAC]  }
0x2a: {  	p0 =	seq.s32 s5, $0x0;
	s5 =	sld [smem:$0x3FAD]  }
0x2b: {  	s6 =	sld [smem:$0x3FAE]  }
0x2c: {  	s7 =	sld [smem:$0x3FAF]  }
0x2d: {  	s3 =	simm.s32 $0x108;
	s8 =	sld [smem:$0x3FB0]  }
0x2e: {  	s3 =	simm.s32 @!p0 $0x1082;
	s9 =	sld [smem:$0x3FB1]  }
0x2f: {  	lr =	sadd.s32 s0, s3;
	s0 =	sld [smem:$0x3FA8]  }
0x30: {  	s3 =	sld [smem:$0x3FAB]  }
0x31: {  	[smem:$0x3FB4] =	sst s10  }
0x32: {  	s10 =	sld [smem:$0x3FB2];
	_ =	sdelay $0x3  }
0x33: {  	p0 =	seq.s32 s10, $0x1;
	s10 =	sld [smem:$0x3FB4];
	_ =	sdelay $0x3  }
0x34: {  	[smem:$0x3FB4] =	sst s10  }
0x35: {  	s10 =	sld [smem:$0x3FB3];
	_ =	sdelay $0x3  }
0x36: {  	p1 =	seq.s32 s10, $0x1;
	s10 =	sld [smem:$0x3FB4];
	_ =	sdelay $0x3  }
0x37: {  	[smem:$0x3FB4] =	sst s10  }
0x38: {  	s10 =	sld [smem:$0x3FB5]  }
0x39: {  	_ = 	snop;
	(pc) =	sbr.ind lr, $3  }
0x3a: {  	_ = 	snop  }
0x3b: {  	_ = 	snop  }
0x3c: {  	p2 =	seq.s32 s10, $0x1;
	s10 =	sld [smem:$0x3FB4]  }
0x3d: {  	_ =	shalt  }
0x3e: {  	_ =	shalt  }
0x3f: {  	_ =	shalt  }
0x40: {  	_ =	shalt  }
0x41: {  	_ =	shalt  }
0x42: {  	_ =	shalt  }
0x43: {  	_ =	shalt  }
0x44: {  	_ =	shalt  }
0x45: {  	_ =	shalt  }
0x46: {  	_ =	shalt  }
0x47: {  	_ =	shalt  }
0x48: {  	_ =	shalt  }
0x49: {  	_ =	shalt  }
0x4a: {  	_ =	shalt  }
0x4b: {  	_ =	shalt  }
0x4c: {  	_ =	shalt  }
0x4d: {  	_ =	shalt  }
0x4e: {  	_ =	shalt  }
0x4f: {  	_ =	shalt  }
0x50: {  	_ =	shalt  }
0x51: {  	_ =	shalt  }
0x52: {  	_ =	shalt  }
0x53: {  	_ =	shalt  }
0x54: {  	_ =	shalt  }
0x55: {  	_ =	shalt  }
0x56: {  	_ =	shalt  }
0x57: {  	_ =	shalt  }
0x58: {  	_ =	shalt  }
0x59: {  	_ =	shalt  }
0x5a: {  	_ =	shalt  }
0x5b: {  	_ =	shalt  }
0x5c: {  	_ =	shalt  }
0x5d: {  	_ =	shalt  }
0x5e: {  	_ =	shalt  }
0x5f: {  	_ =	shalt  }
0x60: {  	_ =	shalt  }
0x61: {  	_ =	shalt  }
0x62: {  	_ =	shalt  }
0x63: {  	_ =	shalt  }
0x64: {  	_ =	shalt  }
0x65: {  	_ =	shalt  }
0x66: {  	_ =	shalt  }
0x67: {  	_ =	shalt  }
0x68: {  	_ =	shalt  }
0x69: {  	_ =	shalt  }
0x6a: {  	_ =	shalt  }
0x6b: {  	_ =	shalt  }
0x6c: {  	_ =	shalt  }
0x6d: {  	_ =	shalt  }
0x6e: {  	_ =	shalt  }
0x6f: {  	_ =	shalt  }
0x70: {  	_ =	shalt  }
0x71: {  	_ =	shalt  }
0x72: {  	_ =	shalt  }
0x73: {  	_ =	shalt  }
0x74: {  	_ =	shalt  }
0x75: {  	_ =	shalt  }
0x76: {  	_ =	shalt  }
0x77: {  	_ =	shalt  }
0x78: {  	_ =	shalt  }
0x79: {  	_ =	shalt  }
0x7a: {  	_ =	shalt  }
0x7b: {  	_ =	shalt  }
0x7c: {  	_ =	shalt  }
0x7d: {  	_ =	shalt  }
0x7e: {  	_ =	shalt  }
0x7f: {  	_ =	shalt  }
0x80: {  	_ =	shalt  }
0x81: {  	_ =	shalt  }
0x82: {  	_ =	shalt  }
0x83: {  	_ =	shalt  }
0x84: {  	_ =	shalt  }
0x85: {  	_ =	shalt  }
0x86: {  	_ =	shalt  }
0x87: {  	_ =	shalt  }
.Lfunc_end0:
.L_simem_size_0:
called_computation.2_lowered:
.L_overlay_start_0:
0x88: {  	s2 =	sld [smem:$0x3FD9]  }
0x89: {  	s3 =	sld [smem:$0x3FFE];
	_ =	sdelay $0x1  }
0x8a: {  	s1 =	srdreg.scid  }
0x8b: {  	s0 =	sand.u32 $0x1, s1  }
0x8c: {  	s17 =	sshll.u32 s0, $0xA;
	s2 =	sadd.s32 s3, s2  }
0x8d: {  	s2 =	sadd.s32 s2, s17  }
0x8e: {  	[smem:$0x3FC0] =	sst s2  }
0x8f: {  	_ = 	snop  }
0x90: {  	s2 =	sld [smem:$0x3FD0];
	(tm) =	ssettm $0x1  }
0x91: {  	s18 =	sld [smem:$0x3FFB];
	_ =	sdelay $0x3  }
0x92: {  	_ =	strace s18  }
0x93: {  	s3 =	sld [smem:$0x3FFC];
	_ =	sdelay $0x3  }
0x94: {  	_ =	strace s3  }
0x95: {  	s3 =	sld [smem:$0x3FFD];
	_ =	sdelay $0x3  }
0x96: {  	_ =	strace s3  }
0x97: {  	_ =	strace $0x8FFFFFFF  }
0x98: {  	s19 =	sld [smem:$0x3FDB];
	_ =	sdelay $0x1  }
0x99: {  	s4 =	simm.s32 $_scs_section_size  }
0x9a: {  	s5 =	simm.s32 $_size__tile_overlayer_lowered;
	s6 =	simm.s32 $_tile_overlayer_lowered  }
0x9b: {  	s22 =	simm.s32 $0x1BFF;
	s21 =	sshll.u32 s6, $0x1;
	s3 =	sadd.s32 s4, s19  }
0x9c: {  	s7 =	simm.s32 $0x0;
	s20 =	sshll.u32 s5, $0x1;
	s5 =	sadd.s32 s21, s3  }
0x9d: {  	[timem:s7], [sflag:s22] =	dma.local [hbm:s5], s20  }
0x9e: {  	_ =	swait.ge [sflag:s22], s20  }
0x9f: {  	s4 =	ssub.s32 $0x0, s20;
	[sflag:s22] =	ssyncset.done $0x0  }
0xa0: {  	[sflag:s22] =	ssyncadd.s32 s4;
	_ =	sdelay $0x1  }
0xa1: {  	s23 =	simm.s32 $0x1B8B  }
0xa2: {  	_ =	swait.ge [sflag:s23], $0x1  }
0xa3: {  	[sflag:s23] =	ssyncset.done $0x0  }
0xa4: {  	s25 =	simm.s32 $0x1B8E;
	s24 =	sld [smem:$0x3FFE];
	[sflag:s23] =	ssyncadd.s32 $0xFFFFFFFF  }
0xa5: {  	s26 =	simm.s32 $execute0_lowered;
	[smem:$0x3FD2] =	sst s25  }
0xa6: {  	s5 =	sshll.u32 s26, $0x1;
	_ =	strace $0x8000004C;
	[dreg:$0x1] =	wrdreg $0xFFFFFFFF  }
0xa7: {  	s28 =	simm.s32 $_size_execute0_lowered;
	s3 =	sadd.s32 s3, s5;
	[dreg:$0x0] =	wrdreg $0x0  }
0xa8: {  	s5 =	sshll.u32 s28, $0x1;
	[dreg:$0x2] =	wrdreg s3  }
0xa9: {  	[dreg:$0x3] =	wrdreg s5  }
0xaa: {  	[dreg:$0x4] =	wrdreg $0xC0  }
0xab: {  	_ =	task [dreg:s7], $0x5FFFF  }
0xac: {  	[dreg:$0x1] =	wrdreg $0xFFFFFFFF  }
0xad: {  	[dreg:$0x0] =	wrdreg $0x60  }
0xae: {  	[dreg:$0x2] =	wrdreg s24  }
0xaf: {  	[dreg:$0x3] =	wrdreg s2  }
0xb0: {  	[dreg:$0x4] =	wrdreg $0x88000  }
0xb1: {  	[dreg:$0x5] =	wrdreg $0x9  }
0xb2: {  	_ =	task.clear_ibuf [dreg:s7], $0x6FFFF;
	_ =	strace $0x9000004C  }
0xb3: {  	s29 =	simm.s32 $0x9;
	_ =	strace $0x8000004E  }
0xb4: {  	_ =	swait.ge [sflag:s29], $0x1  }
0xb5: {  	[sflag:s29] =	ssyncadd.s32 $0xFFFFFFFF  }
0xb6: {  	_ =	strace $0x9000004E  }
0xb7: {  	_ =	sfence  }
0xb8: {  	s30 =	sld [smem:$0x0];
	_ =	sdelay $0x2  }
0xb9: {  	s31 =	sshll.u32 s1, $0xD;
	s1 =	sshrl.u32 s1, $0x2  }
0xba: {  	s3 =	sand.u32 $0x4000, s31;
	s1 =	sadd.s32 s1, s30  }
0xbb: {  	s0 =	sor.u32 s3, s0;
	s1 =	sshll.u32 s1, $0x11  }
0xbc: {  	s0 =	sor.u32 s1, s0  }
0xbd: {  	s0 =	sadd.s32 $0x8F2B, s0  }
0xbe: {  	[sflag:s0] =	ssyncadd.remote.s32 $0x1  }
0xbf: {  	_ =	sfence.sel $0xFFFF  }
0xc0: {  	[dreg:$0x0] =	wrdreg $0xFFFFFFFF;
	(pc) =	sbr.abs _section_cstart, $3  }
0xc1: {  	[dreg:$0x1] =	wrdreg $0xFFFFFFFF  }
0xc2: {  	_ =	task.clear_ibuf [dreg:s7], $0x2FFFF;
	_ =	strace $0x9FFFFFFF  }
0xc3: {  	(tm) =	ssettm $0x7FFFFFFF  }
tec
execute0_lowered:
.L_overlay_start_1:
0x0: {  	(tag) =	ssettag $0x1  }
0x1: {  	s0 =	rddreg [dreg:$0x0]  }
0x2: {  	s1 =	rddreg [dreg:$0x1]  }
0x3: {  	s3 =	srdreg.scid;
	s10 =	stileid.u32  }
0x4: {  	s2 =	rddreg [dreg:$0x2];
	s14 =	simm.s32 $0x800;
	s15 =	simm.s32 $0x5  }
0x5: {  	s16 =	simm.s32 $0x400;
	s17 =	simm.s32 $0x80;
	s18 =	simm.s32 $0x1  }
0x6: {  	s19 =	simm.s32 $0x4800;
	s28 =	simm.s32 $0x580;
	s4 =	smul.u32 $0x5000, s10  }
0x7: {  	s29 =	simm.s32 $0x200;
	s30 =	simm.s32 $0x600;
	s8 =	smul.u32 $0x14000, s10  }
0x8: {  	s31 =	simm.s32 $0x280;
	s5 =	sand.u32 $0x1, s3;
	s20 =	smul.u32 $0x50000, s10  }
0x9: {  	s3 =	simm.s32 $0x0;
	s11 =	sadd.s32 $0xC000, s0;
	s6 =	smul.u32 $0x2800, s5  }
0xa: {  	[smem:$0x7FF] =	sst s3;
	s7 =	smul.u32 $0x140000, s5;
	s5 =	ssub.s32 $0x2, s5  }
0xb: {  	_ =	strace $0x8000004D;
	[dreg:$0x5] =	wrdreg s11;
	s22 =	sshrl.u32 s5, $0x1  }
0xc: {  	s6 =	sadd.s32 s6, s4;
	s4 =	sadd.s32 $0xC800, s0;
	s7 =	sadd.s32 s8, s7  }
0xd: {  	s5 =	ssub.s32 s5, s22;
	s22 =	simm.s32 $0x3;
	s8 =	simm.s32 $0x780  }
0xe: {  	s9 =	sshrl.u32 s6, $0x3;
	s7 =	sshrl.u32 s7, $0x3;
	s6 =	sshrl.u32 s20, $0x2  }
0xf: {  	s26 =	smax.u32 s5, $0x1;
	s20 =	simm.s32 $0x2;
	s5 =	simm.s32 $0x700  }
0x10: {  	s21 =	sadd.s32 s9, s0;
	s1 =	sadd.s32 s9, s1;
	[dreg:$0xc] =	wrdreg s26  }
0x11: {  	s0 =	sadd.s32 s7, s0;
	s11 =	sadd.s32 s6, s2;
	[dreg:$0x4] =	wrdreg s1  }
0x12: {  	s26 =	simm.s32 $0x180;
	s6 =	sadd.s32 $0x4000, s11;
	[dreg:$0x6] =	wrdreg s11  }
0x13: {  	s7 =	simm.s32 $0x380;
	s23 =	sadd.s32 $0x8000, s11;
	[dreg:$0x7] =	wrdreg s6  }
0x14: {  	s9 =	simm.s32 $0x0;
	s24 =	sadd.s32 $0xC000, s11;
	[dreg:$0x8] =	wrdreg s23  }
0x15: {  	s25 =	sadd.s32 $0x10000, s11;
	s0 =	sadd.s32 $0x34800, s0;
	[dreg:$0x9] =	wrdreg s24  }
0x16: {  	s13 =	sadd.s32 $0x2000, s21;
	s21 =	simm.s32 $0x480;
	[dreg:$0xa] =	wrdreg s25  }
0x17: {  	s1 =	simm.s32 $0x680;
	[dreg:$0xb] =	wrdreg s0;
	s23 =	simm.s32 $0x100  }
0x18: {  	s24 =	simm.s32 $0x500;
	s25 =	simm.s32 $0x4;
	s0 =	simm.s32 $0x300  }
.LBB2_1:
0x19: {  	[dreg:$0xd] =	wrdreg s9  }
0x1a: {  	s6 =	rddreg [dreg:$0x5]  }
0x1b: {  	[tilespmem:s14], [sflag:$0x5] =	stream.linear.gather [hbm4b:s6+s3], $0x4000, $0x38;
	[tilespmem:$0x1C800] =	vst v63  }
0x1c: {  	_ =	swait.ge [sflag:s15], $0x4000  }
0x1d: {  	[sflag:s15] =	ssyncset.done $0x0  }
0x1e: {  	[sflag:s15] =	ssyncadd.s32 $0xFFFFC000  }
0x1f: {  	[spmem:s11] =	stream.linear.scatter [tilespmem:s14], [sflag:$0x5], $0x4000, $0x38;
	[tilespmem:$0x1C800] =	vst v63  }
0x20: {  	_ =	swait.ge [sflag:s15], $0x4000  }
0x21: {  	[sflag:s15] =	ssyncset.done $0x0  }
0x22: {  	s12 =	rddreg [dreg:$0x7];
	[sflag:s15] =	ssyncadd.s32 $0xFFFFC000  }
0x23: {  	[spmem:s12] =	stream.linear.scatter [tilespmem:s14], [sflag:$0x5], $0x4000, $0x38;
	[tilespmem:$0x1C800] =	vst v63  }
0x24: {  	_ =	swait.ge [sflag:s15], $0x4000  }
0x25: {  	[sflag:s15] =	ssyncset.done $0x0  }
0x26: {  	s9 =	rddreg [dreg:$0x8];
	[sflag:s15] =	ssyncadd.s32 $0xFFFFC000  }
0x27: {  	[spmem:s9] =	stream.linear.scatter [tilespmem:s14], [sflag:$0x5], $0x4000, $0x38;
	[tilespmem:$0x1C800] =	vst v63  }
0x28: {  	_ =	swait.ge [sflag:s15], $0x4000  }
0x29: {  	[sflag:s15] =	ssyncset.done $0x0  }
0x2a: {  	s10 =	rddreg [dreg:$0x9];
	[sflag:s15] =	ssyncadd.s32 $0xFFFFC000  }
0x2b: {  	[spmem:s10] =	stream.linear.scatter [tilespmem:s14], [sflag:$0x5], $0x4000, $0x38;
	[tilespmem:$0x1C800] =	vst v63  }
0x2c: {  	_ =	swait.ge [sflag:s15], $0x4000  }
0x2d: {  	[sflag:s15] =	ssyncset.done $0x0  }
0x2e: {  	s11 =	rddreg [dreg:$0xa];
	[sflag:s15] =	ssyncadd.s32 $0xFFFFC000  }
0x2f: {  	[spmem:s11] =	stream.linear.scatter [tilespmem:s14], [sflag:$0x5], $0x4000, $0x38;
	[tilespmem:$0x1C800] =	vst v63  }
0x30: {  	_ =	swait.ge [sflag:s15], $0x4000  }
0x31: {  	[sflag:s15] =	ssyncset.done $0x0  }
0x32: {  	[sflag:s15] =	ssyncadd.s32 $0xFFFFC000  }
0x33: {  	s10 =	sadd.s32 $0x0, s13;
	[bflag:$0x0] =	sbarrier.arrive $0xFFFF  }
0x34: {  	[tilespmem:s3], [sflag:$0x5] =	stream.linear.gather [hbm4b:s10+s3], $0x400, $0x38;
	[tilespmem:$0x1C800] =	vst v63  }
0x35: {  	_ =	swait.ge [sflag:s15], $0x400  }
0x36: {  	s12 =	rddreg [dreg:$0x4];
	[sflag:s15] =	ssyncset.done $0x0  }
0x37: {  	[sflag:s15] =	ssyncadd.s32 $0xFFFFFC00;
	s10 =	sadd.s32 $0x0, s12  }
0x38: {  	[tilespmem:s16], [sflag:$0x5] =	stream.linear.gather [hbm4b:s10+s3], $0x400, $0x38;
	[tilespmem:$0x1C800] =	vst v63  }
0x39: {  	_ =	swait.ge [sflag:s15], $0x400  }
0x3a: {  	[sflag:s15] =	ssyncset.done $0x0  }
0x3b: {  	[sflag:s15] =	ssyncadd.s32 $0xFFFFFC00  }
0x3c: {  	[tilespmem:s14], [sflag:$0x1] =	stream.indirect.gather [hbm4b:s4+s17], $0x80, s3, s17, $0xb8;
	[tilespmem:$0x1C800] =	vst v63  }
0x3d: {  	_ =	swait.ge [sflag:s18], $0x4000  }
0x3e: {  	[sflag:s18] =	ssyncset.done $0x0  }
0x3f: {  	[sflag:s18] =	ssyncadd.s32 $0xFFFFC000  }
0x40: {  	[spmem:s2] =	stream.indirect.scatter.add.f32 [tilespmem:s14], [sflag:$0x3], $0x80, s16, s17, $0xb8;
	[tilespmem:$0x1C800] =	vst v63  }
0x41: {  	_ = 	snop  }
0x42: {  	[tilespmem:s19], [sflag:$0x2] =	stream.indirect.gather [hbm4b:s4+s17], $0x80, s17, s17, $0xb8;
	[tilespmem:$0x1C800] =	vst v63  }
0x43: {  	_ =	swait.ge [sflag:s20], $0x4000  }
0x44: {  	[sflag:s20] =	ssyncset.done $0x0  }
0x45: {  	[sflag:s20] =	ssyncadd.s32 $0xFFFFC000  }
0x46: {  	[spmem:s2] =	stream.indirect.scatter.add.f32 [tilespmem:s19], [sflag:$0x4], $0x80, s21, s17, $0xb8;
	[tilespmem:$0x1C800] =	vst v63  }
0x47: {  	_ =	swait.ge [sflag:s22], $0x4000  }
0x48: {  	[sflag:s22] =	ssyncset.done $0x0  }
0x49: {  	[sflag:s22] =	ssyncadd.s32 $0xFFFFC000  }
0x4a: {  	[tilespmem:s14], [sflag:$0x1] =	stream.indirect.gather [hbm4b:s4+s17], $0x80, s23, s17, $0xb8;
	[tilespmem:$0x1C800] =	vst v63  }
0x4b: {  	_ =	swait.ge [sflag:s18], $0x4000  }
0x4c: {  	[sflag:s18] =	ssyncset.done $0x0  }
0x4d: {  	[sflag:s18] =	ssyncadd.s32 $0xFFFFC000  }
0x4e: {  	[spmem:s2] =	stream.indirect.scatter.add.f32 [tilespmem:s14], [sflag:$0x3], $0x80, s24, s17, $0xb8;
	[tilespmem:$0x1C800] =	vst v63  }
0x4f: {  	_ =	swait.ge [sflag:s25], $0x4000  }
0x50: {  	[sflag:s25] =	ssyncset.done $0x0  }
0x51: {  	[sflag:s25] =	ssyncadd.s32 $0xFFFFC000  }
0x52: {  	[tilespmem:s19], [sflag:$0x2] =	stream.indirect.gather [hbm4b:s4+s17], $0x80, s26, s17, $0xb8;
	[tilespmem:$0x1C800] =	vst v63  }
0x53: {  	_ =	swait.ge [sflag:s20], $0x4000  }
0x54: {  	[sflag:s20] =	ssyncset.done $0x0  }
0x55: {  	[sflag:s20] =	ssyncadd.s32 $0xFFFFC000  }
0x56: {  	[spmem:s2] =	stream.indirect.scatter.add.f32 [tilespmem:s19], [sflag:$0x4], $0x80, s28, s17, $0xb8;
	[tilespmem:$0x1C800] =	vst v63  }
0x57: {  	_ =	swait.ge [sflag:s22], $0x4000  }
0x58: {  	[sflag:s22] =	ssyncset.done $0x0  }
0x59: {  	[sflag:s22] =	ssyncadd.s32 $0xFFFFC000  }
0x5a: {  	[tilespmem:s14], [sflag:$0x1] =	stream.indirect.gather [hbm4b:s4+s17], $0x80, s29, s17, $0xb8;
	[tilespmem:$0x1C800] =	vst v63  }
0x5b: {  	_ =	swait.ge [sflag:s18], $0x4000  }
0x5c: {  	[sflag:s18] =	ssyncset.done $0x0  }
0x5d: {  	[sflag:s18] =	ssyncadd.s32 $0xFFFFC000  }
0x5e: {  	[spmem:s2] =	stream.indirect.scatter.add.f32 [tilespmem:s14], [sflag:$0x3], $0x80, s30, s17, $0xb8;
	[tilespmem:$0x1C800] =	vst v63  }
0x5f: {  	_ =	swait.ge [sflag:s25], $0x4000  }
0x60: {  	[sflag:s25] =	ssyncset.done $0x0  }
0x61: {  	[sflag:s25] =	ssyncadd.s32 $0xFFFFC000  }
0x62: {  	[tilespmem:s19], [sflag:$0x2] =	stream.indirect.gather [hbm4b:s4+s17], $0x80, s31, s17, $0xb8;
	[tilespmem:$0x1C800] =	vst v63  }
0x63: {  	_ =	swait.ge [sflag:s20], $0x4000  }
0x64: {  	[sflag:s20] =	ssyncset.done $0x0  }
0x65: {  	[sflag:s20] =	ssyncadd.s32 $0xFFFFC000  }
0x66: {  	[spmem:s2] =	stream.indirect.scatter.add.f32 [tilespmem:s19], [sflag:$0x4], $0x80, s1, s17, $0xb8;
	[tilespmem:$0x1C800] =	vst v63  }
0x67: {  	_ =	swait.ge [sflag:s22], $0x4000  }
0x68: {  	[sflag:s22] =	ssyncset.done $0x0  }
0x69: {  	[sflag:s22] =	ssyncadd.s32 $0xFFFFC000  }
0x6a: {  	[tilespmem:s14], [sflag:$0x1] =	stream.indirect.gather [hbm4b:s4+s17], $0x80, s0, s17, $0xb8;
	[tilespmem:$0x1C800] =	vst v63  }
0x6b: {  	_ =	swait.ge [sflag:s18], $0x4000  }
0x6c: {  	[sflag:s18] =	ssyncset.done $0x0  }
0x6d: {  	[sflag:s18] =	ssyncadd.s32 $0xFFFFC000  }
0x6e: {  	[spmem:s2] =	stream.indirect.scatter.add.f32 [tilespmem:s14], [sflag:$0x3], $0x80, s5, s17, $0xb8;
	[tilespmem:$0x1C800] =	vst v63  }
0x6f: {  	_ =	swait.ge [sflag:s25], $0x4000  }
0x70: {  	[sflag:s25] =	ssyncset.done $0x0  }
0x71: {  	[sflag:s25] =	ssyncadd.s32 $0xFFFFC000  }
0x72: {  	[tilespmem:s19], [sflag:$0x2] =	stream.indirect.gather [hbm4b:s4+s17], $0x80, s7, s17, $0xb8;
	[tilespmem:$0x1C800] =	vst v63  }
0x73: {  	_ =	swait.ge [sflag:s20], $0x4000  }
0x74: {  	[sflag:s20] =	ssyncset.done $0x0  }
0x75: {  	[sflag:s20] =	ssyncadd.s32 $0xFFFFC000  }
0x76: {  	[spmem:s2] =	stream.indirect.scatter.add.f32 [tilespmem:s19], [sflag:$0x4], $0x80, s8, s17, $0xb8;
	[tilespmem:$0x1C800] =	vst v63  }
0x77: {  	_ =	swait.ge [sflag:s22], $0x4000  }
0x78: {  	[sflag:s22] =	ssyncset.done $0x0  }
0x79: {  	[sflag:s22] =	ssyncadd.s32 $0xFFFFC000  }
0x7a: {  	_ =	swait.ge [sflag:s25], $0x4000  }
0x7b: {  	s11 =	simm.s32 $0x100;
	s10 =	simm.s32 $0x80;
	[sflag:s25] =	ssyncset.done $0x0  }
.LBB2_2:
0x7c: {  	s6 =	sadd.s32 s10, s13;
	[sflag:s25] =	ssyncadd.s32 $0xFFFFC000  }
0x7d: {  	[tilespmem:s3], [sflag:$0x5] =	stream.linear.gather [hbm4b:s6+s3], $0x400, $0x38;
	[tilespmem:$0x1C800] =	vst v63  }
0x7e: {  	s9 =	smov.u32 s11;
	s12 =	sadd.s32 $0x80, s11;
	_ =	swait.ge [sflag:s15], $0x400  }
0x7f: {  	p0 =	sne.s32 s11, $0x480;
	s11 =	rddreg [dreg:$0x4];
	[sflag:s15] =	ssyncset.done $0x0  }
0x80: {  	[sflag:s15] =	ssyncadd.s32 $0xFFFFFC00;
	s6 =	sadd.s32 s10, s11  }
0x81: {  	[tilespmem:s16], [sflag:$0x5] =	stream.linear.gather [hbm4b:s6+s3], $0x400, $0x38;
	[tilespmem:$0x1C800] =	vst v63  }
0x82: {  	_ =	swait.ge [sflag:s15], $0x400  }
0x83: {  	[sflag:s15] =	ssyncset.done $0x0  }
0x84: {  	[sflag:s15] =	ssyncadd.s32 $0xFFFFFC00  }
0x85: {  	[tilespmem:s14], [sflag:$0x1] =	stream.indirect.gather [hbm4b:s4+s17], $0x80, s3, s17, $0xb8;
	[tilespmem:$0x1C800] =	vst v63  }
0x86: {  	_ =	swait.ge [sflag:s18], $0x4000  }
0x87: {  	[sflag:s18] =	ssyncset.done $0x0  }
0x88: {  	[sflag:s18] =	ssyncadd.s32 $0xFFFFC000  }
0x89: {  	[spmem:s2] =	stream.indirect.scatter.add.f32 [tilespmem:s14], [sflag:$0x3], $0x80, s16, s17, $0xb8;
	[tilespmem:$0x1C800] =	vst v63  }
0x8a: {  	_ = 	snop  }
0x8b: {  	[tilespmem:s19], [sflag:$0x2] =	stream.indirect.gather [hbm4b:s4+s17], $0x80, s17, s17, $0xb8;
	[tilespmem:$0x1C800] =	vst v63  }
0x8c: {  	_ =	swait.ge [sflag:s20], $0x4000  }
0x8d: {  	[sflag:s20] =	ssyncset.done $0x0  }
0x8e: {  	[sflag:s20] =	ssyncadd.s32 $0xFFFFC000  }
0x8f: {  	[spmem:s2] =	stream.indirect.scatter.add.f32 [tilespmem:s19], [sflag:$0x4], $0x80, s21, s17, $0xb8;
	[tilespmem:$0x1C800] =	vst v63  }
0x90: {  	_ =	swait.ge [sflag:s22], $0x4000  }
0x91: {  	[sflag:s22] =	ssyncset.done $0x0  }
0x92: {  	[sflag:s22] =	ssyncadd.s32 $0xFFFFC000  }
0x93: {  	[tilespmem:s14], [sflag:$0x1] =	stream.indirect.gather [hbm4b:s4+s17], $0x80, s23, s17, $0xb8;
	[tilespmem:$0x1C800] =	vst v63  }
0x94: {  	_ =	swait.ge [sflag:s18], $0x4000  }
0x95: {  	[sflag:s18] =	ssyncset.done $0x0  }
0x96: {  	[sflag:s18] =	ssyncadd.s32 $0xFFFFC000  }
0x97: {  	[spmem:s2] =	stream.indirect.scatter.add.f32 [tilespmem:s14], [sflag:$0x3], $0x80, s24, s17, $0xb8;
	[tilespmem:$0x1C800] =	vst v63  }
0x98: {  	_ =	swait.ge [sflag:s25], $0x4000  }
0x99: {  	[sflag:s25] =	ssyncset.done $0x0  }
0x9a: {  	[sflag:s25] =	ssyncadd.s32 $0xFFFFC000  }
0x9b: {  	[tilespmem:s19], [sflag:$0x2] =	stream.indirect.gather [hbm4b:s4+s17], $0x80, s26, s17, $0xb8;
	[tilespmem:$0x1C800] =	vst v63  }
0x9c: {  	_ =	swait.ge [sflag:s20], $0x4000  }
0x9d: {  	[sflag:s20] =	ssyncset.done $0x0  }
0x9e: {  	[sflag:s20] =	ssyncadd.s32 $0xFFFFC000  }
0x9f: {  	[spmem:s2] =	stream.indirect.scatter.add.f32 [tilespmem:s19], [sflag:$0x4], $0x80, s28, s17, $0xb8;
	[tilespmem:$0x1C800] =	vst v63  }
0xa0: {  	_ =	swait.ge [sflag:s22], $0x4000  }
0xa1: {  	[sflag:s22] =	ssyncset.done $0x0  }
0xa2: {  	[sflag:s22] =	ssyncadd.s32 $0xFFFFC000  }
0xa3: {  	[tilespmem:s14], [sflag:$0x1] =	stream.indirect.gather [hbm4b:s4+s17], $0x80, s29, s17, $0xb8;
	[tilespmem:$0x1C800] =	vst v63  }
0xa4: {  	_ =	swait.ge [sflag:s18], $0x4000  }
0xa5: {  	[sflag:s18] =	ssyncset.done $0x0  }
0xa6: {  	[sflag:s18] =	ssyncadd.s32 $0xFFFFC000  }
0xa7: {  	[spmem:s2] =	stream.indirect.scatter.add.f32 [tilespmem:s14], [sflag:$0x3], $0x80, s30, s17, $0xb8;
	[tilespmem:$0x1C800] =	vst v63  }
0xa8: {  	_ =	swait.ge [sflag:s25], $0x4000  }
0xa9: {  	[sflag:s25] =	ssyncset.done $0x0  }
0xaa: {  	[sflag:s25] =	ssyncadd.s32 $0xFFFFC000  }
0xab: {  	[tilespmem:s19], [sflag:$0x2] =	stream.indirect.gather [hbm4b:s4+s17], $0x80, s31, s17, $0xb8;
	[tilespmem:$0x1C800] =	vst v63  }
0xac: {  	_ =	swait.ge [sflag:s20], $0x4000  }
0xad: {  	[sflag:s20] =	ssyncset.done $0x0  }
0xae: {  	[sflag:s20] =	ssyncadd.s32 $0xFFFFC000  }
0xaf: {  	[spmem:s2] =	stream.indirect.scatter.add.f32 [tilespmem:s19], [sflag:$0x4], $0x80, s1, s17, $0xb8;
	[tilespmem:$0x1C800] =	vst v63  }
0xb0: {  	_ =	swait.ge [sflag:s22], $0x4000  }
0xb1: {  	[sflag:s22] =	ssyncset.done $0x0  }
0xb2: {  	[sflag:s22] =	ssyncadd.s32 $0xFFFFC000  }
0xb3: {  	[tilespmem:s14], [sflag:$0x1] =	stream.indirect.gather [hbm4b:s4+s17], $0x80, s0, s17, $0xb8;
	[tilespmem:$0x1C800] =	vst v63  }
0xb4: {  	_ =	swait.ge [sflag:s18], $0x4000  }
0xb5: {  	[sflag:s18] =	ssyncset.done $0x0  }
0xb6: {  	[sflag:s18] =	ssyncadd.s32 $0xFFFFC000  }
0xb7: {  	[spmem:s2] =	stream.indirect.scatter.add.f32 [tilespmem:s14], [sflag:$0x3], $0x80, s5, s17, $0xb8;
	[tilespmem:$0x1C800] =	vst v63  }
0xb8: {  	_ =	swait.ge [sflag:s25], $0x4000  }
0xb9: {  	[sflag:s25] =	ssyncset.done $0x0  }
0xba: {  	[sflag:s25] =	ssyncadd.s32 $0xFFFFC000  }
0xbb: {  	[tilespmem:s19], [sflag:$0x2] =	stream.indirect.gather [hbm4b:s4+s17], $0x80, s7, s17, $0xb8;
	[tilespmem:$0x1C800] =	vst v63  }
0xbc: {  	_ =	swait.ge [sflag:s20], $0x4000  }
0xbd: {  	[sflag:s20] =	ssyncset.done $0x0  }
0xbe: {  	[sflag:s20] =	ssyncadd.s32 $0xFFFFC000  }
0xbf: {  	[spmem:s2] =	stream.indirect.scatter.add.f32 [tilespmem:s19], [sflag:$0x4], $0x80, s8, s17, $0xb8;
	[tilespmem:$0x1C800] =	vst v63  }
.Ltmp0:
0xc0: {  	_ =	swait.ge [sflag:s22], $0x4000;
	(pc) =	sbr.rel @p0 .LBB2_2-.Ltmp0, $4  }
0xc1: {  	[sflag:s22] =	ssyncset.done $0x0  }
0xc2: {  	[sflag:s22] =	ssyncadd.s32 $0xFFFFC000  }
0xc3: {  	_ =	swait.ge [sflag:s25], $0x4000  }
0xc4: {  	s10 =	smov.u32 s9;
	s11 =	smov.u32 s12;
	[sflag:s25] =	ssyncset.done $0x0  }
0xc5: {  	s6 =	sadd.s32 s10, s13;
	[sflag:s25] =	ssyncadd.s32 $0xFFFFC000  }
0xc6: {  	[tilespmem:s3], [sflag:$0x5] =	stream.linear.gather [hbm4b:s6+s3], $0x400, $0x38;
	[tilespmem:$0x1C800] =	vst v63  }
0xc7: {  	_ =	swait.ge [sflag:s15], $0x400  }
0xc8: {  	s9 =	rddreg [dreg:$0x4];
	[sflag:s15] =	ssyncset.done $0x0  }
0xc9: {  	[sflag:s15] =	ssyncadd.s32 $0xFFFFFC00;
	s6 =	sadd.s32 s10, s9  }
0xca: {  	[tilespmem:s16], [sflag:$0x5] =	stream.linear.gather [hbm4b:s6+s3], $0x400, $0x38;
	[tilespmem:$0x1C800] =	vst v63  }
0xcb: {  	_ =	swait.ge [sflag:s15], $0x400  }
0xcc: {  	[sflag:s15] =	ssyncset.done $0x0  }
0xcd: {  	[sflag:s15] =	ssyncadd.s32 $0xFFFFFC00  }
0xce: {  	[tilespmem:s14], [sflag:$0x1] =	stream.indirect.gather [hbm4b:s4+s17], $0x80, s3, s17, $0xb8;
	[tilespmem:$0x1C800] =	vst v63  }
0xcf: {  	_ =	swait.ge [sflag:s18], $0x4000  }
0xd0: {  	[sflag:s18] =	ssyncset.done $0x0  }
0xd1: {  	[sflag:s18] =	ssyncadd.s32 $0xFFFFC000  }
0xd2: {  	[spmem:s2] =	stream.indirect.scatter.add.f32 [tilespmem:s14], [sflag:$0x3], $0x80, s16, s17, $0xb8;
	[tilespmem:$0x1C800] =	vst v63  }
0xd3: {  	_ = 	snop  }
0xd4: {  	[tilespmem:s19], [sflag:$0x2] =	stream.indirect.gather [hbm4b:s4+s17], $0x80, s17, s17, $0xb8;
	[tilespmem:$0x1C800] =	vst v63  }
0xd5: {  	_ =	swait.ge [sflag:s20], $0x4000  }
0xd6: {  	[sflag:s20] =	ssyncset.done $0x0  }
0xd7: {  	[sflag:s20] =	ssyncadd.s32 $0xFFFFC000  }
0xd8: {  	[spmem:s2] =	stream.indirect.scatter.add.f32 [tilespmem:s19], [sflag:$0x4], $0x80, s21, s17, $0xb8;
	[tilespmem:$0x1C800] =	vst v63  }
0xd9: {  	_ =	swait.ge [sflag:s22], $0x4000  }
0xda: {  	[sflag:s22] =	ssyncset.done $0x0  }
0xdb: {  	[sflag:s22] =	ssyncadd.s32 $0xFFFFC000  }
0xdc: {  	[tilespmem:s14], [sflag:$0x1] =	stream.indirect.gather [hbm4b:s4+s17], $0x80, s23, s17, $0xb8;
	[tilespmem:$0x1C800] =	vst v63  }
0xdd: {  	_ =	swait.ge [sflag:s18], $0x4000  }
0xde: {  	[sflag:s18] =	ssyncset.done $0x0  }
0xdf: {  	[sflag:s18] =	ssyncadd.s32 $0xFFFFC000  }
0xe0: {  	[spmem:s2] =	stream.indirect.scatter.add.f32 [tilespmem:s14], [sflag:$0x3], $0x80, s24, s17, $0xb8;
	[tilespmem:$0x1C800] =	vst v63  }
0xe1: {  	_ =	swait.ge [sflag:s25], $0x4000  }
0xe2: {  	[sflag:s25] =	ssyncset.done $0x0  }
0xe3: {  	[sflag:s25] =	ssyncadd.s32 $0xFFFFC000  }
0xe4: {  	[tilespmem:s19], [sflag:$0x2] =	stream.indirect.gather [hbm4b:s4+s17], $0x80, s26, s17, $0xb8;
	[tilespmem:$0x1C800] =	vst v63  }
0xe5: {  	_ =	swait.ge [sflag:s20], $0x4000  }
0xe6: {  	[sflag:s20] =	ssyncset.done $0x0  }
0xe7: {  	[sflag:s20] =	ssyncadd.s32 $0xFFFFC000  }
0xe8: {  	[spmem:s2] =	stream.indirect.scatter.add.f32 [tilespmem:s19], [sflag:$0x4], $0x80, s28, s17, $0xb8;
	[tilespmem:$0x1C800] =	vst v63  }
0xe9: {  	_ =	swait.ge [sflag:s22], $0x4000  }
0xea: {  	[sflag:s22] =	ssyncset.done $0x0  }
0xeb: {  	[sflag:s22] =	ssyncadd.s32 $0xFFFFC000  }
0xec: {  	[tilespmem:s14], [sflag:$0x1] =	stream.indirect.gather [hbm4b:s4+s17], $0x80, s29, s17, $0xb8;
	[tilespmem:$0x1C800] =	vst v63  }
0xed: {  	_ =	swait.ge [sflag:s18], $0x4000  }
0xee: {  	[sflag:s18] =	ssyncset.done $0x0  }
0xef: {  	[sflag:s18] =	ssyncadd.s32 $0xFFFFC000  }
0xf0: {  	[spmem:s2] =	stream.indirect.scatter.add.f32 [tilespmem:s14], [sflag:$0x3], $0x80, s30, s17, $0xb8;
	[tilespmem:$0x1C800] =	vst v63  }
0xf1: {  	_ =	swait.ge [sflag:s25], $0x4000  }
0xf2: {  	[sflag:s25] =	ssyncset.done $0x0  }
0xf3: {  	[sflag:s25] =	ssyncadd.s32 $0xFFFFC000  }
0xf4: {  	[tilespmem:s19], [sflag:$0x2] =	stream.indirect.gather [hbm4b:s4+s17], $0x80, s31, s17, $0xb8;
	[tilespmem:$0x1C800] =	vst v63  }
0xf5: {  	_ =	swait.ge [sflag:s20], $0x4000  }
0xf6: {  	[sflag:s20] =	ssyncset.done $0x0  }
0xf7: {  	[sflag:s20] =	ssyncadd.s32 $0xFFFFC000  }
0xf8: {  	[spmem:s2] =	stream.indirect.scatter.add.f32 [tilespmem:s19], [sflag:$0x4], $0x80, s1, s17, $0xb8;
	[tilespmem:$0x1C800] =	vst v63  }
0xf9: {  	_ =	swait.ge [sflag:s22], $0x4000  }
0xfa: {  	[sflag:s22] =	ssyncset.done $0x0  }
0xfb: {  	[sflag:s22] =	ssyncadd.s32 $0xFFFFC000  }
0xfc: {  	[tilespmem:s14], [sflag:$0x1] =	stream.indirect.gather [hbm4b:s4+s17], $0x80, s0, s17, $0xb8;
	[tilespmem:$0x1C800] =	vst v63  }
0xfd: {  	_ =	swait.ge [sflag:s18], $0x4000  }
0xfe: {  	[sflag:s18] =	ssyncset.done $0x0  }
0xff: {  	[sflag:s18] =	ssyncadd.s32 $0xFFFFC000  }
0x100: {  	[spmem:s2] =	stream.indirect.scatter.add.f32 [tilespmem:s14], [sflag:$0x3], $0x80, s5, s17, $0xb8;
	[tilespmem:$0x1C800] =	vst v63  }
0x101: {  	_ =	swait.ge [sflag:s25], $0x4000  }
0x102: {  	[sflag:s25] =	ssyncset.done $0x0  }
0x103: {  	[sflag:s25] =	ssyncadd.s32 $0xFFFFC000  }
0x104: {  	[tilespmem:s19], [sflag:$0x2] =	stream.indirect.gather [hbm4b:s4+s17], $0x80, s7, s17, $0xb8;
	[tilespmem:$0x1C800] =	vst v63  }
0x105: {  	_ =	swait.ge [sflag:s20], $0x4000  }
0x106: {  	[sflag:s20] =	ssyncset.done $0x0  }
0x107: {  	[sflag:s20] =	ssyncadd.s32 $0xFFFFC000  }
0x108: {  	[spmem:s2] =	stream.indirect.scatter.add.f32 [tilespmem:s19], [sflag:$0x4], $0x80, s8, s17, $0xb8;
	[tilespmem:$0x1C800] =	vst v63  }
0x109: {  	_ =	swait.ge [sflag:s22], $0x4000  }
0x10a: {  	[sflag:s22] =	ssyncset.done $0x0  }
0x10b: {  	[sflag:s22] =	ssyncadd.s32 $0xFFFFC000  }
0x10c: {  	_ =	swait.ge [sflag:s25], $0x4000  }
0x10d: {  	[sflag:s25] =	ssyncset.done $0x0  }
0x10e: {  	[sflag:s25] =	ssyncadd.s32 $0xFFFFC000  }
0x10f: {  	s11 =	stileid.u32;
	[bflag:$0x0] =	sbarrier.arrive $0xFFFF  }
0x110: {  	s6 =	sshll.u32 s11, $0x6;
	s11 =	rddreg [dreg:$0x6]  }
0x111: {  	s6 =	sor.u32 $0x1C05, s6;
	s12 =	rddreg [dreg:$0xb];
	s9 =	sshrl.u32 s11, $0x3  }
0x112: {  	[hbm:s12], [sflag:s6] =	dma.local [spmem:s9], $0x2800  }
0x113: {  	_ =	swait.ge [sflag:s15], $0x2800  }
0x114: {  	s10 =	rddreg [dreg:$0xd]  }
0x115: {  	s12 =	rddreg [dreg:$0xc];
	s9 =	sadd.s32 $0x1, s10  }
0x116: {  	p0 =	sne.s32 s9, s12  }
.Ltmp1:
0x117: {  	_ = 	snop;
	(pc) =	sbr.rel @p0 .LBB2_1-.Ltmp1, $3  }
0x118: {  	_ =	sdelay $0x1  }
0x119: {  	[sflag:s15] =	ssyncset.done $0x0  }
0x11a: {  	[sflag:s15] =	ssyncadd.s32 $0xFFFFD800  }
0x11b: {  	_ =	sfence.sel $0x180000  }
0x11c: {  	[bflag:$0x0] =	sbarrier.arrive $0xFFFF  }
0x11d: {  	_ =	strace $0x9000004D  }
0x11e: {  	s0 =	stileid.u32;
	[bflag:$0x2] =	sbarrier.arrive $0xFFFF  }
0x11f: {  	p0 =	sne.s32 s0, $0x0;
	s0 =	rddreg [dreg:$0x3]  }
0x120: {  	s0 =	sadd.s32 @!p0 $0x100000, s0  }
0x121: {  	[sflag:s0] =	ssyncadd.tile.s32 @!p0 $0x1;
	_ =	shalt  }
.Lfunc_end2:
_tile_overlayer_lowered:
.L_overlay_start_2:
0x122: {  	(tag) =	ssettag $0x2  }
0x123: {  	s0 =	rddreg [dreg:$0x0];
	s2 =	stileid.u32  }
0x124: {  	s1 =	rddreg [dreg:$0x1];
	p0 =	sne.s32 s2, $0x0  }
0x125: {  	s3 =	rddreg [dreg:$0x2];
	[bflag:$0x3] =	sbarrier.arrive $0xFFFF;
	s2 =	simm.s32 @!p0 $0x1C05  }
0x126: {  	[timem:s3], [sflag:s2] =	dma.local @!p0 [hbm:s0], s1  }
0x127: {  	s0 =	simm.s32 @!p0 $0x5  }
0x128: {  	_ =	swait.ge @!p0 [sflag:s0], s1  }
0x129: {  	s1 =	ssub.s32 @!p0 $0x0, s1;
	[sflag:s0] =	ssyncset.done @!p0 $0x0  }
0x12a: {  	[sflag:s0] =	ssyncadd.s32 @!p0 s1  }
0x12b: {  	[bflag:$0x3] =	sbarrier.arrive $0xFFFF  }
0x12c: {  	_ =	shalt  }

// kernel: kernel.19.cloned.1.call-start
scs
__scs_entry_jumppad:
0x0: {  	(pc) =	sbr.rel $0x88, $3  }
0x1: {  	(tag) =	ssettag $0x0;
	lr =	simm.s32 $0x1  }
0x2: {  	[smem:$0x3F99] =	sst lr;
	_ =	strace $0xD0000000  }
0x3: {  	_ = 	snop  }
0x4: {  	_ = 	snop  }
0x5: {  	_ = 	snop  }
0x6: {  	_ = 	snop  }
0x7: {  	_ = 	snop  }
__scs_overlays_trampoline_lowered:
0x8: {  	[smem:$0x3FA8] =	sst s0  }
0x9: {  	[smem:$0x3FA9] =	sst s1  }
0xa: {  	[smem:$0x3FAA] =	sst s2  }
0xb: {  	[smem:$0x3FAB] =	sst s3  }
0xc: {  	[smem:$0x3FAC] =	sst s4  }
0xd: {  	[smem:$0x3FAD] =	sst s5  }
0xe: {  	[smem:$0x3FAE] =	sst s6  }
0xf: {  	[smem:$0x3FAF] =	sst s7  }
0x10: {  	[smem:$0x3FB0] =	sst s8  }
0x11: {  	[smem:$0x3FB1] =	sst s9;
	s0 =	simm.s32 @!p0 $0x0  }
0x12: {  	s1 =	sld [smem:$0x3F97];
	s0 =	simm.s32 @p0 $0x1  }
0x13: {  	[smem:$0x3FB2] =	sst s0;
	s0 =	simm.s32 @!p1 $0x0  }
0x14: {  	s2 =	sld [smem:$0x3F96];
	s0 =	simm.s32 @p1 $0x1  }
0x15: {  	[smem:$0x3FB3] =	sst s0;
	s0 =	simm.s32 @!p2 $0x0  }
0x16: {  	s3 =	sld [smem:$0x3FDB];
	s0 =	simm.s32 @p2 $0x1  }
0x17: {  	s4 =	simm.s32 $0x1BF5;
	[smem:$0x3FB5] =	sst s0  }
0x18: {  	s0 =	sld [smem:$0x3F98];
	_ =	swait.ge [sflag:s4], $0x0  }
0x19: {  	s7 =	sld [smem:$0x3F99]  }
0x1a: {  	s8 =	sadd.s32 $0xFFFFE003, lr  }
0x1b: {  	s9 =	sadd.s32 $0xFFFFFEF7, lr;
	s5 =	simm.s32 $0xFFFFFFFF;
	p2 =	slt.u32 s8, $0xFFFFF086  }
0x1c: {  	p1 =	slt.u32 s9, $0xF7A;
	s5 =	simm.s32 @!p2 $0x0  }
0x1d: {  	s5 =	simm.s32 @p1 $0x1;
	p0 =	seq.s32 s7, s2  }
0x1e: {  	s7 =	smul.u32 @!p0 $0xF7A, s2;
	p2 =	seq.s32 @!p0 s5, $0x0  }
0x1f: {  	s9 =	smul.u32 $0xF7A, s1;
	s8 =	simm.s32 @!p0 $0x1BF5;
	p2 =	por !p2, p0  }
0x20: {  	[sflag:s8] =	ssyncset.s32 @!p0 $0xFFFFF086;
	s6 =	sadd.s32 @!p0 s3, s7;
	s7 =	simm.s32 @!p0 $0x108  }
0x21: {  	s3 =	sadd.s32 s3, s9;
	s6 =	sadd.s32 @!p0 $0x88, s6;
	s7 =	simm.s32 @p2 $0x1082  }
0x22: {  	[simem:s7], [sflag:s8] =	dma.local @!p0 [hbm:s6], $0xF7A  }
0x23: {  	s9 =	sor.u32 $0xD0000000, s2;
	s6 =	simm.s32 $0x108;
	_ =	swait.ge @!p0 [sflag:s8], $0x0  }
0x24: {  	s3 =	sadd.s32 $0x88, s3;
	s6 =	simm.s32 @!p1 $0x1082;
	[sflag:s4] =	ssyncset.s32 $0xFFFFF086  }
0x25: {  	[simem:s6], [sflag:s4] =	dma.local [hbm:s3], $0xF7A  }
0x26: {  	[smem:$0x3F99] =	sst s1;
	(tag) =	ssettag s2;
	_ =	strace s9  }
0x27: {  	s1 =	sld [smem:$0x3FA9]  }
0x28: {  	s2 =	sld [smem:$0x3FAA]  }
0x29: {  	s4 =	sld [smem:$0x3FAC]  }
0x2a: {  	p0 =	seq.s32 s5, $0x0;
	s5 =	sld [smem:$0x3FAD]  }
0x2b: {  	s6 =	sld [smem:$0x3FAE]  }
0x2c: {  	s7 =	sld [smem:$0x3FAF]  }
0x2d: {  	s3 =	simm.s32 $0x108;
	s8 =	sld [smem:$0x3FB0]  }
0x2e: {  	s3 =	simm.s32 @!p0 $0x1082;
	s9 =	sld [smem:$0x3FB1]  }
0x2f: {  	lr =	sadd.s32 s0, s3;
	s0 =	sld [smem:$0x3FA8]  }
0x30: {  	s3 =	sld [smem:$0x3FAB]  }
0x31: {  	[smem:$0x3FB4] =	sst s10  }
0x32: {  	s10 =	sld [smem:$0x3FB2];
	_ =	sdelay $0x3  }
0x33: {  	p0 =	seq.s32 s10, $0x1;
	s10 =	sld [smem:$0x3FB4];
	_ =	sdelay $0x3  }
0x34: {  	[smem:$0x3FB4] =	sst s10  }
0x35: {  	s10 =	sld [smem:$0x3FB3];
	_ =	sdelay $0x3  }
0x36: {  	p1 =	seq.s32 s10, $0x1;
	s10 =	sld [smem:$0x3FB4];
	_ =	sdelay $0x3  }
0x37: {  	[smem:$0x3FB4] =	sst s10  }
0x38: {  	s10 =	sld [smem:$0x3FB5]  }
0x39: {  	_ = 	snop;
	(pc) =	sbr.ind lr, $3  }
0x3a: {  	_ = 	snop  }
0x3b: {  	_ = 	snop  }
0x3c: {  	p2 =	seq.s32 s10, $0x1;
	s10 =	sld [smem:$0x3FB4]  }
0x3d: {  	_ =	shalt  }
0x3e: {  	_ =	shalt  }
0x3f: {  	_ =	shalt  }
0x40: {  	_ =	shalt  }
0x41: {  	_ =	shalt  }
0x42: {  	_ =	shalt  }
0x43: {  	_ =	shalt  }
0x44: {  	_ =	shalt  }
0x45: {  	_ =	shalt  }
0x46: {  	_ =	shalt  }
0x47: {  	_ =	shalt  }
0x48: {  	_ =	shalt  }
0x49: {  	_ =	shalt  }
0x4a: {  	_ =	shalt  }
0x4b: {  	_ =	shalt  }
0x4c: {  	_ =	shalt  }
0x4d: {  	_ =	shalt  }
0x4e: {  	_ =	shalt  }
0x4f: {  	_ =	shalt  }
0x50: {  	_ =	shalt  }
0x51: {  	_ =	shalt  }
0x52: {  	_ =	shalt  }
0x53: {  	_ =	shalt  }
0x54: {  	_ =	shalt  }
0x55: {  	_ =	shalt  }
0x56: {  	_ =	shalt  }
0x57: {  	_ =	shalt  }
0x58: {  	_ =	shalt  }
0x59: {  	_ =	shalt  }
0x5a: {  	_ =	shalt  }
0x5b: {  	_ =	shalt  }
0x5c: {  	_ =	shalt  }
0x5d: {  	_ =	shalt  }
0x5e: {  	_ =	shalt  }
0x5f: {  	_ =	shalt  }
0x60: {  	_ =	shalt  }
0x61: {  	_ =	shalt  }
0x62: {  	_ =	shalt  }
0x63: {  	_ =	shalt  }
0x64: {  	_ =	shalt  }
0x65: {  	_ =	shalt  }
0x66: {  	_ =	shalt  }
0x67: {  	_ =	shalt  }
0x68: {  	_ =	shalt  }
0x69: {  	_ =	shalt  }
0x6a: {  	_ =	shalt  }
0x6b: {  	_ =	shalt  }
0x6c: {  	_ =	shalt  }
0x6d: {  	_ =	shalt  }
0x6e: {  	_ =	shalt  }
0x6f: {  	_ =	shalt  }
0x70: {  	_ =	shalt  }
0x71: {  	_ =	shalt  }
0x72: {  	_ =	shalt  }
0x73: {  	_ =	shalt  }
0x74: {  	_ =	shalt  }
0x75: {  	_ =	shalt  }
0x76: {  	_ =	shalt  }
0x77: {  	_ =	shalt  }
0x78: {  	_ =	shalt  }
0x79: {  	_ =	shalt  }
0x7a: {  	_ =	shalt  }
0x7b: {  	_ =	shalt  }
0x7c: {  	_ =	shalt  }
0x7d: {  	_ =	shalt  }
0x7e: {  	_ =	shalt  }
0x7f: {  	_ =	shalt  }
0x80: {  	_ =	shalt  }
0x81: {  	_ =	shalt  }
0x82: {  	_ =	shalt  }
0x83: {  	_ =	shalt  }
0x84: {  	_ =	shalt  }
0x85: {  	_ =	shalt  }
0x86: {  	_ =	shalt  }
0x87: {  	_ =	shalt  }
.Lfunc_end0:
.L_simem_size_0:
called_computation.3_lowered:
.L_overlay_start_0:
0x88: {  	s2 =	sld [smem:$0x3FD9]  }
0x89: {  	s3 =	sld [smem:$0x3FFE];
	_ =	sdelay $0x1  }
0x8a: {  	s1 =	srdreg.scid  }
0x8b: {  	s0 =	sand.u32 $0x1, s1  }
0x8c: {  	s17 =	sshll.u32 s0, $0xA;
	s2 =	sadd.s32 s3, s2  }
0x8d: {  	s2 =	sadd.s32 s2, s17  }
0x8e: {  	[smem:$0x3FC0] =	sst s2  }
0x8f: {  	_ = 	snop  }
0x90: {  	s2 =	sld [smem:$0x3FD0];
	(tm) =	ssettm $0x1  }
0x91: {  	s18 =	sld [smem:$0x3FFB];
	_ =	sdelay $0x3  }
0x92: {  	_ =	strace s18  }
0x93: {  	s3 =	sld [smem:$0x3FFC];
	_ =	sdelay $0x3  }
0x94: {  	_ =	strace s3  }
0x95: {  	s3 =	sld [smem:$0x3FFD];
	_ =	sdelay $0x3  }
0x96: {  	_ =	strace s3  }
0x97: {  	_ =	strace $0x8FFFFFFF  }
0x98: {  	s19 =	sld [smem:$0x3FDB];
	_ =	sdelay $0x1  }
0x99: {  	s4 =	simm.s32 $_scs_section_size  }
0x9a: {  	s5 =	simm.s32 $_size__tile_overlayer_lowered;
	s6 =	simm.s32 $_tile_overlayer_lowered  }
0x9b: {  	s22 =	simm.s32 $0x1BFF;
	s21 =	sshll.u32 s6, $0x1;
	s3 =	sadd.s32 s4, s19  }
0x9c: {  	s7 =	simm.s32 $0x0;
	s20 =	sshll.u32 s5, $0x1;
	s5 =	sadd.s32 s21, s3  }
0x9d: {  	[timem:s7], [sflag:s22] =	dma.local [hbm:s5], s20  }
0x9e: {  	_ =	swait.ge [sflag:s22], s20  }
0x9f: {  	s4 =	ssub.s32 $0x0, s20;
	[sflag:s22] =	ssyncset.done $0x0  }
0xa0: {  	[sflag:s22] =	ssyncadd.s32 s4;
	_ =	sdelay $0x1  }
0xa1: {  	s23 =	simm.s32 $0x1B8B  }
0xa2: {  	_ =	swait.ge [sflag:s23], $0x1  }
0xa3: {  	[sflag:s23] =	ssyncset.done $0x0  }
0xa4: {  	s25 =	simm.s32 $0x1B8E;
	s24 =	sld [smem:$0x3FFE];
	[sflag:s23] =	ssyncadd.s32 $0xFFFFFFFF  }
0xa5: {  	s26 =	simm.s32 $execute0_lowered;
	[smem:$0x3FD2] =	sst s25  }
0xa6: {  	s5 =	sshll.u32 s26, $0x1;
	_ =	strace $0x8000004F;
	[dreg:$0x1] =	wrdreg $0xFFFFFFFF  }
0xa7: {  	s28 =	simm.s32 $_size_execute0_lowered;
	s3 =	sadd.s32 s3, s5;
	[dreg:$0x0] =	wrdreg $0x0  }
0xa8: {  	s5 =	sshll.u32 s28, $0x1;
	[dreg:$0x2] =	wrdreg s3  }
0xa9: {  	[dreg:$0x3] =	wrdreg s5  }
0xaa: {  	[dreg:$0x4] =	wrdreg $0xC0  }
0xab: {  	_ =	task [dreg:s7], $0x5FFFF  }
0xac: {  	[dreg:$0x1] =	wrdreg $0xFFFFFFFF  }
0xad: {  	[dreg:$0x0] =	wrdreg $0x60  }
0xae: {  	[dreg:$0x2] =	wrdreg s24  }
0xaf: {  	[dreg:$0x3] =	wrdreg s2  }
0xb0: {  	[dreg:$0x4] =	wrdreg $0x88000  }
0xb1: {  	[dreg:$0x5] =	wrdreg $0x9  }
0xb2: {  	_ =	task.clear_ibuf [dreg:s7], $0x6FFFF;
	_ =	strace $0x9000004F  }
0xb3: {  	s29 =	simm.s32 $0x9;
	_ =	strace $0x80000051  }
0xb4: {  	_ =	swait.ge [sflag:s29], $0x1  }
0xb5: {  	[sflag:s29] =	ssyncadd.s32 $0xFFFFFFFF  }
0xb6: {  	_ =	strace $0x90000051  }
0xb7: {  	_ =	sfence  }
0xb8: {  	s30 =	sld [smem:$0x0];
	_ =	sdelay $0x2  }
0xb9: {  	s31 =	sshll.u32 s1, $0xD;
	s1 =	sshrl.u32 s1, $0x2  }
0xba: {  	s3 =	sand.u32 $0x4000, s31;
	s1 =	sadd.s32 s1, s30  }
0xbb: {  	s0 =	sor.u32 s3, s0;
	s1 =	sshll.u32 s1, $0x11  }
0xbc: {  	s0 =	sor.u32 s1, s0  }
0xbd: {  	s0 =	sadd.s32 $0x8F2B, s0  }
0xbe: {  	[sflag:s0] =	ssyncadd.remote.s32 $0x1  }
0xbf: {  	_ =	sfence.sel $0xFFFF  }
0xc0: {  	[dreg:$0x0] =	wrdreg $0xFFFFFFFF;
	(pc) =	sbr.abs _section_cstart, $3  }
0xc1: {  	[dreg:$0x1] =	wrdreg $0xFFFFFFFF  }
0xc2: {  	_ =	task.clear_ibuf [dreg:s7], $0x2FFFF;
	_ =	strace $0x9FFFFFFF  }
0xc3: {  	(tm) =	ssettm $0x7FFFFFFF  }
tec
execute0_lowered:
.L_overlay_start_1:
0x0: {  	(tag) =	ssettag $0x1  }
0x1: {  	s0 =	rddreg [dreg:$0x0]  }
0x2: {  	s1 =	rddreg [dreg:$0x1]  }
0x3: {  	s3 =	srdreg.scid;
	s10 =	stileid.u32  }
0x4: {  	s2 =	rddreg [dreg:$0x2];
	s14 =	simm.s32 $0x800;
	s15 =	simm.s32 $0x5  }
0x5: {  	s16 =	simm.s32 $0x400;
	s17 =	simm.s32 $0x80;
	s18 =	simm.s32 $0x1  }
0x6: {  	s19 =	simm.s32 $0x4800;
	s28 =	simm.s32 $0x580;
	s4 =	smul.u32 $0x5000, s10  }
0x7: {  	s29 =	simm.s32 $0x200;
	s30 =	simm.s32 $0x600;
	s8 =	smul.u32 $0x14000, s10  }
0x8: {  	s31 =	simm.s32 $0x280;
	s5 =	sand.u32 $0x1, s3;
	s20 =	smul.u32 $0x50000, s10  }
0x9: {  	s3 =	simm.s32 $0x0;
	s11 =	sadd.s32 $0xC000, s0;
	s6 =	smul.u32 $0x2800, s5  }
0xa: {  	[smem:$0x7FF] =	sst s3;
	s7 =	smul.u32 $0x140000, s5;
	s5 =	ssub.s32 $0x2, s5  }
0xb: {  	_ =	strace $0x80000050;
	[dreg:$0x5] =	wrdreg s11;
	s22 =	sshrl.u32 s5, $0x1  }
0xc: {  	s6 =	sadd.s32 s6, s4;
	s4 =	sadd.s32 $0xC800, s0;
	s7 =	sadd.s32 s8, s7  }
0xd: {  	s5 =	ssub.s32 s5, s22;
	s22 =	simm.s32 $0x3;
	s8 =	simm.s32 $0x780  }
0xe: {  	s9 =	sshrl.u32 s6, $0x3;
	s7 =	sshrl.u32 s7, $0x3;
	s6 =	sshrl.u32 s20, $0x2  }
0xf: {  	s26 =	smax.u32 s5, $0x1;
	s20 =	simm.s32 $0x2;
	s5 =	simm.s32 $0x700  }
0x10: {  	s21 =	sadd.s32 s9, s0;
	s1 =	sadd.s32 s9, s1;
	[dreg:$0xc] =	wrdreg s26  }
0x11: {  	s0 =	sadd.s32 s7, s0;
	s11 =	sadd.s32 s6, s2;
	[dreg:$0x4] =	wrdreg s1  }
0x12: {  	s26 =	simm.s32 $0x180;
	s6 =	sadd.s32 $0x4000, s11;
	[dreg:$0x6] =	wrdreg s11  }
0x13: {  	s7 =	simm.s32 $0x380;
	s23 =	sadd.s32 $0x8000, s11;
	[dreg:$0x7] =	wrdreg s6  }
0x14: {  	s9 =	simm.s32 $0x0;
	s24 =	sadd.s32 $0xC000, s11;
	[dreg:$0x8] =	wrdreg s23  }
0x15: {  	s25 =	sadd.s32 $0x10000, s11;
	s0 =	sadd.s32 $0x34800, s0;
	[dreg:$0x9] =	wrdreg s24  }
0x16: {  	s13 =	sadd.s32 $0x2000, s21;
	s21 =	simm.s32 $0x480;
	[dreg:$0xa] =	wrdreg s25  }
0x17: {  	s1 =	simm.s32 $0x680;
	[dreg:$0xb] =	wrdreg s0;
	s23 =	simm.s32 $0x100  }
0x18: {  	s24 =	simm.s32 $0x500;
	s25 =	simm.s32 $0x4;
	s0 =	simm.s32 $0x300  }
.LBB2_1:
0x19: {  	[dreg:$0xd] =	wrdreg s9  }
0x1a: {  	s6 =	rddreg [dreg:$0x5]  }
0x1b: {  	[tilespmem:s14], [sflag:$0x5] =	stream.linear.gather [hbm4b:s6+s3], $0x4000, $0x38;
	[tilespmem:$0x1C800] =	vst v63  }
0x1c: {  	_ =	swait.ge [sflag:s15], $0x4000  }
0x1d: {  	[sflag:s15] =	ssyncset.done $0x0  }
0x1e: {  	[sflag:s15] =	ssyncadd.s32 $0xFFFFC000  }
0x1f: {  	[spmem:s11] =	stream.linear.scatter [tilespmem:s14], [sflag:$0x5], $0x4000, $0x38;
	[tilespmem:$0x1C800] =	vst v63  }
0x20: {  	_ =	swait.ge [sflag:s15], $0x4000  }
0x21: {  	[sflag:s15] =	ssyncset.done $0x0  }
0x22: {  	s12 =	rddreg [dreg:$0x7];
	[sflag:s15] =	ssyncadd.s32 $0xFFFFC000  }
0x23: {  	[spmem:s12] =	stream.linear.scatter [tilespmem:s14], [sflag:$0x5], $0x4000, $0x38;
	[tilespmem:$0x1C800] =	vst v63  }
0x24: {  	_ =	swait.ge [sflag:s15], $0x4000  }
0x25: {  	[sflag:s15] =	ssyncset.done $0x0  }
0x26: {  	s9 =	rddreg [dreg:$0x8];
	[sflag:s15] =	ssyncadd.s32 $0xFFFFC000  }
0x27: {  	[spmem:s9] =	stream.linear.scatter [tilespmem:s14], [sflag:$0x5], $0x4000, $0x38;
	[tilespmem:$0x1C800] =	vst v63  }
0x28: {  	_ =	swait.ge [sflag:s15], $0x4000  }
0x29: {  	[sflag:s15] =	ssyncset.done $0x0  }
0x2a: {  	s10 =	rddreg [dreg:$0x9];
	[sflag:s15] =	ssyncadd.s32 $0xFFFFC000  }
0x2b: {  	[spmem:s10] =	stream.linear.scatter [tilespmem:s14], [sflag:$0x5], $0x4000, $0x38;
	[tilespmem:$0x1C800] =	vst v63  }
0x2c: {  	_ =	swait.ge [sflag:s15], $0x4000  }
0x2d: {  	[sflag:s15] =	ssyncset.done $0x0  }
0x2e: {  	s11 =	rddreg [dreg:$0xa];
	[sflag:s15] =	ssyncadd.s32 $0xFFFFC000  }
0x2f: {  	[spmem:s11] =	stream.linear.scatter [tilespmem:s14], [sflag:$0x5], $0x4000, $0x38;
	[tilespmem:$0x1C800] =	vst v63  }
0x30: {  	_ =	swait.ge [sflag:s15], $0x4000  }
0x31: {  	[sflag:s15] =	ssyncset.done $0x0  }
0x32: {  	[sflag:s15] =	ssyncadd.s32 $0xFFFFC000  }
0x33: {  	s10 =	sadd.s32 $0x0, s13;
	[bflag:$0x0] =	sbarrier.arrive $0xFFFF  }
0x34: {  	[tilespmem:s3], [sflag:$0x5] =	stream.linear.gather [hbm4b:s10+s3], $0x400, $0x38;
	[tilespmem:$0x1C800] =	vst v63  }
0x35: {  	_ =	swait.ge [sflag:s15], $0x400  }
0x36: {  	s12 =	rddreg [dreg:$0x4];
	[sflag:s15] =	ssyncset.done $0x0  }
0x37: {  	[sflag:s15] =	ssyncadd.s32 $0xFFFFFC00;
	s10 =	sadd.s32 $0x0, s12  }
0x38: {  	[tilespmem:s16], [sflag:$0x5] =	stream.linear.gather [hbm4b:s10+s3], $0x400, $0x38;
	[tilespmem:$0x1C800] =	vst v63  }
0x39: {  	_ =	swait.ge [sflag:s15], $0x400  }
0x3a: {  	[sflag:s15] =	ssyncset.done $0x0  }
0x3b: {  	[sflag:s15] =	ssyncadd.s32 $0xFFFFFC00  }
0x3c: {  	[tilespmem:s14], [sflag:$0x1] =	stream.indirect.gather [hbm4b:s4+s17], $0x80, s3, s17, $0xb8;
	[tilespmem:$0x1C800] =	vst v63  }
0x3d: {  	_ =	swait.ge [sflag:s18], $0x4000  }
0x3e: {  	[sflag:s18] =	ssyncset.done $0x0  }
0x3f: {  	[sflag:s18] =	ssyncadd.s32 $0xFFFFC000  }
0x40: {  	[spmem:s2] =	stream.indirect.scatter.add.f32 [tilespmem:s14], [sflag:$0x3], $0x80, s16, s17, $0xb8;
	[tilespmem:$0x1C800] =	vst v63  }
0x41: {  	_ = 	snop  }
0x42: {  	[tilespmem:s19], [sflag:$0x2] =	stream.indirect.gather [hbm4b:s4+s17], $0x80, s17, s17, $0xb8;
	[tilespmem:$0x1C800] =	vst v63  }
0x43: {  	_ =	swait.ge [sflag:s20], $0x4000  }
0x44: {  	[sflag:s20] =	ssyncset.done $0x0  }
0x45: {  	[sflag:s20] =	ssyncadd.s32 $0xFFFFC000  }
0x46: {  	[spmem:s2] =	stream.indirect.scatter.add.f32 [tilespmem:s19], [sflag:$0x4], $0x80, s21, s17, $0xb8;
	[tilespmem:$0x1C800] =	vst v63  }
0x47: {  	_ =	swait.ge [sflag:s22], $0x4000  }
0x48: {  	[sflag:s22] =	ssyncset.done $0x0  }
0x49: {  	[sflag:s22] =	ssyncadd.s32 $0xFFFFC000  }
0x4a: {  	[tilespmem:s14], [sflag:$0x1] =	stream.indirect.gather [hbm4b:s4+s17], $0x80, s23, s17, $0xb8;
	[tilespmem:$0x1C800] =	vst v63  }
0x4b: {  	_ =	swait.ge [sflag:s18], $0x4000  }
0x4c: {  	[sflag:s18] =	ssyncset.done $0x0  }
0x4d: {  	[sflag:s18] =	ssyncadd.s32 $0xFFFFC000  }
0x4e: {  	[spmem:s2] =	stream.indirect.scatter.add.f32 [tilespmem:s14], [sflag:$0x3], $0x80, s24, s17, $0xb8;
	[tilespmem:$0x1C800] =	vst v63  }
0x4f: {  	_ =	swait.ge [sflag:s25], $0x4000  }
0x50: {  	[sflag:s25] =	ssyncset.done $0x0  }
0x51: {  	[sflag:s25] =	ssyncadd.s32 $0xFFFFC000  }
0x52: {  	[tilespmem:s19], [sflag:$0x2] =	stream.indirect.gather [hbm4b:s4+s17], $0x80, s26, s17, $0xb8;
	[tilespmem:$0x1C800] =	vst v63  }
0x53: {  	_ =	swait.ge [sflag:s20], $0x4000  }
0x54: {  	[sflag:s20] =	ssyncset.done $0x0  }
0x55: {  	[sflag:s20] =	ssyncadd.s32 $0xFFFFC000  }
0x56: {  	[spmem:s2] =	stream.indirect.scatter.add.f32 [tilespmem:s19], [sflag:$0x4], $0x80, s28, s17, $0xb8;
	[tilespmem:$0x1C800] =	vst v63  }
0x57: {  	_ =	swait.ge [sflag:s22], $0x4000  }
0x58: {  	[sflag:s22] =	ssyncset.done $0x0  }
0x59: {  	[sflag:s22] =	ssyncadd.s32 $0xFFFFC000  }
0x5a: {  	[tilespmem:s14], [sflag:$0x1] =	stream.indirect.gather [hbm4b:s4+s17], $0x80, s29, s17, $0xb8;
	[tilespmem:$0x1C800] =	vst v63  }
0x5b: {  	_ =	swait.ge [sflag:s18], $0x4000  }
0x5c: {  	[sflag:s18] =	ssyncset.done $0x0  }
0x5d: {  	[sflag:s18] =	ssyncadd.s32 $0xFFFFC000  }
0x5e: {  	[spmem:s2] =	stream.indirect.scatter.add.f32 [tilespmem:s14], [sflag:$0x3], $0x80, s30, s17, $0xb8;
	[tilespmem:$0x1C800] =	vst v63  }
0x5f: {  	_ =	swait.ge [sflag:s25], $0x4000  }
0x60: {  	[sflag:s25] =	ssyncset.done $0x0  }
0x61: {  	[sflag:s25] =	ssyncadd.s32 $0xFFFFC000  }
0x62: {  	[tilespmem:s19], [sflag:$0x2] =	stream.indirect.gather [hbm4b:s4+s17], $0x80, s31, s17, $0xb8;
	[tilespmem:$0x1C800] =	vst v63  }
0x63: {  	_ =	swait.ge [sflag:s20], $0x4000  }
0x64: {  	[sflag:s20] =	ssyncset.done $0x0  }
0x65: {  	[sflag:s20] =	ssyncadd.s32 $0xFFFFC000  }
0x66: {  	[spmem:s2] =	stream.indirect.scatter.add.f32 [tilespmem:s19], [sflag:$0x4], $0x80, s1, s17, $0xb8;
	[tilespmem:$0x1C800] =	vst v63  }
0x67: {  	_ =	swait.ge [sflag:s22], $0x4000  }
0x68: {  	[sflag:s22] =	ssyncset.done $0x0  }
0x69: {  	[sflag:s22] =	ssyncadd.s32 $0xFFFFC000  }
0x6a: {  	[tilespmem:s14], [sflag:$0x1] =	stream.indirect.gather [hbm4b:s4+s17], $0x80, s0, s17, $0xb8;
	[tilespmem:$0x1C800] =	vst v63  }
0x6b: {  	_ =	swait.ge [sflag:s18], $0x4000  }
0x6c: {  	[sflag:s18] =	ssyncset.done $0x0  }
0x6d: {  	[sflag:s18] =	ssyncadd.s32 $0xFFFFC000  }
0x6e: {  	[spmem:s2] =	stream.indirect.scatter.add.f32 [tilespmem:s14], [sflag:$0x3], $0x80, s5, s17, $0xb8;
	[tilespmem:$0x1C800] =	vst v63  }
0x6f: {  	_ =	swait.ge [sflag:s25], $0x4000  }
0x70: {  	[sflag:s25] =	ssyncset.done $0x0  }
0x71: {  	[sflag:s25] =	ssyncadd.s32 $0xFFFFC000  }
0x72: {  	[tilespmem:s19], [sflag:$0x2] =	stream.indirect.gather [hbm4b:s4+s17], $0x80, s7, s17, $0xb8;
	[tilespmem:$0x1C800] =	vst v63  }
0x73: {  	_ =	swait.ge [sflag:s20], $0x4000  }
0x74: {  	[sflag:s20] =	ssyncset.done $0x0  }
0x75: {  	[sflag:s20] =	ssyncadd.s32 $0xFFFFC000  }
0x76: {  	[spmem:s2] =	stream.indirect.scatter.add.f32 [tilespmem:s19], [sflag:$0x4], $0x80, s8, s17, $0xb8;
	[tilespmem:$0x1C800] =	vst v63  }
0x77: {  	_ =	swait.ge [sflag:s22], $0x4000  }
0x78: {  	[sflag:s22] =	ssyncset.done $0x0  }
0x79: {  	[sflag:s22] =	ssyncadd.s32 $0xFFFFC000  }
0x7a: {  	_ =	swait.ge [sflag:s25], $0x4000  }
0x7b: {  	s11 =	simm.s32 $0x100;
	s10 =	simm.s32 $0x80;
	[sflag:s25] =	ssyncset.done $0x0  }
.LBB2_2:
0x7c: {  	s6 =	sadd.s32 s10, s13;
	[sflag:s25] =	ssyncadd.s32 $0xFFFFC000  }
0x7d: {  	[tilespmem:s3], [sflag:$0x5] =	stream.linear.gather [hbm4b:s6+s3], $0x400, $0x38;
	[tilespmem:$0x1C800] =	vst v63  }
0x7e: {  	s9 =	smov.u32 s11;
	s12 =	sadd.s32 $0x80, s11;
	_ =	swait.ge [sflag:s15], $0x400  }
0x7f: {  	p0 =	sne.s32 s11, $0x480;
	s11 =	rddreg [dreg:$0x4];
	[sflag:s15] =	ssyncset.done $0x0  }
0x80: {  	[sflag:s15] =	ssyncadd.s32 $0xFFFFFC00;
	s6 =	sadd.s32 s10, s11  }
0x81: {  	[tilespmem:s16], [sflag:$0x5] =	stream.linear.gather [hbm4b:s6+s3], $0x400, $0x38;
	[tilespmem:$0x1C800] =	vst v63  }
0x82: {  	_ =	swait.ge [sflag:s15], $0x400  }
0x83: {  	[sflag:s15] =	ssyncset.done $0x0  }
0x84: {  	[sflag:s15] =	ssyncadd.s32 $0xFFFFFC00  }
0x85: {  	[tilespmem:s14], [sflag:$0x1] =	stream.indirect.gather [hbm4b:s4+s17], $0x80, s3, s17, $0xb8;
	[tilespmem:$0x1C800] =	vst v63  }
0x86: {  	_ =	swait.ge [sflag:s18], $0x4000  }
0x87: {  	[sflag:s18] =	ssyncset.done $0x0  }
0x88: {  	[sflag:s18] =	ssyncadd.s32 $0xFFFFC000  }
0x89: {  	[spmem:s2] =	stream.indirect.scatter.add.f32 [tilespmem:s14], [sflag:$0x3], $0x80, s16, s17, $0xb8;
	[tilespmem:$0x1C800] =	vst v63  }
0x8a: {  	_ = 	snop  }
0x8b: {  	[tilespmem:s19], [sflag:$0x2] =	stream.indirect.gather [hbm4b:s4+s17], $0x80, s17, s17, $0xb8;
	[tilespmem:$0x1C800] =	vst v63  }
0x8c: {  	_ =	swait.ge [sflag:s20], $0x4000  }
0x8d: {  	[sflag:s20] =	ssyncset.done $0x0  }
0x8e: {  	[sflag:s20] =	ssyncadd.s32 $0xFFFFC000  }
0x8f: {  	[spmem:s2] =	stream.indirect.scatter.add.f32 [tilespmem:s19], [sflag:$0x4], $0x80, s21, s17, $0xb8;
	[tilespmem:$0x1C800] =	vst v63  }
0x90: {  	_ =	swait.ge [sflag:s22], $0x4000  }
0x91: {  	[sflag:s22] =	ssyncset.done $0x0  }
0x92: {  	[sflag:s22] =	ssyncadd.s32 $0xFFFFC000  }
0x93: {  	[tilespmem:s14], [sflag:$0x1] =	stream.indirect.gather [hbm4b:s4+s17], $0x80, s23, s17, $0xb8;
	[tilespmem:$0x1C800] =	vst v63  }
0x94: {  	_ =	swait.ge [sflag:s18], $0x4000  }
0x95: {  	[sflag:s18] =	ssyncset.done $0x0  }
0x96: {  	[sflag:s18] =	ssyncadd.s32 $0xFFFFC000  }
0x97: {  	[spmem:s2] =	stream.indirect.scatter.add.f32 [tilespmem:s14], [sflag:$0x3], $0x80, s24, s17, $0xb8;
	[tilespmem:$0x1C800] =	vst v63  }
0x98: {  	_ =	swait.ge [sflag:s25], $0x4000  }
0x99: {  	[sflag:s25] =	ssyncset.done $0x0  }
0x9a: {  	[sflag:s25] =	ssyncadd.s32 $0xFFFFC000  }
0x9b: {  	[tilespmem:s19], [sflag:$0x2] =	stream.indirect.gather [hbm4b:s4+s17], $0x80, s26, s17, $0xb8;
	[tilespmem:$0x1C800] =	vst v63  }
0x9c: {  	_ =	swait.ge [sflag:s20], $0x4000  }
0x9d: {  	[sflag:s20] =	ssyncset.done $0x0  }
0x9e: {  	[sflag:s20] =	ssyncadd.s32 $0xFFFFC000  }
0x9f: {  	[spmem:s2] =	stream.indirect.scatter.add.f32 [tilespmem:s19], [sflag:$0x4], $0x80, s28, s17, $0xb8;
	[tilespmem:$0x1C800] =	vst v63  }
0xa0: {  	_ =	swait.ge [sflag:s22], $0x4000  }
0xa1: {  	[sflag:s22] =	ssyncset.done $0x0  }
0xa2: {  	[sflag:s22] =	ssyncadd.s32 $0xFFFFC000  }
0xa3: {  	[tilespmem:s14], [sflag:$0x1] =	stream.indirect.gather [hbm4b:s4+s17], $0x80, s29, s17, $0xb8;
	[tilespmem:$0x1C800] =	vst v63  }
0xa4: {  	_ =	swait.ge [sflag:s18], $0x4000  }
0xa5: {  	[sflag:s18] =	ssyncset.done $0x0  }
0xa6: {  	[sflag:s18] =	ssyncadd.s32 $0xFFFFC000  }
0xa7: {  	[spmem:s2] =	stream.indirect.scatter.add.f32 [tilespmem:s14], [sflag:$0x3], $0x80, s30, s17, $0xb8;
	[tilespmem:$0x1C800] =	vst v63  }
0xa8: {  	_ =	swait.ge [sflag:s25], $0x4000  }
0xa9: {  	[sflag:s25] =	ssyncset.done $0x0  }
0xaa: {  	[sflag:s25] =	ssyncadd.s32 $0xFFFFC000  }
0xab: {  	[tilespmem:s19], [sflag:$0x2] =	stream.indirect.gather [hbm4b:s4+s17], $0x80, s31, s17, $0xb8;
	[tilespmem:$0x1C800] =	vst v63  }
0xac: {  	_ =	swait.ge [sflag:s20], $0x4000  }
0xad: {  	[sflag:s20] =	ssyncset.done $0x0  }
0xae: {  	[sflag:s20] =	ssyncadd.s32 $0xFFFFC000  }
0xaf: {  	[spmem:s2] =	stream.indirect.scatter.add.f32 [tilespmem:s19], [sflag:$0x4], $0x80, s1, s17, $0xb8;
	[tilespmem:$0x1C800] =	vst v63  }
0xb0: {  	_ =	swait.ge [sflag:s22], $0x4000  }
0xb1: {  	[sflag:s22] =	ssyncset.done $0x0  }
0xb2: {  	[sflag:s22] =	ssyncadd.s32 $0xFFFFC000  }
0xb3: {  	[tilespmem:s14], [sflag:$0x1] =	stream.indirect.gather [hbm4b:s4+s17], $0x80, s0, s17, $0xb8;
	[tilespmem:$0x1C800] =	vst v63  }
0xb4: {  	_ =	swait.ge [sflag:s18], $0x4000  }
0xb5: {  	[sflag:s18] =	ssyncset.done $0x0  }
0xb6: {  	[sflag:s18] =	ssyncadd.s32 $0xFFFFC000  }
0xb7: {  	[spmem:s2] =	stream.indirect.scatter.add.f32 [tilespmem:s14], [sflag:$0x3], $0x80, s5, s17, $0xb8;
	[tilespmem:$0x1C800] =	vst v63  }
0xb8: {  	_ =	swait.ge [sflag:s25], $0x4000  }
0xb9: {  	[sflag:s25] =	ssyncset.done $0x0  }
0xba: {  	[sflag:s25] =	ssyncadd.s32 $0xFFFFC000  }
0xbb: {  	[tilespmem:s19], [sflag:$0x2] =	stream.indirect.gather [hbm4b:s4+s17], $0x80, s7, s17, $0xb8;
	[tilespmem:$0x1C800] =	vst v63  }
0xbc: {  	_ =	swait.ge [sflag:s20], $0x4000  }
0xbd: {  	[sflag:s20] =	ssyncset.done $0x0  }
0xbe: {  	[sflag:s20] =	ssyncadd.s32 $0xFFFFC000  }
0xbf: {  	[spmem:s2] =	stream.indirect.scatter.add.f32 [tilespmem:s19], [sflag:$0x4], $0x80, s8, s17, $0xb8;
	[tilespmem:$0x1C800] =	vst v63  }
.Ltmp0:
0xc0: {  	_ =	swait.ge [sflag:s22], $0x4000;
	(pc) =	sbr.rel @p0 .LBB2_2-.Ltmp0, $4  }
0xc1: {  	[sflag:s22] =	ssyncset.done $0x0  }
0xc2: {  	[sflag:s22] =	ssyncadd.s32 $0xFFFFC000  }
0xc3: {  	_ =	swait.ge [sflag:s25], $0x4000  }
0xc4: {  	s10 =	smov.u32 s9;
	s11 =	smov.u32 s12;
	[sflag:s25] =	ssyncset.done $0x0  }
0xc5: {  	s6 =	sadd.s32 s10, s13;
	[sflag:s25] =	ssyncadd.s32 $0xFFFFC000  }
0xc6: {  	[tilespmem:s3], [sflag:$0x5] =	stream.linear.gather [hbm4b:s6+s3], $0x400, $0x38;
	[tilespmem:$0x1C800] =	vst v63  }
0xc7: {  	_ =	swait.ge [sflag:s15], $0x400  }
0xc8: {  	s9 =	rddreg [dreg:$0x4];
	[sflag:s15] =	ssyncset.done $0x0  }
0xc9: {  	[sflag:s15] =	ssyncadd.s32 $0xFFFFFC00;
	s6 =	sadd.s32 s10, s9  }
0xca: {  	[tilespmem:s16], [sflag:$0x5] =	stream.linear.gather [hbm4b:s6+s3], $0x400, $0x38;
	[tilespmem:$0x1C800] =	vst v63  }
0xcb: {  	_ =	swait.ge [sflag:s15], $0x400  }
0xcc: {  	[sflag:s15] =	ssyncset.done $0x0  }
0xcd: {  	[sflag:s15] =	ssyncadd.s32 $0xFFFFFC00  }
0xce: {  	[tilespmem:s14], [sflag:$0x1] =	stream.indirect.gather [hbm4b:s4+s17], $0x80, s3, s17, $0xb8;
	[tilespmem:$0x1C800] =	vst v63  }
0xcf: {  	_ =	swait.ge [sflag:s18], $0x4000  }
0xd0: {  	[sflag:s18] =	ssyncset.done $0x0  }
0xd1: {  	[sflag:s18] =	ssyncadd.s32 $0xFFFFC000  }
0xd2: {  	[spmem:s2] =	stream.indirect.scatter.add.f32 [tilespmem:s14], [sflag:$0x3], $0x80, s16, s17, $0xb8;
	[tilespmem:$0x1C800] =	vst v63  }
0xd3: {  	_ = 	snop  }
0xd4: {  	[tilespmem:s19], [sflag:$0x2] =	stream.indirect.gather [hbm4b:s4+s17], $0x80, s17, s17, $0xb8;
	[tilespmem:$0x1C800] =	vst v63  }
0xd5: {  	_ =	swait.ge [sflag:s20], $0x4000  }
0xd6: {  	[sflag:s20] =	ssyncset.done $0x0  }
0xd7: {  	[sflag:s20] =	ssyncadd.s32 $0xFFFFC000  }
0xd8: {  	[spmem:s2] =	stream.indirect.scatter.add.f32 [tilespmem:s19], [sflag:$0x4], $0x80, s21, s17, $0xb8;
	[tilespmem:$0x1C800] =	vst v63  }
0xd9: {  	_ =	swait.ge [sflag:s22], $0x4000  }
0xda: {  	[sflag:s22] =	ssyncset.done $0x0  }
0xdb: {  	[sflag:s22] =	ssyncadd.s32 $0xFFFFC000  }
0xdc: {  	[tilespmem:s14], [sflag:$0x1] =	stream.indirect.gather [hbm4b:s4+s17], $0x80, s23, s17, $0xb8;
	[tilespmem:$0x1C800] =	vst v63  }
0xdd: {  	_ =	swait.ge [sflag:s18], $0x4000  }
0xde: {  	[sflag:s18] =	ssyncset.done $0x0  }
0xdf: {  	[sflag:s18] =	ssyncadd.s32 $0xFFFFC000  }
0xe0: {  	[spmem:s2] =	stream.indirect.scatter.add.f32 [tilespmem:s14], [sflag:$0x3], $0x80, s24, s17, $0xb8;
	[tilespmem:$0x1C800] =	vst v63  }
0xe1: {  	_ =	swait.ge [sflag:s25], $0x4000  }
0xe2: {  	[sflag:s25] =	ssyncset.done $0x0  }
0xe3: {  	[sflag:s25] =	ssyncadd.s32 $0xFFFFC000  }
0xe4: {  	[tilespmem:s19], [sflag:$0x2] =	stream.indirect.gather [hbm4b:s4+s17], $0x80, s26, s17, $0xb8;
	[tilespmem:$0x1C800] =	vst v63  }
0xe5: {  	_ =	swait.ge [sflag:s20], $0x4000  }
0xe6: {  	[sflag:s20] =	ssyncset.done $0x0  }
0xe7: {  	[sflag:s20] =	ssyncadd.s32 $0xFFFFC000  }
0xe8: {  	[spmem:s2] =	stream.indirect.scatter.add.f32 [tilespmem:s19], [sflag:$0x4], $0x80, s28, s17, $0xb8;
	[tilespmem:$0x1C800] =	vst v63  }
0xe9: {  	_ =	swait.ge [sflag:s22], $0x4000  }
0xea: {  	[sflag:s22] =	ssyncset.done $0x0  }
0xeb: {  	[sflag:s22] =	ssyncadd.s32 $0xFFFFC000  }
0xec: {  	[tilespmem:s14], [sflag:$0x1] =	stream.indirect.gather [hbm4b:s4+s17], $0x80, s29, s17, $0xb8;
	[tilespmem:$0x1C800] =	vst v63  }
0xed: {  	_ =	swait.ge [sflag:s18], $0x4000  }
0xee: {  	[sflag:s18] =	ssyncset.done $0x0  }
0xef: {  	[sflag:s18] =	ssyncadd.s32 $0xFFFFC000  }
0xf0: {  	[spmem:s2] =	stream.indirect.scatter.add.f32 [tilespmem:s14], [sflag:$0x3], $0x80, s30, s17, $0xb8;
	[tilespmem:$0x1C800] =	vst v63  }
0xf1: {  	_ =	swait.ge [sflag:s25], $0x4000  }
0xf2: {  	[sflag:s25] =	ssyncset.done $0x0  }
0xf3: {  	[sflag:s25] =	ssyncadd.s32 $0xFFFFC000  }
0xf4: {  	[tilespmem:s19], [sflag:$0x2] =	stream.indirect.gather [hbm4b:s4+s17], $0x80, s31, s17, $0xb8;
	[tilespmem:$0x1C800] =	vst v63  }
0xf5: {  	_ =	swait.ge [sflag:s20], $0x4000  }
0xf6: {  	[sflag:s20] =	ssyncset.done $0x0  }
0xf7: {  	[sflag:s20] =	ssyncadd.s32 $0xFFFFC000  }
0xf8: {  	[spmem:s2] =	stream.indirect.scatter.add.f32 [tilespmem:s19], [sflag:$0x4], $0x80, s1, s17, $0xb8;
	[tilespmem:$0x1C800] =	vst v63  }
0xf9: {  	_ =	swait.ge [sflag:s22], $0x4000  }
0xfa: {  	[sflag:s22] =	ssyncset.done $0x0  }
0xfb: {  	[sflag:s22] =	ssyncadd.s32 $0xFFFFC000  }
0xfc: {  	[tilespmem:s14], [sflag:$0x1] =	stream.indirect.gather [hbm4b:s4+s17], $0x80, s0, s17, $0xb8;
	[tilespmem:$0x1C800] =	vst v63  }
0xfd: {  	_ =	swait.ge [sflag:s18], $0x4000  }
0xfe: {  	[sflag:s18] =	ssyncset.done $0x0  }
0xff: {  	[sflag:s18] =	ssyncadd.s32 $0xFFFFC000  }
0x100: {  	[spmem:s2] =	stream.indirect.scatter.add.f32 [tilespmem:s14], [sflag:$0x3], $0x80, s5, s17, $0xb8;
	[tilespmem:$0x1C800] =	vst v63  }
0x101: {  	_ =	swait.ge [sflag:s25], $0x4000  }
0x102: {  	[sflag:s25] =	ssyncset.done $0x0  }
0x103: {  	[sflag:s25] =	ssyncadd.s32 $0xFFFFC000  }
0x104: {  	[tilespmem:s19], [sflag:$0x2] =	stream.indirect.gather [hbm4b:s4+s17], $0x80, s7, s17, $0xb8;
	[tilespmem:$0x1C800] =	vst v63  }
0x105: {  	_ =	swait.ge [sflag:s20], $0x4000  }
0x106: {  	[sflag:s20] =	ssyncset.done $0x0  }
0x107: {  	[sflag:s20] =	ssyncadd.s32 $0xFFFFC000  }
0x108: {  	[spmem:s2] =	stream.indirect.scatter.add.f32 [tilespmem:s19], [sflag:$0x4], $0x80, s8, s17, $0xb8;
	[tilespmem:$0x1C800] =	vst v63  }
0x109: {  	_ =	swait.ge [sflag:s22], $0x4000  }
0x10a: {  	[sflag:s22] =	ssyncset.done $0x0  }
0x10b: {  	[sflag:s22] =	ssyncadd.s32 $0xFFFFC000  }
0x10c: {  	_ =	swait.ge [sflag:s25], $0x4000  }
0x10d: {  	[sflag:s25] =	ssyncset.done $0x0  }
0x10e: {  	[sflag:s25] =	ssyncadd.s32 $0xFFFFC000  }
0x10f: {  	s11 =	stileid.u32;
	[bflag:$0x0] =	sbarrier.arrive $0xFFFF  }
0x110: {  	s6 =	sshll.u32 s11, $0x6;
	s11 =	rddreg [dreg:$0x6]  }
0x111: {  	s6 =	sor.u32 $0x1C05, s6;
	s12 =	rddreg [dreg:$0xb];
	s9 =	sshrl.u32 s11, $0x3  }
0x112: {  	[hbm:s12], [sflag:s6] =	dma.local [spmem:s9], $0x2800  }
0x113: {  	_ =	swait.ge [sflag:s15], $0x2800  }
0x114: {  	s10 =	rddreg [dreg:$0xd]  }
0x115: {  	s12 =	rddreg [dreg:$0xc];
	s9 =	sadd.s32 $0x1, s10  }
0x116: {  	p0 =	sne.s32 s9, s12  }
.Ltmp1:
0x117: {  	_ = 	snop;
	(pc) =	sbr.rel @p0 .LBB2_1-.Ltmp1, $3  }
0x118: {  	_ =	sdelay $0x1  }
0x119: {  	[sflag:s15] =	ssyncset.done $0x0  }
0x11a: {  	[sflag:s15] =	ssyncadd.s32 $0xFFFFD800  }
0x11b: {  	_ =	sfence.sel $0x180000  }
0x11c: {  	[bflag:$0x0] =	sbarrier.arrive $0xFFFF  }
0x11d: {  	_ =	strace $0x90000050  }
0x11e: {  	s0 =	stileid.u32;
	[bflag:$0x2] =	sbarrier.arrive $0xFFFF  }
0x11f: {  	p0 =	sne.s32 s0, $0x0;
	s0 =	rddreg [dreg:$0x3]  }
0x120: {  	s0 =	sadd.s32 @!p0 $0x100000, s0  }
0x121: {  	[sflag:s0] =	ssyncadd.tile.s32 @!p0 $0x1;
	_ =	shalt  }
.Lfunc_end2:
_tile_overlayer_lowered:
.L_overlay_start_2:
0x122: {  	(tag) =	ssettag $0x2  }
0x123: {  	s0 =	rddreg [dreg:$0x0];
	s2 =	stileid.u32  }
0x124: {  	s1 =	rddreg [dreg:$0x1];
	p0 =	sne.s32 s2, $0x0  }
0x125: {  	s3 =	rddreg [dreg:$0x2];
	[bflag:$0x3] =	sbarrier.arrive $0xFFFF;
	s2 =	simm.s32 @!p0 $0x1C05  }
0x126: {  	[timem:s3], [sflag:s2] =	dma.local @!p0 [hbm:s0], s1  }
0x127: {  	s0 =	simm.s32 @!p0 $0x5  }
0x128: {  	_ =	swait.ge @!p0 [sflag:s0], s1  }
0x129: {  	s1 =	ssub.s32 @!p0 $0x0, s1;
	[sflag:s0] =	ssyncset.done @!p0 $0x0  }
0x12a: {  	[sflag:s0] =	ssyncadd.s32 @!p0 s1  }
0x12b: {  	[bflag:$0x3] =	sbarrier.arrive $0xFFFF  }
0x12c: {  	_ =	shalt  }

</sc_bundles>
